<compile_context>
chip_gen: v7x
topology: tpu7x:2x2x1
jax: 0.10.2.dev20260603
libtpu: 0.0.44.dev20260713+nightly
codegen_flags: <defaults>
</compile_context>

<pallas_src>
import functools

import jax
import jax.numpy as jnp
import numpy as np
from jax import lax
from jax.experimental import pallas as pl
from jax.experimental.pallas import tpu as pltpu
from jax.experimental.pallas import tpu_sc as plsc

_B, _N, _C = 16, 4096, 64
_S = 1024
_KS = (16, 32, 64)
_R2 = (np.float32(0.2 ** 2), np.float32(0.4 ** 2), np.float32(0.8 ** 2))
_NW = 32
_SPW = _S // 2


def _pre_body(p_ref, xp_ref, wp1, wx1, b1, wp2, wx2, b2, wp3, wx3, b3,
              a1_ref, a2_ref, a3_ref):
    p = p_ref[...]
    xp = xp_ref[...]
    for a_ref, wp, wx, b in ((a1_ref, wp1, wx1, b1),
                             (a2_ref, wp2, wx2, b2),
                             (a3_ref, wp3, wx3, b3)):
        a_ref[...] = (jnp.dot(p, wp[...], preferred_element_type=jnp.float32)
                      + jnp.dot(xp, wx[...], preferred_element_type=jnp.float32)
                      + b[...])


def _make_pre_call(c1s):
    blk = 1024
    grid = (_B * _N) // blk
    wspecs = []
    for c1 in c1s:
        wspecs += [
            pl.BlockSpec((_C, c1), lambda i: (0, 0)),
            pl.BlockSpec((8, c1), lambda i: (0, 0)),
            pl.BlockSpec((1, c1), lambda i: (0, 0)),
        ]
    return pl.pallas_call(
        _pre_body,
        grid=(grid,),
        in_specs=[pl.BlockSpec((blk, _C), lambda i: (i, 0)),
                  pl.BlockSpec((blk, 8), lambda i: (i, 0))] + wspecs,
        out_specs=[pl.BlockSpec((blk, c1), lambda i: (i, 0)) for c1 in c1s],
        out_shape=[jax.ShapeDtypeStruct((_B * _N, c1), jnp.float32)
                   for c1 in c1s],
    )


_pre_call = _make_pre_call((32, 64, 64))


def _gloop(io, table, out, slab, nch, bufs, gsems, ssems):
    nb = len(bufs)

    def gstep(p, _):
        cps = []
        for q in range(nb):
            g = p * nb + q
            cps.append(pltpu.async_copy(
                table.at[io.at[pl.ds(g * 128, 128)]], bufs[q], gsems[q]))
        sts = []
        for q in range(nb):
            g = p * nb + q
            cps[q].wait()
            sts.append(pltpu.async_copy(
                bufs[q], out.at[pl.ds(slab + g * 128, 128)], ssems[q]))
        for st in sts:
            st.wait()
        return 0

    lax.fori_loop(0, nch // nb, gstep, 0)


def _sc_body(xyz_hbm, cent_hbm, a3_hbm,
             g3_hbm, io1_hbm, io2_hbm,
             xw, yw, zw, cxw, cyw, czw, l1, l2, l3, io1, io2, io3,
             gb2, sems):
    cid = lax.axis_index("c")
    sid = lax.axis_index("s")
    wid = sid * 2 + cid
    b = wid // 2
    h = wid % 2
    base_s = h * _SPW
    for c, dst in ((0, xw), (1, yw), (2, zw)):
        pltpu.sync_copy(xyz_hbm.at[pl.ds((b * 3 + c) * _N, _N)], dst)
    for c, dst in ((0, cxw), (1, cyw), (2, czw)):
        pltpu.sync_copy(
            cent_hbm.at[pl.ds((b * 3 + c) * _S + base_s, _SPW)],
            dst.at[pl.ds(0, _SPW)])
    iota = lax.broadcasted_iota(jnp.int32, (16,), 0)
    gbase = b * _N
    zero16 = jnp.zeros((16,), jnp.int32)

    def task(t, _):
        cx = cxw[pl.ds(t, 16)][0]
        cy = cyw[pl.ds(t, 16)][0]
        cz = czw[pl.ds(t, 16)][0]
        l1[pl.ds(0, 16)] = zero16
        l2[pl.ds(0, 16)] = zero16
        l3[pl.ds(0, 16)] = zero16

        def group(g, st):
            def work(c1, c2, c3):
                for k in range(16):
                    n = g * 256 + k * 16
                    xv = xw[pl.ds(n, 16)]
                    yv = yw[pl.ds(n, 16)]
                    zv = zw[pl.ds(n, 16)]
                    dx = xv - cx
                    dy = yv - cy
                    dz = zv - cz
                    d = dx * dx + dy * dy + dz * dz
                    gi = iota + (n + gbase)
                    m1 = d < _R2[0]
                    m2 = d < _R2[1]
                    m3 = d < _R2[2]
                    plsc.store_compressed(l1.at[pl.ds(c1, 16)], gi,
                                          mask=jnp.logical_and(m1, c1 < 16))
                    plsc.store_compressed(l2.at[pl.ds(c2, 16)], gi,
                                          mask=jnp.logical_and(m2, c2 < 32))
                    plsc.store_compressed(l3.at[pl.ds(c3, 16)], gi,
                                          mask=jnp.logical_and(m3, c3 < 64))
                    c1 = jnp.minimum(
                        c1 + plsc.all_reduce_population_count(m1)[0], 16)
                    c2 = jnp.minimum(
                        c2 + plsc.all_reduce_population_count(m2)[0], 32)
                    c3 = jnp.minimum(
                        c3 + plsc.all_reduce_population_count(m3)[0], 64)
                return (c1, c2, c3)

            c1, c2, c3 = st
            active = jnp.logical_or(
                c1 < 16, jnp.logical_or(c2 < 32, c3 < 64))
            return lax.cond(active, work, lambda a, b, c: (a, b, c),
                            c1, c2, c3)

        c1, c2, c3 = lax.fori_loop(
            0, 16, group, (jnp.int32(0), jnp.int32(0), jnp.int32(0)))

        for K, lref, cnt, io in ((16, l1, c1, io1), (32, l2, c2, io2),
                                 (64, l3, c3, io3)):
            v0 = lref[pl.ds(0, 16)]
            first = jnp.where(cnt > 0, v0[0], gbase)
            for j in range(0, K, 16):
                v = v0 if j == 0 else lref[pl.ds(j, 16)]
                io[pl.ds(t * K + j, 16)] = jnp.where((iota + j) < cnt, v, first)
        return 0

    lax.fori_loop(0, _SPW, task, 0)

    srow = b * _S + base_s
    pltpu.sync_copy(io1, io1_hbm.at[pl.ds(srow * 16, _SPW * 16)])
    pltpu.sync_copy(io2, io2_hbm.at[pl.ds(srow * 32, _SPW * 32)])
    _gloop(io3, a3_hbm, g3_hbm, srow * 64, _SPW * 64 // 128, gb2,
           sems[0:4], sems[4:8])


def _sc_body_b(io1_hbm, io2_hbm, a1_hbm, a2_hbm,
               g1_hbm, g2_hbm,
               io1, io2, gb1, gb2, sems):
    cid = lax.axis_index("c")
    sid = lax.axis_index("s")
    wid = sid * 2 + cid
    b = wid // 2
    h = wid % 2
    srow = b * _S + h * _SPW
    pltpu.sync_copy(io1_hbm.at[pl.ds(srow * 16, _SPW * 16)], io1)
    pltpu.sync_copy(io2_hbm.at[pl.ds(srow * 32, _SPW * 32)], io2)
    _gloop(io1, a1_hbm, g1_hbm, srow * 16, _SPW * 16 // 128, gb1,
           sems[0:4], sems[4:8])
    _gloop(io2, a2_hbm, g2_hbm, srow * 32, _SPW * 32 // 128, gb2,
           sems[0:4], sems[4:8])


_SC_MESH = dict(core_axis_name="c", subcore_axis_name="s",
                num_cores=2, num_subcores=16)
_SC_PARAMS = dict(needs_layout_passes=False, use_tc_tiling_on_sc=False)


@functools.cache
def _get_sc_call():
  return pl.kernel(
    _sc_body,
    out_type=(
        jax.ShapeDtypeStruct((_B * _S * 64, 64), jnp.float32),
        jax.ShapeDtypeStruct((_B * _S * 16,), jnp.int32),
        jax.ShapeDtypeStruct((_B * _S * 32,), jnp.int32),
    ),
    mesh=plsc.VectorSubcoreMesh(**_SC_MESH),
    scratch_types=[
        pltpu.VMEM((_N,), jnp.float32),
        pltpu.VMEM((_N,), jnp.float32),
        pltpu.VMEM((_N,), jnp.float32),
        pltpu.VMEM((_SPW + 16,), jnp.float32),
        pltpu.VMEM((_SPW + 16,), jnp.float32),
        pltpu.VMEM((_SPW + 16,), jnp.float32),
        pltpu.VMEM((32,), jnp.int32),
        pltpu.VMEM((48,), jnp.int32),
        pltpu.VMEM((80,), jnp.int32),
        pltpu.VMEM((_SPW * 16,), jnp.int32),
        pltpu.VMEM((_SPW * 32,), jnp.int32),
        pltpu.VMEM((_SPW * 64,), jnp.int32),
        [pltpu.VMEM((128, 64), jnp.float32) for _ in range(4)],
        [pltpu.SemaphoreType.DMA for _ in range(8)],
    ],
    compiler_params=pltpu.CompilerParams(**_SC_PARAMS),
  )


@functools.cache
def _get_sc_call_b():
  return pl.kernel(
    _sc_body_b,
    out_type=(
        jax.ShapeDtypeStruct((_B * _S * 16, 32), jnp.float32),
        jax.ShapeDtypeStruct((_B * _S * 32, 64), jnp.float32),
    ),
    mesh=plsc.VectorSubcoreMesh(**_SC_MESH),
    scratch_types=[
        pltpu.VMEM((_SPW * 16,), jnp.int32),
        pltpu.VMEM((_SPW * 32,), jnp.int32),
        [pltpu.VMEM((128, 32), jnp.float32) for _ in range(4)],
        [pltpu.VMEM((128, 64), jnp.float32) for _ in range(4)],
        [pltpu.SemaphoreType.DMA for _ in range(8)],
    ],
    compiler_params=pltpu.CompilerParams(**_SC_PARAMS),
  )


def _mlp_body(K, SB, P, g_ref, nx_ref, wx_ref, w2_ref, b2_ref, w3_ref,
              b3_ref, o_ref):
    c1 = wx_ref.shape[1]
    kp = K // P
    ct = jnp.dot(nx_ref[...], wx_ref[...], preferred_element_type=jnp.float32)
    g = g_ref[...]
    h1s = []
    for p in range(P):
        gp = g[:, p * c1:(p + 1) * c1].reshape(SB, kp, c1)
        h1s.append(jnp.maximum(gp - ct[:, None, :], 0.0).reshape(SB * kp, c1))
    h1 = jnp.concatenate(h1s, axis=0)
    h2 = jnp.maximum(
        jnp.dot(h1, w2_ref[...], preferred_element_type=jnp.float32)
        + b2_ref[...], 0.0)
    h3 = jnp.maximum(
        jnp.dot(h2, w3_ref[...], preferred_element_type=jnp.float32)
        + b3_ref[...], 0.0)
    c3 = h3.shape[1]
    acc = None
    for p in range(P):
        part = h3[p * SB * kp:(p + 1) * SB * kp].reshape(SB, kp, c3)
        m = jnp.max(part, axis=1)
        acc = m if acc is None else jnp.maximum(acc, m)
    o_ref[...] = acc


def _make_mlp_call(K, c1, c2, c3, P):
    SB = 128
    grid = (_B * _S) // SB
    return pl.pallas_call(
        functools.partial(_mlp_body, K, SB, P),
        grid=(grid,),
        in_specs=[
            pl.BlockSpec((SB * K // P, 128), lambda i: (i, 0)),
            pl.BlockSpec((SB, 8), lambda i: (i, 0)),
            pl.BlockSpec((8, c1), lambda i: (0, 0)),
            pl.BlockSpec((c1, c2), lambda i: (0, 0)),
            pl.BlockSpec((1, c2), lambda i: (0, 0)),
            pl.BlockSpec((c2, c3), lambda i: (0, 0)),
            pl.BlockSpec((1, c3), lambda i: (0, 0)),
        ],
        out_specs=pl.BlockSpec((SB, c3), lambda i: (i, 0)),
        out_shape=jax.ShapeDtypeStruct((_B * _S, c3), jnp.float32),
    )


_mlp_calls = (
    _make_mlp_call(16, 32, 32, 64, 4),
    _make_mlp_call(32, 64, 64, 128, 2),
    _make_mlp_call(64, 64, 96, 128, 2),
)


def _pad8(x):
    return jnp.pad(x, ((0, 0), (0, 8 - x.shape[1])))


def _fps_xla(xyz):
    def sample_one(pts):
        def body(i, state):
            dists, idxs, farthest = state
            idxs = idxs.at[i].set(farthest)
            centroid = pts[farthest]
            d = jnp.sum((pts - centroid) ** 2, axis=-1)
            dists = jnp.minimum(dists, d)
            farthest = jnp.argmax(dists).astype(jnp.int32)
            return (dists, idxs, farthest)

        dists = jnp.full((_N,), 1e10, dtype=jnp.float32)
        idxs = jnp.zeros((_S,), dtype=jnp.int32)
        state = lax.fori_loop(0, _S, body, (dists, idxs, jnp.int32(0)))
        return state[1]

    fps_idx = jax.vmap(sample_one)(xyz)
    return jax.vmap(lambda p, i: p[i])(xyz, fps_idx)


def kernel(xyz, points, Ws, bs):
    new_xyz = _fps_xla(xyz)

    p2 = points.reshape(_B * _N, _C)
    xp = _pad8(xyz.reshape(_B * _N, 3))
    pre_args = []
    for i in range(3):
        w1 = Ws[i][0]
        pre_args += [w1[:_C], jnp.pad(w1[_C:], ((0, 5), (0, 0))),
                     bs[i][0].reshape(1, -1)]
    a1, a2, a3 = _pre_call(p2, xp, *pre_args)

    xyzf = jnp.transpose(xyz, (0, 2, 1)).reshape(-1)
    centf = jnp.transpose(new_xyz, (0, 2, 1)).reshape(-1)
    g3, io1h, io2h = _get_sc_call()(xyzf, centf, a3)
    g1, g2 = _get_sc_call_b()(io1h, io2h, a1, a2)

    nxp = _pad8(new_xyz.reshape(_B * _S, 3))
    g1 = g1.reshape(_B * _S * 16 // 4, 128)
    g2 = g2.reshape(_B * _S * 32 // 2, 128)
    g3 = g3.reshape(_B * _S * 64 // 2, 128)
    outs = []
    for i, g in enumerate((g1, g2, g3)):
        w1 = Ws[i][0]
        wx = jnp.pad(w1[_C:], ((0, 5), (0, 0)))
        o = _mlp_calls[i](g, nxp, wx, Ws[i][1], bs[i][1].reshape(1, -1),
                          Ws[i][2], bs[i][2].reshape(1, -1))
        outs.append(o.reshape(_B, _S, -1))
    return new_xyz, jnp.concatenate(outs, axis=-1)

# --- scband reference (transcript-rebuilt; emitter-appended) ---
"""Pipeline reference for scband-point-net-samodule-msg-71691594104933 (READ-ONLY COPY).

The authoritative reference and input builder live on the scoring server;
editing this copy changes nothing except your own understanding.
"""

import jax, jax.numpy as jnp
import numpy as np

NPOINT = 1024
RADIUS_LIST = [0.2, 0.4, 0.8]
NSAMPLE_LIST = [16, 32, 64]
MLP_LIST = [[32, 32, 64], [64, 64, 128], [64, 96, 128]]
USE_XYZ = True


def setup_inputs(seed: int = 0):
    key = jax.random.key(seed)
    k1, k2, kw = jax.random.split(key, 3)
    B, N, C = 16, 4096, 64
    xyz = jax.random.uniform(k1, (B, N, 3), dtype=jnp.float32)
    points = jax.random.normal(k2, (B, N, C), dtype=jnp.float32)
    Ws, bs = [], []
    for i, mlp in enumerate(MLP_LIST):
        cin = C + (3 if USE_XYZ else 0)
        wlist, blist = [], []
        for cout in mlp:
            kw, sub = jax.random.split(kw)
            w = jax.random.normal(sub, (cin, cout), dtype=jnp.float32) * (1.0 / np.sqrt(cin))
            wlist.append(w)
            blist.append(jnp.zeros((cout,), jnp.float32))
            cin = cout
        Ws.append(wlist)
        bs.append(blist)
    return {"xyz": xyz, "points": points, "Ws": Ws, "bs": bs}


def farthest_point_sample(npoint, xyz):
    B, N, _ = xyz.shape

    def sample_one(pts):
        def body(i, state):
            dists, idxs, farthest = state
            idxs = idxs.at[i].set(farthest)
            centroid = pts[farthest]
            d = jnp.sum((pts - centroid) ** 2, axis=-1)
            dists = jnp.minimum(dists, d)
            farthest = jnp.argmax(dists).astype(jnp.int32)
            return (dists, idxs, farthest)

        dists = jnp.full((N,), 1e10, dtype=jnp.float32)
        idxs = jnp.zeros((npoint,), dtype=jnp.int32)
        state = jax.lax.fori_loop(0, npoint, body, (dists, idxs, jnp.int32(0)))
        return state[1]

    return jax.vmap(sample_one)(xyz)


def gather_point(points, idx):
    return jax.vmap(lambda p, i: p[i])(points, idx)


def group_point(points, idx):
    return jax.vmap(lambda p, i: p[i])(points, idx)


def query_ball_point(radius, nsample, xyz, new_xyz):
    B, N, _ = xyz.shape
    diff = new_xyz[:, :, None, :] - xyz[:, None, :, :]
    sqrdists = jnp.sum(diff * diff, axis=-1)  # (B, S, N)
    mask = sqrdists < radius ** 2
    idx_full = jnp.where(mask, jnp.arange(N, dtype=jnp.int32)[None, None, :], jnp.int32(N))
    neg_topk, _ = jax.lax.top_k(-idx_full, nsample)
    idx_sorted = -neg_topk  # smallest valid indices first, in ascending order
    first = idx_sorted[:, :, 0:1]
    idx = jnp.where(idx_sorted == N, first, idx_sorted)
    idx = jnp.where(idx == N, 0, idx)
    pts_cnt = jnp.minimum(jnp.sum(mask, axis=-1), nsample).astype(jnp.int32)
    return idx, pts_cnt


def reference(xyz, points, Ws, bs):
    fps_idx = farthest_point_sample(NPOINT, xyz)
    new_xyz = gather_point(xyz, fps_idx)
    new_points_list = []
    for i in range(len(RADIUS_LIST)):
        radius = RADIUS_LIST[i]
        nsample = NSAMPLE_LIST[i]
        idx, pts_cnt = query_ball_point(radius, nsample, xyz, new_xyz)
        grouped_xyz = group_point(xyz, idx)
        grouped_xyz = grouped_xyz - new_xyz[:, :, None, :]
        grouped_points = group_point(points, idx)
        if USE_XYZ:
            grouped_points = jnp.concatenate([grouped_points, grouped_xyz], axis=-1)
        for j in range(len(MLP_LIST[i])):
            grouped_points = jnp.maximum(grouped_points @ Ws[i][j] + bs[i][j], 0.0)
        new_points = jnp.max(grouped_points, axis=2)
        new_points_list.append(new_points)
    new_points_concat = jnp.concatenate(new_points_list, axis=-1)
    return (new_xyz, new_points_concat)

if __name__ == "__main__":
    import jax
    _d = setup_inputs()
    print(jax.jit(kernel)(*tuple(_d.values())))

</pallas_src>

<mosaic_0001>
#map = affine_map<(d0, d1) -> (0)>
#map1 = affine_map<(d0, d1) -> (0, 0)>
module attributes {stable_mosaic.version = 14 : i64} {
  func.func @_sc_body_b(%arg0: i32, %arg1: i32, %arg2: memref<262144xi32, #tpu.memory_space<hbm>>, %arg3: memref<524288xi32, #tpu.memory_space<hbm>>, %arg4: memref<65536x32xf32, #tpu.memory_space<hbm>>, %arg5: memref<65536x64xf32, #tpu.memory_space<hbm>>, %arg6: memref<262144x32xf32, #tpu.memory_space<hbm>>, %arg7: memref<524288x64xf32, #tpu.memory_space<hbm>>, %arg8: memref<8192xi32, #tpu.memory_space<vmem>>, %arg9: memref<16384xi32, #tpu.memory_space<vmem>>, %arg10: memref<128x32xf32, #tpu.memory_space<vmem>>, %arg11: memref<128x32xf32, #tpu.memory_space<vmem>>, %arg12: memref<128x32xf32, #tpu.memory_space<vmem>>, %arg13: memref<128x32xf32, #tpu.memory_space<vmem>>, %arg14: memref<128x64xf32, #tpu.memory_space<vmem>>, %arg15: memref<128x64xf32, #tpu.memory_space<vmem>>, %arg16: memref<128x64xf32, #tpu.memory_space<vmem>>, %arg17: memref<128x64xf32, #tpu.memory_space<vmem>>, %arg18: memref<!tpu.dma_semaphore, #tpu.memory_space<semaphore_mem>>, %arg19: memref<!tpu.dma_semaphore, #tpu.memory_space<semaphore_mem>>, %arg20: memref<!tpu.dma_semaphore, #tpu.memory_space<semaphore_mem>>, %arg21: memref<!tpu.dma_semaphore, #tpu.memory_space<semaphore_mem>>, %arg22: memref<!tpu.dma_semaphore, #tpu.memory_space<semaphore_mem>>, %arg23: memref<!tpu.dma_semaphore, #tpu.memory_space<semaphore_mem>>, %arg24: memref<!tpu.dma_semaphore, #tpu.memory_space<semaphore_mem>>, %arg25: memref<!tpu.dma_semaphore, #tpu.memory_space<semaphore_mem>>) attributes {dimension_semantics = [#tpu.dimension_semantics<core_parallel>, #tpu.dimension_semantics<subcore_parallel>], iteration_bounds = array<i64: 2, 16>, scalar_prefetch = 0 : i64, scratch_operands = 18 : i64, tpu.core_type = #tpu.core_type<sc_vector_subcore>, window_params = [{transform_indices = #map}, {transform_indices = #map}, {transform_indices = #map1}, {transform_indices = #map1}, {transform_indices = #map1}, {transform_indices = #map1}]} {
    %mul3A = arith.constant 2 : i32
    %mul3A_0 = arith.muli %arg1, %mul3A : i32
    %add3A = arith.addi %mul3A_0, %arg0 : i32
    %jit3A = arith.constant 2 : i32
    %div3A = arith.divsi %add3A, %jit3A : i32
    %sign3A = arith.constant 0 : i32
    %sign3A_1 = arith.cmpi sgt, %add3A, %sign3A : i32
    %sign3A_2 = arith.extui %sign3A_1 : i1 to i32
    %sign3A_3 = arith.constant 0 : i32
    %sign3A_4 = arith.cmpi slt, %add3A, %sign3A_3 : i32
    %sign3A_5 = arith.extui %sign3A_4 : i1 to i32
    %sign3A_6 = arith.subi %sign3A_2, %sign3A_5 : i32
    %sign3A_7 = arith.constant 0 : i32
    %sign3A_8 = arith.cmpi sgt, %jit3A, %sign3A_7 : i32
    %sign3A_9 = arith.extui %sign3A_8 : i1 to i32
    %sign3A_10 = arith.constant 0 : i32
    %sign3A_11 = arith.cmpi slt, %jit3A, %sign3A_10 : i32
    %sign3A_12 = arith.extui %sign3A_11 : i1 to i32
    %sign3A_13 = arith.subi %sign3A_9, %sign3A_12 : i32
    %ne3A = arith.cmpi ne, %sign3A_6, %sign3A_13 : i32
    %rem3A = arith.remsi %add3A, %jit3A : i32
    %ne3A_14 = arith.constant 0 : i32
    %ne3A_15 = arith.cmpi ne, %rem3A, %ne3A_14 : i32
    %and3A = arith.andi %ne3A, %ne3A_15 : i1
    %sub3A = arith.constant 1 : i32
    %sub3A_16 = arith.subi %div3A, %sub3A : i32
    %select_n3A = arith.select %and3A, %sub3A_16, %div3A : i32
    %jit3A_17 = arith.constant 2 : i32
    %eq3A = arith.constant 0 : i32
    %eq3A_18 = arith.cmpi eq, %jit3A_17, %eq3A : i32
    %jit3A_19 = arith.constant 1 : i32
    %select_n3A_20 = arith.select %eq3A_18, %jit3A_19, %jit3A_17 : i32
    %rem3A_21 = arith.remsi %add3A, %select_n3A_20 : i32
    %ne3A_22 = arith.constant 0 : i32
    %ne3A_23 = arith.cmpi ne, %rem3A_21, %ne3A_22 : i32
    %lt3A = arith.constant 0 : i32
    %lt3A_24 = arith.cmpi slt, %rem3A_21, %lt3A : i32
    %lt3A_25 = arith.constant 0 : i32
    %lt3A_26 = arith.cmpi slt, %select_n3A_20, %lt3A_25 : i32
    %ne3A_27 = arith.xori %lt3A_24, %lt3A_26 : i1
    %and3A_28 = arith.andi %ne3A_27, %ne3A_23 : i1
    %add3A_29 = arith.addi %rem3A_21, %select_n3A_20 : i32
    %select_n3A_30 = arith.select %and3A_28, %add3A_29, %rem3A_21 : i32
    %mul3A_31 = arith.constant 1024 : i32
    %mul3A_32 = arith.muli %select_n3A, %mul3A_31 : i32
    %mul3A_33 = arith.constant 512 : i32
    %mul3A_34 = arith.muli %select_n3A_30, %mul3A_33 : i32
    %add3A_35 = arith.addi %mul3A_32, %mul3A_34 : i32
    %mul3A_36 = arith.constant 16 : i32
    %mul3A_37 = arith.muli %add3A_35, %mul3A_36 : i32
    "tpu.region"() ({
      %run_scoped3A = tpu.sem_alloc : memref<!tpu.dma_semaphore, #tpu.memory_space<semaphore_mem>>
      %dma_start3A = tpu.memref_slice %arg2[%mul3A_37] : memref<262144xi32, #tpu.memory_space<hbm>> -> memref<8192xi32, #tpu.memory_space<hbm>>
      %dma_start3A_57 = tpu.memref_slice %arg2[%mul3A_37] : memref<262144xi32, #tpu.memory_space<hbm>> -> memref<8192xi32, #tpu.memory_space<hbm>>
      tpu.enqueue_dma source(%dma_start3A_57 : memref<8192xi32, #tpu.memory_space<hbm>>) target(%arg8 : memref<8192xi32, #tpu.memory_space<vmem>>) target_semaphore(%run_scoped3A : memref<!tpu.dma_semaphore, #tpu.memory_space<semaphore_mem>>)
      %dma_wait3A = tpu.memref_slice %arg2[%mul3A_37] : memref<262144xi32, #tpu.memory_space<hbm>> -> memref<8192xi32, #tpu.memory_space<hbm>>
      %dma_wait3A_58 = tpu.memref_slice %arg2[%mul3A_37] : memref<262144xi32, #tpu.memory_space<hbm>> -> memref<8192xi32, #tpu.memory_space<hbm>>
      tpu.wait_dma2 semaphore(%run_scoped3A : memref<!tpu.dma_semaphore, #tpu.memory_space<semaphore_mem>>) src(%dma_wait3A_58 : memref<8192xi32, #tpu.memory_space<hbm>>) dst(%arg8 : memref<8192xi32, #tpu.memory_space<vmem>>)
      tpu.yield
    }) : () -> ()
    %mul3A_38 = arith.constant 32 : i32
    %mul3A_39 = arith.muli %add3A_35, %mul3A_38 : i32
    "tpu.region"() ({
      %run_scoped3A = tpu.sem_alloc : memref<!tpu.dma_semaphore, #tpu.memory_space<semaphore_mem>>
      %dma_start3A = tpu.memref_slice %arg3[%mul3A_39] : memref<524288xi32, #tpu.memory_space<hbm>> -> memref<16384xi32, #tpu.memory_space<hbm>>
      %dma_start3A_57 = tpu.memref_slice %arg3[%mul3A_39] : memref<524288xi32, #tpu.memory_space<hbm>> -> memref<16384xi32, #tpu.memory_space<hbm>>
      tpu.enqueue_dma source(%dma_start3A_57 : memref<16384xi32, #tpu.memory_space<hbm>>) target(%arg9 : memref<16384xi32, #tpu.memory_space<vmem>>) target_semaphore(%run_scoped3A : memref<!tpu.dma_semaphore, #tpu.memory_space<semaphore_mem>>)
      %dma_wait3A = tpu.memref_slice %arg3[%mul3A_39] : memref<524288xi32, #tpu.memory_space<hbm>> -> memref<16384xi32, #tpu.memory_space<hbm>>
      %dma_wait3A_58 = tpu.memref_slice %arg3[%mul3A_39] : memref<524288xi32, #tpu.memory_space<hbm>> -> memref<16384xi32, #tpu.memory_space<hbm>>
      tpu.wait_dma2 semaphore(%run_scoped3A : memref<!tpu.dma_semaphore, #tpu.memory_space<semaphore_mem>>) src(%dma_wait3A_58 : memref<16384xi32, #tpu.memory_space<hbm>>) dst(%arg9 : memref<16384xi32, #tpu.memory_space<vmem>>)
      tpu.yield
    }) : () -> ()
    %mul3A_40 = arith.constant 16 : i32
    %mul3A_41 = arith.muli %add3A_35, %mul3A_40 : i32
    %scan3A = arith.constant 0 : i32
    %scan3A_42 = arith.constant 0 : i32
    %scan3A_43 = arith.constant 16 : i32
    %scan3A_44 = arith.addi %scan3A_42, %scan3A_43 : i32
    %scan3A_45 = arith.constant 1 : i32
    %scan3A_46 = scf.for %scan3A_57 = %scan3A_42 to %scan3A_44 step %scan3A_45 iter_args(%scan3A_58 = %scan3A) -> (i32)  : i32 {
      %mul3A_59 = arith.constant 4 : i32
      %mul3A_60 = arith.muli %scan3A_57, %mul3A_59 : i32
      %add3A_61 = arith.constant 0 : i32
      %add3A_62 = arith.addi %mul3A_60, %add3A_61 : i32
      %mul3A_63 = arith.constant 128 : i32
      %mul3A_64 = arith.muli %add3A_62, %mul3A_63 : i32
      %dma_start3A = tpu.memref_slice %arg8[%mul3A_64] : memref<8192xi32, #tpu.memory_space<vmem>> -> memref<128xi32, #tpu.memory_space<vmem>>
      %dma_start3A_65 = arith.constant 0 : i32
      %dma_start3A_66 = arith.constant 0 : i32
      %dma_start3A_67 = tpu.memref_slice %arg4[%dma_start3A_65, %dma_start3A_66] : memref<65536x32xf32, #tpu.memory_space<hbm>> -> memref<65536x32xf32, #tpu.memory_space<hbm>>
      tpu.enqueue_indirect_dma source(%dma_start3A_67 : memref<65536x32xf32, #tpu.memory_space<hbm>>) target(%arg10 : memref<128x32xf32, #tpu.memory_space<vmem>>) offsets(%dma_start3A : memref<128xi32, #tpu.memory_space<vmem>>) semaphore(%arg18 : memref<!tpu.dma_semaphore, #tpu.memory_space<semaphore_mem>>)
      %mul3A_68 = arith.constant 4 : i32
      %mul3A_69 = arith.muli %scan3A_57, %mul3A_68 : i32
      %add3A_70 = arith.constant 1 : i32
      %add3A_71 = arith.addi %mul3A_69, %add3A_70 : i32
      %mul3A_72 = arith.constant 128 : i32
      %mul3A_73 = arith.muli %add3A_71, %mul3A_72 : i32
      %dma_start3A_74 = tpu.memref_slice %arg8[%mul3A_73] : memref<8192xi32, #tpu.memory_space<vmem>> -> memref<128xi32, #tpu.memory_space<vmem>>
      %dma_start3A_75 = arith.constant 0 : i32
      %dma_start3A_76 = arith.constant 0 : i32
      %dma_start3A_77 = tpu.memref_slice %arg4[%dma_start3A_75, %dma_start3A_76] : memref<65536x32xf32, #tpu.memory_space<hbm>> -> memref<65536x32xf32, #tpu.memory_space<hbm>>
      tpu.enqueue_indirect_dma source(%dma_start3A_77 : memref<65536x32xf32, #tpu.memory_space<hbm>>) target(%arg11 : memref<128x32xf32, #tpu.memory_space<vmem>>) offsets(%dma_start3A_74 : memref<128xi32, #tpu.memory_space<vmem>>) semaphore(%arg19 : memref<!tpu.dma_semaphore, #tpu.memory_space<semaphore_mem>>)
      %mul3A_78 = arith.constant 4 : i32
      %mul3A_79 = arith.muli %scan3A_57, %mul3A_78 : i32
      %add3A_80 = arith.constant 2 : i32
      %add3A_81 = arith.addi %mul3A_79, %add3A_80 : i32
      %mul3A_82 = arith.constant 128 : i32
      %mul3A_83 = arith.muli %add3A_81, %mul3A_82 : i32
      %dma_start3A_84 = tpu.memref_slice %arg8[%mul3A_83] : memref<8192xi32, #tpu.memory_space<vmem>> -> memref<128xi32, #tpu.memory_space<vmem>>
      %dma_start3A_85 = arith.constant 0 : i32
      %dma_start3A_86 = arith.constant 0 : i32
      %dma_start3A_87 = tpu.memref_slice %arg4[%dma_start3A_85, %dma_start3A_86] : memref<65536x32xf32, #tpu.memory_space<hbm>> -> memref<65536x32xf32, #tpu.memory_space<hbm>>
      tpu.enqueue_indirect_dma source(%dma_start3A_87 : memref<65536x32xf32, #tpu.memory_space<hbm>>) target(%arg12 : memref<128x32xf32, #tpu.memory_space<vmem>>) offsets(%dma_start3A_84 : memref<128xi32, #tpu.memory_space<vmem>>) semaphore(%arg20 : memref<!tpu.dma_semaphore, #tpu.memory_space<semaphore_mem>>)
      %mul3A_88 = arith.constant 4 : i32
      %mul3A_89 = arith.muli %scan3A_57, %mul3A_88 : i32
      %add3A_90 = arith.constant 3 : i32
      %add3A_91 = arith.addi %mul3A_89, %add3A_90 : i32
      %mul3A_92 = arith.constant 128 : i32
      %mul3A_93 = arith.muli %add3A_91, %mul3A_92 : i32
      %dma_start3A_94 = tpu.memref_slice %arg8[%mul3A_93] : memref<8192xi32, #tpu.memory_space<vmem>> -> memref<128xi32, #tpu.memory_space<vmem>>
      %dma_start3A_95 = arith.constant 0 : i32
      %dma_start3A_96 = arith.constant 0 : i32
      %dma_start3A_97 = tpu.memref_slice %arg4[%dma_start3A_95, %dma_start3A_96] : memref<65536x32xf32, #tpu.memory_space<hbm>> -> memref<65536x32xf32, #tpu.memory_space<hbm>>
      tpu.enqueue_indirect_dma source(%dma_start3A_97 : memref<65536x32xf32, #tpu.memory_space<hbm>>) target(%arg13 : memref<128x32xf32, #tpu.memory_space<vmem>>) offsets(%dma_start3A_94 : memref<128xi32, #tpu.memory_space<vmem>>) semaphore(%arg21 : memref<!tpu.dma_semaphore, #tpu.memory_space<semaphore_mem>>)
      %mul3A_98 = arith.constant 4 : i32
      %mul3A_99 = arith.muli %scan3A_57, %mul3A_98 : i32
      %add3A_100 = arith.constant 0 : i32
      %add3A_101 = arith.addi %mul3A_99, %add3A_100 : i32
      %dma_wait3A = tpu.memref_slice %arg8[%mul3A_64] : memref<8192xi32, #tpu.memory_space<vmem>> -> memref<128xi32, #tpu.memory_space<vmem>>
      %dma_wait3A_102 = arith.constant 0 : i32
      %dma_wait3A_103 = arith.constant 0 : i32
      %dma_wait3A_104 = tpu.memref_slice %arg4[%dma_wait3A_102, %dma_wait3A_103] : memref<65536x32xf32, #tpu.memory_space<hbm>> -> memref<65536x32xf32, #tpu.memory_space<hbm>>
      tpu.wait_indirect_dma semaphore(%arg18 : memref<!tpu.dma_semaphore, #tpu.memory_space<semaphore_mem>>) src(%dma_wait3A_104 : memref<65536x32xf32, #tpu.memory_space<hbm>>) dst(%arg10 : memref<128x32xf32, #tpu.memory_space<vmem>>)
      %mul3A_105 = arith.constant 128 : i32
      %mul3A_106 = arith.muli %add3A_101, %mul3A_105 : i32
      %add3A_107 = arith.addi %mul3A_41, %mul3A_106 : i32
      %dma_start3A_108 = arith.constant 0 : i32
      %dma_start3A_109 = tpu.memref_slice %arg6[%add3A_107, %dma_start3A_108] : memref<262144x32xf32, #tpu.memory_space<hbm>> -> memref<128x32xf32, #tpu.memory_space<hbm>>
      %dma_start3A_110 = arith.constant 0 : i32
      %dma_start3A_111 = tpu.memref_slice %arg6[%add3A_107, %dma_start3A_110] : memref<262144x32xf32, #tpu.memory_space<hbm>> -> memref<128x32xf32, #tpu.memory_space<hbm>>
      tpu.enqueue_dma source(%arg10 : memref<128x32xf32, #tpu.memory_space<vmem>>) target(%dma_start3A_111 : memref<128x32xf32, #tpu.memory_space<hbm>>) target_semaphore(%arg22 : memref<!tpu.dma_semaphore, #tpu.memory_space<semaphore_mem>>)
      %mul3A_112 = arith.constant 4 : i32
      %mul3A_113 = arith.muli %scan3A_57, %mul3A_112 : i32
      %add3A_114 = arith.constant 1 : i32
      %add3A_115 = arith.addi %mul3A_113, %add3A_114 : i32
      %dma_wait3A_116 = tpu.memref_slice %arg8[%mul3A_73] : memref<8192xi32, #tpu.memory_space<vmem>> -> memref<128xi32, #tpu.memory_space<vmem>>
      %dma_wait3A_117 = arith.constant 0 : i32
      %dma_wait3A_118 = arith.constant 0 : i32
      %dma_wait3A_119 = tpu.memref_slice %arg4[%dma_wait3A_117, %dma_wait3A_118] : memref<65536x32xf32, #tpu.memory_space<hbm>> -> memref<65536x32xf32, #tpu.memory_space<hbm>>
      tpu.wait_indirect_dma semaphore(%arg19 : memref<!tpu.dma_semaphore, #tpu.memory_space<semaphore_mem>>) src(%dma_wait3A_119 : memref<65536x32xf32, #tpu.memory_space<hbm>>) dst(%arg11 : memref<128x32xf32, #tpu.memory_space<vmem>>)
      %mul3A_120 = arith.constant 128 : i32
      %mul3A_121 = arith.muli %add3A_115, %mul3A_120 : i32
      %add3A_122 = arith.addi %mul3A_41, %mul3A_121 : i32
      %dma_start3A_123 = arith.constant 0 : i32
      %dma_start3A_124 = tpu.memref_slice %arg6[%add3A_122, %dma_start3A_123] : memref<262144x32xf32, #tpu.memory_space<hbm>> -> memref<128x32xf32, #tpu.memory_space<hbm>>
      %dma_start3A_125 = arith.constant 0 : i32
      %dma_start3A_126 = tpu.memref_slice %arg6[%add3A_122, %dma_start3A_125] : memref<262144x32xf32, #tpu.memory_space<hbm>> -> memref<128x32xf32, #tpu.memory_space<hbm>>
      tpu.enqueue_dma source(%arg11 : memref<128x32xf32, #tpu.memory_space<vmem>>) target(%dma_start3A_126 : memref<128x32xf32, #tpu.memory_space<hbm>>) target_semaphore(%arg23 : memref<!tpu.dma_semaphore, #tpu.memory_space<semaphore_mem>>)
      %mul3A_127 = arith.constant 4 : i32
      %mul3A_128 = arith.muli %scan3A_57, %mul3A_127 : i32
      %add3A_129 = arith.constant 2 : i32
      %add3A_130 = arith.addi %mul3A_128, %add3A_129 : i32
      %dma_wait3A_131 = tpu.memref_slice %arg8[%mul3A_83] : memref<8192xi32, #tpu.memory_space<vmem>> -> memref<128xi32, #tpu.memory_space<vmem>>
      %dma_wait3A_132 = arith.constant 0 : i32
      %dma_wait3A_133 = arith.constant 0 : i32
      %dma_wait3A_134 = tpu.memref_slice %arg4[%dma_wait3A_132, %dma_wait3A_133] : memref<65536x32xf32, #tpu.memory_space<hbm>> -> memref<65536x32xf32, #tpu.memory_space<hbm>>
      tpu.wait_indirect_dma semaphore(%arg20 : memref<!tpu.dma_semaphore, #tpu.memory_space<semaphore_mem>>) src(%dma_wait3A_134 : memref<65536x32xf32, #tpu.memory_space<hbm>>) dst(%arg12 : memref<128x32xf32, #tpu.memory_space<vmem>>)
      %mul3A_135 = arith.constant 128 : i32
      %mul3A_136 = arith.muli %add3A_130, %mul3A_135 : i32
      %add3A_137 = arith.addi %mul3A_41, %mul3A_136 : i32
      %dma_start3A_138 = arith.constant 0 : i32
      %dma_start3A_139 = tpu.memref_slice %arg6[%add3A_137, %dma_start3A_138] : memref<262144x32xf32, #tpu.memory_space<hbm>> -> memref<128x32xf32, #tpu.memory_space<hbm>>
      %dma_start3A_140 = arith.constant 0 : i32
      %dma_start3A_141 = tpu.memref_slice %arg6[%add3A_137, %dma_start3A_140] : memref<262144x32xf32, #tpu.memory_space<hbm>> -> memref<128x32xf32, #tpu.memory_space<hbm>>
      tpu.enqueue_dma source(%arg12 : memref<128x32xf32, #tpu.memory_space<vmem>>) target(%dma_start3A_141 : memref<128x32xf32, #tpu.memory_space<hbm>>) target_semaphore(%arg24 : memref<!tpu.dma_semaphore, #tpu.memory_space<semaphore_mem>>)
      %mul3A_142 = arith.constant 4 : i32
      %mul3A_143 = arith.muli %scan3A_57, %mul3A_142 : i32
      %add3A_144 = arith.constant 3 : i32
      %add3A_145 = arith.addi %mul3A_143, %add3A_144 : i32
      %dma_wait3A_146 = tpu.memref_slice %arg8[%mul3A_93] : memref<8192xi32, #tpu.memory_space<vmem>> -> memref<128xi32, #tpu.memory_space<vmem>>
      %dma_wait3A_147 = arith.constant 0 : i32
      %dma_wait3A_148 = arith.constant 0 : i32
      %dma_wait3A_149 = tpu.memref_slice %arg4[%dma_wait3A_147, %dma_wait3A_148] : memref<65536x32xf32, #tpu.memory_space<hbm>> -> memref<65536x32xf32, #tpu.memory_space<hbm>>
      tpu.wait_indirect_dma semaphore(%arg21 : memref<!tpu.dma_semaphore, #tpu.memory_space<semaphore_mem>>) src(%dma_wait3A_149 : memref<65536x32xf32, #tpu.memory_space<hbm>>) dst(%arg13 : memref<128x32xf32, #tpu.memory_space<vmem>>)
      %mul3A_150 = arith.constant 128 : i32
      %mul3A_151 = arith.muli %add3A_145, %mul3A_150 : i32
      %add3A_152 = arith.addi %mul3A_41, %mul3A_151 : i32
      %dma_start3A_153 = arith.constant 0 : i32
      %dma_start3A_154 = tpu.memref_slice %arg6[%add3A_152, %dma_start3A_153] : memref<262144x32xf32, #tpu.memory_space<hbm>> -> memref<128x32xf32, #tpu.memory_space<hbm>>
      %dma_start3A_155 = arith.constant 0 : i32
      %dma_start3A_156 = tpu.memref_slice %arg6[%add3A_152, %dma_start3A_155] : memref<262144x32xf32, #tpu.memory_space<hbm>> -> memref<128x32xf32, #tpu.memory_space<hbm>>
      tpu.enqueue_dma source(%arg13 : memref<128x32xf32, #tpu.memory_space<vmem>>) target(%dma_start3A_156 : memref<128x32xf32, #tpu.memory_space<hbm>>) target_semaphore(%arg25 : memref<!tpu.dma_semaphore, #tpu.memory_space<semaphore_mem>>)
      %dma_wait3A_157 = arith.constant 0 : i32
      %dma_wait3A_158 = tpu.memref_slice %arg6[%add3A_107, %dma_wait3A_157] : memref<262144x32xf32, #tpu.memory_space<hbm>> -> memref<128x32xf32, #tpu.memory_space<hbm>>
      %dma_wait3A_159 = arith.constant 0 : i32
      %dma_wait3A_160 = tpu.memref_slice %arg6[%add3A_107, %dma_wait3A_159] : memref<262144x32xf32, #tpu.memory_space<hbm>> -> memref<128x32xf32, #tpu.memory_space<hbm>>
      tpu.wait_dma2 semaphore(%arg22 : memref<!tpu.dma_semaphore, #tpu.memory_space<semaphore_mem>>) src(%arg10 : memref<128x32xf32, #tpu.memory_space<vmem>>) dst(%dma_wait3A_160 : memref<128x32xf32, #tpu.memory_space<hbm>>)
      %dma_wait3A_161 = arith.constant 0 : i32
      %dma_wait3A_162 = tpu.memref_slice %arg6[%add3A_122, %dma_wait3A_161] : memref<262144x32xf32, #tpu.memory_space<hbm>> -> memref<128x32xf32, #tpu.memory_space<hbm>>
      %dma_wait3A_163 = arith.constant 0 : i32
      %dma_wait3A_164 = tpu.memref_slice %arg6[%add3A_122, %dma_wait3A_163] : memref<262144x32xf32, #tpu.memory_space<hbm>> -> memref<128x32xf32, #tpu.memory_space<hbm>>
      tpu.wait_dma2 semaphore(%arg23 : memref<!tpu.dma_semaphore, #tpu.memory_space<semaphore_mem>>) src(%arg11 : memref<128x32xf32, #tpu.memory_space<vmem>>) dst(%dma_wait3A_164 : memref<128x32xf32, #tpu.memory_space<hbm>>)
      %dma_wait3A_165 = arith.constant 0 : i32
      %dma_wait3A_166 = tpu.memref_slice %arg6[%add3A_137, %dma_wait3A_165] : memref<262144x32xf32, #tpu.memory_space<hbm>> -> memref<128x32xf32, #tpu.memory_space<hbm>>
      %dma_wait3A_167 = arith.constant 0 : i32
      %dma_wait3A_168 = tpu.memref_slice %arg6[%add3A_137, %dma_wait3A_167] : memref<262144x32xf32, #tpu.memory_space<hbm>> -> memref<128x32xf32, #tpu.memory_space<hbm>>
      tpu.wait_dma2 semaphore(%arg24 : memref<!tpu.dma_semaphore, #tpu.memory_space<semaphore_mem>>) src(%arg12 : memref<128x32xf32, #tpu.memory_space<vmem>>) dst(%dma_wait3A_168 : memref<128x32xf32, #tpu.memory_space<hbm>>)
      %dma_wait3A_169 = arith.constant 0 : i32
      %dma_wait3A_170 = tpu.memref_slice %arg6[%add3A_152, %dma_wait3A_169] : memref<262144x32xf32, #tpu.memory_space<hbm>> -> memref<128x32xf32, #tpu.memory_space<hbm>>
      %dma_wait3A_171 = arith.constant 0 : i32
      %dma_wait3A_172 = tpu.memref_slice %arg6[%add3A_152, %dma_wait3A_171] : memref<262144x32xf32, #tpu.memory_space<hbm>> -> memref<128x32xf32, #tpu.memory_space<hbm>>
      tpu.wait_dma2 semaphore(%arg25 : memref<!tpu.dma_semaphore, #tpu.memory_space<semaphore_mem>>) src(%arg13 : memref<128x32xf32, #tpu.memory_space<vmem>>) dst(%dma_wait3A_172 : memref<128x32xf32, #tpu.memory_space<hbm>>)
      %scan3A_173 = arith.constant 0 : i32
      scf.yield %scan3A_173 : i32
    }
    %scan3A_47 = arith.constant 16 : i32
    %mul3A_48 = arith.constant 32 : i32
    %mul3A_49 = arith.muli %add3A_35, %mul3A_48 : i32
    %scan3A_50 = arith.constant 0 : i32
    %scan3A_51 = arith.constant 0 : i32
    %scan3A_52 = arith.constant 32 : i32
    %scan3A_53 = arith.addi %scan3A_51, %scan3A_52 : i32
    %scan3A_54 = arith.constant 1 : i32
    %scan3A_55 = scf.for %scan3A_57 = %scan3A_51 to %scan3A_53 step %scan3A_54 iter_args(%scan3A_58 = %scan3A_50) -> (i32)  : i32 {
      %mul3A_59 = arith.constant 4 : i32
      %mul3A_60 = arith.muli %scan3A_57, %mul3A_59 : i32
      %add3A_61 = arith.constant 0 : i32
      %add3A_62 = arith.addi %mul3A_60, %add3A_61 : i32
      %mul3A_63 = arith.constant 128 : i32
      %mul3A_64 = arith.muli %add3A_62, %mul3A_63 : i32
      %dma_start3A = tpu.memref_slice %arg9[%mul3A_64] : memref<16384xi32, #tpu.memory_space<vmem>> -> memref<128xi32, #tpu.memory_space<vmem>>
      %dma_start3A_65 = arith.constant 0 : i32
      %dma_start3A_66 = arith.constant 0 : i32
      %dma_start3A_67 = tpu.memref_slice %arg5[%dma_start3A_65, %dma_start3A_66] : memref<65536x64xf32, #tpu.memory_space<hbm>> -> memref<65536x64xf32, #tpu.memory_space<hbm>>
      tpu.enqueue_indirect_dma source(%dma_start3A_67 : memref<65536x64xf32, #tpu.memory_space<hbm>>) target(%arg14 : memref<128x64xf32, #tpu.memory_space<vmem>>) offsets(%dma_start3A : memref<128xi32, #tpu.memory_space<vmem>>) semaphore(%arg18 : memref<!tpu.dma_semaphore, #tpu.memory_space<semaphore_mem>>)
      %mul3A_68 = arith.constant 4 : i32
      %mul3A_69 = arith.muli %scan3A_57, %mul3A_68 : i32
      %add3A_70 = arith.constant 1 : i32
      %add3A_71 = arith.addi %mul3A_69, %add3A_70 : i32
      %mul3A_72 = arith.constant 128 : i32
      %mul3A_73 = arith.muli %add3A_71, %mul3A_72 : i32
      %dma_start3A_74 = tpu.memref_slice %arg9[%mul3A_73] : memref<16384xi32, #tpu.memory_space<vmem>> -> memref<128xi32, #tpu.memory_space<vmem>>
      %dma_start3A_75 = arith.constant 0 : i32
      %dma_start3A_76 = arith.constant 0 : i32
      %dma_start3A_77 = tpu.memref_slice %arg5[%dma_start3A_75, %dma_start3A_76] : memref<65536x64xf32, #tpu.memory_space<hbm>> -> memref<65536x64xf32, #tpu.memory_space<hbm>>
      tpu.enqueue_indirect_dma source(%dma_start3A_77 : memref<65536x64xf32, #tpu.memory_space<hbm>>) target(%arg15 : memref<128x64xf32, #tpu.memory_space<vmem>>) offsets(%dma_start3A_74 : memref<128xi32, #tpu.memory_space<vmem>>) semaphore(%arg19 : memref<!tpu.dma_semaphore, #tpu.memory_space<semaphore_mem>>)
      %mul3A_78 = arith.constant 4 : i32
      %mul3A_79 = arith.muli %scan3A_57, %mul3A_78 : i32
      %add3A_80 = arith.constant 2 : i32
      %add3A_81 = arith.addi %mul3A_79, %add3A_80 : i32
      %mul3A_82 = arith.constant 128 : i32
      %mul3A_83 = arith.muli %add3A_81, %mul3A_82 : i32
      %dma_start3A_84 = tpu.memref_slice %arg9[%mul3A_83] : memref<16384xi32, #tpu.memory_space<vmem>> -> memref<128xi32, #tpu.memory_space<vmem>>
      %dma_start3A_85 = arith.constant 0 : i32
      %dma_start3A_86 = arith.constant 0 : i32
      %dma_start3A_87 = tpu.memref_slice %arg5[%dma_start3A_85, %dma_start3A_86] : memref<65536x64xf32, #tpu.memory_space<hbm>> -> memref<65536x64xf32, #tpu.memory_space<hbm>>
      tpu.enqueue_indirect_dma source(%dma_start3A_87 : memref<65536x64xf32, #tpu.memory_space<hbm>>) target(%arg16 : memref<128x64xf32, #tpu.memory_space<vmem>>) offsets(%dma_start3A_84 : memref<128xi32, #tpu.memory_space<vmem>>) semaphore(%arg20 : memref<!tpu.dma_semaphore, #tpu.memory_space<semaphore_mem>>)
      %mul3A_88 = arith.constant 4 : i32
      %mul3A_89 = arith.muli %scan3A_57, %mul3A_88 : i32
      %add3A_90 = arith.constant 3 : i32
      %add3A_91 = arith.addi %mul3A_89, %add3A_90 : i32
      %mul3A_92 = arith.constant 128 : i32
      %mul3A_93 = arith.muli %add3A_91, %mul3A_92 : i32
      %dma_start3A_94 = tpu.memref_slice %arg9[%mul3A_93] : memref<16384xi32, #tpu.memory_space<vmem>> -> memref<128xi32, #tpu.memory_space<vmem>>
      %dma_start3A_95 = arith.constant 0 : i32
      %dma_start3A_96 = arith.constant 0 : i32
      %dma_start3A_97 = tpu.memref_slice %arg5[%dma_start3A_95, %dma_start3A_96] : memref<65536x64xf32, #tpu.memory_space<hbm>> -> memref<65536x64xf32, #tpu.memory_space<hbm>>
      tpu.enqueue_indirect_dma source(%dma_start3A_97 : memref<65536x64xf32, #tpu.memory_space<hbm>>) target(%arg17 : memref<128x64xf32, #tpu.memory_space<vmem>>) offsets(%dma_start3A_94 : memref<128xi32, #tpu.memory_space<vmem>>) semaphore(%arg21 : memref<!tpu.dma_semaphore, #tpu.memory_space<semaphore_mem>>)
      %mul3A_98 = arith.constant 4 : i32
      %mul3A_99 = arith.muli %scan3A_57, %mul3A_98 : i32
      %add3A_100 = arith.constant 0 : i32
      %add3A_101 = arith.addi %mul3A_99, %add3A_100 : i32
      %dma_wait3A = tpu.memref_slice %arg9[%mul3A_64] : memref<16384xi32, #tpu.memory_space<vmem>> -> memref<128xi32, #tpu.memory_space<vmem>>
      %dma_wait3A_102 = arith.constant 0 : i32
      %dma_wait3A_103 = arith.constant 0 : i32
      %dma_wait3A_104 = tpu.memref_slice %arg5[%dma_wait3A_102, %dma_wait3A_103] : memref<65536x64xf32, #tpu.memory_space<hbm>> -> memref<65536x64xf32, #tpu.memory_space<hbm>>
      tpu.wait_indirect_dma semaphore(%arg18 : memref<!tpu.dma_semaphore, #tpu.memory_space<semaphore_mem>>) src(%dma_wait3A_104 : memref<65536x64xf32, #tpu.memory_space<hbm>>) dst(%arg14 : memref<128x64xf32, #tpu.memory_space<vmem>>)
      %mul3A_105 = arith.constant 128 : i32
      %mul3A_106 = arith.muli %add3A_101, %mul3A_105 : i32
      %add3A_107 = arith.addi %mul3A_49, %mul3A_106 : i32
      %dma_start3A_108 = arith.constant 0 : i32
      %dma_start3A_109 = tpu.memref_slice %arg7[%add3A_107, %dma_start3A_108] : memref<524288x64xf32, #tpu.memory_space<hbm>> -> memref<128x64xf32, #tpu.memory_space<hbm>>
      %dma_start3A_110 = arith.constant 0 : i32
      %dma_start3A_111 = tpu.memref_slice %arg7[%add3A_107, %dma_start3A_110] : memref<524288x64xf32, #tpu.memory_space<hbm>> -> memref<128x64xf32, #tpu.memory_space<hbm>>
      tpu.enqueue_dma source(%arg14 : memref<128x64xf32, #tpu.memory_space<vmem>>) target(%dma_start3A_111 : memref<128x64xf32, #tpu.memory_space<hbm>>) target_semaphore(%arg22 : memref<!tpu.dma_semaphore, #tpu.memory_space<semaphore_mem>>)
      %mul3A_112 = arith.constant 4 : i32
      %mul3A_113 = arith.muli %scan3A_57, %mul3A_112 : i32
      %add3A_114 = arith.constant 1 : i32
      %add3A_115 = arith.addi %mul3A_113, %add3A_114 : i32
      %dma_wait3A_116 = tpu.memref_slice %arg9[%mul3A_73] : memref<16384xi32, #tpu.memory_space<vmem>> -> memref<128xi32, #tpu.memory_space<vmem>>
      %dma_wait3A_117 = arith.constant 0 : i32
      %dma_wait3A_118 = arith.constant 0 : i32
      %dma_wait3A_119 = tpu.memref_slice %arg5[%dma_wait3A_117, %dma_wait3A_118] : memref<65536x64xf32, #tpu.memory_space<hbm>> -> memref<65536x64xf32, #tpu.memory_space<hbm>>
      tpu.wait_indirect_dma semaphore(%arg19 : memref<!tpu.dma_semaphore, #tpu.memory_space<semaphore_mem>>) src(%dma_wait3A_119 : memref<65536x64xf32, #tpu.memory_space<hbm>>) dst(%arg15 : memref<128x64xf32, #tpu.memory_space<vmem>>)
      %mul3A_120 = arith.constant 128 : i32
      %mul3A_121 = arith.muli %add3A_115, %mul3A_120 : i32
      %add3A_122 = arith.addi %mul3A_49, %mul3A_121 : i32
      %dma_start3A_123 = arith.constant 0 : i32
      %dma_start3A_124 = tpu.memref_slice %arg7[%add3A_122, %dma_start3A_123] : memref<524288x64xf32, #tpu.memory_space<hbm>> -> memref<128x64xf32, #tpu.memory_space<hbm>>
      %dma_start3A_125 = arith.constant 0 : i32
      %dma_start3A_126 = tpu.memref_slice %arg7[%add3A_122, %dma_start3A_125] : memref<524288x64xf32, #tpu.memory_space<hbm>> -> memref<128x64xf32, #tpu.memory_space<hbm>>
      tpu.enqueue_dma source(%arg15 : memref<128x64xf32, #tpu.memory_space<vmem>>) target(%dma_start3A_126 : memref<128x64xf32, #tpu.memory_space<hbm>>) target_semaphore(%arg23 : memref<!tpu.dma_semaphore, #tpu.memory_space<semaphore_mem>>)
      %mul3A_127 = arith.constant 4 : i32
      %mul3A_128 = arith.muli %scan3A_57, %mul3A_127 : i32
      %add3A_129 = arith.constant 2 : i32
      %add3A_130 = arith.addi %mul3A_128, %add3A_129 : i32
      %dma_wait3A_131 = tpu.memref_slice %arg9[%mul3A_83] : memref<16384xi32, #tpu.memory_space<vmem>> -> memref<128xi32, #tpu.memory_space<vmem>>
      %dma_wait3A_132 = arith.constant 0 : i32
      %dma_wait3A_133 = arith.constant 0 : i32
      %dma_wait3A_134 = tpu.memref_slice %arg5[%dma_wait3A_132, %dma_wait3A_133] : memref<65536x64xf32, #tpu.memory_space<hbm>> -> memref<65536x64xf32, #tpu.memory_space<hbm>>
      tpu.wait_indirect_dma semaphore(%arg20 : memref<!tpu.dma_semaphore, #tpu.memory_space<semaphore_mem>>) src(%dma_wait3A_134 : memref<65536x64xf32, #tpu.memory_space<hbm>>) dst(%arg16 : memref<128x64xf32, #tpu.memory_space<vmem>>)
      %mul3A_135 = arith.constant 128 : i32
      %mul3A_136 = arith.muli %add3A_130, %mul3A_135 : i32
      %add3A_137 = arith.addi %mul3A_49, %mul3A_136 : i32
      %dma_start3A_138 = arith.constant 0 : i32
      %dma_start3A_139 = tpu.memref_slice %arg7[%add3A_137, %dma_start3A_138] : memref<524288x64xf32, #tpu.memory_space<hbm>> -> memref<128x64xf32, #tpu.memory_space<hbm>>
      %dma_start3A_140 = arith.constant 0 : i32
      %dma_start3A_141 = tpu.memref_slice %arg7[%add3A_137, %dma_start3A_140] : memref<524288x64xf32, #tpu.memory_space<hbm>> -> memref<128x64xf32, #tpu.memory_space<hbm>>
      tpu.enqueue_dma source(%arg16 : memref<128x64xf32, #tpu.memory_space<vmem>>) target(%dma_start3A_141 : memref<128x64xf32, #tpu.memory_space<hbm>>) target_semaphore(%arg24 : memref<!tpu.dma_semaphore, #tpu.memory_space<semaphore_mem>>)
      %mul3A_142 = arith.constant 4 : i32
      %mul3A_143 = arith.muli %scan3A_57, %mul3A_142 : i32
      %add3A_144 = arith.constant 3 : i32
      %add3A_145 = arith.addi %mul3A_143, %add3A_144 : i32
      %dma_wait3A_146 = tpu.memref_slice %arg9[%mul3A_93] : memref<16384xi32, #tpu.memory_space<vmem>> -> memref<128xi32, #tpu.memory_space<vmem>>
      %dma_wait3A_147 = arith.constant 0 : i32
      %dma_wait3A_148 = arith.constant 0 : i32
      %dma_wait3A_149 = tpu.memref_slice %arg5[%dma_wait3A_147, %dma_wait3A_148] : memref<65536x64xf32, #tpu.memory_space<hbm>> -> memref<65536x64xf32, #tpu.memory_space<hbm>>
      tpu.wait_indirect_dma semaphore(%arg21 : memref<!tpu.dma_semaphore, #tpu.memory_space<semaphore_mem>>) src(%dma_wait3A_149 : memref<65536x64xf32, #tpu.memory_space<hbm>>) dst(%arg17 : memref<128x64xf32, #tpu.memory_space<vmem>>)
      %mul3A_150 = arith.constant 128 : i32
      %mul3A_151 = arith.muli %add3A_145, %mul3A_150 : i32
      %add3A_152 = arith.addi %mul3A_49, %mul3A_151 : i32
      %dma_start3A_153 = arith.constant 0 : i32
      %dma_start3A_154 = tpu.memref_slice %arg7[%add3A_152, %dma_start3A_153] : memref<524288x64xf32, #tpu.memory_space<hbm>> -> memref<128x64xf32, #tpu.memory_space<hbm>>
      %dma_start3A_155 = arith.constant 0 : i32
      %dma_start3A_156 = tpu.memref_slice %arg7[%add3A_152, %dma_start3A_155] : memref<524288x64xf32, #tpu.memory_space<hbm>> -> memref<128x64xf32, #tpu.memory_space<hbm>>
      tpu.enqueue_dma source(%arg17 : memref<128x64xf32, #tpu.memory_space<vmem>>) target(%dma_start3A_156 : memref<128x64xf32, #tpu.memory_space<hbm>>) target_semaphore(%arg25 : memref<!tpu.dma_semaphore, #tpu.memory_space<semaphore_mem>>)
      %dma_wait3A_157 = arith.constant 0 : i32
      %dma_wait3A_158 = tpu.memref_slice %arg7[%add3A_107, %dma_wait3A_157] : memref<524288x64xf32, #tpu.memory_space<hbm>> -> memref<128x64xf32, #tpu.memory_space<hbm>>
      %dma_wait3A_159 = arith.constant 0 : i32
      %dma_wait3A_160 = tpu.memref_slice %arg7[%add3A_107, %dma_wait3A_159] : memref<524288x64xf32, #tpu.memory_space<hbm>> -> memref<128x64xf32, #tpu.memory_space<hbm>>
      tpu.wait_dma2 semaphore(%arg22 : memref<!tpu.dma_semaphore, #tpu.memory_space<semaphore_mem>>) src(%arg14 : memref<128x64xf32, #tpu.memory_space<vmem>>) dst(%dma_wait3A_160 : memref<128x64xf32, #tpu.memory_space<hbm>>)
      %dma_wait3A_161 = arith.constant 0 : i32
      %dma_wait3A_162 = tpu.memref_slice %arg7[%add3A_122, %dma_wait3A_161] : memref<524288x64xf32, #tpu.memory_space<hbm>> -> memref<128x64xf32, #tpu.memory_space<hbm>>
      %dma_wait3A_163 = arith.constant 0 : i32
      %dma_wait3A_164 = tpu.memref_slice %arg7[%add3A_122, %dma_wait3A_163] : memref<524288x64xf32, #tpu.memory_space<hbm>> -> memref<128x64xf32, #tpu.memory_space<hbm>>
      tpu.wait_dma2 semaphore(%arg23 : memref<!tpu.dma_semaphore, #tpu.memory_space<semaphore_mem>>) src(%arg15 : memref<128x64xf32, #tpu.memory_space<vmem>>) dst(%dma_wait3A_164 : memref<128x64xf32, #tpu.memory_space<hbm>>)
      %dma_wait3A_165 = arith.constant 0 : i32
      %dma_wait3A_166 = tpu.memref_slice %arg7[%add3A_137, %dma_wait3A_165] : memref<524288x64xf32, #tpu.memory_space<hbm>> -> memref<128x64xf32, #tpu.memory_space<hbm>>
      %dma_wait3A_167 = arith.constant 0 : i32
      %dma_wait3A_168 = tpu.memref_slice %arg7[%add3A_137, %dma_wait3A_167] : memref<524288x64xf32, #tpu.memory_space<hbm>> -> memref<128x64xf32, #tpu.memory_space<hbm>>
      tpu.wait_dma2 semaphore(%arg24 : memref<!tpu.dma_semaphore, #tpu.memory_space<semaphore_mem>>) src(%arg16 : memref<128x64xf32, #tpu.memory_space<vmem>>) dst(%dma_wait3A_168 : memref<128x64xf32, #tpu.memory_space<hbm>>)
      %dma_wait3A_169 = arith.constant 0 : i32
      %dma_wait3A_170 = tpu.memref_slice %arg7[%add3A_152, %dma_wait3A_169] : memref<524288x64xf32, #tpu.memory_space<hbm>> -> memref<128x64xf32, #tpu.memory_space<hbm>>
      %dma_wait3A_171 = arith.constant 0 : i32
      %dma_wait3A_172 = tpu.memref_slice %arg7[%add3A_152, %dma_wait3A_171] : memref<524288x64xf32, #tpu.memory_space<hbm>> -> memref<128x64xf32, #tpu.memory_space<hbm>>
      tpu.wait_dma2 semaphore(%arg25 : memref<!tpu.dma_semaphore, #tpu.memory_space<semaphore_mem>>) src(%arg17 : memref<128x64xf32, #tpu.memory_space<vmem>>) dst(%dma_wait3A_172 : memref<128x64xf32, #tpu.memory_space<hbm>>)
      %scan3A_173 = arith.constant 0 : i32
      scf.yield %scan3A_173 : i32
    }
    %scan3A_56 = arith.constant 32 : i32
    return
  }
}

#map = affine_map<(d0, d1) -> (0)>
#map1 = affine_map<(d0, d1) -> (0, 0)>
module attributes {stable_mosaic.version = 14 : i64} {
  func.func @_sc_body(%arg0: i32, %arg1: i32, %arg2: memref<196608xf32, #tpu.memory_space<hbm>>, %arg3: memref<49152xf32, #tpu.memory_space<hbm>>, %arg4: memref<65536x64xf32, #tpu.memory_space<hbm>>, %arg5: memref<1048576x64xf32, #tpu.memory_space<hbm>>, %arg6: memref<262144xi32, #tpu.memory_space<hbm>>, %arg7: memref<524288xi32, #tpu.memory_space<hbm>>, %arg8: memref<4096xf32, #tpu.memory_space<vmem>>, %arg9: memref<4096xf32, #tpu.memory_space<vmem>>, %arg10: memref<4096xf32, #tpu.memory_space<vmem>>, %arg11: memref<528xf32, #tpu.memory_space<vmem>>, %arg12: memref<528xf32, #tpu.memory_space<vmem>>, %arg13: memref<528xf32, #tpu.memory_space<vmem>>, %arg14: memref<32xi32, #tpu.memory_space<vmem>>, %arg15: memref<48xi32, #tpu.memory_space<vmem>>, %arg16: memref<80xi32, #tpu.memory_space<vmem>>, %arg17: memref<8192xi32, #tpu.memory_space<vmem>>, %arg18: memref<16384xi32, #tpu.memory_space<vmem>>, %arg19: memref<32768xi32, #tpu.memory_space<vmem>>, %arg20: memref<128x64xf32, #tpu.memory_space<vmem>>, %arg21: memref<128x64xf32, #tpu.memory_space<vmem>>, %arg22: memref<128x64xf32, #tpu.memory_space<vmem>>, %arg23: memref<128x64xf32, #tpu.memory_space<vmem>>, %arg24: memref<!tpu.dma_semaphore, #tpu.memory_space<semaphore_mem>>, %arg25: memref<!tpu.dma_semaphore, #tpu.memory_space<semaphore_mem>>, %arg26: memref<!tpu.dma_semaphore, #tpu.memory_space<semaphore_mem>>, %arg27: memref<!tpu.dma_semaphore, #tpu.memory_space<semaphore_mem>>, %arg28: memref<!tpu.dma_semaphore, #tpu.memory_space<semaphore_mem>>, %arg29: memref<!tpu.dma_semaphore, #tpu.memory_space<semaphore_mem>>, %arg30: memref<!tpu.dma_semaphore, #tpu.memory_space<semaphore_mem>>, %arg31: memref<!tpu.dma_semaphore, #tpu.memory_space<semaphore_mem>>) attributes {dimension_semantics = [#tpu.dimension_semantics<core_parallel>, #tpu.dimension_semantics<subcore_parallel>], iteration_bounds = array<i64: 2, 16>, scalar_prefetch = 0 : i64, scratch_operands = 24 : i64, tpu.core_type = #tpu.core_type<sc_vector_subcore>, window_params = [{transform_indices = #map}, {transform_indices = #map}, {transform_indices = #map1}, {transform_indices = #map1}, {transform_indices = #map}, {transform_indices = #map}]} {
    %mul3A = arith.constant 2 : i32
    %mul3A_0 = arith.muli %arg1, %mul3A : i32
    %add3A = arith.addi %mul3A_0, %arg0 : i32
    %jit3A = arith.constant 2 : i32
    %div3A = arith.divsi %add3A, %jit3A : i32
    %sign3A = arith.constant 0 : i32
    %sign3A_1 = arith.cmpi sgt, %add3A, %sign3A : i32
    %sign3A_2 = arith.extui %sign3A_1 : i1 to i32
    %sign3A_3 = arith.constant 0 : i32
    %sign3A_4 = arith.cmpi slt, %add3A, %sign3A_3 : i32
    %sign3A_5 = arith.extui %sign3A_4 : i1 to i32
    %sign3A_6 = arith.subi %sign3A_2, %sign3A_5 : i32
    %sign3A_7 = arith.constant 0 : i32
    %sign3A_8 = arith.cmpi sgt, %jit3A, %sign3A_7 : i32
    %sign3A_9 = arith.extui %sign3A_8 : i1 to i32
    %sign3A_10 = arith.constant 0 : i32
    %sign3A_11 = arith.cmpi slt, %jit3A, %sign3A_10 : i32
    %sign3A_12 = arith.extui %sign3A_11 : i1 to i32
    %sign3A_13 = arith.subi %sign3A_9, %sign3A_12 : i32
    %ne3A = arith.cmpi ne, %sign3A_6, %sign3A_13 : i32
    %rem3A = arith.remsi %add3A, %jit3A : i32
    %ne3A_14 = arith.constant 0 : i32
    %ne3A_15 = arith.cmpi ne, %rem3A, %ne3A_14 : i32
    %and3A = arith.andi %ne3A, %ne3A_15 : i1
    %sub3A = arith.constant 1 : i32
    %sub3A_16 = arith.subi %div3A, %sub3A : i32
    %select_n3A = arith.select %and3A, %sub3A_16, %div3A : i32
    %jit3A_17 = arith.constant 2 : i32
    %eq3A = arith.constant 0 : i32
    %eq3A_18 = arith.cmpi eq, %jit3A_17, %eq3A : i32
    %jit3A_19 = arith.constant 1 : i32
    %select_n3A_20 = arith.select %eq3A_18, %jit3A_19, %jit3A_17 : i32
    %rem3A_21 = arith.remsi %add3A, %select_n3A_20 : i32
    %ne3A_22 = arith.constant 0 : i32
    %ne3A_23 = arith.cmpi ne, %rem3A_21, %ne3A_22 : i32
    %lt3A = arith.constant 0 : i32
    %lt3A_24 = arith.cmpi slt, %rem3A_21, %lt3A : i32
    %lt3A_25 = arith.constant 0 : i32
    %lt3A_26 = arith.cmpi slt, %select_n3A_20, %lt3A_25 : i32
    %ne3A_27 = arith.xori %lt3A_24, %lt3A_26 : i1
    %and3A_28 = arith.andi %ne3A_27, %ne3A_23 : i1
    %add3A_29 = arith.addi %rem3A_21, %select_n3A_20 : i32
    %select_n3A_30 = arith.select %and3A_28, %add3A_29, %rem3A_21 : i32
    %mul3A_31 = arith.constant 512 : i32
    %mul3A_32 = arith.muli %select_n3A_30, %mul3A_31 : i32
    %mul3A_33 = arith.constant 3 : i32
    %mul3A_34 = arith.muli %select_n3A, %mul3A_33 : i32
    %add3A_35 = arith.constant 0 : i32
    %add3A_36 = arith.addi %mul3A_34, %add3A_35 : i32
    %mul3A_37 = arith.constant 4096 : i32
    %mul3A_38 = arith.muli %add3A_36, %mul3A_37 : i32
    "tpu.region"() ({
      %run_scoped3A = tpu.sem_alloc : memref<!tpu.dma_semaphore, #tpu.memory_space<semaphore_mem>>
      %dma_start3A = tpu.memref_slice %arg2[%mul3A_38] : memref<196608xf32, #tpu.memory_space<hbm>> -> memref<4096xf32, #tpu.memory_space<hbm>>
      %dma_start3A_97 = tpu.memref_slice %arg2[%mul3A_38] : memref<196608xf32, #tpu.memory_space<hbm>> -> memref<4096xf32, #tpu.memory_space<hbm>>
      tpu.enqueue_dma source(%dma_start3A_97 : memref<4096xf32, #tpu.memory_space<hbm>>) target(%arg8 : memref<4096xf32, #tpu.memory_space<vmem>>) target_semaphore(%run_scoped3A : memref<!tpu.dma_semaphore, #tpu.memory_space<semaphore_mem>>)
      %dma_wait3A = tpu.memref_slice %arg2[%mul3A_38] : memref<196608xf32, #tpu.memory_space<hbm>> -> memref<4096xf32, #tpu.memory_space<hbm>>
      %dma_wait3A_98 = tpu.memref_slice %arg2[%mul3A_38] : memref<196608xf32, #tpu.memory_space<hbm>> -> memref<4096xf32, #tpu.memory_space<hbm>>
      tpu.wait_dma2 semaphore(%run_scoped3A : memref<!tpu.dma_semaphore, #tpu.memory_space<semaphore_mem>>) src(%dma_wait3A_98 : memref<4096xf32, #tpu.memory_space<hbm>>) dst(%arg8 : memref<4096xf32, #tpu.memory_space<vmem>>)
      tpu.yield
    }) : () -> ()
    %mul3A_39 = arith.constant 3 : i32
    %mul3A_40 = arith.muli %select_n3A, %mul3A_39 : i32
    %add3A_41 = arith.constant 1 : i32
    %add3A_42 = arith.addi %mul3A_40, %add3A_41 : i32
    %mul3A_43 = arith.constant 4096 : i32
    %mul3A_44 = arith.muli %add3A_42, %mul3A_43 : i32
    "tpu.region"() ({
      %run_scoped3A = tpu.sem_alloc : memref<!tpu.dma_semaphore, #tpu.memory_space<semaphore_mem>>
      %dma_start3A = tpu.memref_slice %arg2[%mul3A_44] : memref<196608xf32, #tpu.memory_space<hbm>> -> memref<4096xf32, #tpu.memory_space<hbm>>
      %dma_start3A_97 = tpu.memref_slice %arg2[%mul3A_44] : memref<196608xf32, #tpu.memory_space<hbm>> -> memref<4096xf32, #tpu.memory_space<hbm>>
      tpu.enqueue_dma source(%dma_start3A_97 : memref<4096xf32, #tpu.memory_space<hbm>>) target(%arg9 : memref<4096xf32, #tpu.memory_space<vmem>>) target_semaphore(%run_scoped3A : memref<!tpu.dma_semaphore, #tpu.memory_space<semaphore_mem>>)
      %dma_wait3A = tpu.memref_slice %arg2[%mul3A_44] : memref<196608xf32, #tpu.memory_space<hbm>> -> memref<4096xf32, #tpu.memory_space<hbm>>
      %dma_wait3A_98 = tpu.memref_slice %arg2[%mul3A_44] : memref<196608xf32, #tpu.memory_space<hbm>> -> memref<4096xf32, #tpu.memory_space<hbm>>
      tpu.wait_dma2 semaphore(%run_scoped3A : memref<!tpu.dma_semaphore, #tpu.memory_space<semaphore_mem>>) src(%dma_wait3A_98 : memref<4096xf32, #tpu.memory_space<hbm>>) dst(%arg9 : memref<4096xf32, #tpu.memory_space<vmem>>)
      tpu.yield
    }) : () -> ()
    %mul3A_45 = arith.constant 3 : i32
    %mul3A_46 = arith.muli %select_n3A, %mul3A_45 : i32
    %add3A_47 = arith.constant 2 : i32
    %add3A_48 = arith.addi %mul3A_46, %add3A_47 : i32
    %mul3A_49 = arith.constant 4096 : i32
    %mul3A_50 = arith.muli %add3A_48, %mul3A_49 : i32
    "tpu.region"() ({
      %run_scoped3A = tpu.sem_alloc : memref<!tpu.dma_semaphore, #tpu.memory_space<semaphore_mem>>
      %dma_start3A = tpu.memref_slice %arg2[%mul3A_50] : memref<196608xf32, #tpu.memory_space<hbm>> -> memref<4096xf32, #tpu.memory_space<hbm>>
      %dma_start3A_97 = tpu.memref_slice %arg2[%mul3A_50] : memref<196608xf32, #tpu.memory_space<hbm>> -> memref<4096xf32, #tpu.memory_space<hbm>>
      tpu.enqueue_dma source(%dma_start3A_97 : memref<4096xf32, #tpu.memory_space<hbm>>) target(%arg10 : memref<4096xf32, #tpu.memory_space<vmem>>) target_semaphore(%run_scoped3A : memref<!tpu.dma_semaphore, #tpu.memory_space<semaphore_mem>>)
      %dma_wait3A = tpu.memref_slice %arg2[%mul3A_50] : memref<196608xf32, #tpu.memory_space<hbm>> -> memref<4096xf32, #tpu.memory_space<hbm>>
      %dma_wait3A_98 = tpu.memref_slice %arg2[%mul3A_50] : memref<196608xf32, #tpu.memory_space<hbm>> -> memref<4096xf32, #tpu.memory_space<hbm>>
      tpu.wait_dma2 semaphore(%run_scoped3A : memref<!tpu.dma_semaphore, #tpu.memory_space<semaphore_mem>>) src(%dma_wait3A_98 : memref<4096xf32, #tpu.memory_space<hbm>>) dst(%arg10 : memref<4096xf32, #tpu.memory_space<vmem>>)
      tpu.yield
    }) : () -> ()
    %mul3A_51 = arith.constant 3 : i32
    %mul3A_52 = arith.muli %select_n3A, %mul3A_51 : i32
    %add3A_53 = arith.constant 0 : i32
    %add3A_54 = arith.addi %mul3A_52, %add3A_53 : i32
    %mul3A_55 = arith.constant 1024 : i32
    %mul3A_56 = arith.muli %add3A_54, %mul3A_55 : i32
    %add3A_57 = arith.addi %mul3A_56, %mul3A_32 : i32
    "tpu.region"() ({
      %run_scoped3A = tpu.sem_alloc : memref<!tpu.dma_semaphore, #tpu.memory_space<semaphore_mem>>
      %dma_start3A = arith.constant 0 : i32
      %dma_start3A_97 = tpu.memref_slice %arg11[%dma_start3A] : memref<528xf32, #tpu.memory_space<vmem>> -> memref<512xf32, #tpu.memory_space<vmem>>
      %dma_start3A_98 = tpu.memref_slice %arg3[%add3A_57] : memref<49152xf32, #tpu.memory_space<hbm>> -> memref<512xf32, #tpu.memory_space<hbm>>
      %dma_start3A_99 = arith.constant 0 : i32
      %dma_start3A_100 = tpu.memref_slice %arg11[%dma_start3A_99] : memref<528xf32, #tpu.memory_space<vmem>> -> memref<512xf32, #tpu.memory_space<vmem>>
      %dma_start3A_101 = tpu.memref_slice %arg3[%add3A_57] : memref<49152xf32, #tpu.memory_space<hbm>> -> memref<512xf32, #tpu.memory_space<hbm>>
      tpu.enqueue_dma source(%dma_start3A_101 : memref<512xf32, #tpu.memory_space<hbm>>) target(%dma_start3A_100 : memref<512xf32, #tpu.memory_space<vmem>>) target_semaphore(%run_scoped3A : memref<!tpu.dma_semaphore, #tpu.memory_space<semaphore_mem>>)
      %dma_wait3A = arith.constant 0 : i32
      %dma_wait3A_102 = tpu.memref_slice %arg11[%dma_wait3A] : memref<528xf32, #tpu.memory_space<vmem>> -> memref<512xf32, #tpu.memory_space<vmem>>
      %dma_wait3A_103 = tpu.memref_slice %arg3[%add3A_57] : memref<49152xf32, #tpu.memory_space<hbm>> -> memref<512xf32, #tpu.memory_space<hbm>>
      %dma_wait3A_104 = arith.constant 0 : i32
      %dma_wait3A_105 = tpu.memref_slice %arg11[%dma_wait3A_104] : memref<528xf32, #tpu.memory_space<vmem>> -> memref<512xf32, #tpu.memory_space<vmem>>
      %dma_wait3A_106 = tpu.memref_slice %arg3[%add3A_57] : memref<49152xf32, #tpu.memory_space<hbm>> -> memref<512xf32, #tpu.memory_space<hbm>>
      tpu.wait_dma2 semaphore(%run_scoped3A : memref<!tpu.dma_semaphore, #tpu.memory_space<semaphore_mem>>) src(%dma_wait3A_106 : memref<512xf32, #tpu.memory_space<hbm>>) dst(%dma_wait3A_105 : memref<512xf32, #tpu.memory_space<vmem>>)
      tpu.yield
    }) : () -> ()
    %mul3A_58 = arith.constant 3 : i32
    %mul3A_59 = arith.muli %select_n3A, %mul3A_58 : i32
    %add3A_60 = arith.constant 1 : i32
    %add3A_61 = arith.addi %mul3A_59, %add3A_60 : i32
    %mul3A_62 = arith.constant 1024 : i32
    %mul3A_63 = arith.muli %add3A_61, %mul3A_62 : i32
    %add3A_64 = arith.addi %mul3A_63, %mul3A_32 : i32
    "tpu.region"() ({
      %run_scoped3A = tpu.sem_alloc : memref<!tpu.dma_semaphore, #tpu.memory_space<semaphore_mem>>
      %dma_start3A = arith.constant 0 : i32
      %dma_start3A_97 = tpu.memref_slice %arg12[%dma_start3A] : memref<528xf32, #tpu.memory_space<vmem>> -> memref<512xf32, #tpu.memory_space<vmem>>
      %dma_start3A_98 = tpu.memref_slice %arg3[%add3A_64] : memref<49152xf32, #tpu.memory_space<hbm>> -> memref<512xf32, #tpu.memory_space<hbm>>
      %dma_start3A_99 = arith.constant 0 : i32
      %dma_start3A_100 = tpu.memref_slice %arg12[%dma_start3A_99] : memref<528xf32, #tpu.memory_space<vmem>> -> memref<512xf32, #tpu.memory_space<vmem>>
      %dma_start3A_101 = tpu.memref_slice %arg3[%add3A_64] : memref<49152xf32, #tpu.memory_space<hbm>> -> memref<512xf32, #tpu.memory_space<hbm>>
      tpu.enqueue_dma source(%dma_start3A_101 : memref<512xf32, #tpu.memory_space<hbm>>) target(%dma_start3A_100 : memref<512xf32, #tpu.memory_space<vmem>>) target_semaphore(%run_scoped3A : memref<!tpu.dma_semaphore, #tpu.memory_space<semaphore_mem>>)
      %dma_wait3A = arith.constant 0 : i32
      %dma_wait3A_102 = tpu.memref_slice %arg12[%dma_wait3A] : memref<528xf32, #tpu.memory_space<vmem>> -> memref<512xf32, #tpu.memory_space<vmem>>
      %dma_wait3A_103 = tpu.memref_slice %arg3[%add3A_64] : memref<49152xf32, #tpu.memory_space<hbm>> -> memref<512xf32, #tpu.memory_space<hbm>>
      %dma_wait3A_104 = arith.constant 0 : i32
      %dma_wait3A_105 = tpu.memref_slice %arg12[%dma_wait3A_104] : memref<528xf32, #tpu.memory_space<vmem>> -> memref<512xf32, #tpu.memory_space<vmem>>
      %dma_wait3A_106 = tpu.memref_slice %arg3[%add3A_64] : memref<49152xf32, #tpu.memory_space<hbm>> -> memref<512xf32, #tpu.memory_space<hbm>>
      tpu.wait_dma2 semaphore(%run_scoped3A : memref<!tpu.dma_semaphore, #tpu.memory_space<semaphore_mem>>) src(%dma_wait3A_106 : memref<512xf32, #tpu.memory_space<hbm>>) dst(%dma_wait3A_105 : memref<512xf32, #tpu.memory_space<vmem>>)
      tpu.yield
    }) : () -> ()
    %mul3A_65 = arith.constant 3 : i32
    %mul3A_66 = arith.muli %select_n3A, %mul3A_65 : i32
    %add3A_67 = arith.constant 2 : i32
    %add3A_68 = arith.addi %mul3A_66, %add3A_67 : i32
    %mul3A_69 = arith.constant 1024 : i32
    %mul3A_70 = arith.muli %add3A_68, %mul3A_69 : i32
    %add3A_71 = arith.addi %mul3A_70, %mul3A_32 : i32
    "tpu.region"() ({
      %run_scoped3A = tpu.sem_alloc : memref<!tpu.dma_semaphore, #tpu.memory_space<semaphore_mem>>
      %dma_start3A = arith.constant 0 : i32
      %dma_start3A_97 = tpu.memref_slice %arg13[%dma_start3A] : memref<528xf32, #tpu.memory_space<vmem>> -> memref<512xf32, #tpu.memory_space<vmem>>
      %dma_start3A_98 = tpu.memref_slice %arg3[%add3A_71] : memref<49152xf32, #tpu.memory_space<hbm>> -> memref<512xf32, #tpu.memory_space<hbm>>
      %dma_start3A_99 = arith.constant 0 : i32
      %dma_start3A_100 = tpu.memref_slice %arg13[%dma_start3A_99] : memref<528xf32, #tpu.memory_space<vmem>> -> memref<512xf32, #tpu.memory_space<vmem>>
      %dma_start3A_101 = tpu.memref_slice %arg3[%add3A_71] : memref<49152xf32, #tpu.memory_space<hbm>> -> memref<512xf32, #tpu.memory_space<hbm>>
      tpu.enqueue_dma source(%dma_start3A_101 : memref<512xf32, #tpu.memory_space<hbm>>) target(%dma_start3A_100 : memref<512xf32, #tpu.memory_space<vmem>>) target_semaphore(%run_scoped3A : memref<!tpu.dma_semaphore, #tpu.memory_space<semaphore_mem>>)
      %dma_wait3A = arith.constant 0 : i32
      %dma_wait3A_102 = tpu.memref_slice %arg13[%dma_wait3A] : memref<528xf32, #tpu.memory_space<vmem>> -> memref<512xf32, #tpu.memory_space<vmem>>
      %dma_wait3A_103 = tpu.memref_slice %arg3[%add3A_71] : memref<49152xf32, #tpu.memory_space<hbm>> -> memref<512xf32, #tpu.memory_space<hbm>>
      %dma_wait3A_104 = arith.constant 0 : i32
      %dma_wait3A_105 = tpu.memref_slice %arg13[%dma_wait3A_104] : memref<528xf32, #tpu.memory_space<vmem>> -> memref<512xf32, #tpu.memory_space<vmem>>
      %dma_wait3A_106 = tpu.memref_slice %arg3[%add3A_71] : memref<49152xf32, #tpu.memory_space<hbm>> -> memref<512xf32, #tpu.memory_space<hbm>>
      tpu.wait_dma2 semaphore(%run_scoped3A : memref<!tpu.dma_semaphore, #tpu.memory_space<semaphore_mem>>) src(%dma_wait3A_106 : memref<512xf32, #tpu.memory_space<hbm>>) dst(%dma_wait3A_105 : memref<512xf32, #tpu.memory_space<vmem>>)
      tpu.yield
    }) : () -> ()
    %iota3A = tpu.iota {dimensions = array<i32: 0>} : vector<16xi32>
    %mul3A_72 = arith.constant 4096 : i32
    %mul3A_73 = arith.muli %select_n3A, %mul3A_72 : i32
    %broadcast_in_dim3A = arith.constant 0 : i32
    %broadcast_in_dim3A_74 = vector.broadcast %broadcast_in_dim3A : i32 to vector<16xi32>
    %scan3A = arith.constant 0 : i32
    %scan3A_75 = arith.constant 0 : i32
    %scan3A_76 = arith.constant 512 : i32
    %scan3A_77 = arith.addi %scan3A_75, %scan3A_76 : i32
    %scan3A_78 = arith.constant 1 : i32
    %scan3A_79 = scf.for %scan3A_97 = %scan3A_75 to %scan3A_77 step %scan3A_78 iter_args(%scan3A_98 = %scan3A) -> (i32)  : i32 {
      %get3A = arith.index_cast %scan3A_97 : i32 to index
      %get3A_99 = tpu.vector_load %arg11[%get3A] {strides = array<i32>} : memref<528xf32, #tpu.memory_space<vmem>>, vector<16xf32>,
      %slice3A = vector.extract_strided_slice %get3A_99 {offsets = [0], sizes = [1], strides = [1]} : vector<16xf32> to vector<1xf32>
      %squeeze3A = vector.extract %slice3A[0] : f32 from vector<1xf32>
      %get3A_100 = arith.index_cast %scan3A_97 : i32 to index
      %get3A_101 = tpu.vector_load %arg12[%get3A_100] {strides = array<i32>} : memref<528xf32, #tpu.memory_space<vmem>>, vector<16xf32>,
      %slice3A_102 = vector.extract_strided_slice %get3A_101 {offsets = [0], sizes = [1], strides = [1]} : vector<16xf32> to vector<1xf32>
      %squeeze3A_103 = vector.extract %slice3A_102[0] : f32 from vector<1xf32>
      %get3A_104 = arith.index_cast %scan3A_97 : i32 to index
      %get3A_105 = tpu.vector_load %arg13[%get3A_104] {strides = array<i32>} : memref<528xf32, #tpu.memory_space<vmem>>, vector<16xf32>,
      %slice3A_106 = vector.extract_strided_slice %get3A_105 {offsets = [0], sizes = [1], strides = [1]} : vector<16xf32> to vector<1xf32>
      %squeeze3A_107 = vector.extract %slice3A_106[0] : f32 from vector<1xf32>
      %swap3A = arith.constant 0 : index
      %swap3A_108 = tpu.vector_load %arg14[%swap3A] {strides = array<i32>} : memref<32xi32, #tpu.memory_space<vmem>>, vector<16xi32>,
      tpu.vector_store %arg14[%swap3A], %broadcast_in_dim3A_74 {strides = array<i32>} : memref<32xi32, #tpu.memory_space<vmem>>, vector<16xi32>,
      %swap3A_109 = arith.constant 0 : index
      %swap3A_110 = tpu.vector_load %arg15[%swap3A_109] {strides = array<i32>} : memref<48xi32, #tpu.memory_space<vmem>>, vector<16xi32>,
      tpu.vector_store %arg15[%swap3A_109], %broadcast_in_dim3A_74 {strides = array<i32>} : memref<48xi32, #tpu.memory_space<vmem>>, vector<16xi32>,
      %swap3A_111 = arith.constant 0 : index
      %swap3A_112 = tpu.vector_load %arg16[%swap3A_111] {strides = array<i32>} : memref<80xi32, #tpu.memory_space<vmem>>, vector<16xi32>,
      tpu.vector_store %arg16[%swap3A_111], %broadcast_in_dim3A_74 {strides = array<i32>} : memref<80xi32, #tpu.memory_space<vmem>>, vector<16xi32>,
      %scan3A_113 = arith.constant 0 : i32
      %scan3A_114 = arith.constant 0 : i32
      %scan3A_115 = arith.constant 0 : i32
      %scan3A_116 = arith.constant 0 : i32
      %scan3A_117 = arith.constant 16 : i32
      %scan3A_118 = arith.addi %scan3A_116, %scan3A_117 : i32
      %scan3A_119 = arith.constant 1 : i32
      %scan3A_120:3 = scf.for %scan3A_242 = %scan3A_116 to %scan3A_118 step %scan3A_119 iter_args(%scan3A_243 = %scan3A_113, %scan3A_244 = %scan3A_114, %scan3A_245 = %scan3A_115) -> (i32, i32, i32)  : i32 {
        %lt3A_246 = arith.constant 16 : i32
        %lt3A_247 = arith.cmpi slt, %scan3A_243, %lt3A_246 : i32
        %lt3A_248 = arith.constant 32 : i32
        %lt3A_249 = arith.cmpi slt, %scan3A_244, %lt3A_248 : i32
        %lt3A_250 = arith.constant 64 : i32
        %lt3A_251 = arith.cmpi slt, %scan3A_245, %lt3A_250 : i32
        %or3A = arith.ori %lt3A_249, %lt3A_251 : i1
        %or3A_252 = arith.ori %lt3A_247, %or3A : i1
        %convert_element_type3A = arith.extui %or3A_252 : i1 to i32
        %cond3A = arith.constant 0 : i32
        %cond3A_253 = arith.cmpi ne, %convert_element_type3A, %cond3A : i32
        %cond3A_254:3 = scf.if %cond3A_253 -> (i32, i32, i32) {
          %mul3A_255 = arith.constant 256 : i32
          %mul3A_256 = arith.muli %scan3A_242, %mul3A_255 : i32
          %add3A_257 = arith.constant 0 : i32
          %add3A_258 = arith.addi %mul3A_256, %add3A_257 : i32
          %get3A_259 = arith.index_cast %add3A_258 : i32 to index
          %get3A_260 = tpu.vector_load %arg8[%get3A_259] {strides = array<i32>} : memref<4096xf32, #tpu.memory_space<vmem>>, vector<16xf32>,
          %get3A_261 = arith.index_cast %add3A_258 : i32 to index
          %get3A_262 = tpu.vector_load %arg9[%get3A_261] {strides = array<i32>} : memref<4096xf32, #tpu.memory_space<vmem>>, vector<16xf32>,
          %get3A_263 = arith.index_cast %add3A_258 : i32 to index
          %get3A_264 = tpu.vector_load %arg10[%get3A_263] {strides = array<i32>} : memref<4096xf32, #tpu.memory_space<vmem>>, vector<16xf32>,
          %sub3A_265 = vector.broadcast %squeeze3A : f32 to vector<16xf32>
          %sub3A_266 = arith.subf %get3A_260, %sub3A_265 : vector<16xf32>
          %sub3A_267 = vector.broadcast %squeeze3A_103 : f32 to vector<16xf32>
          %sub3A_268 = arith.subf %get3A_262, %sub3A_267 : vector<16xf32>
          %sub3A_269 = vector.broadcast %squeeze3A_107 : f32 to vector<16xf32>
          %sub3A_270 = arith.subf %get3A_264, %sub3A_269 : vector<16xf32>
          %mul3A_271 = arith.mulf %sub3A_266, %sub3A_266 : vector<16xf32>
          %mul3A_272 = arith.mulf %sub3A_268, %sub3A_268 : vector<16xf32>
          %add3A_273 = arith.addf %mul3A_271, %mul3A_272 : vector<16xf32>
          %mul3A_274 = arith.mulf %sub3A_270, %sub3A_270 : vector<16xf32>
          %add3A_275 = arith.addf %add3A_273, %mul3A_274 : vector<16xf32>
          %add3A_276 = arith.addi %add3A_258, %mul3A_73 : i32
          %add3A_277 = vector.broadcast %add3A_276 : i32 to vector<16xi32>
          %add3A_278 = arith.addi %iota3A, %add3A_277 : vector<16xi32>
          %lt3A_279 = arith.constant 4.000000e-02 : f32
          %lt3A_280 = vector.broadcast %lt3A_279 : f32 to vector<16xf32>
          %lt3A_281 = arith.cmpf olt, %add3A_275, %lt3A_280 : vector<16xf32>
          %lt3A_282 = arith.constant 1.600000e-01 : f32
          %lt3A_283 = vector.broadcast %lt3A_282 : f32 to vector<16xf32>
          %lt3A_284 = arith.cmpf olt, %add3A_275, %lt3A_283 : vector<16xf32>
          %lt3A_285 = arith.constant 6.400000e-01 : f32
          %lt3A_286 = vector.broadcast %lt3A_285 : f32 to vector<16xf32>
          %lt3A_287 = arith.cmpf olt, %add3A_275, %lt3A_286 : vector<16xf32>
          %lt3A_288 = arith.constant 16 : i32
          %lt3A_289 = arith.cmpi slt, %scan3A_243, %lt3A_288 : i32
          %and3A_290 = vector.broadcast %lt3A_289 : i1 to vector<16xi1>
          %and3A_291 = arith.andi %lt3A_281, %and3A_290 : vector<16xi1>
          %swap3A_292 = arith.index_cast %scan3A_243 : i32 to index
          %swap3A_293 = tpu.vector_load %arg14[%swap3A_292] masked %and3A_291 {strides = array<i32>} : memref<32xi32, #tpu.memory_space<vmem>>, vector<16xi32>, vector<16xi1>
          tpu.vector_store %arg14[%swap3A_292], %add3A_278 masked %and3A_291 {strides = array<i32>} : memref<32xi32, #tpu.memory_space<vmem>>, vector<16xi32>, vector<16xi1>
          %lt3A_294 = arith.constant 32 : i32
          %lt3A_295 = arith.cmpi slt, %scan3A_244, %lt3A_294 : i32
          %and3A_296 = vector.broadcast %lt3A_295 : i1 to vector<16xi1>
          %and3A_297 = arith.andi %lt3A_284, %and3A_296 : vector<16xi1>
          %swap3A_298 = arith.index_cast %scan3A_244 : i32 to index
          %swap3A_299 = tpu.vector_load %arg15[%swap3A_298] masked %and3A_297 {strides = array<i32>} : memref<48xi32, #tpu.memory_space<vmem>>, vector<16xi32>, vector<16xi1>
          tpu.vector_store %arg15[%swap3A_298], %add3A_278 masked %and3A_297 {strides = array<i32>} : memref<48xi32, #tpu.memory_space<vmem>>, vector<16xi32>, vector<16xi1>
          %lt3A_300 = arith.constant 64 : i32
          %lt3A_301 = arith.cmpi slt, %scan3A_245, %lt3A_300 : i32
          %and3A_302 = vector.broadcast %lt3A_301 : i1 to vector<16xi1>
          %and3A_303 = arith.andi %lt3A_287, %and3A_302 : vector<16xi1>
          %swap3A_304 = arith.index_cast %scan3A_245 : i32 to index
          %swap3A_305 = tpu.vector_load %arg16[%swap3A_304] masked %and3A_303 {strides = array<i32>} : memref<80xi32, #tpu.memory_space<vmem>>, vector<16xi32>, vector<16xi1>
          tpu.vector_store %arg16[%swap3A_304], %add3A_278 masked %and3A_303 {strides = array<i32>} : memref<80xi32, #tpu.memory_space<vmem>>, vector<16xi32>, vector<16xi1>
          %all_reduce_population_count3A = tpu.all_reduce %lt3A_281 {dim = 0 : i64, kind = #tpu.reduction_kind<sum>} : vector<16xi1> -> vector<16xi32>
          %slice3A_306 = vector.extract_strided_slice %all_reduce_population_count3A {offsets = [0], sizes = [1], strides = [1]} : vector<16xi32> to vector<1xi32>
          %squeeze3A_307 = vector.extract %slice3A_306[0] : i32 from vector<1xi32>
          %add3A_308 = arith.addi %scan3A_243, %squeeze3A_307 : i32
          %min3A = arith.constant 16 : i32
          %min3A_309 = arith.minsi %add3A_308, %min3A : i32
          %all_reduce_population_count3A_310 = tpu.all_reduce %lt3A_284 {dim = 0 : i64, kind = #tpu.reduction_kind<sum>} : vector<16xi1> -> vector<16xi32>
          %slice3A_311 = vector.extract_strided_slice %all_reduce_population_count3A_310 {offsets = [0], sizes = [1], strides = [1]} : vector<16xi32> to vector<1xi32>
          %squeeze3A_312 = vector.extract %slice3A_311[0] : i32 from vector<1xi32>
          %add3A_313 = arith.addi %scan3A_244, %squeeze3A_312 : i32
          %min3A_314 = arith.constant 32 : i32
          %min3A_315 = arith.minsi %add3A_313, %min3A_314 : i32
          %all_reduce_population_count3A_316 = tpu.all_reduce %lt3A_287 {dim = 0 : i64, kind = #tpu.reduction_kind<sum>} : vector<16xi1> -> vector<16xi32>
          %slice3A_317 = vector.extract_strided_slice %all_reduce_population_count3A_316 {offsets = [0], sizes = [1], strides = [1]} : vector<16xi32> to vector<1xi32>
          %squeeze3A_318 = vector.extract %slice3A_317[0] : i32 from vector<1xi32>
          %add3A_319 = arith.addi %scan3A_245, %squeeze3A_318 : i32
          %min3A_320 = arith.constant 64 : i32
          %min3A_321 = arith.minsi %add3A_319, %min3A_320 : i32
          %mul3A_322 = arith.constant 256 : i32
          %mul3A_323 = arith.muli %scan3A_242, %mul3A_322 : i32
          %add3A_324 = arith.constant 16 : i32
          %add3A_325 = arith.addi %mul3A_323, %add3A_324 : i32
          %get3A_326 = arith.index_cast %add3A_325 : i32 to index
          %get3A_327 = tpu.vector_load %arg8[%get3A_326] {strides = array<i32>} : memref<4096xf32, #tpu.memory_space<vmem>>, vector<16xf32>,
          %get3A_328 = arith.index_cast %add3A_325 : i32 to index
          %get3A_329 = tpu.vector_load %arg9[%get3A_328] {strides = array<i32>} : memref<4096xf32, #tpu.memory_space<vmem>>, vector<16xf32>,
          %get3A_330 = arith.index_cast %add3A_325 : i32 to index
          %get3A_331 = tpu.vector_load %arg10[%get3A_330] {strides = array<i32>} : memref<4096xf32, #tpu.memory_space<vmem>>, vector<16xf32>,
          %sub3A_332 = vector.broadcast %squeeze3A : f32 to vector<16xf32>
          %sub3A_333 = arith.subf %get3A_327, %sub3A_332 : vector<16xf32>
          %sub3A_334 = vector.broadcast %squeeze3A_103 : f32 to vector<16xf32>
          %sub3A_335 = arith.subf %get3A_329, %sub3A_334 : vector<16xf32>
          %sub3A_336 = vector.broadcast %squeeze3A_107 : f32 to vector<16xf32>
          %sub3A_337 = arith.subf %get3A_331, %sub3A_336 : vector<16xf32>
          %mul3A_338 = arith.mulf %sub3A_333, %sub3A_333 : vector<16xf32>
          %mul3A_339 = arith.mulf %sub3A_335, %sub3A_335 : vector<16xf32>
          %add3A_340 = arith.addf %mul3A_338, %mul3A_339 : vector<16xf32>
          %mul3A_341 = arith.mulf %sub3A_337, %sub3A_337 : vector<16xf32>
          %add3A_342 = arith.addf %add3A_340, %mul3A_341 : vector<16xf32>
          %add3A_343 = arith.addi %add3A_325, %mul3A_73 : i32
          %add3A_344 = vector.broadcast %add3A_343 : i32 to vector<16xi32>
          %add3A_345 = arith.addi %iota3A, %add3A_344 : vector<16xi32>
          %lt3A_346 = arith.constant 4.000000e-02 : f32
          %lt3A_347 = vector.broadcast %lt3A_346 : f32 to vector<16xf32>
          %lt3A_348 = arith.cmpf olt, %add3A_342, %lt3A_347 : vector<16xf32>
          %lt3A_349 = arith.constant 1.600000e-01 : f32
          %lt3A_350 = vector.broadcast %lt3A_349 : f32 to vector<16xf32>
          %lt3A_351 = arith.cmpf olt, %add3A_342, %lt3A_350 : vector<16xf32>
          %lt3A_352 = arith.constant 6.400000e-01 : f32
          %lt3A_353 = vector.broadcast %lt3A_352 : f32 to vector<16xf32>
          %lt3A_354 = arith.cmpf olt, %add3A_342, %lt3A_353 : vector<16xf32>
          %lt3A_355 = arith.constant 16 : i32
          %lt3A_356 = arith.cmpi slt, %min3A_309, %lt3A_355 : i32
          %and3A_357 = vector.broadcast %lt3A_356 : i1 to vector<16xi1>
          %and3A_358 = arith.andi %lt3A_348, %and3A_357 : vector<16xi1>
          %swap3A_359 = arith.index_cast %min3A_309 : i32 to index
          %swap3A_360 = tpu.vector_load %arg14[%swap3A_359] masked %and3A_358 {strides = array<i32>} : memref<32xi32, #tpu.memory_space<vmem>>, vector<16xi32>, vector<16xi1>
          tpu.vector_store %arg14[%swap3A_359], %add3A_345 masked %and3A_358 {strides = array<i32>} : memref<32xi32, #tpu.memory_space<vmem>>, vector<16xi32>, vector<16xi1>
          %lt3A_361 = arith.constant 32 : i32
          %lt3A_362 = arith.cmpi slt, %min3A_315, %lt3A_361 : i32
          %and3A_363 = vector.broadcast %lt3A_362 : i1 to vector<16xi1>
          %and3A_364 = arith.andi %lt3A_351, %and3A_363 : vector<16xi1>
          %swap3A_365 = arith.index_cast %min3A_315 : i32 to index
          %swap3A_366 = tpu.vector_load %arg15[%swap3A_365] masked %and3A_364 {strides = array<i32>} : memref<48xi32, #tpu.memory_space<vmem>>, vector<16xi32>, vector<16xi1>
          tpu.vector_store %arg15[%swap3A_365], %add3A_345 masked %and3A_364 {strides = array<i32>} : memref<48xi32, #tpu.memory_space<vmem>>, vector<16xi32>, vector<16xi1>
          %lt3A_367 = arith.constant 64 : i32
          %lt3A_368 = arith.cmpi slt, %min3A_321, %lt3A_367 : i32
          %and3A_369 = vector.broadcast %lt3A_368 : i1 to vector<16xi1>
          %and3A_370 = arith.andi %lt3A_354, %and3A_369 : vector<16xi1>
          %swap3A_371 = arith.index_cast %min3A_321 : i32 to index
          %swap3A_372 = tpu.vector_load %arg16[%swap3A_371] masked %and3A_370 {strides = array<i32>} : memref<80xi32, #tpu.memory_space<vmem>>, vector<16xi32>, vector<16xi1>
          tpu.vector_store %arg16[%swap3A_371], %add3A_345 masked %and3A_370 {strides = array<i32>} : memref<80xi32, #tpu.memory_space<vmem>>, vector<16xi32>, vector<16xi1>
          %all_reduce_population_count3A_373 = tpu.all_reduce %lt3A_348 {dim = 0 : i64, kind = #tpu.reduction_kind<sum>} : vector<16xi1> -> vector<16xi32>
          %slice3A_374 = vector.extract_strided_slice %all_reduce_population_count3A_373 {offsets = [0], sizes = [1], strides = [1]} : vector<16xi32> to vector<1xi32>
          %squeeze3A_375 = vector.extract %slice3A_374[0] : i32 from vector<1xi32>
          %add3A_376 = arith.addi %min3A_309, %squeeze3A_375 : i32
          %min3A_377 = arith.constant 16 : i32
          %min3A_378 = arith.minsi %add3A_376, %min3A_377 : i32
          %all_reduce_population_count3A_379 = tpu.all_reduce %lt3A_351 {dim = 0 : i64, kind = #tpu.reduction_kind<sum>} : vector<16xi1> -> vector<16xi32>
          %slice3A_380 = vector.extract_strided_slice %all_reduce_population_count3A_379 {offsets = [0], sizes = [1], strides = [1]} : vector<16xi32> to vector<1xi32>
          %squeeze3A_381 = vector.extract %slice3A_380[0] : i32 from vector<1xi32>
          %add3A_382 = arith.addi %min3A_315, %squeeze3A_381 : i32
          %min3A_383 = arith.constant 32 : i32
          %min3A_384 = arith.minsi %add3A_382, %min3A_383 : i32
          %all_reduce_population_count3A_385 = tpu.all_reduce %lt3A_354 {dim = 0 : i64, kind = #tpu.reduction_kind<sum>} : vector<16xi1> -> vector<16xi32>
          %slice3A_386 = vector.extract_strided_slice %all_reduce_population_count3A_385 {offsets = [0], sizes = [1], strides = [1]} : vector<16xi32> to vector<1xi32>
          %squeeze3A_387 = vector.extract %slice3A_386[0] : i32 from vector<1xi32>
          %add3A_388 = arith.addi %min3A_321, %squeeze3A_387 : i32
          %min3A_389 = arith.constant 64 : i32
          %min3A_390 = arith.minsi %add3A_388, %min3A_389 : i32
          %mul3A_391 = arith.constant 256 : i32
          %mul3A_392 = arith.muli %scan3A_242, %mul3A_391 : i32
          %add3A_393 = arith.constant 32 : i32
          %add3A_394 = arith.addi %mul3A_392, %add3A_393 : i32
          %get3A_395 = arith.index_cast %add3A_394 : i32 to index
          %get3A_396 = tpu.vector_load %arg8[%get3A_395] {strides = array<i32>} : memref<4096xf32, #tpu.memory_space<vmem>>, vector<16xf32>,
          %get3A_397 = arith.index_cast %add3A_394 : i32 to index
          %get3A_398 = tpu.vector_load %arg9[%get3A_397] {strides = array<i32>} : memref<4096xf32, #tpu.memory_space<vmem>>, vector<16xf32>,
          %get3A_399 = arith.index_cast %add3A_394 : i32 to index
          %get3A_400 = tpu.vector_load %arg10[%get3A_399] {strides = array<i32>} : memref<4096xf32, #tpu.memory_space<vmem>>, vector<16xf32>,
          %sub3A_401 = vector.broadcast %squeeze3A : f32 to vector<16xf32>
          %sub3A_402 = arith.subf %get3A_396, %sub3A_401 : vector<16xf32>
          %sub3A_403 = vector.broadcast %squeeze3A_103 : f32 to vector<16xf32>
          %sub3A_404 = arith.subf %get3A_398, %sub3A_403 : vector<16xf32>
          %sub3A_405 = vector.broadcast %squeeze3A_107 : f32 to vector<16xf32>
          %sub3A_406 = arith.subf %get3A_400, %sub3A_405 : vector<16xf32>
          %mul3A_407 = arith.mulf %sub3A_402, %sub3A_402 : vector<16xf32>
          %mul3A_408 = arith.mulf %sub3A_404, %sub3A_404 : vector<16xf32>
          %add3A_409 = arith.addf %mul3A_407, %mul3A_408 : vector<16xf32>
          %mul3A_410 = arith.mulf %sub3A_406, %sub3A_406 : vector<16xf32>
          %add3A_411 = arith.addf %add3A_409, %mul3A_410 : vector<16xf32>
          %add3A_412 = arith.addi %add3A_394, %mul3A_73 : i32
          %add3A_413 = vector.broadcast %add3A_412 : i32 to vector<16xi32>
          %add3A_414 = arith.addi %iota3A, %add3A_413 : vector<16xi32>
          %lt3A_415 = arith.constant 4.000000e-02 : f32
          %lt3A_416 = vector.broadcast %lt3A_415 : f32 to vector<16xf32>
          %lt3A_417 = arith.cmpf olt, %add3A_411, %lt3A_416 : vector<16xf32>
          %lt3A_418 = arith.constant 1.600000e-01 : f32
          %lt3A_419 = vector.broadcast %lt3A_418 : f32 to vector<16xf32>
          %lt3A_420 = arith.cmpf olt, %add3A_411, %lt3A_419 : vector<16xf32>
          %lt3A_421 = arith.constant 6.400000e-01 : f32
          %lt3A_422 = vector.broadcast %lt3A_421 : f32 to vector<16xf32>
          %lt3A_423 = arith.cmpf olt, %add3A_411, %lt3A_422 : vector<16xf32>
          %lt3A_424 = arith.constant 16 : i32
          %lt3A_425 = arith.cmpi slt, %min3A_378, %lt3A_424 : i32
          %and3A_426 = vector.broadcast %lt3A_425 : i1 to vector<16xi1>
          %and3A_427 = arith.andi %lt3A_417, %and3A_426 : vector<16xi1>
          %swap3A_428 = arith.index_cast %min3A_378 : i32 to index
          %swap3A_429 = tpu.vector_load %arg14[%swap3A_428] masked %and3A_427 {strides = array<i32>} : memref<32xi32, #tpu.memory_space<vmem>>, vector<16xi32>, vector<16xi1>
          tpu.vector_store %arg14[%swap3A_428], %add3A_414 masked %and3A_427 {strides = array<i32>} : memref<32xi32, #tpu.memory_space<vmem>>, vector<16xi32>, vector<16xi1>
          %lt3A_430 = arith.constant 32 : i32
          %lt3A_431 = arith.cmpi slt, %min3A_384, %lt3A_430 : i32
          %and3A_432 = vector.broadcast %lt3A_431 : i1 to vector<16xi1>
          %and3A_433 = arith.andi %lt3A_420, %and3A_432 : vector<16xi1>
          %swap3A_434 = arith.index_cast %min3A_384 : i32 to index
          %swap3A_435 = tpu.vector_load %arg15[%swap3A_434] masked %and3A_433 {strides = array<i32>} : memref<48xi32, #tpu.memory_space<vmem>>, vector<16xi32>, vector<16xi1>
          tpu.vector_store %arg15[%swap3A_434], %add3A_414 masked %and3A_433 {strides = array<i32>} : memref<48xi32, #tpu.memory_space<vmem>>, vector<16xi32>, vector<16xi1>
          %lt3A_436 = arith.constant 64 : i32
          %lt3A_437 = arith.cmpi slt, %min3A_390, %lt3A_436 : i32
          %and3A_438 = vector.broadcast %lt3A_437 : i1 to vector<16xi1>
          %and3A_439 = arith.andi %lt3A_423, %and3A_438 : vector<16xi1>
          %swap3A_440 = arith.index_cast %min3A_390 : i32 to index
          %swap3A_441 = tpu.vector_load %arg16[%swap3A_440] masked %and3A_439 {strides = array<i32>} : memref<80xi32, #tpu.memory_space<vmem>>, vector<16xi32>, vector<16xi1>
          tpu.vector_store %arg16[%swap3A_440], %add3A_414 masked %and3A_439 {strides = array<i32>} : memref<80xi32, #tpu.memory_space<vmem>>, vector<16xi32>, vector<16xi1>
          %all_reduce_population_count3A_442 = tpu.all_reduce %lt3A_417 {dim = 0 : i64, kind = #tpu.reduction_kind<sum>} : vector<16xi1> -> vector<16xi32>
          %slice3A_443 = vector.extract_strided_slice %all_reduce_population_count3A_442 {offsets = [0], sizes = [1], strides = [1]} : vector<16xi32> to vector<1xi32>
          %squeeze3A_444 = vector.extract %slice3A_443[0] : i32 from vector<1xi32>
          %add3A_445 = arith.addi %min3A_378, %squeeze3A_444 : i32
          %min3A_446 = arith.constant 16 : i32
          %min3A_447 = arith.minsi %add3A_445, %min3A_446 : i32
          %all_reduce_population_count3A_448 = tpu.all_reduce %lt3A_420 {dim = 0 : i64, kind = #tpu.reduction_kind<sum>} : vector<16xi1> -> vector<16xi32>
          %slice3A_449 = vector.extract_strided_slice %all_reduce_population_count3A_448 {offsets = [0], sizes = [1], strides = [1]} : vector<16xi32> to vector<1xi32>
          %squeeze3A_450 = vector.extract %slice3A_449[0] : i32 from vector<1xi32>
          %add3A_451 = arith.addi %min3A_384, %squeeze3A_450 : i32
          %min3A_452 = arith.constant 32 : i32
          %min3A_453 = arith.minsi %add3A_451, %min3A_452 : i32
          %all_reduce_population_count3A_454 = tpu.all_reduce %lt3A_423 {dim = 0 : i64, kind = #tpu.reduction_kind<sum>} : vector<16xi1> -> vector<16xi32>
          %slice3A_455 = vector.extract_strided_slice %all_reduce_population_count3A_454 {offsets = [0], sizes = [1], strides = [1]} : vector<16xi32> to vector<1xi32>
          %squeeze3A_456 = vector.extract %slice3A_455[0] : i32 from vector<1xi32>
          %add3A_457 = arith.addi %min3A_390, %squeeze3A_456 : i32
          %min3A_458 = arith.constant 64 : i32
          %min3A_459 = arith.minsi %add3A_457, %min3A_458 : i32
          %mul3A_460 = arith.constant 256 : i32
          %mul3A_461 = arith.muli %scan3A_242, %mul3A_460 : i32
          %add3A_462 = arith.constant 48 : i32
          %add3A_463 = arith.addi %mul3A_461, %add3A_462 : i32
          %get3A_464 = arith.index_cast %add3A_463 : i32 to index
          %get3A_465 = tpu.vector_load %arg8[%get3A_464] {strides = array<i32>} : memref<4096xf32, #tpu.memory_space<vmem>>, vector<16xf32>,
          %get3A_466 = arith.index_cast %add3A_463 : i32 to index
          %get3A_467 = tpu.vector_load %arg9[%get3A_466] {strides = array<i32>} : memref<4096xf32, #tpu.memory_space<vmem>>, vector<16xf32>,
          %get3A_468 = arith.index_cast %add3A_463 : i32 to index
          %get3A_469 = tpu.vector_load %arg10[%get3A_468] {strides = array<i32>} : memref<4096xf32, #tpu.memory_space<vmem>>, vector<16xf32>,
          %sub3A_470 = vector.broadcast %squeeze3A : f32 to vector<16xf32>
          %sub3A_471 = arith.subf %get3A_465, %sub3A_470 : vector<16xf32>
          %sub3A_472 = vector.broadcast %squeeze3A_103 : f32 to vector<16xf32>
          %sub3A_473 = arith.subf %get3A_467, %sub3A_472 : vector<16xf32>
          %sub3A_474 = vector.broadcast %squeeze3A_107 : f32 to vector<16xf32>
          %sub3A_475 = arith.subf %get3A_469, %sub3A_474 : vector<16xf32>
          %mul3A_476 = arith.mulf %sub3A_471, %sub3A_471 : vector<16xf32>
          %mul3A_477 = arith.mulf %sub3A_473, %sub3A_473 : vector<16xf32>
          %add3A_478 = arith.addf %mul3A_476, %mul3A_477 : vector<16xf32>
          %mul3A_479 = arith.mulf %sub3A_475, %sub3A_475 : vector<16xf32>
          %add3A_480 = arith.addf %add3A_478, %mul3A_479 : vector<16xf32>
          %add3A_481 = arith.addi %add3A_463, %mul3A_73 : i32
          %add3A_482 = vector.broadcast %add3A_481 : i32 to vector<16xi32>
          %add3A_483 = arith.addi %iota3A, %add3A_482 : vector<16xi32>
          %lt3A_484 = arith.constant 4.000000e-02 : f32
          %lt3A_485 = vector.broadcast %lt3A_484 : f32 to vector<16xf32>
          %lt3A_486 = arith.cmpf olt, %add3A_480, %lt3A_485 : vector<16xf32>
          %lt3A_487 = arith.constant 1.600000e-01 : f32
          %lt3A_488 = vector.broadcast %lt3A_487 : f32 to vector<16xf32>
          %lt3A_489 = arith.cmpf olt, %add3A_480, %lt3A_488 : vector<16xf32>
          %lt3A_490 = arith.constant 6.400000e-01 : f32
          %lt3A_491 = vector.broadcast %lt3A_490 : f32 to vector<16xf32>
          %lt3A_492 = arith.cmpf olt, %add3A_480, %lt3A_491 : vector<16xf32>
          %lt3A_493 = arith.constant 16 : i32
          %lt3A_494 = arith.cmpi slt, %min3A_447, %lt3A_493 : i32
          %and3A_495 = vector.broadcast %lt3A_494 : i1 to vector<16xi1>
          %and3A_496 = arith.andi %lt3A_486, %and3A_495 : vector<16xi1>
          %swap3A_497 = arith.index_cast %min3A_447 : i32 to index
          %swap3A_498 = tpu.vector_load %arg14[%swap3A_497] masked %and3A_496 {strides = array<i32>} : memref<32xi32, #tpu.memory_space<vmem>>, vector<16xi32>, vector<16xi1>
          tpu.vector_store %arg14[%swap3A_497], %add3A_483 masked %and3A_496 {strides = array<i32>} : memref<32xi32, #tpu.memory_space<vmem>>, vector<16xi32>, vector<16xi1>
          %lt3A_499 = arith.constant 32 : i32
          %lt3A_500 = arith.cmpi slt, %min3A_453, %lt3A_499 : i32
          %and3A_501 = vector.broadcast %lt3A_500 : i1 to vector<16xi1>
          %and3A_502 = arith.andi %lt3A_489, %and3A_501 : vector<16xi1>
          %swap3A_503 = arith.index_cast %min3A_453 : i32 to index
          %swap3A_504 = tpu.vector_load %arg15[%swap3A_503] masked %and3A_502 {strides = array<i32>} : memref<48xi32, #tpu.memory_space<vmem>>, vector<16xi32>, vector<16xi1>
          tpu.vector_store %arg15[%swap3A_503], %add3A_483 masked %and3A_502 {strides = array<i32>} : memref<48xi32, #tpu.memory_space<vmem>>, vector<16xi32>, vector<16xi1>
          %lt3A_505 = arith.constant 64 : i32
          %lt3A_506 = arith.cmpi slt, %min3A_459, %lt3A_505 : i32
          %and3A_507 = vector.broadcast %lt3A_506 : i1 to vector<16xi1>
          %and3A_508 = arith.andi %lt3A_492, %and3A_507 : vector<16xi1>
          %swap3A_509 = arith.index_cast %min3A_459 : i32 to index
          %swap3A_510 = tpu.vector_load %arg16[%swap3A_509] masked %and3A_508 {strides = array<i32>} : memref<80xi32, #tpu.memory_space<vmem>>, vector<16xi32>, vector<16xi1>
          tpu.vector_store %arg16[%swap3A_509], %add3A_483 masked %and3A_508 {strides = array<i32>} : memref<80xi32, #tpu.memory_space<vmem>>, vector<16xi32>, vector<16xi1>
          %all_reduce_population_count3A_511 = tpu.all_reduce %lt3A_486 {dim = 0 : i64, kind = #tpu.reduction_kind<sum>} : vector<16xi1> -> vector<16xi32>
          %slice3A_512 = vector.extract_strided_slice %all_reduce_population_count3A_511 {offsets = [0], sizes = [1], strides = [1]} : vector<16xi32> to vector<1xi32>
          %squeeze3A_513 = vector.extract %slice3A_512[0] : i32 from vector<1xi32>
          %add3A_514 = arith.addi %min3A_447, %squeeze3A_513 : i32
          %min3A_515 = arith.constant 16 : i32
          %min3A_516 = arith.minsi %add3A_514, %min3A_515 : i32
          %all_reduce_population_count3A_517 = tpu.all_reduce %lt3A_489 {dim = 0 : i64, kind = #tpu.reduction_kind<sum>} : vector<16xi1> -> vector<16xi32>
          %slice3A_518 = vector.extract_strided_slice %all_reduce_population_count3A_517 {offsets = [0], sizes = [1], strides = [1]} : vector<16xi32> to vector<1xi32>
          %squeeze3A_519 = vector.extract %slice3A_518[0] : i32 from vector<1xi32>
          %add3A_520 = arith.addi %min3A_453, %squeeze3A_519 : i32
          %min3A_521 = arith.constant 32 : i32
          %min3A_522 = arith.minsi %add3A_520, %min3A_521 : i32
          %all_reduce_population_count3A_523 = tpu.all_reduce %lt3A_492 {dim = 0 : i64, kind = #tpu.reduction_kind<sum>} : vector<16xi1> -> vector<16xi32>
          %slice3A_524 = vector.extract_strided_slice %all_reduce_population_count3A_523 {offsets = [0], sizes = [1], strides = [1]} : vector<16xi32> to vector<1xi32>
          %squeeze3A_525 = vector.extract %slice3A_524[0] : i32 from vector<1xi32>
          %add3A_526 = arith.addi %min3A_459, %squeeze3A_525 : i32
          %min3A_527 = arith.constant 64 : i32
          %min3A_528 = arith.minsi %add3A_526, %min3A_527 : i32
          %mul3A_529 = arith.constant 256 : i32
          %mul3A_530 = arith.muli %scan3A_242, %mul3A_529 : i32
          %add3A_531 = arith.constant 64 : i32
          %add3A_532 = arith.addi %mul3A_530, %add3A_531 : i32
          %get3A_533 = arith.index_cast %add3A_532 : i32 to index
          %get3A_534 = tpu.vector_load %arg8[%get3A_533] {strides = array<i32>} : memref<4096xf32, #tpu.memory_space<vmem>>, vector<16xf32>,
          %get3A_535 = arith.index_cast %add3A_532 : i32 to index
          %get3A_536 = tpu.vector_load %arg9[%get3A_535] {strides = array<i32>} : memref<4096xf32, #tpu.memory_space<vmem>>, vector<16xf32>,
          %get3A_537 = arith.index_cast %add3A_532 : i32 to index
          %get3A_538 = tpu.vector_load %arg10[%get3A_537] {strides = array<i32>} : memref<4096xf32, #tpu.memory_space<vmem>>, vector<16xf32>,
          %sub3A_539 = vector.broadcast %squeeze3A : f32 to vector<16xf32>
          %sub3A_540 = arith.subf %get3A_534, %sub3A_539 : vector<16xf32>
          %sub3A_541 = vector.broadcast %squeeze3A_103 : f32 to vector<16xf32>
          %sub3A_542 = arith.subf %get3A_536, %sub3A_541 : vector<16xf32>
          %sub3A_543 = vector.broadcast %squeeze3A_107 : f32 to vector<16xf32>
          %sub3A_544 = arith.subf %get3A_538, %sub3A_543 : vector<16xf32>
          %mul3A_545 = arith.mulf %sub3A_540, %sub3A_540 : vector<16xf32>
          %mul3A_546 = arith.mulf %sub3A_542, %sub3A_542 : vector<16xf32>
          %add3A_547 = arith.addf %mul3A_545, %mul3A_546 : vector<16xf32>
          %mul3A_548 = arith.mulf %sub3A_544, %sub3A_544 : vector<16xf32>
          %add3A_549 = arith.addf %add3A_547, %mul3A_548 : vector<16xf32>
          %add3A_550 = arith.addi %add3A_532, %mul3A_73 : i32
          %add3A_551 = vector.broadcast %add3A_550 : i32 to vector<16xi32>
          %add3A_552 = arith.addi %iota3A, %add3A_551 : vector<16xi32>
          %lt3A_553 = arith.constant 4.000000e-02 : f32
          %lt3A_554 = vector.broadcast %lt3A_553 : f32 to vector<16xf32>
          %lt3A_555 = arith.cmpf olt, %add3A_549, %lt3A_554 : vector<16xf32>
          %lt3A_556 = arith.constant 1.600000e-01 : f32
          %lt3A_557 = vector.broadcast %lt3A_556 : f32 to vector<16xf32>
          %lt3A_558 = arith.cmpf olt, %add3A_549, %lt3A_557 : vector<16xf32>
          %lt3A_559 = arith.constant 6.400000e-01 : f32
          %lt3A_560 = vector.broadcast %lt3A_559 : f32 to vector<16xf32>
          %lt3A_561 = arith.cmpf olt, %add3A_549, %lt3A_560 : vector<16xf32>
          %lt3A_562 = arith.constant 16 : i32
          %lt3A_563 = arith.cmpi slt, %min3A_516, %lt3A_562 : i32
          %and3A_564 = vector.broadcast %lt3A_563 : i1 to vector<16xi1>
          %and3A_565 = arith.andi %lt3A_555, %and3A_564 : vector<16xi1>
          %swap3A_566 = arith.index_cast %min3A_516 : i32 to index
          %swap3A_567 = tpu.vector_load %arg14[%swap3A_566] masked %and3A_565 {strides = array<i32>} : memref<32xi32, #tpu.memory_space<vmem>>, vector<16xi32>, vector<16xi1>
          tpu.vector_store %arg14[%swap3A_566], %add3A_552 masked %and3A_565 {strides = array<i32>} : memref<32xi32, #tpu.memory_space<vmem>>, vector<16xi32>, vector<16xi1>
          %lt3A_568 = arith.constant 32 : i32
          %lt3A_569 = arith.cmpi slt, %min3A_522, %lt3A_568 : i32
          %and3A_570 = vector.broadcast %lt3A_569 : i1 to vector<16xi1>
          %and3A_571 = arith.andi %lt3A_558, %and3A_570 : vector<16xi1>
          %swap3A_572 = arith.index_cast %min3A_522 : i32 to index
          %swap3A_573 = tpu.vector_load %arg15[%swap3A_572] masked %and3A_571 {strides = array<i32>} : memref<48xi32, #tpu.memory_space<vmem>>, vector<16xi32>, vector<16xi1>
          tpu.vector_store %arg15[%swap3A_572], %add3A_552 masked %and3A_571 {strides = array<i32>} : memref<48xi32, #tpu.memory_space<vmem>>, vector<16xi32>, vector<16xi1>
          %lt3A_574 = arith.constant 64 : i32
          %lt3A_575 = arith.cmpi slt, %min3A_528, %lt3A_574 : i32
          %and3A_576 = vector.broadcast %lt3A_575 : i1 to vector<16xi1>
          %and3A_577 = arith.andi %lt3A_561, %and3A_576 : vector<16xi1>
          %swap3A_578 = arith.index_cast %min3A_528 : i32 to index
          %swap3A_579 = tpu.vector_load %arg16[%swap3A_578] masked %and3A_577 {strides = array<i32>} : memref<80xi32, #tpu.memory_space<vmem>>, vector<16xi32>, vector<16xi1>
          tpu.vector_store %arg16[%swap3A_578], %add3A_552 masked %and3A_577 {strides = array<i32>} : memref<80xi32, #tpu.memory_space<vmem>>, vector<16xi32>, vector<16xi1>
          %all_reduce_population_count3A_580 = tpu.all_reduce %lt3A_555 {dim = 0 : i64, kind = #tpu.reduction_kind<sum>} : vector<16xi1> -> vector<16xi32>
          %slice3A_581 = vector.extract_strided_slice %all_reduce_population_count3A_580 {offsets = [0], sizes = [1], strides = [1]} : vector<16xi32> to vector<1xi32>
          %squeeze3A_582 = vector.extract %slice3A_581[0] : i32 from vector<1xi32>
          %add3A_583 = arith.addi %min3A_516, %squeeze3A_582 : i32
          %min3A_584 = arith.constant 16 : i32
          %min3A_585 = arith.minsi %add3A_583, %min3A_584 : i32
          %all_reduce_population_count3A_586 = tpu.all_reduce %lt3A_558 {dim = 0 : i64, kind = #tpu.reduction_kind<sum>} : vector<16xi1> -> vector<16xi32>
          %slice3A_587 = vector.extract_strided_slice %all_reduce_population_count3A_586 {offsets = [0], sizes = [1], strides = [1]} : vector<16xi32> to vector<1xi32>
          %squeeze3A_588 = vector.extract %slice3A_587[0] : i32 from vector<1xi32>
          %add3A_589 = arith.addi %min3A_522, %squeeze3A_588 : i32
          %min3A_590 = arith.constant 32 : i32
          %min3A_591 = arith.minsi %add3A_589, %min3A_590 : i32
          %all_reduce_population_count3A_592 = tpu.all_reduce %lt3A_561 {dim = 0 : i64, kind = #tpu.reduction_kind<sum>} : vector<16xi1> -> vector<16xi32>
          %slice3A_593 = vector.extract_strided_slice %all_reduce_population_count3A_592 {offsets = [0], sizes = [1], strides = [1]} : vector<16xi32> to vector<1xi32>
          %squeeze3A_594 = vector.extract %slice3A_593[0] : i32 from vector<1xi32>
          %add3A_595 = arith.addi %min3A_528, %squeeze3A_594 : i32
          %min3A_596 = arith.constant 64 : i32
          %min3A_597 = arith.minsi %add3A_595, %min3A_596 : i32
          %mul3A_598 = arith.constant 256 : i32
          %mul3A_599 = arith.muli %scan3A_242, %mul3A_598 : i32
          %add3A_600 = arith.constant 80 : i32
          %add3A_601 = arith.addi %mul3A_599, %add3A_600 : i32
          %get3A_602 = arith.index_cast %add3A_601 : i32 to index
          %get3A_603 = tpu.vector_load %arg8[%get3A_602] {strides = array<i32>} : memref<4096xf32, #tpu.memory_space<vmem>>, vector<16xf32>,
          %get3A_604 = arith.index_cast %add3A_601 : i32 to index
          %get3A_605 = tpu.vector_load %arg9[%get3A_604] {strides = array<i32>} : memref<4096xf32, #tpu.memory_space<vmem>>, vector<16xf32>,
          %get3A_606 = arith.index_cast %add3A_601 : i32 to index
          %get3A_607 = tpu.vector_load %arg10[%get3A_606] {strides = array<i32>} : memref<4096xf32, #tpu.memory_space<vmem>>, vector<16xf32>,
          %sub3A_608 = vector.broadcast %squeeze3A : f32 to vector<16xf32>
          %sub3A_609 = arith.subf %get3A_603, %sub3A_608 : vector<16xf32>
          %sub3A_610 = vector.broadcast %squeeze3A_103 : f32 to vector<16xf32>
          %sub3A_611 = arith.subf %get3A_605, %sub3A_610 : vector<16xf32>
          %sub3A_612 = vector.broadcast %squeeze3A_107 : f32 to vector<16xf32>
          %sub3A_613 = arith.subf %get3A_607, %sub3A_612 : vector<16xf32>
          %mul3A_614 = arith.mulf %sub3A_609, %sub3A_609 : vector<16xf32>
          %mul3A_615 = arith.mulf %sub3A_611, %sub3A_611 : vector<16xf32>
          %add3A_616 = arith.addf %mul3A_614, %mul3A_615 : vector<16xf32>
          %mul3A_617 = arith.mulf %sub3A_613, %sub3A_613 : vector<16xf32>
          %add3A_618 = arith.addf %add3A_616, %mul3A_617 : vector<16xf32>
          %add3A_619 = arith.addi %add3A_601, %mul3A_73 : i32
          %add3A_620 = vector.broadcast %add3A_619 : i32 to vector<16xi32>
          %add3A_621 = arith.addi %iota3A, %add3A_620 : vector<16xi32>
          %lt3A_622 = arith.constant 4.000000e-02 : f32
          %lt3A_623 = vector.broadcast %lt3A_622 : f32 to vector<16xf32>
          %lt3A_624 = arith.cmpf olt, %add3A_618, %lt3A_623 : vector<16xf32>
          %lt3A_625 = arith.constant 1.600000e-01 : f32
          %lt3A_626 = vector.broadcast %lt3A_625 : f32 to vector<16xf32>
          %lt3A_627 = arith.cmpf olt, %add3A_618, %lt3A_626 : vector<16xf32>
          %lt3A_628 = arith.constant 6.400000e-01 : f32
          %lt3A_629 = vector.broadcast %lt3A_628 : f32 to vector<16xf32>
          %lt3A_630 = arith.cmpf olt, %add3A_618, %lt3A_629 : vector<16xf32>
          %lt3A_631 = arith.constant 16 : i32
          %lt3A_632 = arith.cmpi slt, %min3A_585, %lt3A_631 : i32
          %and3A_633 = vector.broadcast %lt3A_632 : i1 to vector<16xi1>
          %and3A_634 = arith.andi %lt3A_624, %and3A_633 : vector<16xi1>
          %swap3A_635 = arith.index_cast %min3A_585 : i32 to index
          %swap3A_636 = tpu.vector_load %arg14[%swap3A_635] masked %and3A_634 {strides = array<i32>} : memref<32xi32, #tpu.memory_space<vmem>>, vector<16xi32>, vector<16xi1>
          tpu.vector_store %arg14[%swap3A_635], %add3A_621 masked %and3A_634 {strides = array<i32>} : memref<32xi32, #tpu.memory_space<vmem>>, vector<16xi32>, vector<16xi1>
          %lt3A_637 = arith.constant 32 : i32
          %lt3A_638 = arith.cmpi slt, %min3A_591, %lt3A_637 : i32
          %and3A_639 = vector.broadcast %lt3A_638 : i1 to vector<16xi1>
          %and3A_640 = arith.andi %lt3A_627, %and3A_639 : vector<16xi1>
          %swap3A_641 = arith.index_cast %min3A_591 : i32 to index
          %swap3A_642 = tpu.vector_load %arg15[%swap3A_641] masked %and3A_640 {strides = array<i32>} : memref<48xi32, #tpu.memory_space<vmem>>, vector<16xi32>, vector<16xi1>
          tpu.vector_store %arg15[%swap3A_641], %add3A_621 masked %and3A_640 {strides = array<i32>} : memref<48xi32, #tpu.memory_space<vmem>>, vector<16xi32>, vector<16xi1>
          %lt3A_643 = arith.constant 64 : i32
          %lt3A_644 = arith.cmpi slt, %min3A_597, %lt3A_643 : i32
          %and3A_645 = vector.broadcast %lt3A_644 : i1 to vector<16xi1>
          %and3A_646 = arith.andi %lt3A_630, %and3A_645 : vector<16xi1>
          %swap3A_647 = arith.index_cast %min3A_597 : i32 to index
          %swap3A_648 = tpu.vector_load %arg16[%swap3A_647] masked %and3A_646 {strides = array<i32>} : memref<80xi32, #tpu.memory_space<vmem>>, vector<16xi32>, vector<16xi1>
          tpu.vector_store %arg16[%swap3A_647], %add3A_621 masked %and3A_646 {strides = array<i32>} : memref<80xi32, #tpu.memory_space<vmem>>, vector<16xi32>, vector<16xi1>
          %all_reduce_population_count3A_649 = tpu.all_reduce %lt3A_624 {dim = 0 : i64, kind = #tpu.reduction_kind<sum>} : vector<16xi1> -> vector<16xi32>
          %slice3A_650 = vector.extract_strided_slice %all_reduce_population_count3A_649 {offsets = [0], sizes = [1], strides = [1]} : vector<16xi32> to vector<1xi32>
          %squeeze3A_651 = vector.extract %slice3A_650[0] : i32 from vector<1xi32>
          %add3A_652 = arith.addi %min3A_585, %squeeze3A_651 : i32
          %min3A_653 = arith.constant 16 : i32
          %min3A_654 = arith.minsi %add3A_652, %min3A_653 : i32
          %all_reduce_population_count3A_655 = tpu.all_reduce %lt3A_627 {dim = 0 : i64, kind = #tpu.reduction_kind<sum>} : vector<16xi1> -> vector<16xi32>
          %slice3A_656 = vector.extract_strided_slice %all_reduce_population_count3A_655 {offsets = [0], sizes = [1], strides = [1]} : vector<16xi32> to vector<1xi32>
          %squeeze3A_657 = vector.extract %slice3A_656[0] : i32 from vector<1xi32>
          %add3A_658 = arith.addi %min3A_591, %squeeze3A_657 : i32
          %min3A_659 = arith.constant 32 : i32
          %min3A_660 = arith.minsi %add3A_658, %min3A_659 : i32
          %all_reduce_population_count3A_661 = tpu.all_reduce %lt3A_630 {dim = 0 : i64, kind = #tpu.reduction_kind<sum>} : vector<16xi1> -> vector<16xi32>
          %slice3A_662 = vector.extract_strided_slice %all_reduce_population_count3A_661 {offsets = [0], sizes = [1], strides = [1]} : vector<16xi32> to vector<1xi32>
          %squeeze3A_663 = vector.extract %slice3A_662[0] : i32 from vector<1xi32>
          %add3A_664 = arith.addi %min3A_597, %squeeze3A_663 : i32
          %min3A_665 = arith.constant 64 : i32
          %min3A_666 = arith.minsi %add3A_664, %min3A_665 : i32
          %mul3A_667 = arith.constant 256 : i32
          %mul3A_668 = arith.muli %scan3A_242, %mul3A_667 : i32
          %add3A_669 = arith.constant 96 : i32
          %add3A_670 = arith.addi %mul3A_668, %add3A_669 : i32
          %get3A_671 = arith.index_cast %add3A_670 : i32 to index
          %get3A_672 = tpu.vector_load %arg8[%get3A_671] {strides = array<i32>} : memref<4096xf32, #tpu.memory_space<vmem>>, vector<16xf32>,
          %get3A_673 = arith.index_cast %add3A_670 : i32 to index
          %get3A_674 = tpu.vector_load %arg9[%get3A_673] {strides = array<i32>} : memref<4096xf32, #tpu.memory_space<vmem>>, vector<16xf32>,
          %get3A_675 = arith.index_cast %add3A_670 : i32 to index
          %get3A_676 = tpu.vector_load %arg10[%get3A_675] {strides = array<i32>} : memref<4096xf32, #tpu.memory_space<vmem>>, vector<16xf32>,
          %sub3A_677 = vector.broadcast %squeeze3A : f32 to vector<16xf32>
          %sub3A_678 = arith.subf %get3A_672, %sub3A_677 : vector<16xf32>
          %sub3A_679 = vector.broadcast %squeeze3A_103 : f32 to vector<16xf32>
          %sub3A_680 = arith.subf %get3A_674, %sub3A_679 : vector<16xf32>
          %sub3A_681 = vector.broadcast %squeeze3A_107 : f32 to vector<16xf32>
          %sub3A_682 = arith.subf %get3A_676, %sub3A_681 : vector<16xf32>
          %mul3A_683 = arith.mulf %sub3A_678, %sub3A_678 : vector<16xf32>
          %mul3A_684 = arith.mulf %sub3A_680, %sub3A_680 : vector<16xf32>
          %add3A_685 = arith.addf %mul3A_683, %mul3A_684 : vector<16xf32>
          %mul3A_686 = arith.mulf %sub3A_682, %sub3A_682 : vector<16xf32>
          %add3A_687 = arith.addf %add3A_685, %mul3A_686 : vector<16xf32>
          %add3A_688 = arith.addi %add3A_670, %mul3A_73 : i32
          %add3A_689 = vector.broadcast %add3A_688 : i32 to vector<16xi32>
          %add3A_690 = arith.addi %iota3A, %add3A_689 : vector<16xi32>
          %lt3A_691 = arith.constant 4.000000e-02 : f32
          %lt3A_692 = vector.broadcast %lt3A_691 : f32 to vector<16xf32>
          %lt3A_693 = arith.cmpf olt, %add3A_687, %lt3A_692 : vector<16xf32>
          %lt3A_694 = arith.constant 1.600000e-01 : f32
          %lt3A_695 = vector.broadcast %lt3A_694 : f32 to vector<16xf32>
          %lt3A_696 = arith.cmpf olt, %add3A_687, %lt3A_695 : vector<16xf32>
          %lt3A_697 = arith.constant 6.400000e-01 : f32
          %lt3A_698 = vector.broadcast %lt3A_697 : f32 to vector<16xf32>
          %lt3A_699 = arith.cmpf olt, %add3A_687, %lt3A_698 : vector<16xf32>
          %lt3A_700 = arith.constant 16 : i32
          %lt3A_701 = arith.cmpi slt, %min3A_654, %lt3A_700 : i32
          %and3A_702 = vector.broadcast %lt3A_701 : i1 to vector<16xi1>
          %and3A_703 = arith.andi %lt3A_693, %and3A_702 : vector<16xi1>
          %swap3A_704 = arith.index_cast %min3A_654 : i32 to index
          %swap3A_705 = tpu.vector_load %arg14[%swap3A_704] masked %and3A_703 {strides = array<i32>} : memref<32xi32, #tpu.memory_space<vmem>>, vector<16xi32>, vector<16xi1>
          tpu.vector_store %arg14[%swap3A_704], %add3A_690 masked %and3A_703 {strides = array<i32>} : memref<32xi32, #tpu.memory_space<vmem>>, vector<16xi32>, vector<16xi1>
          %lt3A_706 = arith.constant 32 : i32
          %lt3A_707 = arith.cmpi slt, %min3A_660, %lt3A_706 : i32
          %and3A_708 = vector.broadcast %lt3A_707 : i1 to vector<16xi1>
          %and3A_709 = arith.andi %lt3A_696, %and3A_708 : vector<16xi1>
          %swap3A_710 = arith.index_cast %min3A_660 : i32 to index
          %swap3A_711 = tpu.vector_load %arg15[%swap3A_710] masked %and3A_709 {strides = array<i32>} : memref<48xi32, #tpu.memory_space<vmem>>, vector<16xi32>, vector<16xi1>
          tpu.vector_store %arg15[%swap3A_710], %add3A_690 masked %and3A_709 {strides = array<i32>} : memref<48xi32, #tpu.memory_space<vmem>>, vector<16xi32>, vector<16xi1>
          %lt3A_712 = arith.constant 64 : i32
          %lt3A_713 = arith.cmpi slt, %min3A_666, %lt3A_712 : i32
          %and3A_714 = vector.broadcast %lt3A_713 : i1 to vector<16xi1>
          %and3A_715 = arith.andi %lt3A_699, %and3A_714 : vector<16xi1>
          %swap3A_716 = arith.index_cast %min3A_666 : i32 to index
          %swap3A_717 = tpu.vector_load %arg16[%swap3A_716] masked %and3A_715 {strides = array<i32>} : memref<80xi32, #tpu.memory_space<vmem>>, vector<16xi32>, vector<16xi1>
          tpu.vector_store %arg16[%swap3A_716], %add3A_690 masked %and3A_715 {strides = array<i32>} : memref<80xi32, #tpu.memory_space<vmem>>, vector<16xi32>, vector<16xi1>
          %all_reduce_population_count3A_718 = tpu.all_reduce %lt3A_693 {dim = 0 : i64, kind = #tpu.reduction_kind<sum>} : vector<16xi1> -> vector<16xi32>
          %slice3A_719 = vector.extract_strided_slice %all_reduce_population_count3A_718 {offsets = [0], sizes = [1], strides = [1]} : vector<16xi32> to vector<1xi32>
          %squeeze3A_720 = vector.extract %slice3A_719[0] : i32 from vector<1xi32>
          %add3A_721 = arith.addi %min3A_654, %squeeze3A_720 : i32
          %min3A_722 = arith.constant 16 : i32
          %min3A_723 = arith.minsi %add3A_721, %min3A_722 : i32
          %all_reduce_population_count3A_724 = tpu.all_reduce %lt3A_696 {dim = 0 : i64, kind = #tpu.reduction_kind<sum>} : vector<16xi1> -> vector<16xi32>
          %slice3A_725 = vector.extract_strided_slice %all_reduce_population_count3A_724 {offsets = [0], sizes = [1], strides = [1]} : vector<16xi32> to vector<1xi32>
          %squeeze3A_726 = vector.extract %slice3A_725[0] : i32 from vector<1xi32>
          %add3A_727 = arith.addi %min3A_660, %squeeze3A_726 : i32
          %min3A_728 = arith.constant 32 : i32
          %min3A_729 = arith.minsi %add3A_727, %min3A_728 : i32
          %all_reduce_population_count3A_730 = tpu.all_reduce %lt3A_699 {dim = 0 : i64, kind = #tpu.reduction_kind<sum>} : vector<16xi1> -> vector<16xi32>
          %slice3A_731 = vector.extract_strided_slice %all_reduce_population_count3A_730 {offsets = [0], sizes = [1], strides = [1]} : vector<16xi32> to vector<1xi32>
          %squeeze3A_732 = vector.extract %slice3A_731[0] : i32 from vector<1xi32>
          %add3A_733 = arith.addi %min3A_666, %squeeze3A_732 : i32
          %min3A_734 = arith.constant 64 : i32
          %min3A_735 = arith.minsi %add3A_733, %min3A_734 : i32
          %mul3A_736 = arith.constant 256 : i32
          %mul3A_737 = arith.muli %scan3A_242, %mul3A_736 : i32
          %add3A_738 = arith.constant 112 : i32
          %add3A_739 = arith.addi %mul3A_737, %add3A_738 : i32
          %get3A_740 = arith.index_cast %add3A_739 : i32 to index
          %get3A_741 = tpu.vector_load %arg8[%get3A_740] {strides = array<i32>} : memref<4096xf32, #tpu.memory_space<vmem>>, vector<16xf32>,
          %get3A_742 = arith.index_cast %add3A_739 : i32 to index
          %get3A_743 = tpu.vector_load %arg9[%get3A_742] {strides = array<i32>} : memref<4096xf32, #tpu.memory_space<vmem>>, vector<16xf32>,
          %get3A_744 = arith.index_cast %add3A_739 : i32 to index
          %get3A_745 = tpu.vector_load %arg10[%get3A_744] {strides = array<i32>} : memref<4096xf32, #tpu.memory_space<vmem>>, vector<16xf32>,
          %sub3A_746 = vector.broadcast %squeeze3A : f32 to vector<16xf32>
          %sub3A_747 = arith.subf %get3A_741, %sub3A_746 : vector<16xf32>
          %sub3A_748 = vector.broadcast %squeeze3A_103 : f32 to vector<16xf32>
          %sub3A_749 = arith.subf %get3A_743, %sub3A_748 : vector<16xf32>
          %sub3A_750 = vector.broadcast %squeeze3A_107 : f32 to vector<16xf32>
          %sub3A_751 = arith.subf %get3A_745, %sub3A_750 : vector<16xf32>
          %mul3A_752 = arith.mulf %sub3A_747, %sub3A_747 : vector<16xf32>
          %mul3A_753 = arith.mulf %sub3A_749, %sub3A_749 : vector<16xf32>
          %add3A_754 = arith.addf %mul3A_752, %mul3A_753 : vector<16xf32>
          %mul3A_755 = arith.mulf %sub3A_751, %sub3A_751 : vector<16xf32>
          %add3A_756 = arith.addf %add3A_754, %mul3A_755 : vector<16xf32>
          %add3A_757 = arith.addi %add3A_739, %mul3A_73 : i32
          %add3A_758 = vector.broadcast %add3A_757 : i32 to vector<16xi32>
          %add3A_759 = arith.addi %iota3A, %add3A_758 : vector<16xi32>
          %lt3A_760 = arith.constant 4.000000e-02 : f32
          %lt3A_761 = vector.broadcast %lt3A_760 : f32 to vector<16xf32>
          %lt3A_762 = arith.cmpf olt, %add3A_756, %lt3A_761 : vector<16xf32>
          %lt3A_763 = arith.constant 1.600000e-01 : f32
          %lt3A_764 = vector.broadcast %lt3A_763 : f32 to vector<16xf32>
          %lt3A_765 = arith.cmpf olt, %add3A_756, %lt3A_764 : vector<16xf32>
          %lt3A_766 = arith.constant 6.400000e-01 : f32
          %lt3A_767 = vector.broadcast %lt3A_766 : f32 to vector<16xf32>
          %lt3A_768 = arith.cmpf olt, %add3A_756, %lt3A_767 : vector<16xf32>
          %lt3A_769 = arith.constant 16 : i32
          %lt3A_770 = arith.cmpi slt, %min3A_723, %lt3A_769 : i32
          %and3A_771 = vector.broadcast %lt3A_770 : i1 to vector<16xi1>
          %and3A_772 = arith.andi %lt3A_762, %and3A_771 : vector<16xi1>
          %swap3A_773 = arith.index_cast %min3A_723 : i32 to index
          %swap3A_774 = tpu.vector_load %arg14[%swap3A_773] masked %and3A_772 {strides = array<i32>} : memref<32xi32, #tpu.memory_space<vmem>>, vector<16xi32>, vector<16xi1>
          tpu.vector_store %arg14[%swap3A_773], %add3A_759 masked %and3A_772 {strides = array<i32>} : memref<32xi32, #tpu.memory_space<vmem>>, vector<16xi32>, vector<16xi1>
          %lt3A_775 = arith.constant 32 : i32
          %lt3A_776 = arith.cmpi slt, %min3A_729, %lt3A_775 : i32
          %and3A_777 = vector.broadcast %lt3A_776 : i1 to vector<16xi1>
          %and3A_778 = arith.andi %lt3A_765, %and3A_777 : vector<16xi1>
          %swap3A_779 = arith.index_cast %min3A_729 : i32 to index
          %swap3A_780 = tpu.vector_load %arg15[%swap3A_779] masked %and3A_778 {strides = array<i32>} : memref<48xi32, #tpu.memory_space<vmem>>, vector<16xi32>, vector<16xi1>
          tpu.vector_store %arg15[%swap3A_779], %add3A_759 masked %and3A_778 {strides = array<i32>} : memref<48xi32, #tpu.memory_space<vmem>>, vector<16xi32>, vector<16xi1>
          %lt3A_781 = arith.constant 64 : i32
          %lt3A_782 = arith.cmpi slt, %min3A_735, %lt3A_781 : i32
          %and3A_783 = vector.broadcast %lt3A_782 : i1 to vector<16xi1>
          %and3A_784 = arith.andi %lt3A_768, %and3A_783 : vector<16xi1>
          %swap3A_785 = arith.index_cast %min3A_735 : i32 to index
          %swap3A_786 = tpu.vector_load %arg16[%swap3A_785] masked %and3A_784 {strides = array<i32>} : memref<80xi32, #tpu.memory_space<vmem>>, vector<16xi32>, vector<16xi1>
          tpu.vector_store %arg16[%swap3A_785], %add3A_759 masked %and3A_784 {strides = array<i32>} : memref<80xi32, #tpu.memory_space<vmem>>, vector<16xi32>, vector<16xi1>
          %all_reduce_population_count3A_787 = tpu.all_reduce %lt3A_762 {dim = 0 : i64, kind = #tpu.reduction_kind<sum>} : vector<16xi1> -> vector<16xi32>
          %slice3A_788 = vector.extract_strided_slice %all_reduce_population_count3A_787 {offsets = [0], sizes = [1], strides = [1]} : vector<16xi32> to vector<1xi32>
          %squeeze3A_789 = vector.extract %slice3A_788[0] : i32 from vector<1xi32>
          %add3A_790 = arith.addi %min3A_723, %squeeze3A_789 : i32
          %min3A_791 = arith.constant 16 : i32
          %min3A_792 = arith.minsi %add3A_790, %min3A_791 : i32
          %all_reduce_population_count3A_793 = tpu.all_reduce %lt3A_765 {dim = 0 : i64, kind = #tpu.reduction_kind<sum>} : vector<16xi1> -> vector<16xi32>
          %slice3A_794 = vector.extract_strided_slice %all_reduce_population_count3A_793 {offsets = [0], sizes = [1], strides = [1]} : vector<16xi32> to vector<1xi32>
          %squeeze3A_795 = vector.extract %slice3A_794[0] : i32 from vector<1xi32>
          %add3A_796 = arith.addi %min3A_729, %squeeze3A_795 : i32
          %min3A_797 = arith.constant 32 : i32
          %min3A_798 = arith.minsi %add3A_796, %min3A_797 : i32
          %all_reduce_population_count3A_799 = tpu.all_reduce %lt3A_768 {dim = 0 : i64, kind = #tpu.reduction_kind<sum>} : vector<16xi1> -> vector<16xi32>
          %slice3A_800 = vector.extract_strided_slice %all_reduce_population_count3A_799 {offsets = [0], sizes = [1], strides = [1]} : vector<16xi32> to vector<1xi32>
          %squeeze3A_801 = vector.extract %slice3A_800[0] : i32 from vector<1xi32>
          %add3A_802 = arith.addi %min3A_735, %squeeze3A_801 : i32
          %min3A_803 = arith.constant 64 : i32
          %min3A_804 = arith.minsi %add3A_802, %min3A_803 : i32
          %mul3A_805 = arith.constant 256 : i32
          %mul3A_806 = arith.muli %scan3A_242, %mul3A_805 : i32
          %add3A_807 = arith.constant 128 : i32
          %add3A_808 = arith.addi %mul3A_806, %add3A_807 : i32
          %get3A_809 = arith.index_cast %add3A_808 : i32 to index
          %get3A_810 = tpu.vector_load %arg8[%get3A_809] {strides = array<i32>} : memref<4096xf32, #tpu.memory_space<vmem>>, vector<16xf32>,
          %get3A_811 = arith.index_cast %add3A_808 : i32 to index
          %get3A_812 = tpu.vector_load %arg9[%get3A_811] {strides = array<i32>} : memref<4096xf32, #tpu.memory_space<vmem>>, vector<16xf32>,
          %get3A_813 = arith.index_cast %add3A_808 : i32 to index
          %get3A_814 = tpu.vector_load %arg10[%get3A_813] {strides = array<i32>} : memref<4096xf32, #tpu.memory_space<vmem>>, vector<16xf32>,
          %sub3A_815 = vector.broadcast %squeeze3A : f32 to vector<16xf32>
          %sub3A_816 = arith.subf %get3A_810, %sub3A_815 : vector<16xf32>
          %sub3A_817 = vector.broadcast %squeeze3A_103 : f32 to vector<16xf32>
          %sub3A_818 = arith.subf %get3A_812, %sub3A_817 : vector<16xf32>
          %sub3A_819 = vector.broadcast %squeeze3A_107 : f32 to vector<16xf32>
          %sub3A_820 = arith.subf %get3A_814, %sub3A_819 : vector<16xf32>
          %mul3A_821 = arith.mulf %sub3A_816, %sub3A_816 : vector<16xf32>
          %mul3A_822 = arith.mulf %sub3A_818, %sub3A_818 : vector<16xf32>
          %add3A_823 = arith.addf %mul3A_821, %mul3A_822 : vector<16xf32>
          %mul3A_824 = arith.mulf %sub3A_820, %sub3A_820 : vector<16xf32>
          %add3A_825 = arith.addf %add3A_823, %mul3A_824 : vector<16xf32>
          %add3A_826 = arith.addi %add3A_808, %mul3A_73 : i32
          %add3A_827 = vector.broadcast %add3A_826 : i32 to vector<16xi32>
          %add3A_828 = arith.addi %iota3A, %add3A_827 : vector<16xi32>
          %lt3A_829 = arith.constant 4.000000e-02 : f32
          %lt3A_830 = vector.broadcast %lt3A_829 : f32 to vector<16xf32>
          %lt3A_831 = arith.cmpf olt, %add3A_825, %lt3A_830 : vector<16xf32>
          %lt3A_832 = arith.constant 1.600000e-01 : f32
          %lt3A_833 = vector.broadcast %lt3A_832 : f32 to vector<16xf32>
          %lt3A_834 = arith.cmpf olt, %add3A_825, %lt3A_833 : vector<16xf32>
          %lt3A_835 = arith.constant 6.400000e-01 : f32
          %lt3A_836 = vector.broadcast %lt3A_835 : f32 to vector<16xf32>
          %lt3A_837 = arith.cmpf olt, %add3A_825, %lt3A_836 : vector<16xf32>
          %lt3A_838 = arith.constant 16 : i32
          %lt3A_839 = arith.cmpi slt, %min3A_792, %lt3A_838 : i32
          %and3A_840 = vector.broadcast %lt3A_839 : i1 to vector<16xi1>
          %and3A_841 = arith.andi %lt3A_831, %and3A_840 : vector<16xi1>
          %swap3A_842 = arith.index_cast %min3A_792 : i32 to index
          %swap3A_843 = tpu.vector_load %arg14[%swap3A_842] masked %and3A_841 {strides = array<i32>} : memref<32xi32, #tpu.memory_space<vmem>>, vector<16xi32>, vector<16xi1>
          tpu.vector_store %arg14[%swap3A_842], %add3A_828 masked %and3A_841 {strides = array<i32>} : memref<32xi32, #tpu.memory_space<vmem>>, vector<16xi32>, vector<16xi1>
          %lt3A_844 = arith.constant 32 : i32
          %lt3A_845 = arith.cmpi slt, %min3A_798, %lt3A_844 : i32
          %and3A_846 = vector.broadcast %lt3A_845 : i1 to vector<16xi1>
          %and3A_847 = arith.andi %lt3A_834, %and3A_846 : vector<16xi1>
          %swap3A_848 = arith.index_cast %min3A_798 : i32 to index
          %swap3A_849 = tpu.vector_load %arg15[%swap3A_848] masked %and3A_847 {strides = array<i32>} : memref<48xi32, #tpu.memory_space<vmem>>, vector<16xi32>, vector<16xi1>
          tpu.vector_store %arg15[%swap3A_848], %add3A_828 masked %and3A_847 {strides = array<i32>} : memref<48xi32, #tpu.memory_space<vmem>>, vector<16xi32>, vector<16xi1>
          %lt3A_850 = arith.constant 64 : i32
          %lt3A_851 = arith.cmpi slt, %min3A_804, %lt3A_850 : i32
          %and3A_852 = vector.broadcast %lt3A_851 : i1 to vector<16xi1>
          %and3A_853 = arith.andi %lt3A_837, %and3A_852 : vector<16xi1>
          %swap3A_854 = arith.index_cast %min3A_804 : i32 to index
          %swap3A_855 = tpu.vector_load %arg16[%swap3A_854] masked %and3A_853 {strides = array<i32>} : memref<80xi32, #tpu.memory_space<vmem>>, vector<16xi32>, vector<16xi1>
          tpu.vector_store %arg16[%swap3A_854], %add3A_828 masked %and3A_853 {strides = array<i32>} : memref<80xi32, #tpu.memory_space<vmem>>, vector<16xi32>, vector<16xi1>
          %all_reduce_population_count3A_856 = tpu.all_reduce %lt3A_831 {dim = 0 : i64, kind = #tpu.reduction_kind<sum>} : vector<16xi1> -> vector<16xi32>
          %slice3A_857 = vector.extract_strided_slice %all_reduce_population_count3A_856 {offsets = [0], sizes = [1], strides = [1]} : vector<16xi32> to vector<1xi32>
          %squeeze3A_858 = vector.extract %slice3A_857[0] : i32 from vector<1xi32>
          %add3A_859 = arith.addi %min3A_792, %squeeze3A_858 : i32
          %min3A_860 = arith.constant 16 : i32
          %min3A_861 = arith.minsi %add3A_859, %min3A_860 : i32
          %all_reduce_population_count3A_862 = tpu.all_reduce %lt3A_834 {dim = 0 : i64, kind = #tpu.reduction_kind<sum>} : vector<16xi1> -> vector<16xi32>
          %slice3A_863 = vector.extract_strided_slice %all_reduce_population_count3A_862 {offsets = [0], sizes = [1], strides = [1]} : vector<16xi32> to vector<1xi32>
          %squeeze3A_864 = vector.extract %slice3A_863[0] : i32 from vector<1xi32>
          %add3A_865 = arith.addi %min3A_798, %squeeze3A_864 : i32
          %min3A_866 = arith.constant 32 : i32
          %min3A_867 = arith.minsi %add3A_865, %min3A_866 : i32
          %all_reduce_population_count3A_868 = tpu.all_reduce %lt3A_837 {dim = 0 : i64, kind = #tpu.reduction_kind<sum>} : vector<16xi1> -> vector<16xi32>
          %slice3A_869 = vector.extract_strided_slice %all_reduce_population_count3A_868 {offsets = [0], sizes = [1], strides = [1]} : vector<16xi32> to vector<1xi32>
          %squeeze3A_870 = vector.extract %slice3A_869[0] : i32 from vector<1xi32>
          %add3A_871 = arith.addi %min3A_804, %squeeze3A_870 : i32
          %min3A_872 = arith.constant 64 : i32
          %min3A_873 = arith.minsi %add3A_871, %min3A_872 : i32
          %mul3A_874 = arith.constant 256 : i32
          %mul3A_875 = arith.muli %scan3A_242, %mul3A_874 : i32
          %add3A_876 = arith.constant 144 : i32
          %add3A_877 = arith.addi %mul3A_875, %add3A_876 : i32
          %get3A_878 = arith.index_cast %add3A_877 : i32 to index
          %get3A_879 = tpu.vector_load %arg8[%get3A_878] {strides = array<i32>} : memref<4096xf32, #tpu.memory_space<vmem>>, vector<16xf32>,
          %get3A_880 = arith.index_cast %add3A_877 : i32 to index
          %get3A_881 = tpu.vector_load %arg9[%get3A_880] {strides = array<i32>} : memref<4096xf32, #tpu.memory_space<vmem>>, vector<16xf32>,
          %get3A_882 = arith.index_cast %add3A_877 : i32 to index
          %get3A_883 = tpu.vector_load %arg10[%get3A_882] {strides = array<i32>} : memref<4096xf32, #tpu.memory_space<vmem>>, vector<16xf32>,
          %sub3A_884 = vector.broadcast %squeeze3A : f32 to vector<16xf32>
          %sub3A_885 = arith.subf %get3A_879, %sub3A_884 : vector<16xf32>
          %sub3A_886 = vector.broadcast %squeeze3A_103 : f32 to vector<16xf32>
          %sub3A_887 = arith.subf %get3A_881, %sub3A_886 : vector<16xf32>
          %sub3A_888 = vector.broadcast %squeeze3A_107 : f32 to vector<16xf32>
          %sub3A_889 = arith.subf %get3A_883, %sub3A_888 : vector<16xf32>
          %mul3A_890 = arith.mulf %sub3A_885, %sub3A_885 : vector<16xf32>
          %mul3A_891 = arith.mulf %sub3A_887, %sub3A_887 : vector<16xf32>
          %add3A_892 = arith.addf %mul3A_890, %mul3A_891 : vector<16xf32>
          %mul3A_893 = arith.mulf %sub3A_889, %sub3A_889 : vector<16xf32>
          %add3A_894 = arith.addf %add3A_892, %mul3A_893 : vector<16xf32>
          %add3A_895 = arith.addi %add3A_877, %mul3A_73 : i32
          %add3A_896 = vector.broadcast %add3A_895 : i32 to vector<16xi32>
          %add3A_897 = arith.addi %iota3A, %add3A_896 : vector<16xi32>
          %lt3A_898 = arith.constant 4.000000e-02 : f32
          %lt3A_899 = vector.broadcast %lt3A_898 : f32 to vector<16xf32>
          %lt3A_900 = arith.cmpf olt, %add3A_894, %lt3A_899 : vector<16xf32>
          %lt3A_901 = arith.constant 1.600000e-01 : f32
          %lt3A_902 = vector.broadcast %lt3A_901 : f32 to vector<16xf32>
          %lt3A_903 = arith.cmpf olt, %add3A_894, %lt3A_902 : vector<16xf32>
          %lt3A_904 = arith.constant 6.400000e-01 : f32
          %lt3A_905 = vector.broadcast %lt3A_904 : f32 to vector<16xf32>
          %lt3A_906 = arith.cmpf olt, %add3A_894, %lt3A_905 : vector<16xf32>
          %lt3A_907 = arith.constant 16 : i32
          %lt3A_908 = arith.cmpi slt, %min3A_861, %lt3A_907 : i32
          %and3A_909 = vector.broadcast %lt3A_908 : i1 to vector<16xi1>
          %and3A_910 = arith.andi %lt3A_900, %and3A_909 : vector<16xi1>
          %swap3A_911 = arith.index_cast %min3A_861 : i32 to index
          %swap3A_912 = tpu.vector_load %arg14[%swap3A_911] masked %and3A_910 {strides = array<i32>} : memref<32xi32, #tpu.memory_space<vmem>>, vector<16xi32>, vector<16xi1>
          tpu.vector_store %arg14[%swap3A_911], %add3A_897 masked %and3A_910 {strides = array<i32>} : memref<32xi32, #tpu.memory_space<vmem>>, vector<16xi32>, vector<16xi1>
          %lt3A_913 = arith.constant 32 : i32
          %lt3A_914 = arith.cmpi slt, %min3A_867, %lt3A_913 : i32
          %and3A_915 = vector.broadcast %lt3A_914 : i1 to vector<16xi1>
          %and3A_916 = arith.andi %lt3A_903, %and3A_915 : vector<16xi1>
          %swap3A_917 = arith.index_cast %min3A_867 : i32 to index
          %swap3A_918 = tpu.vector_load %arg15[%swap3A_917] masked %and3A_916 {strides = array<i32>} : memref<48xi32, #tpu.memory_space<vmem>>, vector<16xi32>, vector<16xi1>
          tpu.vector_store %arg15[%swap3A_917], %add3A_897 masked %and3A_916 {strides = array<i32>} : memref<48xi32, #tpu.memory_space<vmem>>, vector<16xi32>, vector<16xi1>
          %lt3A_919 = arith.constant 64 : i32
          %lt3A_920 = arith.cmpi slt, %min3A_873, %lt3A_919 : i32
          %and3A_921 = vector.broadcast %lt3A_920 : i1 to vector<16xi1>
          %and3A_922 = arith.andi %lt3A_906, %and3A_921 : vector<16xi1>
          %swap3A_923 = arith.index_cast %min3A_873 : i32 to index
          %swap3A_924 = tpu.vector_load %arg16[%swap3A_923] masked %and3A_922 {strides = array<i32>} : memref<80xi32, #tpu.memory_space<vmem>>, vector<16xi32>, vector<16xi1>
          tpu.vector_store %arg16[%swap3A_923], %add3A_897 masked %and3A_922 {strides = array<i32>} : memref<80xi32, #tpu.memory_space<vmem>>, vector<16xi32>, vector<16xi1>
          %all_reduce_population_count3A_925 = tpu.all_reduce %lt3A_900 {dim = 0 : i64, kind = #tpu.reduction_kind<sum>} : vector<16xi1> -> vector<16xi32>
          %slice3A_926 = vector.extract_strided_slice %all_reduce_population_count3A_925 {offsets = [0], sizes = [1], strides = [1]} : vector<16xi32> to vector<1xi32>
          %squeeze3A_927 = vector.extract %slice3A_926[0] : i32 from vector<1xi32>
          %add3A_928 = arith.addi %min3A_861, %squeeze3A_927 : i32
          %min3A_929 = arith.constant 16 : i32
          %min3A_930 = arith.minsi %add3A_928, %min3A_929 : i32
          %all_reduce_population_count3A_931 = tpu.all_reduce %lt3A_903 {dim = 0 : i64, kind = #tpu.reduction_kind<sum>} : vector<16xi1> -> vector<16xi32>
          %slice3A_932 = vector.extract_strided_slice %all_reduce_population_count3A_931 {offsets = [0], sizes = [1], strides = [1]} : vector<16xi32> to vector<1xi32>
          %squeeze3A_933 = vector.extract %slice3A_932[0] : i32 from vector<1xi32>
          %add3A_934 = arith.addi %min3A_867, %squeeze3A_933 : i32
          %min3A_935 = arith.constant 32 : i32
          %min3A_936 = arith.minsi %add3A_934, %min3A_935 : i32
          %all_reduce_population_count3A_937 = tpu.all_reduce %lt3A_906 {dim = 0 : i64, kind = #tpu.reduction_kind<sum>} : vector<16xi1> -> vector<16xi32>
          %slice3A_938 = vector.extract_strided_slice %all_reduce_population_count3A_937 {offsets = [0], sizes = [1], strides = [1]} : vector<16xi32> to vector<1xi32>
          %squeeze3A_939 = vector.extract %slice3A_938[0] : i32 from vector<1xi32>
          %add3A_940 = arith.addi %min3A_873, %squeeze3A_939 : i32
          %min3A_941 = arith.constant 64 : i32
          %min3A_942 = arith.minsi %add3A_940, %min3A_941 : i32
          %mul3A_943 = arith.constant 256 : i32
          %mul3A_944 = arith.muli %scan3A_242, %mul3A_943 : i32
          %add3A_945 = arith.constant 160 : i32
          %add3A_946 = arith.addi %mul3A_944, %add3A_945 : i32
          %get3A_947 = arith.index_cast %add3A_946 : i32 to index
          %get3A_948 = tpu.vector_load %arg8[%get3A_947] {strides = array<i32>} : memref<4096xf32, #tpu.memory_space<vmem>>, vector<16xf32>,
          %get3A_949 = arith.index_cast %add3A_946 : i32 to index
          %get3A_950 = tpu.vector_load %arg9[%get3A_949] {strides = array<i32>} : memref<4096xf32, #tpu.memory_space<vmem>>, vector<16xf32>,
          %get3A_951 = arith.index_cast %add3A_946 : i32 to index
          %get3A_952 = tpu.vector_load %arg10[%get3A_951] {strides = array<i32>} : memref<4096xf32, #tpu.memory_space<vmem>>, vector<16xf32>,
          %sub3A_953 = vector.broadcast %squeeze3A : f32 to vector<16xf32>
          %sub3A_954 = arith.subf %get3A_948, %sub3A_953 : vector<16xf32>
          %sub3A_955 = vector.broadcast %squeeze3A_103 : f32 to vector<16xf32>
          %sub3A_956 = arith.subf %get3A_950, %sub3A_955 : vector<16xf32>
          %sub3A_957 = vector.broadcast %squeeze3A_107 : f32 to vector<16xf32>
          %sub3A_958 = arith.subf %get3A_952, %sub3A_957 : vector<16xf32>
          %mul3A_959 = arith.mulf %sub3A_954, %sub3A_954 : vector<16xf32>
          %mul3A_960 = arith.mulf %sub3A_956, %sub3A_956 : vector<16xf32>
          %add3A_961 = arith.addf %mul3A_959, %mul3A_960 : vector<16xf32>
          %mul3A_962 = arith.mulf %sub3A_958, %sub3A_958 : vector<16xf32>
          %add3A_963 = arith.addf %add3A_961, %mul3A_962 : vector<16xf32>
          %add3A_964 = arith.addi %add3A_946, %mul3A_73 : i32
          %add3A_965 = vector.broadcast %add3A_964 : i32 to vector<16xi32>
          %add3A_966 = arith.addi %iota3A, %add3A_965 : vector<16xi32>
          %lt3A_967 = arith.constant 4.000000e-02 : f32
          %lt3A_968 = vector.broadcast %lt3A_967 : f32 to vector<16xf32>
          %lt3A_969 = arith.cmpf olt, %add3A_963, %lt3A_968 : vector<16xf32>
          %lt3A_970 = arith.constant 1.600000e-01 : f32
          %lt3A_971 = vector.broadcast %lt3A_970 : f32 to vector<16xf32>
          %lt3A_972 = arith.cmpf olt, %add3A_963, %lt3A_971 : vector<16xf32>
          %lt3A_973 = arith.constant 6.400000e-01 : f32
          %lt3A_974 = vector.broadcast %lt3A_973 : f32 to vector<16xf32>
          %lt3A_975 = arith.cmpf olt, %add3A_963, %lt3A_974 : vector<16xf32>
          %lt3A_976 = arith.constant 16 : i32
          %lt3A_977 = arith.cmpi slt, %min3A_930, %lt3A_976 : i32
          %and3A_978 = vector.broadcast %lt3A_977 : i1 to vector<16xi1>
          %and3A_979 = arith.andi %lt3A_969, %and3A_978 : vector<16xi1>
          %swap3A_980 = arith.index_cast %min3A_930 : i32 to index
          %swap3A_981 = tpu.vector_load %arg14[%swap3A_980] masked %and3A_979 {strides = array<i32>} : memref<32xi32, #tpu.memory_space<vmem>>, vector<16xi32>, vector<16xi1>
          tpu.vector_store %arg14[%swap3A_980], %add3A_966 masked %and3A_979 {strides = array<i32>} : memref<32xi32, #tpu.memory_space<vmem>>, vector<16xi32>, vector<16xi1>
          %lt3A_982 = arith.constant 32 : i32
          %lt3A_983 = arith.cmpi slt, %min3A_936, %lt3A_982 : i32
          %and3A_984 = vector.broadcast %lt3A_983 : i1 to vector<16xi1>
          %and3A_985 = arith.andi %lt3A_972, %and3A_984 : vector<16xi1>
          %swap3A_986 = arith.index_cast %min3A_936 : i32 to index
          %swap3A_987 = tpu.vector_load %arg15[%swap3A_986] masked %and3A_985 {strides = array<i32>} : memref<48xi32, #tpu.memory_space<vmem>>, vector<16xi32>, vector<16xi1>
          tpu.vector_store %arg15[%swap3A_986], %add3A_966 masked %and3A_985 {strides = array<i32>} : memref<48xi32, #tpu.memory_space<vmem>>, vector<16xi32>, vector<16xi1>
          %lt3A_988 = arith.constant 64 : i32
          %lt3A_989 = arith.cmpi slt, %min3A_942, %lt3A_988 : i32
          %and3A_990 = vector.broadcast %lt3A_989 : i1 to vector<16xi1>
          %and3A_991 = arith.andi %lt3A_975, %and3A_990 : vector<16xi1>
          %swap3A_992 = arith.index_cast %min3A_942 : i32 to index
          %swap3A_993 = tpu.vector_load %arg16[%swap3A_992] masked %and3A_991 {strides = array<i32>} : memref<80xi32, #tpu.memory_space<vmem>>, vector<16xi32>, vector<16xi1>
          tpu.vector_store %arg16[%swap3A_992], %add3A_966 masked %and3A_991 {strides = array<i32>} : memref<80xi32, #tpu.memory_space<vmem>>, vector<16xi32>, vector<16xi1>
          %all_reduce_population_count3A_994 = tpu.all_reduce %lt3A_969 {dim = 0 : i64, kind = #tpu.reduction_kind<sum>} : vector<16xi1> -> vector<16xi32>
          %slice3A_995 = vector.extract_strided_slice %all_reduce_population_count3A_994 {offsets = [0], sizes = [1], strides = [1]} : vector<16xi32> to vector<1xi32>
          %squeeze3A_996 = vector.extract %slice3A_995[0] : i32 from vector<1xi32>
          %add3A_997 = arith.addi %min3A_930, %squeeze3A_996 : i32
          %min3A_998 = arith.constant 16 : i32
          %min3A_999 = arith.minsi %add3A_997, %min3A_998 : i32
          %all_reduce_population_count3A_1000 = tpu.all_reduce %lt3A_972 {dim = 0 : i64, kind = #tpu.reduction_kind<sum>} : vector<16xi1> -> vector<16xi32>
          %slice3A_1001 = vector.extract_strided_slice %all_reduce_population_count3A_1000 {offsets = [0], sizes = [1], strides = [1]} : vector<16xi32> to vector<1xi32>
          %squeeze3A_1002 = vector.extract %slice3A_1001[0] : i32 from vector<1xi32>
          %add3A_1003 = arith.addi %min3A_936, %squeeze3A_1002 : i32
          %min3A_1004 = arith.constant 32 : i32
          %min3A_1005 = arith.minsi %add3A_1003, %min3A_1004 : i32
          %all_reduce_population_count3A_1006 = tpu.all_reduce %lt3A_975 {dim = 0 : i64, kind = #tpu.reduction_kind<sum>} : vector<16xi1> -> vector<16xi32>
          %slice3A_1007 = vector.extract_strided_slice %all_reduce_population_count3A_1006 {offsets = [0], sizes = [1], strides = [1]} : vector<16xi32> to vector<1xi32>
          %squeeze3A_1008 = vector.extract %slice3A_1007[0] : i32 from vector<1xi32>
          %add3A_1009 = arith.addi %min3A_942, %squeeze3A_1008 : i32
          %min3A_1010 = arith.constant 64 : i32
          %min3A_1011 = arith.minsi %add3A_1009, %min3A_1010 : i32
          %mul3A_1012 = arith.constant 256 : i32
          %mul3A_1013 = arith.muli %scan3A_242, %mul3A_1012 : i32
          %add3A_1014 = arith.constant 176 : i32
          %add3A_1015 = arith.addi %mul3A_1013, %add3A_1014 : i32
          %get3A_1016 = arith.index_cast %add3A_1015 : i32 to index
          %get3A_1017 = tpu.vector_load %arg8[%get3A_1016] {strides = array<i32>} : memref<4096xf32, #tpu.memory_space<vmem>>, vector<16xf32>,
          %get3A_1018 = arith.index_cast %add3A_1015 : i32 to index
          %get3A_1019 = tpu.vector_load %arg9[%get3A_1018] {strides = array<i32>} : memref<4096xf32, #tpu.memory_space<vmem>>, vector<16xf32>,
          %get3A_1020 = arith.index_cast %add3A_1015 : i32 to index
          %get3A_1021 = tpu.vector_load %arg10[%get3A_1020] {strides = array<i32>} : memref<4096xf32, #tpu.memory_space<vmem>>, vector<16xf32>,
          %sub3A_1022 = vector.broadcast %squeeze3A : f32 to vector<16xf32>
          %sub3A_1023 = arith.subf %get3A_1017, %sub3A_1022 : vector<16xf32>
          %sub3A_1024 = vector.broadcast %squeeze3A_103 : f32 to vector<16xf32>
          %sub3A_1025 = arith.subf %get3A_1019, %sub3A_1024 : vector<16xf32>
          %sub3A_1026 = vector.broadcast %squeeze3A_107 : f32 to vector<16xf32>
          %sub3A_1027 = arith.subf %get3A_1021, %sub3A_1026 : vector<16xf32>
          %mul3A_1028 = arith.mulf %sub3A_1023, %sub3A_1023 : vector<16xf32>
          %mul3A_1029 = arith.mulf %sub3A_1025, %sub3A_1025 : vector<16xf32>
          %add3A_1030 = arith.addf %mul3A_1028, %mul3A_1029 : vector<16xf32>
          %mul3A_1031 = arith.mulf %sub3A_1027, %sub3A_1027 : vector<16xf32>
          %add3A_1032 = arith.addf %add3A_1030, %mul3A_1031 : vector<16xf32>
          %add3A_1033 = arith.addi %add3A_1015, %mul3A_73 : i32
          %add3A_1034 = vector.broadcast %add3A_1033 : i32 to vector<16xi32>
          %add3A_1035 = arith.addi %iota3A, %add3A_1034 : vector<16xi32>
          %lt3A_1036 = arith.constant 4.000000e-02 : f32
          %lt3A_1037 = vector.broadcast %lt3A_1036 : f32 to vector<16xf32>
          %lt3A_1038 = arith.cmpf olt, %add3A_1032, %lt3A_1037 : vector<16xf32>
          %lt3A_1039 = arith.constant 1.600000e-01 : f32
          %lt3A_1040 = vector.broadcast %lt3A_1039 : f32 to vector<16xf32>
          %lt3A_1041 = arith.cmpf olt, %add3A_1032, %lt3A_1040 : vector<16xf32>
          %lt3A_1042 = arith.constant 6.400000e-01 : f32
          %lt3A_1043 = vector.broadcast %lt3A_1042 : f32 to vector<16xf32>
          %lt3A_1044 = arith.cmpf olt, %add3A_1032, %lt3A_1043 : vector<16xf32>
          %lt3A_1045 = arith.constant 16 : i32
          %lt3A_1046 = arith.cmpi slt, %min3A_999, %lt3A_1045 : i32
          %and3A_1047 = vector.broadcast %lt3A_1046 : i1 to vector<16xi1>
          %and3A_1048 = arith.andi %lt3A_1038, %and3A_1047 : vector<16xi1>
          %swap3A_1049 = arith.index_cast %min3A_999 : i32 to index
          %swap3A_1050 = tpu.vector_load %arg14[%swap3A_1049] masked %and3A_1048 {strides = array<i32>} : memref<32xi32, #tpu.memory_space<vmem>>, vector<16xi32>, vector<16xi1>
          tpu.vector_store %arg14[%swap3A_1049], %add3A_1035 masked %and3A_1048 {strides = array<i32>} : memref<32xi32, #tpu.memory_space<vmem>>, vector<16xi32>, vector<16xi1>
          %lt3A_1051 = arith.constant 32 : i32
          %lt3A_1052 = arith.cmpi slt, %min3A_1005, %lt3A_1051 : i32
          %and3A_1053 = vector.broadcast %lt3A_1052 : i1 to vector<16xi1>
          %and3A_1054 = arith.andi %lt3A_1041, %and3A_1053 : vector<16xi1>
          %swap3A_1055 = arith.index_cast %min3A_1005 : i32 to index
          %swap3A_1056 = tpu.vector_load %arg15[%swap3A_1055] masked %and3A_1054 {strides = array<i32>} : memref<48xi32, #tpu.memory_space<vmem>>, vector<16xi32>, vector<16xi1>
          tpu.vector_store %arg15[%swap3A_1055], %add3A_1035 masked %and3A_1054 {strides = array<i32>} : memref<48xi32, #tpu.memory_space<vmem>>, vector<16xi32>, vector<16xi1>
          %lt3A_1057 = arith.constant 64 : i32
          %lt3A_1058 = arith.cmpi slt, %min3A_1011, %lt3A_1057 : i32
          %and3A_1059 = vector.broadcast %lt3A_1058 : i1 to vector<16xi1>
          %and3A_1060 = arith.andi %lt3A_1044, %and3A_1059 : vector<16xi1>
          %swap3A_1061 = arith.index_cast %min3A_1011 : i32 to index
          %swap3A_1062 = tpu.vector_load %arg16[%swap3A_1061] masked %and3A_1060 {strides = array<i32>} : memref<80xi32, #tpu.memory_space<vmem>>, vector<16xi32>, vector<16xi1>
          tpu.vector_store %arg16[%swap3A_1061], %add3A_1035 masked %and3A_1060 {strides = array<i32>} : memref<80xi32, #tpu.memory_space<vmem>>, vector<16xi32>, vector<16xi1>
          %all_reduce_population_count3A_1063 = tpu.all_reduce %lt3A_1038 {dim = 0 : i64, kind = #tpu.reduction_kind<sum>} : vector<16xi1> -> vector<16xi32>
          %slice3A_1064 = vector.extract_strided_slice %all_reduce_population_count3A_1063 {offsets = [0], sizes = [1], strides = [1]} : vector<16xi32> to vector<1xi32>
          %squeeze3A_1065 = vector.extract %slice3A_1064[0] : i32 from vector<1xi32>
          %add3A_1066 = arith.addi %min3A_999, %squeeze3A_1065 : i32
          %min3A_1067 = arith.constant 16 : i32
          %min3A_1068 = arith.minsi %add3A_1066, %min3A_1067 : i32
          %all_reduce_population_count3A_1069 = tpu.all_reduce %lt3A_1041 {dim = 0 : i64, kind = #tpu.reduction_kind<sum>} : vector<16xi1> -> vector<16xi32>
          %slice3A_1070 = vector.extract_strided_slice %all_reduce_population_count3A_1069 {offsets = [0], sizes = [1], strides = [1]} : vector<16xi32> to vector<1xi32>
          %squeeze3A_1071 = vector.extract %slice3A_1070[0] : i32 from vector<1xi32>
          %add3A_1072 = arith.addi %min3A_1005, %squeeze3A_1071 : i32
          %min3A_1073 = arith.constant 32 : i32
          %min3A_1074 = arith.minsi %add3A_1072, %min3A_1073 : i32
          %all_reduce_population_count3A_1075 = tpu.all_reduce %lt3A_1044 {dim = 0 : i64, kind = #tpu.reduction_kind<sum>} : vector<16xi1> -> vector<16xi32>
          %slice3A_1076 = vector.extract_strided_slice %all_reduce_population_count3A_1075 {offsets = [0], sizes = [1], strides = [1]} : vector<16xi32> to vector<1xi32>
          %squeeze3A_1077 = vector.extract %slice3A_1076[0] : i32 from vector<1xi32>
          %add3A_1078 = arith.addi %min3A_1011, %squeeze3A_1077 : i32
          %min3A_1079 = arith.constant 64 : i32
          %min3A_1080 = arith.minsi %add3A_1078, %min3A_1079 : i32
          %mul3A_1081 = arith.constant 256 : i32
          %mul3A_1082 = arith.muli %scan3A_242, %mul3A_1081 : i32
          %add3A_1083 = arith.constant 192 : i32
          %add3A_1084 = arith.addi %mul3A_1082, %add3A_1083 : i32
          %get3A_1085 = arith.index_cast %add3A_1084 : i32 to index
          %get3A_1086 = tpu.vector_load %arg8[%get3A_1085] {strides = array<i32>} : memref<4096xf32, #tpu.memory_space<vmem>>, vector<16xf32>,
          %get3A_1087 = arith.index_cast %add3A_1084 : i32 to index
          %get3A_1088 = tpu.vector_load %arg9[%get3A_1087] {strides = array<i32>} : memref<4096xf32, #tpu.memory_space<vmem>>, vector<16xf32>,
          %get3A_1089 = arith.index_cast %add3A_1084 : i32 to index
          %get3A_1090 = tpu.vector_load %arg10[%get3A_1089] {strides = array<i32>} : memref<4096xf32, #tpu.memory_space<vmem>>, vector<16xf32>,
          %sub3A_1091 = vector.broadcast %squeeze3A : f32 to vector<16xf32>
          %sub3A_1092 = arith.subf %get3A_1086, %sub3A_1091 : vector<16xf32>
          %sub3A_1093 = vector.broadcast %squeeze3A_103 : f32 to vector<16xf32>
          %sub3A_1094 = arith.subf %get3A_1088, %sub3A_1093 : vector<16xf32>
          %sub3A_1095 = vector.broadcast %squeeze3A_107 : f32 to vector<16xf32>
          %sub3A_1096 = arith.subf %get3A_1090, %sub3A_1095 : vector<16xf32>
          %mul3A_1097 = arith.mulf %sub3A_1092, %sub3A_1092 : vector<16xf32>
          %mul3A_1098 = arith.mulf %sub3A_1094, %sub3A_1094 : vector<16xf32>
          %add3A_1099 = arith.addf %mul3A_1097, %mul3A_1098 : vector<16xf32>
          %mul3A_1100 = arith.mulf %sub3A_1096, %sub3A_1096 : vector<16xf32>
          %add3A_1101 = arith.addf %add3A_1099, %mul3A_1100 : vector<16xf32>
          %add3A_1102 = arith.addi %add3A_1084, %mul3A_73 : i32
          %add3A_1103 = vector.broadcast %add3A_1102 : i32 to vector<16xi32>
          %add3A_1104 = arith.addi %iota3A, %add3A_1103 : vector<16xi32>
          %lt3A_1105 = arith.constant 4.000000e-02 : f32
          %lt3A_1106 = vector.broadcast %lt3A_1105 : f32 to vector<16xf32>
          %lt3A_1107 = arith.cmpf olt, %add3A_1101, %lt3A_1106 : vector<16xf32>
          %lt3A_1108 = arith.constant 1.600000e-01 : f32
          %lt3A_1109 = vector.broadcast %lt3A_1108 : f32 to vector<16xf32>
          %lt3A_1110 = arith.cmpf olt, %add3A_1101, %lt3A_1109 : vector<16xf32>
          %lt3A_1111 = arith.constant 6.400000e-01 : f32
          %lt3A_1112 = vector.broadcast %lt3A_1111 : f32 to vector<16xf32>
          %lt3A_1113 = arith.cmpf olt, %add3A_1101, %lt3A_1112 : vector<16xf32>
          %lt3A_1114 = arith.constant 16 : i32
          %lt3A_1115 = arith.cmpi slt, %min3A_1068, %lt3A_1114 : i32
          %and3A_1116 = vector.broadcast %lt3A_1115 : i1 to vector<16xi1>
          %and3A_1117 = arith.andi %lt3A_1107, %and3A_1116 : vector<16xi1>
          %swap3A_1118 = arith.index_cast %min3A_1068 : i32 to index
          %swap3A_1119 = tpu.vector_load %arg14[%swap3A_1118] masked %and3A_1117 {strides = array<i32>} : memref<32xi32, #tpu.memory_space<vmem>>, vector<16xi32>, vector<16xi1>
          tpu.vector_store %arg14[%swap3A_1118], %add3A_1104 masked %and3A_1117 {strides = array<i32>} : memref<32xi32, #tpu.memory_space<vmem>>, vector<16xi32>, vector<16xi1>
          %lt3A_1120 = arith.constant 32 : i32
          %lt3A_1121 = arith.cmpi slt, %min3A_1074, %lt3A_1120 : i32
          %and3A_1122 = vector.broadcast %lt3A_1121 : i1 to vector<16xi1>
          %and3A_1123 = arith.andi %lt3A_1110, %and3A_1122 : vector<16xi1>
          %swap3A_1124 = arith.index_cast %min3A_1074 : i32 to index
          %swap3A_1125 = tpu.vector_load %arg15[%swap3A_1124] masked %and3A_1123 {strides = array<i32>} : memref<48xi32, #tpu.memory_space<vmem>>, vector<16xi32>, vector<16xi1>
          tpu.vector_store %arg15[%swap3A_1124], %add3A_1104 masked %and3A_1123 {strides = array<i32>} : memref<48xi32, #tpu.memory_space<vmem>>, vector<16xi32>, vector<16xi1>
          %lt3A_1126 = arith.constant 64 : i32
          %lt3A_1127 = arith.cmpi slt, %min3A_1080, %lt3A_1126 : i32
          %and3A_1128 = vector.broadcast %lt3A_1127 : i1 to vector<16xi1>
          %and3A_1129 = arith.andi %lt3A_1113, %and3A_1128 : vector<16xi1>
          %swap3A_1130 = arith.index_cast %min3A_1080 : i32 to index
          %swap3A_1131 = tpu.vector_load %arg16[%swap3A_1130] masked %and3A_1129 {strides = array<i32>} : memref<80xi32, #tpu.memory_space<vmem>>, vector<16xi32>, vector<16xi1>
          tpu.vector_store %arg16[%swap3A_1130], %add3A_1104 masked %and3A_1129 {strides = array<i32>} : memref<80xi32, #tpu.memory_space<vmem>>, vector<16xi32>, vector<16xi1>
          %all_reduce_population_count3A_1132 = tpu.all_reduce %lt3A_1107 {dim = 0 : i64, kind = #tpu.reduction_kind<sum>} : vector<16xi1> -> vector<16xi32>
          %slice3A_1133 = vector.extract_strided_slice %all_reduce_population_count3A_1132 {offsets = [0], sizes = [1], strides = [1]} : vector<16xi32> to vector<1xi32>
          %squeeze3A_1134 = vector.extract %slice3A_1133[0] : i32 from vector<1xi32>
          %add3A_1135 = arith.addi %min3A_1068, %squeeze3A_1134 : i32
          %min3A_1136 = arith.constant 16 : i32
          %min3A_1137 = arith.minsi %add3A_1135, %min3A_1136 : i32
          %all_reduce_population_count3A_1138 = tpu.all_reduce %lt3A_1110 {dim = 0 : i64, kind = #tpu.reduction_kind<sum>} : vector<16xi1> -> vector<16xi32>
          %slice3A_1139 = vector.extract_strided_slice %all_reduce_population_count3A_1138 {offsets = [0], sizes = [1], strides = [1]} : vector<16xi32> to vector<1xi32>
          %squeeze3A_1140 = vector.extract %slice3A_1139[0] : i32 from vector<1xi32>
          %add3A_1141 = arith.addi %min3A_1074, %squeeze3A_1140 : i32
          %min3A_1142 = arith.constant 32 : i32
          %min3A_1143 = arith.minsi %add3A_1141, %min3A_1142 : i32
          %all_reduce_population_count3A_1144 = tpu.all_reduce %lt3A_1113 {dim = 0 : i64, kind = #tpu.reduction_kind<sum>} : vector<16xi1> -> vector<16xi32>
          %slice3A_1145 = vector.extract_strided_slice %all_reduce_population_count3A_1144 {offsets = [0], sizes = [1], strides = [1]} : vector<16xi32> to vector<1xi32>
          %squeeze3A_1146 = vector.extract %slice3A_1145[0] : i32 from vector<1xi32>
          %add3A_1147 = arith.addi %min3A_1080, %squeeze3A_1146 : i32
          %min3A_1148 = arith.constant 64 : i32
          %min3A_1149 = arith.minsi %add3A_1147, %min3A_1148 : i32
          %mul3A_1150 = arith.constant 256 : i32
          %mul3A_1151 = arith.muli %scan3A_242, %mul3A_1150 : i32
          %add3A_1152 = arith.constant 208 : i32
          %add3A_1153 = arith.addi %mul3A_1151, %add3A_1152 : i32
          %get3A_1154 = arith.index_cast %add3A_1153 : i32 to index
          %get3A_1155 = tpu.vector_load %arg8[%get3A_1154] {strides = array<i32>} : memref<4096xf32, #tpu.memory_space<vmem>>, vector<16xf32>,
          %get3A_1156 = arith.index_cast %add3A_1153 : i32 to index
          %get3A_1157 = tpu.vector_load %arg9[%get3A_1156] {strides = array<i32>} : memref<4096xf32, #tpu.memory_space<vmem>>, vector<16xf32>,
          %get3A_1158 = arith.index_cast %add3A_1153 : i32 to index
          %get3A_1159 = tpu.vector_load %arg10[%get3A_1158] {strides = array<i32>} : memref<4096xf32, #tpu.memory_space<vmem>>, vector<16xf32>,
          %sub3A_1160 = vector.broadcast %squeeze3A : f32 to vector<16xf32>
          %sub3A_1161 = arith.subf %get3A_1155, %sub3A_1160 : vector<16xf32>
          %sub3A_1162 = vector.broadcast %squeeze3A_103 : f32 to vector<16xf32>
          %sub3A_1163 = arith.subf %get3A_1157, %sub3A_1162 : vector<16xf32>
          %sub3A_1164 = vector.broadcast %squeeze3A_107 : f32 to vector<16xf32>
          %sub3A_1165 = arith.subf %get3A_1159, %sub3A_1164 : vector<16xf32>
          %mul3A_1166 = arith.mulf %sub3A_1161, %sub3A_1161 : vector<16xf32>
          %mul3A_1167 = arith.mulf %sub3A_1163, %sub3A_1163 : vector<16xf32>
          %add3A_1168 = arith.addf %mul3A_1166, %mul3A_1167 : vector<16xf32>
          %mul3A_1169 = arith.mulf %sub3A_1165, %sub3A_1165 : vector<16xf32>
          %add3A_1170 = arith.addf %add3A_1168, %mul3A_1169 : vector<16xf32>
          %add3A_1171 = arith.addi %add3A_1153, %mul3A_73 : i32
          %add3A_1172 = vector.broadcast %add3A_1171 : i32 to vector<16xi32>
          %add3A_1173 = arith.addi %iota3A, %add3A_1172 : vector<16xi32>
          %lt3A_1174 = arith.constant 4.000000e-02 : f32
          %lt3A_1175 = vector.broadcast %lt3A_1174 : f32 to vector<16xf32>
          %lt3A_1176 = arith.cmpf olt, %add3A_1170, %lt3A_1175 : vector<16xf32>
          %lt3A_1177 = arith.constant 1.600000e-01 : f32
          %lt3A_1178 = vector.broadcast %lt3A_1177 : f32 to vector<16xf32>
          %lt3A_1179 = arith.cmpf olt, %add3A_1170, %lt3A_1178 : vector<16xf32>
          %lt3A_1180 = arith.constant 6.400000e-01 : f32
          %lt3A_1181 = vector.broadcast %lt3A_1180 : f32 to vector<16xf32>
          %lt3A_1182 = arith.cmpf olt, %add3A_1170, %lt3A_1181 : vector<16xf32>
          %lt3A_1183 = arith.constant 16 : i32
          %lt3A_1184 = arith.cmpi slt, %min3A_1137, %lt3A_1183 : i32
          %and3A_1185 = vector.broadcast %lt3A_1184 : i1 to vector<16xi1>
          %and3A_1186 = arith.andi %lt3A_1176, %and3A_1185 : vector<16xi1>
          %swap3A_1187 = arith.index_cast %min3A_1137 : i32 to index
          %swap3A_1188 = tpu.vector_load %arg14[%swap3A_1187] masked %and3A_1186 {strides = array<i32>} : memref<32xi32, #tpu.memory_space<vmem>>, vector<16xi32>, vector<16xi1>
          tpu.vector_store %arg14[%swap3A_1187], %add3A_1173 masked %and3A_1186 {strides = array<i32>} : memref<32xi32, #tpu.memory_space<vmem>>, vector<16xi32>, vector<16xi1>
          %lt3A_1189 = arith.constant 32 : i32
          %lt3A_1190 = arith.cmpi slt, %min3A_1143, %lt3A_1189 : i32
          %and3A_1191 = vector.broadcast %lt3A_1190 : i1 to vector<16xi1>
          %and3A_1192 = arith.andi %lt3A_1179, %and3A_1191 : vector<16xi1>
          %swap3A_1193 = arith.index_cast %min3A_1143 : i32 to index
          %swap3A_1194 = tpu.vector_load %arg15[%swap3A_1193] masked %and3A_1192 {strides = array<i32>} : memref<48xi32, #tpu.memory_space<vmem>>, vector<16xi32>, vector<16xi1>
          tpu.vector_store %arg15[%swap3A_1193], %add3A_1173 masked %and3A_1192 {strides = array<i32>} : memref<48xi32, #tpu.memory_space<vmem>>, vector<16xi32>, vector<16xi1>
          %lt3A_1195 = arith.constant 64 : i32
          %lt3A_1196 = arith.cmpi slt, %min3A_1149, %lt3A_1195 : i32
          %and3A_1197 = vector.broadcast %lt3A_1196 : i1 to vector<16xi1>
          %and3A_1198 = arith.andi %lt3A_1182, %and3A_1197 : vector<16xi1>
          %swap3A_1199 = arith.index_cast %min3A_1149 : i32 to index
          %swap3A_1200 = tpu.vector_load %arg16[%swap3A_1199] masked %and3A_1198 {strides = array<i32>} : memref<80xi32, #tpu.memory_space<vmem>>, vector<16xi32>, vector<16xi1>
          tpu.vector_store %arg16[%swap3A_1199], %add3A_1173 masked %and3A_1198 {strides = array<i32>} : memref<80xi32, #tpu.memory_space<vmem>>, vector<16xi32>, vector<16xi1>
          %all_reduce_population_count3A_1201 = tpu.all_reduce %lt3A_1176 {dim = 0 : i64, kind = #tpu.reduction_kind<sum>} : vector<16xi1> -> vector<16xi32>
          %slice3A_1202 = vector.extract_strided_slice %all_reduce_population_count3A_1201 {offsets = [0], sizes = [1], strides = [1]} : vector<16xi32> to vector<1xi32>
          %squeeze3A_1203 = vector.extract %slice3A_1202[0] : i32 from vector<1xi32>
          %add3A_1204 = arith.addi %min3A_1137, %squeeze3A_1203 : i32
          %min3A_1205 = arith.constant 16 : i32
          %min3A_1206 = arith.minsi %add3A_1204, %min3A_1205 : i32
          %all_reduce_population_count3A_1207 = tpu.all_reduce %lt3A_1179 {dim = 0 : i64, kind = #tpu.reduction_kind<sum>} : vector<16xi1> -> vector<16xi32>
          %slice3A_1208 = vector.extract_strided_slice %all_reduce_population_count3A_1207 {offsets = [0], sizes = [1], strides = [1]} : vector<16xi32> to vector<1xi32>
          %squeeze3A_1209 = vector.extract %slice3A_1208[0] : i32 from vector<1xi32>
          %add3A_1210 = arith.addi %min3A_1143, %squeeze3A_1209 : i32
          %min3A_1211 = arith.constant 32 : i32
          %min3A_1212 = arith.minsi %add3A_1210, %min3A_1211 : i32
          %all_reduce_population_count3A_1213 = tpu.all_reduce %lt3A_1182 {dim = 0 : i64, kind = #tpu.reduction_kind<sum>} : vector<16xi1> -> vector<16xi32>
          %slice3A_1214 = vector.extract_strided_slice %all_reduce_population_count3A_1213 {offsets = [0], sizes = [1], strides = [1]} : vector<16xi32> to vector<1xi32>
          %squeeze3A_1215 = vector.extract %slice3A_1214[0] : i32 from vector<1xi32>
          %add3A_1216 = arith.addi %min3A_1149, %squeeze3A_1215 : i32
          %min3A_1217 = arith.constant 64 : i32
          %min3A_1218 = arith.minsi %add3A_1216, %min3A_1217 : i32
          %mul3A_1219 = arith.constant 256 : i32
          %mul3A_1220 = arith.muli %scan3A_242, %mul3A_1219 : i32
          %add3A_1221 = arith.constant 224 : i32
          %add3A_1222 = arith.addi %mul3A_1220, %add3A_1221 : i32
          %get3A_1223 = arith.index_cast %add3A_1222 : i32 to index
          %get3A_1224 = tpu.vector_load %arg8[%get3A_1223] {strides = array<i32>} : memref<4096xf32, #tpu.memory_space<vmem>>, vector<16xf32>,
          %get3A_1225 = arith.index_cast %add3A_1222 : i32 to index
          %get3A_1226 = tpu.vector_load %arg9[%get3A_1225] {strides = array<i32>} : memref<4096xf32, #tpu.memory_space<vmem>>, vector<16xf32>,
          %get3A_1227 = arith.index_cast %add3A_1222 : i32 to index
          %get3A_1228 = tpu.vector_load %arg10[%get3A_1227] {strides = array<i32>} : memref<4096xf32, #tpu.memory_space<vmem>>, vector<16xf32>,
          %sub3A_1229 = vector.broadcast %squeeze3A : f32 to vector<16xf32>
          %sub3A_1230 = arith.subf %get3A_1224, %sub3A_1229 : vector<16xf32>
          %sub3A_1231 = vector.broadcast %squeeze3A_103 : f32 to vector<16xf32>
          %sub3A_1232 = arith.subf %get3A_1226, %sub3A_1231 : vector<16xf32>
          %sub3A_1233 = vector.broadcast %squeeze3A_107 : f32 to vector<16xf32>
          %sub3A_1234 = arith.subf %get3A_1228, %sub3A_1233 : vector<16xf32>
          %mul3A_1235 = arith.mulf %sub3A_1230, %sub3A_1230 : vector<16xf32>
          %mul3A_1236 = arith.mulf %sub3A_1232, %sub3A_1232 : vector<16xf32>
          %add3A_1237 = arith.addf %mul3A_1235, %mul3A_1236 : vector<16xf32>
          %mul3A_1238 = arith.mulf %sub3A_1234, %sub3A_1234 : vector<16xf32>
          %add3A_1239 = arith.addf %add3A_1237, %mul3A_1238 : vector<16xf32>
          %add3A_1240 = arith.addi %add3A_1222, %mul3A_73 : i32
          %add3A_1241 = vector.broadcast %add3A_1240 : i32 to vector<16xi32>
          %add3A_1242 = arith.addi %iota3A, %add3A_1241 : vector<16xi32>
          %lt3A_1243 = arith.constant 4.000000e-02 : f32
          %lt3A_1244 = vector.broadcast %lt3A_1243 : f32 to vector<16xf32>
          %lt3A_1245 = arith.cmpf olt, %add3A_1239, %lt3A_1244 : vector<16xf32>
          %lt3A_1246 = arith.constant 1.600000e-01 : f32
          %lt3A_1247 = vector.broadcast %lt3A_1246 : f32 to vector<16xf32>
          %lt3A_1248 = arith.cmpf olt, %add3A_1239, %lt3A_1247 : vector<16xf32>
          %lt3A_1249 = arith.constant 6.400000e-01 : f32
          %lt3A_1250 = vector.broadcast %lt3A_1249 : f32 to vector<16xf32>
          %lt3A_1251 = arith.cmpf olt, %add3A_1239, %lt3A_1250 : vector<16xf32>
          %lt3A_1252 = arith.constant 16 : i32
          %lt3A_1253 = arith.cmpi slt, %min3A_1206, %lt3A_1252 : i32
          %and3A_1254 = vector.broadcast %lt3A_1253 : i1 to vector<16xi1>
          %and3A_1255 = arith.andi %lt3A_1245, %and3A_1254 : vector<16xi1>
          %swap3A_1256 = arith.index_cast %min3A_1206 : i32 to index
          %swap3A_1257 = tpu.vector_load %arg14[%swap3A_1256] masked %and3A_1255 {strides = array<i32>} : memref<32xi32, #tpu.memory_space<vmem>>, vector<16xi32>, vector<16xi1>
          tpu.vector_store %arg14[%swap3A_1256], %add3A_1242 masked %and3A_1255 {strides = array<i32>} : memref<32xi32, #tpu.memory_space<vmem>>, vector<16xi32>, vector<16xi1>
          %lt3A_1258 = arith.constant 32 : i32
          %lt3A_1259 = arith.cmpi slt, %min3A_1212, %lt3A_1258 : i32
          %and3A_1260 = vector.broadcast %lt3A_1259 : i1 to vector<16xi1>
          %and3A_1261 = arith.andi %lt3A_1248, %and3A_1260 : vector<16xi1>
          %swap3A_1262 = arith.index_cast %min3A_1212 : i32 to index
          %swap3A_1263 = tpu.vector_load %arg15[%swap3A_1262] masked %and3A_1261 {strides = array<i32>} : memref<48xi32, #tpu.memory_space<vmem>>, vector<16xi32>, vector<16xi1>
          tpu.vector_store %arg15[%swap3A_1262], %add3A_1242 masked %and3A_1261 {strides = array<i32>} : memref<48xi32, #tpu.memory_space<vmem>>, vector<16xi32>, vector<16xi1>
          %lt3A_1264 = arith.constant 64 : i32
          %lt3A_1265 = arith.cmpi slt, %min3A_1218, %lt3A_1264 : i32
          %and3A_1266 = vector.broadcast %lt3A_1265 : i1 to vector<16xi1>
          %and3A_1267 = arith.andi %lt3A_1251, %and3A_1266 : vector<16xi1>
          %swap3A_1268 = arith.index_cast %min3A_1218 : i32 to index
          %swap3A_1269 = tpu.vector_load %arg16[%swap3A_1268] masked %and3A_1267 {strides = array<i32>} : memref<80xi32, #tpu.memory_space<vmem>>, vector<16xi32>, vector<16xi1>
          tpu.vector_store %arg16[%swap3A_1268], %add3A_1242 masked %and3A_1267 {strides = array<i32>} : memref<80xi32, #tpu.memory_space<vmem>>, vector<16xi32>, vector<16xi1>
          %all_reduce_population_count3A_1270 = tpu.all_reduce %lt3A_1245 {dim = 0 : i64, kind = #tpu.reduction_kind<sum>} : vector<16xi1> -> vector<16xi32>
          %slice3A_1271 = vector.extract_strided_slice %all_reduce_population_count3A_1270 {offsets = [0], sizes = [1], strides = [1]} : vector<16xi32> to vector<1xi32>
          %squeeze3A_1272 = vector.extract %slice3A_1271[0] : i32 from vector<1xi32>
          %add3A_1273 = arith.addi %min3A_1206, %squeeze3A_1272 : i32
          %min3A_1274 = arith.constant 16 : i32
          %min3A_1275 = arith.minsi %add3A_1273, %min3A_1274 : i32
          %all_reduce_population_count3A_1276 = tpu.all_reduce %lt3A_1248 {dim = 0 : i64, kind = #tpu.reduction_kind<sum>} : vector<16xi1> -> vector<16xi32>
          %slice3A_1277 = vector.extract_strided_slice %all_reduce_population_count3A_1276 {offsets = [0], sizes = [1], strides = [1]} : vector<16xi32> to vector<1xi32>
          %squeeze3A_1278 = vector.extract %slice3A_1277[0] : i32 from vector<1xi32>
          %add3A_1279 = arith.addi %min3A_1212, %squeeze3A_1278 : i32
          %min3A_1280 = arith.constant 32 : i32
          %min3A_1281 = arith.minsi %add3A_1279, %min3A_1280 : i32
          %all_reduce_population_count3A_1282 = tpu.all_reduce %lt3A_1251 {dim = 0 : i64, kind = #tpu.reduction_kind<sum>} : vector<16xi1> -> vector<16xi32>
          %slice3A_1283 = vector.extract_strided_slice %all_reduce_population_count3A_1282 {offsets = [0], sizes = [1], strides = [1]} : vector<16xi32> to vector<1xi32>
          %squeeze3A_1284 = vector.extract %slice3A_1283[0] : i32 from vector<1xi32>
          %add3A_1285 = arith.addi %min3A_1218, %squeeze3A_1284 : i32
          %min3A_1286 = arith.constant 64 : i32
          %min3A_1287 = arith.minsi %add3A_1285, %min3A_1286 : i32
          %mul3A_1288 = arith.constant 256 : i32
          %mul3A_1289 = arith.muli %scan3A_242, %mul3A_1288 : i32
          %add3A_1290 = arith.constant 240 : i32
          %add3A_1291 = arith.addi %mul3A_1289, %add3A_1290 : i32
          %get3A_1292 = arith.index_cast %add3A_1291 : i32 to index
          %get3A_1293 = tpu.vector_load %arg8[%get3A_1292] {strides = array<i32>} : memref<4096xf32, #tpu.memory_space<vmem>>, vector<16xf32>,
          %get3A_1294 = arith.index_cast %add3A_1291 : i32 to index
          %get3A_1295 = tpu.vector_load %arg9[%get3A_1294] {strides = array<i32>} : memref<4096xf32, #tpu.memory_space<vmem>>, vector<16xf32>,
          %get3A_1296 = arith.index_cast %add3A_1291 : i32 to index
          %get3A_1297 = tpu.vector_load %arg10[%get3A_1296] {strides = array<i32>} : memref<4096xf32, #tpu.memory_space<vmem>>, vector<16xf32>,
          %sub3A_1298 = vector.broadcast %squeeze3A : f32 to vector<16xf32>
          %sub3A_1299 = arith.subf %get3A_1293, %sub3A_1298 : vector<16xf32>
          %sub3A_1300 = vector.broadcast %squeeze3A_103 : f32 to vector<16xf32>
          %sub3A_1301 = arith.subf %get3A_1295, %sub3A_1300 : vector<16xf32>
          %sub3A_1302 = vector.broadcast %squeeze3A_107 : f32 to vector<16xf32>
          %sub3A_1303 = arith.subf %get3A_1297, %sub3A_1302 : vector<16xf32>
          %mul3A_1304 = arith.mulf %sub3A_1299, %sub3A_1299 : vector<16xf32>
          %mul3A_1305 = arith.mulf %sub3A_1301, %sub3A_1301 : vector<16xf32>
          %add3A_1306 = arith.addf %mul3A_1304, %mul3A_1305 : vector<16xf32>
          %mul3A_1307 = arith.mulf %sub3A_1303, %sub3A_1303 : vector<16xf32>
          %add3A_1308 = arith.addf %add3A_1306, %mul3A_1307 : vector<16xf32>
          %add3A_1309 = arith.addi %add3A_1291, %mul3A_73 : i32
          %add3A_1310 = vector.broadcast %add3A_1309 : i32 to vector<16xi32>
          %add3A_1311 = arith.addi %iota3A, %add3A_1310 : vector<16xi32>
          %lt3A_1312 = arith.constant 4.000000e-02 : f32
          %lt3A_1313 = vector.broadcast %lt3A_1312 : f32 to vector<16xf32>
          %lt3A_1314 = arith.cmpf olt, %add3A_1308, %lt3A_1313 : vector<16xf32>
          %lt3A_1315 = arith.constant 1.600000e-01 : f32
          %lt3A_1316 = vector.broadcast %lt3A_1315 : f32 to vector<16xf32>
          %lt3A_1317 = arith.cmpf olt, %add3A_1308, %lt3A_1316 : vector<16xf32>
          %lt3A_1318 = arith.constant 6.400000e-01 : f32
          %lt3A_1319 = vector.broadcast %lt3A_1318 : f32 to vector<16xf32>
          %lt3A_1320 = arith.cmpf olt, %add3A_1308, %lt3A_1319 : vector<16xf32>
          %lt3A_1321 = arith.constant 16 : i32
          %lt3A_1322 = arith.cmpi slt, %min3A_1275, %lt3A_1321 : i32
          %and3A_1323 = vector.broadcast %lt3A_1322 : i1 to vector<16xi1>
          %and3A_1324 = arith.andi %lt3A_1314, %and3A_1323 : vector<16xi1>
          %swap3A_1325 = arith.index_cast %min3A_1275 : i32 to index
          %swap3A_1326 = tpu.vector_load %arg14[%swap3A_1325] masked %and3A_1324 {strides = array<i32>} : memref<32xi32, #tpu.memory_space<vmem>>, vector<16xi32>, vector<16xi1>
          tpu.vector_store %arg14[%swap3A_1325], %add3A_1311 masked %and3A_1324 {strides = array<i32>} : memref<32xi32, #tpu.memory_space<vmem>>, vector<16xi32>, vector<16xi1>
          %lt3A_1327 = arith.constant 32 : i32
          %lt3A_1328 = arith.cmpi slt, %min3A_1281, %lt3A_1327 : i32
          %and3A_1329 = vector.broadcast %lt3A_1328 : i1 to vector<16xi1>
          %and3A_1330 = arith.andi %lt3A_1317, %and3A_1329 : vector<16xi1>
          %swap3A_1331 = arith.index_cast %min3A_1281 : i32 to index
          %swap3A_1332 = tpu.vector_load %arg15[%swap3A_1331] masked %and3A_1330 {strides = array<i32>} : memref<48xi32, #tpu.memory_space<vmem>>, vector<16xi32>, vector<16xi1>
          tpu.vector_store %arg15[%swap3A_1331], %add3A_1311 masked %and3A_1330 {strides = array<i32>} : memref<48xi32, #tpu.memory_space<vmem>>, vector<16xi32>, vector<16xi1>
          %lt3A_1333 = arith.constant 64 : i32
          %lt3A_1334 = arith.cmpi slt, %min3A_1287, %lt3A_1333 : i32
          %and3A_1335 = vector.broadcast %lt3A_1334 : i1 to vector<16xi1>
          %and3A_1336 = arith.andi %lt3A_1320, %and3A_1335 : vector<16xi1>
          %swap3A_1337 = arith.index_cast %min3A_1287 : i32 to index
          %swap3A_1338 = tpu.vector_load %arg16[%swap3A_1337] masked %and3A_1336 {strides = array<i32>} : memref<80xi32, #tpu.memory_space<vmem>>, vector<16xi32>, vector<16xi1>
          tpu.vector_store %arg16[%swap3A_1337], %add3A_1311 masked %and3A_1336 {strides = array<i32>} : memref<80xi32, #tpu.memory_space<vmem>>, vector<16xi32>, vector<16xi1>
          %all_reduce_population_count3A_1339 = tpu.all_reduce %lt3A_1314 {dim = 0 : i64, kind = #tpu.reduction_kind<sum>} : vector<16xi1> -> vector<16xi32>
          %slice3A_1340 = vector.extract_strided_slice %all_reduce_population_count3A_1339 {offsets = [0], sizes = [1], strides = [1]} : vector<16xi32> to vector<1xi32>
          %squeeze3A_1341 = vector.extract %slice3A_1340[0] : i32 from vector<1xi32>
          %add3A_1342 = arith.addi %min3A_1275, %squeeze3A_1341 : i32
          %min3A_1343 = arith.constant 16 : i32
          %min3A_1344 = arith.minsi %add3A_1342, %min3A_1343 : i32
          %all_reduce_population_count3A_1345 = tpu.all_reduce %lt3A_1317 {dim = 0 : i64, kind = #tpu.reduction_kind<sum>} : vector<16xi1> -> vector<16xi32>
          %slice3A_1346 = vector.extract_strided_slice %all_reduce_population_count3A_1345 {offsets = [0], sizes = [1], strides = [1]} : vector<16xi32> to vector<1xi32>
          %squeeze3A_1347 = vector.extract %slice3A_1346[0] : i32 from vector<1xi32>
          %add3A_1348 = arith.addi %min3A_1281, %squeeze3A_1347 : i32
          %min3A_1349 = arith.constant 32 : i32
          %min3A_1350 = arith.minsi %add3A_1348, %min3A_1349 : i32
          %all_reduce_population_count3A_1351 = tpu.all_reduce %lt3A_1320 {dim = 0 : i64, kind = #tpu.reduction_kind<sum>} : vector<16xi1> -> vector<16xi32>
          %slice3A_1352 = vector.extract_strided_slice %all_reduce_population_count3A_1351 {offsets = [0], sizes = [1], strides = [1]} : vector<16xi32> to vector<1xi32>
          %squeeze3A_1353 = vector.extract %slice3A_1352[0] : i32 from vector<1xi32>
          %add3A_1354 = arith.addi %min3A_1287, %squeeze3A_1353 : i32
          %min3A_1355 = arith.constant 64 : i32
          %min3A_1356 = arith.minsi %add3A_1354, %min3A_1355 : i32
          scf.yield %min3A_1344, %min3A_1350, %min3A_1356 : i32, i32, i32
        } else {
          scf.yield %scan3A_243, %scan3A_244, %scan3A_245 : i32, i32, i32
        }
        scf.yield %cond3A_254#0, %cond3A_254#1, %cond3A_254#2 : i32, i32, i32
      }
      %scan3A_121 = arith.constant 16 : i32
      %get3A_122 = arith.constant 0 : index
      %get3A_123 = tpu.vector_load %arg14[%get3A_122] {strides = array<i32>} : memref<32xi32, #tpu.memory_space<vmem>>, vector<16xi32>,
      %gt3A = arith.constant 0 : i32
      %gt3A_124 = arith.cmpi sgt, %scan3A_120#0, %gt3A : i32
      %slice3A_125 = vector.extract_strided_slice %get3A_123 {offsets = [0], sizes = [1], strides = [1]} : vector<16xi32> to vector<1xi32>
      %squeeze3A_126 = vector.extract %slice3A_125[0] : i32 from vector<1xi32>
      %select_n3A_127 = arith.select %gt3A_124, %squeeze3A_126, %mul3A_73 : i32
      %add3A_128 = arith.constant 0 : i32
      %add3A_129 = vector.broadcast %add3A_128 : i32 to vector<16xi32>
      %add3A_130 = arith.addi %iota3A, %add3A_129 : vector<16xi32>
      %lt3A_131 = vector.broadcast %scan3A_120#0 : i32 to vector<16xi32>
      %lt3A_132 = arith.cmpi slt, %add3A_130, %lt3A_131 : vector<16xi32>
      %broadcast_in_dim3A_133 = vector.broadcast %select_n3A_127 : i32 to vector<16xi32>
      %select_n3A_134 = arith.select %lt3A_132, %get3A_123, %broadcast_in_dim3A_133 : vector<16xi1>, vector<16xi32>
      %mul3A_135 = arith.constant 16 : i32
      %mul3A_136 = arith.muli %scan3A_97, %mul3A_135 : i32
      %add3A_137 = arith.constant 0 : i32
      %add3A_138 = arith.addi %mul3A_136, %add3A_137 : i32
      %swap3A_139 = arith.index_cast %add3A_138 : i32 to index
      %swap3A_140 = tpu.vector_load %arg17[%swap3A_139] {strides = array<i32>} : memref<8192xi32, #tpu.memory_space<vmem>>, vector<16xi32>,
      tpu.vector_store %arg17[%swap3A_139], %select_n3A_134 {strides = array<i32>} : memref<8192xi32, #tpu.memory_space<vmem>>, vector<16xi32>,
      %get3A_141 = arith.constant 0 : index
      %get3A_142 = tpu.vector_load %arg15[%get3A_141] {strides = array<i32>} : memref<48xi32, #tpu.memory_space<vmem>>, vector<16xi32>,
      %gt3A_143 = arith.constant 0 : i32
      %gt3A_144 = arith.cmpi sgt, %scan3A_120#1, %gt3A_143 : i32
      %slice3A_145 = vector.extract_strided_slice %get3A_142 {offsets = [0], sizes = [1], strides = [1]} : vector<16xi32> to vector<1xi32>
      %squeeze3A_146 = vector.extract %slice3A_145[0] : i32 from vector<1xi32>
      %select_n3A_147 = arith.select %gt3A_144, %squeeze3A_146, %mul3A_73 : i32
      %add3A_148 = arith.constant 0 : i32
      %add3A_149 = vector.broadcast %add3A_148 : i32 to vector<16xi32>
      %add3A_150 = arith.addi %iota3A, %add3A_149 : vector<16xi32>
      %lt3A_151 = vector.broadcast %scan3A_120#1 : i32 to vector<16xi32>
      %lt3A_152 = arith.cmpi slt, %add3A_150, %lt3A_151 : vector<16xi32>
      %broadcast_in_dim3A_153 = vector.broadcast %select_n3A_147 : i32 to vector<16xi32>
      %select_n3A_154 = arith.select %lt3A_152, %get3A_142, %broadcast_in_dim3A_153 : vector<16xi1>, vector<16xi32>
      %mul3A_155 = arith.constant 32 : i32
      %mul3A_156 = arith.muli %scan3A_97, %mul3A_155 : i32
      %add3A_157 = arith.constant 0 : i32
      %add3A_158 = arith.addi %mul3A_156, %add3A_157 : i32
      %swap3A_159 = arith.index_cast %add3A_158 : i32 to index
      %swap3A_160 = tpu.vector_load %arg18[%swap3A_159] {strides = array<i32>} : memref<16384xi32, #tpu.memory_space<vmem>>, vector<16xi32>,
      tpu.vector_store %arg18[%swap3A_159], %select_n3A_154 {strides = array<i32>} : memref<16384xi32, #tpu.memory_space<vmem>>, vector<16xi32>,
      %get3A_161 = arith.constant 16 : index
      %get3A_162 = tpu.vector_load %arg15[%get3A_161] {strides = array<i32>} : memref<48xi32, #tpu.memory_space<vmem>>, vector<16xi32>,
      %add3A_163 = arith.constant 16 : i32
      %add3A_164 = vector.broadcast %add3A_163 : i32 to vector<16xi32>
      %add3A_165 = arith.addi %iota3A, %add3A_164 : vector<16xi32>
      %lt3A_166 = vector.broadcast %scan3A_120#1 : i32 to vector<16xi32>
      %lt3A_167 = arith.cmpi slt, %add3A_165, %lt3A_166 : vector<16xi32>
      %broadcast_in_dim3A_168 = vector.broadcast %select_n3A_147 : i32 to vector<16xi32>
      %select_n3A_169 = arith.select %lt3A_167, %get3A_162, %broadcast_in_dim3A_168 : vector<16xi1>, vector<16xi32>
      %mul3A_170 = arith.constant 32 : i32
      %mul3A_171 = arith.muli %scan3A_97, %mul3A_170 : i32
      %add3A_172 = arith.constant 16 : i32
      %add3A_173 = arith.addi %mul3A_171, %add3A_172 : i32
      %swap3A_174 = arith.index_cast %add3A_173 : i32 to index
      %swap3A_175 = tpu.vector_load %arg18[%swap3A_174] {strides = array<i32>} : memref<16384xi32, #tpu.memory_space<vmem>>, vector<16xi32>,
      tpu.vector_store %arg18[%swap3A_174], %select_n3A_169 {strides = array<i32>} : memref<16384xi32, #tpu.memory_space<vmem>>, vector<16xi32>,
      %get3A_176 = arith.constant 0 : index
      %get3A_177 = tpu.vector_load %arg16[%get3A_176] {strides = array<i32>} : memref<80xi32, #tpu.memory_space<vmem>>, vector<16xi32>,
      %gt3A_178 = arith.constant 0 : i32
      %gt3A_179 = arith.cmpi sgt, %scan3A_120#2, %gt3A_178 : i32
      %slice3A_180 = vector.extract_strided_slice %get3A_177 {offsets = [0], sizes = [1], strides = [1]} : vector<16xi32> to vector<1xi32>
      %squeeze3A_181 = vector.extract %slice3A_180[0] : i32 from vector<1xi32>
      %select_n3A_182 = arith.select %gt3A_179, %squeeze3A_181, %mul3A_73 : i32
      %add3A_183 = arith.constant 0 : i32
      %add3A_184 = vector.broadcast %add3A_183 : i32 to vector<16xi32>
      %add3A_185 = arith.addi %iota3A, %add3A_184 : vector<16xi32>
      %lt3A_186 = vector.broadcast %scan3A_120#2 : i32 to vector<16xi32>
      %lt3A_187 = arith.cmpi slt, %add3A_185, %lt3A_186 : vector<16xi32>
      %broadcast_in_dim3A_188 = vector.broadcast %select_n3A_182 : i32 to vector<16xi32>
      %select_n3A_189 = arith.select %lt3A_187, %get3A_177, %broadcast_in_dim3A_188 : vector<16xi1>, vector<16xi32>
      %mul3A_190 = arith.constant 64 : i32
      %mul3A_191 = arith.muli %scan3A_97, %mul3A_190 : i32
      %add3A_192 = arith.constant 0 : i32
      %add3A_193 = arith.addi %mul3A_191, %add3A_192 : i32
      %swap3A_194 = arith.index_cast %add3A_193 : i32 to index
      %swap3A_195 = tpu.vector_load %arg19[%swap3A_194] {strides = array<i32>} : memref<32768xi32, #tpu.memory_space<vmem>>, vector<16xi32>,
      tpu.vector_store %arg19[%swap3A_194], %select_n3A_189 {strides = array<i32>} : memref<32768xi32, #tpu.memory_space<vmem>>, vector<16xi32>,
      %get3A_196 = arith.constant 16 : index
      %get3A_197 = tpu.vector_load %arg16[%get3A_196] {strides = array<i32>} : memref<80xi32, #tpu.memory_space<vmem>>, vector<16xi32>,
      %add3A_198 = arith.constant 16 : i32
      %add3A_199 = vector.broadcast %add3A_198 : i32 to vector<16xi32>
      %add3A_200 = arith.addi %iota3A, %add3A_199 : vector<16xi32>
      %lt3A_201 = vector.broadcast %scan3A_120#2 : i32 to vector<16xi32>
      %lt3A_202 = arith.cmpi slt, %add3A_200, %lt3A_201 : vector<16xi32>
      %broadcast_in_dim3A_203 = vector.broadcast %select_n3A_182 : i32 to vector<16xi32>
      %select_n3A_204 = arith.select %lt3A_202, %get3A_197, %broadcast_in_dim3A_203 : vector<16xi1>, vector<16xi32>
      %mul3A_205 = arith.constant 64 : i32
      %mul3A_206 = arith.muli %scan3A_97, %mul3A_205 : i32
      %add3A_207 = arith.constant 16 : i32
      %add3A_208 = arith.addi %mul3A_206, %add3A_207 : i32
      %swap3A_209 = arith.index_cast %add3A_208 : i32 to index
      %swap3A_210 = tpu.vector_load %arg19[%swap3A_209] {strides = array<i32>} : memref<32768xi32, #tpu.memory_space<vmem>>, vector<16xi32>,
      tpu.vector_store %arg19[%swap3A_209], %select_n3A_204 {strides = array<i32>} : memref<32768xi32, #tpu.memory_space<vmem>>, vector<16xi32>,
      %get3A_211 = arith.constant 32 : index
      %get3A_212 = tpu.vector_load %arg16[%get3A_211] {strides = array<i32>} : memref<80xi32, #tpu.memory_space<vmem>>, vector<16xi32>,
      %add3A_213 = arith.constant 32 : i32
      %add3A_214 = vector.broadcast %add3A_213 : i32 to vector<16xi32>
      %add3A_215 = arith.addi %iota3A, %add3A_214 : vector<16xi32>
      %lt3A_216 = vector.broadcast %scan3A_120#2 : i32 to vector<16xi32>
      %lt3A_217 = arith.cmpi slt, %add3A_215, %lt3A_216 : vector<16xi32>
      %broadcast_in_dim3A_218 = vector.broadcast %select_n3A_182 : i32 to vector<16xi32>
      %select_n3A_219 = arith.select %lt3A_217, %get3A_212, %broadcast_in_dim3A_218 : vector<16xi1>, vector<16xi32>
      %mul3A_220 = arith.constant 64 : i32
      %mul3A_221 = arith.muli %scan3A_97, %mul3A_220 : i32
      %add3A_222 = arith.constant 32 : i32
      %add3A_223 = arith.addi %mul3A_221, %add3A_222 : i32
      %swap3A_224 = arith.index_cast %add3A_223 : i32 to index
      %swap3A_225 = tpu.vector_load %arg19[%swap3A_224] {strides = array<i32>} : memref<32768xi32, #tpu.memory_space<vmem>>, vector<16xi32>,
      tpu.vector_store %arg19[%swap3A_224], %select_n3A_219 {strides = array<i32>} : memref<32768xi32, #tpu.memory_space<vmem>>, vector<16xi32>,
      %get3A_226 = arith.constant 48 : index
      %get3A_227 = tpu.vector_load %arg16[%get3A_226] {strides = array<i32>} : memref<80xi32, #tpu.memory_space<vmem>>, vector<16xi32>,
      %add3A_228 = arith.constant 48 : i32
      %add3A_229 = vector.broadcast %add3A_228 : i32 to vector<16xi32>
      %add3A_230 = arith.addi %iota3A, %add3A_229 : vector<16xi32>
      %lt3A_231 = vector.broadcast %scan3A_120#2 : i32 to vector<16xi32>
      %lt3A_232 = arith.cmpi slt, %add3A_230, %lt3A_231 : vector<16xi32>
      %broadcast_in_dim3A_233 = vector.broadcast %select_n3A_182 : i32 to vector<16xi32>
      %select_n3A_234 = arith.select %lt3A_232, %get3A_227, %broadcast_in_dim3A_233 : vector<16xi1>, vector<16xi32>
      %mul3A_235 = arith.constant 64 : i32
      %mul3A_236 = arith.muli %scan3A_97, %mul3A_235 : i32
      %add3A_237 = arith.constant 48 : i32
      %add3A_238 = arith.addi %mul3A_236, %add3A_237 : i32
      %swap3A_239 = arith.index_cast %add3A_238 : i32 to index
      %swap3A_240 = tpu.vector_load %arg19[%swap3A_239] {strides = array<i32>} : memref<32768xi32, #tpu.memory_space<vmem>>, vector<16xi32>,
      tpu.vector_store %arg19[%swap3A_239], %select_n3A_234 {strides = array<i32>} : memref<32768xi32, #tpu.memory_space<vmem>>, vector<16xi32>,
      %scan3A_241 = arith.constant 0 : i32
      scf.yield %scan3A_241 : i32
    }
    %scan3A_80 = arith.constant 512 : i32
    %mul3A_81 = arith.constant 1024 : i32
    %mul3A_82 = arith.muli %select_n3A, %mul3A_81 : i32
    %add3A_83 = arith.addi %mul3A_82, %mul3A_32 : i32
    %mul3A_84 = arith.constant 16 : i32
    %mul3A_85 = arith.muli %add3A_83, %mul3A_84 : i32
    "tpu.region"() ({
      %run_scoped3A = tpu.sem_alloc : memref<!tpu.dma_semaphore, #tpu.memory_space<semaphore_mem>>
      %dma_start3A = tpu.memref_slice %arg6[%mul3A_85] : memref<262144xi32, #tpu.memory_space<hbm>> -> memref<8192xi32, #tpu.memory_space<hbm>>
      %dma_start3A_97 = tpu.memref_slice %arg6[%mul3A_85] : memref<262144xi32, #tpu.memory_space<hbm>> -> memref<8192xi32, #tpu.memory_space<hbm>>
      tpu.enqueue_dma source(%arg17 : memref<8192xi32, #tpu.memory_space<vmem>>) target(%dma_start3A_97 : memref<8192xi32, #tpu.memory_space<hbm>>) target_semaphore(%run_scoped3A : memref<!tpu.dma_semaphore, #tpu.memory_space<semaphore_mem>>)
      %dma_wait3A = tpu.memref_slice %arg6[%mul3A_85] : memref<262144xi32, #tpu.memory_space<hbm>> -> memref<8192xi32, #tpu.memory_space<hbm>>
      %dma_wait3A_98 = tpu.memref_slice %arg6[%mul3A_85] : memref<262144xi32, #tpu.memory_space<hbm>> -> memref<8192xi32, #tpu.memory_space<hbm>>
      tpu.wait_dma2 semaphore(%run_scoped3A : memref<!tpu.dma_semaphore, #tpu.memory_space<semaphore_mem>>) src(%arg17 : memref<8192xi32, #tpu.memory_space<vmem>>) dst(%dma_wait3A_98 : memref<8192xi32, #tpu.memory_space<hbm>>)
      tpu.yield
    }) : () -> ()
    %mul3A_86 = arith.constant 32 : i32
    %mul3A_87 = arith.muli %add3A_83, %mul3A_86 : i32
    "tpu.region"() ({
      %run_scoped3A = tpu.sem_alloc : memref<!tpu.dma_semaphore, #tpu.memory_space<semaphore_mem>>
      %dma_start3A = tpu.memref_slice %arg7[%mul3A_87] : memref<524288xi32, #tpu.memory_space<hbm>> -> memref<16384xi32, #tpu.memory_space<hbm>>
      %dma_start3A_97 = tpu.memref_slice %arg7[%mul3A_87] : memref<524288xi32, #tpu.memory_space<hbm>> -> memref<16384xi32, #tpu.memory_space<hbm>>
      tpu.enqueue_dma source(%arg18 : memref<16384xi32, #tpu.memory_space<vmem>>) target(%dma_start3A_97 : memref<16384xi32, #tpu.memory_space<hbm>>) target_semaphore(%run_scoped3A : memref<!tpu.dma_semaphore, #tpu.memory_space<semaphore_mem>>)
      %dma_wait3A = tpu.memref_slice %arg7[%mul3A_87] : memref<524288xi32, #tpu.memory_space<hbm>> -> memref<16384xi32, #tpu.memory_space<hbm>>
      %dma_wait3A_98 = tpu.memref_slice %arg7[%mul3A_87] : memref<524288xi32, #tpu.memory_space<hbm>> -> memref<16384xi32, #tpu.memory_space<hbm>>
      tpu.wait_dma2 semaphore(%run_scoped3A : memref<!tpu.dma_semaphore, #tpu.memory_space<semaphore_mem>>) src(%arg18 : memref<16384xi32, #tpu.memory_space<vmem>>) dst(%dma_wait3A_98 : memref<16384xi32, #tpu.memory_space<hbm>>)
      tpu.yield
    }) : () -> ()
    %mul3A_88 = arith.constant 64 : i32
    %mul3A_89 = arith.muli %add3A_83, %mul3A_88 : i32
    %scan3A_90 = arith.constant 0 : i32
    %scan3A_91 = arith.constant 0 : i32
    %scan3A_92 = arith.constant 64 : i32
    %scan3A_93 = arith.addi %scan3A_91, %scan3A_92 : i32
    %scan3A_94 = arith.constant 1 : i32
    %scan3A_95 = scf.for %scan3A_97 = %scan3A_91 to %scan3A_93 step %scan3A_94 iter_args(%scan3A_98 = %scan3A_90) -> (i32)  : i32 {
      %mul3A_99 = arith.constant 4 : i32
      %mul3A_100 = arith.muli %scan3A_97, %mul3A_99 : i32
      %add3A_101 = arith.constant 0 : i32
      %add3A_102 = arith.addi %mul3A_100, %add3A_101 : i32
      %mul3A_103 = arith.constant 128 : i32
      %mul3A_104 = arith.muli %add3A_102, %mul3A_103 : i32
      %dma_start3A = tpu.memref_slice %arg19[%mul3A_104] : memref<32768xi32, #tpu.memory_space<vmem>> -> memref<128xi32, #tpu.memory_space<vmem>>
      %dma_start3A_105 = arith.constant 0 : i32
      %dma_start3A_106 = arith.constant 0 : i32
      %dma_start3A_107 = tpu.memref_slice %arg4[%dma_start3A_105, %dma_start3A_106] : memref<65536x64xf32, #tpu.memory_space<hbm>> -> memref<65536x64xf32, #tpu.memory_space<hbm>>
      tpu.enqueue_indirect_dma source(%dma_start3A_107 : memref<65536x64xf32, #tpu.memory_space<hbm>>) target(%arg20 : memref<128x64xf32, #tpu.memory_space<vmem>>) offsets(%dma_start3A : memref<128xi32, #tpu.memory_space<vmem>>) semaphore(%arg24 : memref<!tpu.dma_semaphore, #tpu.memory_space<semaphore_mem>>)
      %mul3A_108 = arith.constant 4 : i32
      %mul3A_109 = arith.muli %scan3A_97, %mul3A_108 : i32
      %add3A_110 = arith.constant 1 : i32
      %add3A_111 = arith.addi %mul3A_109, %add3A_110 : i32
      %mul3A_112 = arith.constant 128 : i32
      %mul3A_113 = arith.muli %add3A_111, %mul3A_112 : i32
      %dma_start3A_114 = tpu.memref_slice %arg19[%mul3A_113] : memref<32768xi32, #tpu.memory_space<vmem>> -> memref<128xi32, #tpu.memory_space<vmem>>
      %dma_start3A_115 = arith.constant 0 : i32
      %dma_start3A_116 = arith.constant 0 : i32
      %dma_start3A_117 = tpu.memref_slice %arg4[%dma_start3A_115, %dma_start3A_116] : memref<65536x64xf32, #tpu.memory_space<hbm>> -> memref<65536x64xf32, #tpu.memory_space<hbm>>
      tpu.enqueue_indirect_dma source(%dma_start3A_117 : memref<65536x64xf32, #tpu.memory_space<hbm>>) target(%arg21 : memref<128x64xf32, #tpu.memory_space<vmem>>) offsets(%dma_start3A_114 : memref<128xi32, #tpu.memory_space<vmem>>) semaphore(%arg25 : memref<!tpu.dma_semaphore, #tpu.memory_space<semaphore_mem>>)
      %mul3A_118 = arith.constant 4 : i32
      %mul3A_119 = arith.muli %scan3A_97, %mul3A_118 : i32
      %add3A_120 = arith.constant 2 : i32
      %add3A_121 = arith.addi %mul3A_119, %add3A_120 : i32
      %mul3A_122 = arith.constant 128 : i32
      %mul3A_123 = arith.muli %add3A_121, %mul3A_122 : i32
      %dma_start3A_124 = tpu.memref_slice %arg19[%mul3A_123] : memref<32768xi32, #tpu.memory_space<vmem>> -> memref<128xi32, #tpu.memory_space<vmem>>
      %dma_start3A_125 = arith.constant 0 : i32
      %dma_start3A_126 = arith.constant 0 : i32
      %dma_start3A_127 = tpu.memref_slice %arg4[%dma_start3A_125, %dma_start3A_126] : memref<65536x64xf32, #tpu.memory_space<hbm>> -> memref<65536x64xf32, #tpu.memory_space<hbm>>
      tpu.enqueue_indirect_dma source(%dma_start3A_127 : memref<65536x64xf32, #tpu.memory_space<hbm>>) target(%arg22 : memref<128x64xf32, #tpu.memory_space<vmem>>) offsets(%dma_start3A_124 : memref<128xi32, #tpu.memory_space<vmem>>) semaphore(%arg26 : memref<!tpu.dma_semaphore, #tpu.memory_space<semaphore_mem>>)
      %mul3A_128 = arith.constant 4 : i32
      %mul3A_129 = arith.muli %scan3A_97, %mul3A_128 : i32
      %add3A_130 = arith.constant 3 : i32
      %add3A_131 = arith.addi %mul3A_129, %add3A_130 : i32
      %mul3A_132 = arith.constant 128 : i32
      %mul3A_133 = arith.muli %add3A_131, %mul3A_132 : i32
      %dma_start3A_134 = tpu.memref_slice %arg19[%mul3A_133] : memref<32768xi32, #tpu.memory_space<vmem>> -> memref<128xi32, #tpu.memory_space<vmem>>
      %dma_start3A_135 = arith.constant 0 : i32
      %dma_start3A_136 = arith.constant 0 : i32
      %dma_start3A_137 = tpu.memref_slice %arg4[%dma_start3A_135, %dma_start3A_136] : memref<65536x64xf32, #tpu.memory_space<hbm>> -> memref<65536x64xf32, #tpu.memory_space<hbm>>
      tpu.enqueue_indirect_dma source(%dma_start3A_137 : memref<65536x64xf32, #tpu.memory_space<hbm>>) target(%arg23 : memref<128x64xf32, #tpu.memory_space<vmem>>) offsets(%dma_start3A_134 : memref<128xi32, #tpu.memory_space<vmem>>) semaphore(%arg27 : memref<!tpu.dma_semaphore, #tpu.memory_space<semaphore_mem>>)
      %mul3A_138 = arith.constant 4 : i32
      %mul3A_139 = arith.muli %scan3A_97, %mul3A_138 : i32
      %add3A_140 = arith.constant 0 : i32
      %add3A_141 = arith.addi %mul3A_139, %add3A_140 : i32
      %dma_wait3A = tpu.memref_slice %arg19[%mul3A_104] : memref<32768xi32, #tpu.memory_space<vmem>> -> memref<128xi32, #tpu.memory_space<vmem>>
      %dma_wait3A_142 = arith.constant 0 : i32
      %dma_wait3A_143 = arith.constant 0 : i32
      %dma_wait3A_144 = tpu.memref_slice %arg4[%dma_wait3A_142, %dma_wait3A_143] : memref<65536x64xf32, #tpu.memory_space<hbm>> -> memref<65536x64xf32, #tpu.memory_space<hbm>>
      tpu.wait_indirect_dma semaphore(%arg24 : memref<!tpu.dma_semaphore, #tpu.memory_space<semaphore_mem>>) src(%dma_wait3A_144 : memref<65536x64xf32, #tpu.memory_space<hbm>>) dst(%arg20 : memref<128x64xf32, #tpu.memory_space<vmem>>)
      %mul3A_145 = arith.constant 128 : i32
      %mul3A_146 = arith.muli %add3A_141, %mul3A_145 : i32
      %add3A_147 = arith.addi %mul3A_89, %mul3A_146 : i32
      %dma_start3A_148 = arith.constant 0 : i32
      %dma_start3A_149 = tpu.memref_slice %arg5[%add3A_147, %dma_start3A_148] : memref<1048576x64xf32, #tpu.memory_space<hbm>> -> memref<128x64xf32, #tpu.memory_space<hbm>>
      %dma_start3A_150 = arith.constant 0 : i32
      %dma_start3A_151 = tpu.memref_slice %arg5[%add3A_147, %dma_start3A_150] : memref<1048576x64xf32, #tpu.memory_space<hbm>> -> memref<128x64xf32, #tpu.memory_space<hbm>>
      tpu.enqueue_dma source(%arg20 : memref<128x64xf32, #tpu.memory_space<vmem>>) target(%dma_start3A_151 : memref<128x64xf32, #tpu.memory_space<hbm>>) target_semaphore(%arg28 : memref<!tpu.dma_semaphore, #tpu.memory_space<semaphore_mem>>)
      %mul3A_152 = arith.constant 4 : i32
      %mul3A_153 = arith.muli %scan3A_97, %mul3A_152 : i32
      %add3A_154 = arith.constant 1 : i32
      %add3A_155 = arith.addi %mul3A_153, %add3A_154 : i32
      %dma_wait3A_156 = tpu.memref_slice %arg19[%mul3A_113] : memref<32768xi32, #tpu.memory_space<vmem>> -> memref<128xi32, #tpu.memory_space<vmem>>
      %dma_wait3A_157 = arith.constant 0 : i32
      %dma_wait3A_158 = arith.constant 0 : i32
      %dma_wait3A_159 = tpu.memref_slice %arg4[%dma_wait3A_157, %dma_wait3A_158] : memref<65536x64xf32, #tpu.memory_space<hbm>> -> memref<65536x64xf32, #tpu.memory_space<hbm>>
      tpu.wait_indirect_dma semaphore(%arg25 : memref<!tpu.dma_semaphore, #tpu.memory_space<semaphore_mem>>) src(%dma_wait3A_159 : memref<65536x64xf32, #tpu.memory_space<hbm>>) dst(%arg21 : memref<128x64xf32, #tpu.memory_space<vmem>>)
      %mul3A_160 = arith.constant 128 : i32
      %mul3A_161 = arith.muli %add3A_155, %mul3A_160 : i32
      %add3A_162 = arith.addi %mul3A_89, %mul3A_161 : i32
      %dma_start3A_163 = arith.constant 0 : i32
      %dma_start3A_164 = tpu.memref_slice %arg5[%add3A_162, %dma_start3A_163] : memref<1048576x64xf32, #tpu.memory_space<hbm>> -> memref<128x64xf32, #tpu.memory_space<hbm>>
      %dma_start3A_165 = arith.constant 0 : i32
      %dma_start3A_166 = tpu.memref_slice %arg5[%add3A_162, %dma_start3A_165] : memref<1048576x64xf32, #tpu.memory_space<hbm>> -> memref<128x64xf32, #tpu.memory_space<hbm>>
      tpu.enqueue_dma source(%arg21 : memref<128x64xf32, #tpu.memory_space<vmem>>) target(%dma_start3A_166 : memref<128x64xf32, #tpu.memory_space<hbm>>) target_semaphore(%arg29 : memref<!tpu.dma_semaphore, #tpu.memory_space<semaphore_mem>>)
      %mul3A_167 = arith.constant 4 : i32
      %mul3A_168 = arith.muli %scan3A_97, %mul3A_167 : i32
      %add3A_169 = arith.constant 2 : i32
      %add3A_170 = arith.addi %mul3A_168, %add3A_169 : i32
      %dma_wait3A_171 = tpu.memref_slice %arg19[%mul3A_123] : memref<32768xi32, #tpu.memory_space<vmem>> -> memref<128xi32, #tpu.memory_space<vmem>>
      %dma_wait3A_172 = arith.constant 0 : i32
      %dma_wait3A_173 = arith.constant 0 : i32
      %dma_wait3A_174 = tpu.memref_slice %arg4[%dma_wait3A_172, %dma_wait3A_173] : memref<65536x64xf32, #tpu.memory_space<hbm>> -> memref<65536x64xf32, #tpu.memory_space<hbm>>
      tpu.wait_indirect_dma semaphore(%arg26 : memref<!tpu.dma_semaphore, #tpu.memory_space<semaphore_mem>>) src(%dma_wait3A_174 : memref<65536x64xf32, #tpu.memory_space<hbm>>) dst(%arg22 : memref<128x64xf32, #tpu.memory_space<vmem>>)
      %mul3A_175 = arith.constant 128 : i32
      %mul3A_176 = arith.muli %add3A_170, %mul3A_175 : i32
      %add3A_177 = arith.addi %mul3A_89, %mul3A_176 : i32
      %dma_start3A_178 = arith.constant 0 : i32
      %dma_start3A_179 = tpu.memref_slice %arg5[%add3A_177, %dma_start3A_178] : memref<1048576x64xf32, #tpu.memory_space<hbm>> -> memref<128x64xf32, #tpu.memory_space<hbm>>
      %dma_start3A_180 = arith.constant 0 : i32
      %dma_start3A_181 = tpu.memref_slice %arg5[%add3A_177, %dma_start3A_180] : memref<1048576x64xf32, #tpu.memory_space<hbm>> -> memref<128x64xf32, #tpu.memory_space<hbm>>
      tpu.enqueue_dma source(%arg22 : memref<128x64xf32, #tpu.memory_space<vmem>>) target(%dma_start3A_181 : memref<128x64xf32, #tpu.memory_space<hbm>>) target_semaphore(%arg30 : memref<!tpu.dma_semaphore, #tpu.memory_space<semaphore_mem>>)
      %mul3A_182 = arith.constant 4 : i32
      %mul3A_183 = arith.muli %scan3A_97, %mul3A_182 : i32
      %add3A_184 = arith.constant 3 : i32
      %add3A_185 = arith.addi %mul3A_183, %add3A_184 : i32
      %dma_wait3A_186 = tpu.memref_slice %arg19[%mul3A_133] : memref<32768xi32, #tpu.memory_space<vmem>> -> memref<128xi32, #tpu.memory_space<vmem>>
      %dma_wait3A_187 = arith.constant 0 : i32
      %dma_wait3A_188 = arith.constant 0 : i32
      %dma_wait3A_189 = tpu.memref_slice %arg4[%dma_wait3A_187, %dma_wait3A_188] : memref<65536x64xf32, #tpu.memory_space<hbm>> -> memref<65536x64xf32, #tpu.memory_space<hbm>>
      tpu.wait_indirect_dma semaphore(%arg27 : memref<!tpu.dma_semaphore, #tpu.memory_space<semaphore_mem>>) src(%dma_wait3A_189 : memref<65536x64xf32, #tpu.memory_space<hbm>>) dst(%arg23 : memref<128x64xf32, #tpu.memory_space<vmem>>)
      %mul3A_190 = arith.constant 128 : i32
      %mul3A_191 = arith.muli %add3A_185, %mul3A_190 : i32
      %add3A_192 = arith.addi %mul3A_89, %mul3A_191 : i32
      %dma_start3A_193 = arith.constant 0 : i32
      %dma_start3A_194 = tpu.memref_slice %arg5[%add3A_192, %dma_start3A_193] : memref<1048576x64xf32, #tpu.memory_space<hbm>> -> memref<128x64xf32, #tpu.memory_space<hbm>>
      %dma_start3A_195 = arith.constant 0 : i32
      %dma_start3A_196 = tpu.memref_slice %arg5[%add3A_192, %dma_start3A_195] : memref<1048576x64xf32, #tpu.memory_space<hbm>> -> memref<128x64xf32, #tpu.memory_space<hbm>>
      tpu.enqueue_dma source(%arg23 : memref<128x64xf32, #tpu.memory_space<vmem>>) target(%dma_start3A_196 : memref<128x64xf32, #tpu.memory_space<hbm>>) target_semaphore(%arg31 : memref<!tpu.dma_semaphore, #tpu.memory_space<semaphore_mem>>)
      %dma_wait3A_197 = arith.constant 0 : i32
      %dma_wait3A_198 = tpu.memref_slice %arg5[%add3A_147, %dma_wait3A_197] : memref<1048576x64xf32, #tpu.memory_space<hbm>> -> memref<128x64xf32, #tpu.memory_space<hbm>>
      %dma_wait3A_199 = arith.constant 0 : i32
      %dma_wait3A_200 = tpu.memref_slice %arg5[%add3A_147, %dma_wait3A_199] : memref<1048576x64xf32, #tpu.memory_space<hbm>> -> memref<128x64xf32, #tpu.memory_space<hbm>>
      tpu.wait_dma2 semaphore(%arg28 : memref<!tpu.dma_semaphore, #tpu.memory_space<semaphore_mem>>) src(%arg20 : memref<128x64xf32, #tpu.memory_space<vmem>>) dst(%dma_wait3A_200 : memref<128x64xf32, #tpu.memory_space<hbm>>)
      %dma_wait3A_201 = arith.constant 0 : i32
      %dma_wait3A_202 = tpu.memref_slice %arg5[%add3A_162, %dma_wait3A_201] : memref<1048576x64xf32, #tpu.memory_space<hbm>> -> memref<128x64xf32, #tpu.memory_space<hbm>>
      %dma_wait3A_203 = arith.constant 0 : i32
      %dma_wait3A_204 = tpu.memref_slice %arg5[%add3A_162, %dma_wait3A_203] : memref<1048576x64xf32, #tpu.memory_space<hbm>> -> memref<128x64xf32, #tpu.memory_space<hbm>>
      tpu.wait_dma2 semaphore(%arg29 : memref<!tpu.dma_semaphore, #tpu.memory_space<semaphore_mem>>) src(%arg21 : memref<128x64xf32, #tpu.memory_space<vmem>>) dst(%dma_wait3A_204 : memref<128x64xf32, #tpu.memory_space<hbm>>)
      %dma_wait3A_205 = arith.constant 0 : i32
      %dma_wait3A_206 = tpu.memref_slice %arg5[%add3A_177, %dma_wait3A_205] : memref<1048576x64xf32, #tpu.memory_space<hbm>> -> memref<128x64xf32, #tpu.memory_space<hbm>>
      %dma_wait3A_207 = arith.constant 0 : i32
      %dma_wait3A_208 = tpu.memref_slice %arg5[%add3A_177, %dma_wait3A_207] : memref<1048576x64xf32, #tpu.memory_space<hbm>> -> memref<128x64xf32, #tpu.memory_space<hbm>>
      tpu.wait_dma2 semaphore(%arg30 : memref<!tpu.dma_semaphore, #tpu.memory_space<semaphore_mem>>) src(%arg22 : memref<128x64xf32, #tpu.memory_space<vmem>>) dst(%dma_wait3A_208 : memref<128x64xf32, #tpu.memory_space<hbm>>)
      %dma_wait3A_209 = arith.constant 0 : i32
      %dma_wait3A_210 = tpu.memref_slice %arg5[%add3A_192, %dma_wait3A_209] : memref<1048576x64xf32, #tpu.memory_space<hbm>> -> memref<128x64xf32, #tpu.memory_space<hbm>>
      %dma_wait3A_211 = arith.constant 0 : i32
      %dma_wait3A_212 = tpu.memref_slice %arg5[%add3A_192, %dma_wait3A_211] : memref<1048576x64xf32, #tpu.memory_space<hbm>> -> memref<128x64xf32, #tpu.memory_space<hbm>>
      tpu.wait_dma2 semaphore(%arg31 : memref<!tpu.dma_semaphore, #tpu.memory_space<semaphore_mem>>) src(%arg23 : memref<128x64xf32, #tpu.memory_space<vmem>>) dst(%dma_wait3A_212 : memref<128x64xf32, #tpu.memory_space<hbm>>)
      %scan3A_213 = arith.constant 0 : i32
      scf.yield %scan3A_213 : i32
    }
    %scan3A_96 = arith.constant 64 : i32
    return
  }
}

module attributes {stable_mosaic.version = 14 : i64} {
  func.func @_pre_body(%arg0: i32, %arg1: memref<1024x64xf32, #tpu.memory_space<vmem>>, %arg2: memref<1024x8xf32, #tpu.memory_space<vmem>>, %arg3: memref<64x32xf32, #tpu.memory_space<vmem>>, %arg4: memref<8x32xf32, #tpu.memory_space<vmem>>, %arg5: memref<1x32xf32, #tpu.memory_space<vmem>>, %arg6: memref<64x64xf32, #tpu.memory_space<vmem>>, %arg7: memref<8x64xf32, #tpu.memory_space<vmem>>, %arg8: memref<1x64xf32, #tpu.memory_space<vmem>>, %arg9: memref<64x64xf32, #tpu.memory_space<vmem>>, %arg10: memref<8x64xf32, #tpu.memory_space<vmem>>, %arg11: memref<1x64xf32, #tpu.memory_space<vmem>>, %arg12: memref<1024x32xf32, #tpu.memory_space<vmem>>, %arg13: memref<1024x64xf32, #tpu.memory_space<vmem>>, %arg14: memref<1024x64xf32, #tpu.memory_space<vmem>>) attributes {dimension_semantics = [#tpu.dimension_semantics<arbitrary>], iteration_bounds = array<i64: 64>, scalar_prefetch = 0 : i64, scratch_operands = 0 : i64, tpu.core_type = #tpu.core_type<tc>, window_params = [{transform_indices = @transform_0, window_bounds = array<i64: 1024, 64>}, {transform_indices = @transform_1, window_bounds = array<i64: 1024, 8>}, {pipeline_mode = #tpu.pipeline_mode<synchronous>, transform_indices = @transform_2, window_bounds = array<i64: 64, 32>}, {pipeline_mode = #tpu.pipeline_mode<synchronous>, transform_indices = @transform_3, window_bounds = array<i64: 8, 32>}, {pipeline_mode = #tpu.pipeline_mode<synchronous>, transform_indices = @transform_4, window_bounds = array<i64: 1, 32>}, {pipeline_mode = #tpu.pipeline_mode<synchronous>, transform_indices = @transform_5, window_bounds = array<i64: 64, 64>}, {pipeline_mode = #tpu.pipeline_mode<synchronous>, transform_indices = @transform_6, window_bounds = array<i64: 8, 64>}, {pipeline_mode = #tpu.pipeline_mode<synchronous>, transform_indices = @transform_7, window_bounds = array<i64: 1, 64>}, {pipeline_mode = #tpu.pipeline_mode<synchronous>, transform_indices = @transform_8, window_bounds = array<i64: 64, 64>}, {pipeline_mode = #tpu.pipeline_mode<synchronous>, transform_indices = @transform_9, window_bounds = array<i64: 8, 64>}, {pipeline_mode = #tpu.pipeline_mode<synchronous>, transform_indices = @transform_10, window_bounds = array<i64: 1, 64>}, {transform_indices = @transform_11, window_bounds = array<i64: 1024, 32>}, {transform_indices = @transform_12, window_bounds = array<i64: 1024, 64>}, {transform_indices = @transform_13, window_bounds = array<i64: 1024, 64>}]} {
    %get3A = arith.constant 0 : index
    %get3A_0 = arith.constant 0 : index
    %get3A_1 = vector.load %arg1[%get3A, %get3A_0] : memref<1024x64xf32, #tpu.memory_space<vmem>>, vector<1024x64xf32>
    %get3A_2 = arith.constant 0 : index
    %get3A_3 = arith.constant 0 : index
    %get3A_4 = vector.load %arg2[%get3A_2, %get3A_3] : memref<1024x8xf32, #tpu.memory_space<vmem>>, vector<1024x8xf32>
    %get3A_5 = arith.constant 0 : index
    %get3A_6 = arith.constant 0 : index
    %get3A_7 = vector.load %arg3[%get3A_5, %get3A_6] : memref<64x32xf32, #tpu.memory_space<vmem>>, vector<64x32xf32>
    %dot_general3A = arith.constant dense<0.000000e+00> : vector<1024x32xf32>
    %dot_general3A_8 = tpu.matmul %get3A_1, %get3A_7, %dot_general3A {dimension_numbers = #tpu.dot_dimension_numbers<[1], [0], [0], [1], [0, 0, 1, 1], [], []>, transpose_lhs_hint = false} : vector<1024x64xf32>, vector<64x32xf32>, vector<1024x32xf32> -> vector<1024x32xf32>
    %get3A_9 = arith.constant 0 : index
    %get3A_10 = arith.constant 0 : index
    %get3A_11 = vector.load %arg4[%get3A_9, %get3A_10] : memref<8x32xf32, #tpu.memory_space<vmem>>, vector<8x32xf32>
    %dot_general3A_12 = arith.constant dense<0.000000e+00> : vector<1024x32xf32>
    %dot_general3A_13 = tpu.matmul %get3A_4, %get3A_11, %dot_general3A_12 {dimension_numbers = #tpu.dot_dimension_numbers<[1], [0], [0], [1], [0, 0, 1, 1], [], []>, transpose_lhs_hint = false} : vector<1024x8xf32>, vector<8x32xf32>, vector<1024x32xf32> -> vector<1024x32xf32>
    %add3A = arith.addf %dot_general3A_8, %dot_general3A_13 : vector<1024x32xf32>
    %get3A_14 = arith.constant 0 : index
    %get3A_15 = arith.constant 0 : index
    %get3A_16 = vector.load %arg5[%get3A_14, %get3A_15] : memref<1x32xf32, #tpu.memory_space<vmem>>, vector<1x32xf32>
    %add3A_17 = vector.broadcast %get3A_16 : vector<1x32xf32> to vector<1024x32xf32>
    %add3A_18 = arith.addf %add3A, %add3A_17 : vector<1024x32xf32>
    %swap3A = arith.constant 0 : index
    %swap3A_19 = arith.constant 0 : index
    %swap3A_20 = vector.load %arg12[%swap3A, %swap3A_19] : memref<1024x32xf32, #tpu.memory_space<vmem>>, vector<1024x32xf32>
    tpu.vector_store %arg12[%swap3A, %swap3A_19], %add3A_18 {strides = array<i32>} : memref<1024x32xf32, #tpu.memory_space<vmem>>, vector<1024x32xf32>,
    %get3A_21 = arith.constant 0 : index
    %get3A_22 = arith.constant 0 : index
    %get3A_23 = vector.load %arg6[%get3A_21, %get3A_22] : memref<64x64xf32, #tpu.memory_space<vmem>>, vector<64x64xf32>
    %dot_general3A_24 = arith.constant dense<0.000000e+00> : vector<1024x64xf32>
    %dot_general3A_25 = tpu.matmul %get3A_1, %get3A_23, %dot_general3A_24 {dimension_numbers = #tpu.dot_dimension_numbers<[1], [0], [0], [1], [0, 0, 1, 1], [], []>, transpose_lhs_hint = false} : vector<1024x64xf32>, vector<64x64xf32>, vector<1024x64xf32> -> vector<1024x64xf32>
    %get3A_26 = arith.constant 0 : index
    %get3A_27 = arith.constant 0 : index
    %get3A_28 = vector.load %arg7[%get3A_26, %get3A_27] : memref<8x64xf32, #tpu.memory_space<vmem>>, vector<8x64xf32>
    %dot_general3A_29 = arith.constant dense<0.000000e+00> : vector<1024x64xf32>
    %dot_general3A_30 = tpu.matmul %get3A_4, %get3A_28, %dot_general3A_29 {dimension_numbers = #tpu.dot_dimension_numbers<[1], [0], [0], [1], [0, 0, 1, 1], [], []>, transpose_lhs_hint = false} : vector<1024x8xf32>, vector<8x64xf32>, vector<1024x64xf32> -> vector<1024x64xf32>
    %add3A_31 = arith.addf %dot_general3A_25, %dot_general3A_30 : vector<1024x64xf32>
    %get3A_32 = arith.constant 0 : index
    %get3A_33 = arith.constant 0 : index
    %get3A_34 = vector.load %arg8[%get3A_32, %get3A_33] : memref<1x64xf32, #tpu.memory_space<vmem>>, vector<1x64xf32>
    %add3A_35 = vector.broadcast %get3A_34 : vector<1x64xf32> to vector<1024x64xf32>
    %add3A_36 = arith.addf %add3A_31, %add3A_35 : vector<1024x64xf32>
    %swap3A_37 = arith.constant 0 : index
    %swap3A_38 = arith.constant 0 : index
    %swap3A_39 = vector.load %arg13[%swap3A_37, %swap3A_38] : memref<1024x64xf32, #tpu.memory_space<vmem>>, vector<1024x64xf32>
    tpu.vector_store %arg13[%swap3A_37, %swap3A_38], %add3A_36 {strides = array<i32>} : memref<1024x64xf32, #tpu.memory_space<vmem>>, vector<1024x64xf32>,
    %get3A_40 = arith.constant 0 : index
    %get3A_41 = arith.constant 0 : index
    %get3A_42 = vector.load %arg9[%get3A_40, %get3A_41] : memref<64x64xf32, #tpu.memory_space<vmem>>, vector<64x64xf32>
    %dot_general3A_43 = arith.constant dense<0.000000e+00> : vector<1024x64xf32>
    %dot_general3A_44 = tpu.matmul %get3A_1, %get3A_42, %dot_general3A_43 {dimension_numbers = #tpu.dot_dimension_numbers<[1], [0], [0], [1], [0, 0, 1, 1], [], []>, transpose_lhs_hint = false} : vector<1024x64xf32>, vector<64x64xf32>, vector<1024x64xf32> -> vector<1024x64xf32>
    %get3A_45 = arith.constant 0 : index
    %get3A_46 = arith.constant 0 : index
    %get3A_47 = vector.load %arg10[%get3A_45, %get3A_46] : memref<8x64xf32, #tpu.memory_space<vmem>>, vector<8x64xf32>
    %dot_general3A_48 = arith.constant dense<0.000000e+00> : vector<1024x64xf32>
    %dot_general3A_49 = tpu.matmul %get3A_4, %get3A_47, %dot_general3A_48 {dimension_numbers = #tpu.dot_dimension_numbers<[1], [0], [0], [1], [0, 0, 1, 1], [], []>, transpose_lhs_hint = false} : vector<1024x8xf32>, vector<8x64xf32>, vector<1024x64xf32> -> vector<1024x64xf32>
    %add3A_50 = arith.addf %dot_general3A_44, %dot_general3A_49 : vector<1024x64xf32>
    %get3A_51 = arith.constant 0 : index
    %get3A_52 = arith.constant 0 : index
    %get3A_53 = vector.load %arg11[%get3A_51, %get3A_52] : memref<1x64xf32, #tpu.memory_space<vmem>>, vector<1x64xf32>
    %add3A_54 = vector.broadcast %get3A_53 : vector<1x64xf32> to vector<1024x64xf32>
    %add3A_55 = arith.addf %add3A_50, %add3A_54 : vector<1024x64xf32>
    %swap3A_56 = arith.constant 0 : index
    %swap3A_57 = arith.constant 0 : index
    %swap3A_58 = vector.load %arg14[%swap3A_56, %swap3A_57] : memref<1024x64xf32, #tpu.memory_space<vmem>>, vector<1024x64xf32>
    tpu.vector_store %arg14[%swap3A_56, %swap3A_57], %add3A_55 {strides = array<i32>} : memref<1024x64xf32, #tpu.memory_space<vmem>>, vector<1024x64xf32>,
    return
  }
  func.func @transform_0(%arg0: i32) -> (i32, i32) {
    %c0_i32 = arith.constant 0 : i32
    %c0_i32_0 = arith.constant 0 : i32
    return %arg0, %c0_i32 : i32, i32
  }
  func.func @transform_1(%arg0: i32) -> (i32, i32) {
    %c0_i32 = arith.constant 0 : i32
    %c0_i32_0 = arith.constant 0 : i32
    return %arg0, %c0_i32 : i32, i32
  }
  func.func @transform_2(%arg0: i32) -> (i32, i32) {
    %c0_i32 = arith.constant 0 : i32
    %c0_i32_0 = arith.constant 0 : i32
    %c0_i32_1 = arith.constant 0 : i32
    return %c0_i32, %c0_i32_0 : i32, i32
  }
  func.func @transform_3(%arg0: i32) -> (i32, i32) {
    %c0_i32 = arith.constant 0 : i32
    %c0_i32_0 = arith.constant 0 : i32
    %c0_i32_1 = arith.constant 0 : i32
    return %c0_i32, %c0_i32_0 : i32, i32
  }
  func.func @transform_4(%arg0: i32) -> (i32, i32) {
    %c0_i32 = arith.constant 0 : i32
    %c0_i32_0 = arith.constant 0 : i32
    %c0_i32_1 = arith.constant 0 : i32
    return %c0_i32, %c0_i32_0 : i32, i32
  }
  func.func @transform_5(%arg0: i32) -> (i32, i32) {
    %c0_i32 = arith.constant 0 : i32
    %c0_i32_0 = arith.constant 0 : i32
    %c0_i32_1 = arith.constant 0 : i32
    return %c0_i32, %c0_i32_0 : i32, i32
  }
  func.func @transform_6(%arg0: i32) -> (i32, i32) {
    %c0_i32 = arith.constant 0 : i32
    %c0_i32_0 = arith.constant 0 : i32
    %c0_i32_1 = arith.constant 0 : i32
    return %c0_i32, %c0_i32_0 : i32, i32
  }
  func.func @transform_7(%arg0: i32) -> (i32, i32) {
    %c0_i32 = arith.constant 0 : i32
    %c0_i32_0 = arith.constant 0 : i32
    %c0_i32_1 = arith.constant 0 : i32
    return %c0_i32, %c0_i32_0 : i32, i32
  }
  func.func @transform_8(%arg0: i32) -> (i32, i32) {
    %c0_i32 = arith.constant 0 : i32
    %c0_i32_0 = arith.constant 0 : i32
    %c0_i32_1 = arith.constant 0 : i32
    return %c0_i32, %c0_i32_0 : i32, i32
  }
  func.func @transform_9(%arg0: i32) -> (i32, i32) {
    %c0_i32 = arith.constant 0 : i32
    %c0_i32_0 = arith.constant 0 : i32
    %c0_i32_1 = arith.constant 0 : i32
    return %c0_i32, %c0_i32_0 : i32, i32
  }
  func.func @transform_10(%arg0: i32) -> (i32, i32) {
    %c0_i32 = arith.constant 0 : i32
    %c0_i32_0 = arith.constant 0 : i32
    %c0_i32_1 = arith.constant 0 : i32
    return %c0_i32, %c0_i32_0 : i32, i32
  }
  func.func @transform_11(%arg0: i32) -> (i32, i32) {
    %c0_i32 = arith.constant 0 : i32
    %c0_i32_0 = arith.constant 0 : i32
    return %arg0, %c0_i32 : i32, i32
  }
  func.func @transform_12(%arg0: i32) -> (i32, i32) {
    %c0_i32 = arith.constant 0 : i32
    %c0_i32_0 = arith.constant 0 : i32
    return %arg0, %c0_i32 : i32, i32
  }
  func.func @transform_13(%arg0: i32) -> (i32, i32) {
    %c0_i32 = arith.constant 0 : i32
    %c0_i32_0 = arith.constant 0 : i32
    return %arg0, %c0_i32 : i32, i32
  }
}

module attributes {stable_mosaic.version = 14 : i64} {
  func.func @_mlp_body(%arg0: i32, %arg1: memref<4096x128xf32, #tpu.memory_space<vmem>>, %arg2: memref<128x8xf32, #tpu.memory_space<vmem>>, %arg3: memref<8x64xf32, #tpu.memory_space<vmem>>, %arg4: memref<64x96xf32, #tpu.memory_space<vmem>>, %arg5: memref<1x96xf32, #tpu.memory_space<vmem>>, %arg6: memref<96x128xf32, #tpu.memory_space<vmem>>, %arg7: memref<1x128xf32, #tpu.memory_space<vmem>>, %arg8: memref<128x128xf32, #tpu.memory_space<vmem>>) attributes {dimension_semantics = [#tpu.dimension_semantics<arbitrary>], iteration_bounds = array<i64: 128>, scalar_prefetch = 0 : i64, scratch_operands = 0 : i64, tpu.core_type = #tpu.core_type<tc>, window_params = [{transform_indices = @transform_0, window_bounds = array<i64: 4096, 128>}, {transform_indices = @transform_1, window_bounds = array<i64: 128, 8>}, {pipeline_mode = #tpu.pipeline_mode<synchronous>, transform_indices = @transform_2, window_bounds = array<i64: 8, 64>}, {pipeline_mode = #tpu.pipeline_mode<synchronous>, transform_indices = @transform_3, window_bounds = array<i64: 64, 96>}, {pipeline_mode = #tpu.pipeline_mode<synchronous>, transform_indices = @transform_4, window_bounds = array<i64: 1, 96>}, {pipeline_mode = #tpu.pipeline_mode<synchronous>, transform_indices = @transform_5, window_bounds = array<i64: 96, 128>}, {pipeline_mode = #tpu.pipeline_mode<synchronous>, transform_indices = @transform_6, window_bounds = array<i64: 1, 128>}, {transform_indices = @transform_7, window_bounds = array<i64: 128, 128>}]} {
    %get3A = arith.constant 0 : index
    %get3A_0 = arith.constant 0 : index
    %get3A_1 = vector.load %arg2[%get3A, %get3A_0] : memref<128x8xf32, #tpu.memory_space<vmem>>, vector<128x8xf32>
    %get3A_2 = arith.constant 0 : index
    %get3A_3 = arith.constant 0 : index
    %get3A_4 = vector.load %arg3[%get3A_2, %get3A_3] : memref<8x64xf32, #tpu.memory_space<vmem>>, vector<8x64xf32>
    %dot_general3A = arith.constant dense<0.000000e+00> : vector<128x64xf32>
    %dot_general3A_5 = tpu.matmul %get3A_1, %get3A_4, %dot_general3A {dimension_numbers = #tpu.dot_dimension_numbers<[1], [0], [0], [1], [0, 0, 1, 1], [], []>, transpose_lhs_hint = false} : vector<128x8xf32>, vector<8x64xf32>, vector<128x64xf32> -> vector<128x64xf32>
    %get3A_6 = arith.constant 0 : index
    %get3A_7 = arith.constant 0 : index
    %get3A_8 = vector.load %arg1[%get3A_6, %get3A_7] : memref<4096x128xf32, #tpu.memory_space<vmem>>, vector<4096x128xf32>
    %slice3A = vector.extract_strided_slice %get3A_8 {offsets = [0, 0], sizes = [4096, 64], strides = [1, 1]} : vector<4096x128xf32> to vector<4096x64xf32>
    %reshape3A = vector.shape_cast %slice3A : vector<4096x64xf32> to vector<128x32x64xf32>
    %broadcast_in_dim3A = vector.shape_cast %dot_general3A_5 : vector<128x64xf32> to vector<128x1x64xf32>
    %sub3A = vector.broadcast %broadcast_in_dim3A : vector<128x1x64xf32> to vector<128x32x64xf32>
    %sub3A_9 = arith.subf %reshape3A, %sub3A : vector<128x32x64xf32>
    %max3A = arith.constant 0.000000e+00 : f32
    %max3A_10 = vector.broadcast %max3A : f32 to vector<128x32x64xf32>
    %max3A_11 = arith.maximumf %sub3A_9, %max3A_10 : vector<128x32x64xf32>
    %reshape3A_12 = vector.shape_cast %max3A_11 : vector<128x32x64xf32> to vector<4096x64xf32>
    %slice3A_13 = vector.extract_strided_slice %get3A_8 {offsets = [0, 64], sizes = [4096, 64], strides = [1, 1]} : vector<4096x128xf32> to vector<4096x64xf32>
    %reshape3A_14 = vector.shape_cast %slice3A_13 : vector<4096x64xf32> to vector<128x32x64xf32>
    %broadcast_in_dim3A_15 = vector.shape_cast %dot_general3A_5 : vector<128x64xf32> to vector<128x1x64xf32>
    %sub3A_16 = vector.broadcast %broadcast_in_dim3A_15 : vector<128x1x64xf32> to vector<128x32x64xf32>
    %sub3A_17 = arith.subf %reshape3A_14, %sub3A_16 : vector<128x32x64xf32>
    %max3A_18 = arith.constant 0.000000e+00 : f32
    %max3A_19 = vector.broadcast %max3A_18 : f32 to vector<128x32x64xf32>
    %max3A_20 = arith.maximumf %sub3A_17, %max3A_19 : vector<128x32x64xf32>
    %reshape3A_21 = vector.shape_cast %max3A_20 : vector<128x32x64xf32> to vector<4096x64xf32>
    %concatenate3A = tpu.concatenate %reshape3A_12, %reshape3A_21 in 0 : vector<4096x64xf32>, vector<4096x64xf32> -> vector<8192x64xf32>
    %get3A_22 = arith.constant 0 : index
    %get3A_23 = arith.constant 0 : index
    %get3A_24 = vector.load %arg4[%get3A_22, %get3A_23] : memref<64x96xf32, #tpu.memory_space<vmem>>, vector<64x96xf32>
    %dot_general3A_25 = arith.constant dense<0.000000e+00> : vector<8192x96xf32>
    %dot_general3A_26 = tpu.matmul %concatenate3A, %get3A_24, %dot_general3A_25 {dimension_numbers = #tpu.dot_dimension_numbers<[1], [0], [0], [1], [0, 0, 1, 1], [], []>, transpose_lhs_hint = false} : vector<8192x64xf32>, vector<64x96xf32>, vector<8192x96xf32> -> vector<8192x96xf32>
    %get3A_27 = arith.constant 0 : index
    %get3A_28 = arith.constant 0 : index
    %get3A_29 = vector.load %arg5[%get3A_27, %get3A_28] : memref<1x96xf32, #tpu.memory_space<vmem>>, vector<1x96xf32>
    %add3A = vector.broadcast %get3A_29 : vector<1x96xf32> to vector<8192x96xf32>
    %add3A_30 = arith.addf %dot_general3A_26, %add3A : vector<8192x96xf32>
    %max3A_31 = arith.constant 0.000000e+00 : f32
    %max3A_32 = vector.broadcast %max3A_31 : f32 to vector<8192x96xf32>
    %max3A_33 = arith.maximumf %add3A_30, %max3A_32 : vector<8192x96xf32>
    %get3A_34 = arith.constant 0 : index
    %get3A_35 = arith.constant 0 : index
    %get3A_36 = vector.load %arg6[%get3A_34, %get3A_35] : memref<96x128xf32, #tpu.memory_space<vmem>>, vector<96x128xf32>
    %dot_general3A_37 = arith.constant dense<0.000000e+00> : vector<8192x128xf32>
    %dot_general3A_38 = tpu.matmul %max3A_33, %get3A_36, %dot_general3A_37 {dimension_numbers = #tpu.dot_dimension_numbers<[1], [0], [0], [1], [0, 0, 1, 1], [], []>, transpose_lhs_hint = false} : vector<8192x96xf32>, vector<96x128xf32>, vector<8192x128xf32> -> vector<8192x128xf32>
    %get3A_39 = arith.constant 0 : index
    %get3A_40 = arith.constant 0 : index
    %get3A_41 = vector.load %arg7[%get3A_39, %get3A_40] : memref<1x128xf32, #tpu.memory_space<vmem>>, vector<1x128xf32>
    %add3A_42 = vector.broadcast %get3A_41 : vector<1x128xf32> to vector<8192x128xf32>
    %add3A_43 = arith.addf %dot_general3A_38, %add3A_42 : vector<8192x128xf32>
    %max3A_44 = arith.constant 0.000000e+00 : f32
    %max3A_45 = vector.broadcast %max3A_44 : f32 to vector<8192x128xf32>
    %max3A_46 = arith.maximumf %add3A_43, %max3A_45 : vector<8192x128xf32>
    %slice3A_47 = vector.extract_strided_slice %max3A_46 {offsets = [0, 0], sizes = [4096, 128], strides = [1, 1]} : vector<8192x128xf32> to vector<4096x128xf32>
    %reshape3A_48 = vector.shape_cast %slice3A_47 : vector<4096x128xf32> to vector<128x32x128xf32>
    %reduce_max3A = arith.constant dense<0xFF800000> : vector<128x128xf32>
    %reduce_max3A_49 = vector.multi_reduction <maximumf>, %reshape3A_48, %reduce_max3A [1] : vector<128x32x128xf32> to vector<128x128xf32>
    %slice3A_50 = vector.extract_strided_slice %max3A_46 {offsets = [4096, 0], sizes = [4096, 128], strides = [1, 1]} : vector<8192x128xf32> to vector<4096x128xf32>
    %reshape3A_51 = vector.shape_cast %slice3A_50 : vector<4096x128xf32> to vector<128x32x128xf32>
    %reduce_max3A_52 = arith.constant dense<0xFF800000> : vector<128x128xf32>
    %reduce_max3A_53 = vector.multi_reduction <maximumf>, %reshape3A_51, %reduce_max3A_52 [1] : vector<128x32x128xf32> to vector<128x128xf32>
    %max3A_54 = arith.maximumf %reduce_max3A_49, %reduce_max3A_53 : vector<128x128xf32>
    %swap3A = arith.constant 0 : index
    %swap3A_55 = arith.constant 0 : index
    %swap3A_56 = vector.load %arg8[%swap3A, %swap3A_55] : memref<128x128xf32, #tpu.memory_space<vmem>>, vector<128x128xf32>
    tpu.vector_store %arg8[%swap3A, %swap3A_55], %max3A_54 {strides = array<i32>} : memref<128x128xf32, #tpu.memory_space<vmem>>, vector<128x128xf32>,
    return
  }
  func.func @transform_0(%arg0: i32) -> (i32, i32) {
    %c0_i32 = arith.constant 0 : i32
    %c0_i32_0 = arith.constant 0 : i32
    return %arg0, %c0_i32 : i32, i32
  }
  func.func @transform_1(%arg0: i32) -> (i32, i32) {
    %c0_i32 = arith.constant 0 : i32
    %c0_i32_0 = arith.constant 0 : i32
    return %arg0, %c0_i32 : i32, i32
  }
  func.func @transform_2(%arg0: i32) -> (i32, i32) {
    %c0_i32 = arith.constant 0 : i32
    %c0_i32_0 = arith.constant 0 : i32
    %c0_i32_1 = arith.constant 0 : i32
    return %c0_i32, %c0_i32_0 : i32, i32
  }
  func.func @transform_3(%arg0: i32) -> (i32, i32) {
    %c0_i32 = arith.constant 0 : i32
    %c0_i32_0 = arith.constant 0 : i32
    %c0_i32_1 = arith.constant 0 : i32
    return %c0_i32, %c0_i32_0 : i32, i32
  }
  func.func @transform_4(%arg0: i32) -> (i32, i32) {
    %c0_i32 = arith.constant 0 : i32
    %c0_i32_0 = arith.constant 0 : i32
    %c0_i32_1 = arith.constant 0 : i32
    return %c0_i32, %c0_i32_0 : i32, i32
  }
  func.func @transform_5(%arg0: i32) -> (i32, i32) {
    %c0_i32 = arith.constant 0 : i32
    %c0_i32_0 = arith.constant 0 : i32
    %c0_i32_1 = arith.constant 0 : i32
    return %c0_i32, %c0_i32_0 : i32, i32
  }
  func.func @transform_6(%arg0: i32) -> (i32, i32) {
    %c0_i32 = arith.constant 0 : i32
    %c0_i32_0 = arith.constant 0 : i32
    %c0_i32_1 = arith.constant 0 : i32
    return %c0_i32, %c0_i32_0 : i32, i32
  }
  func.func @transform_7(%arg0: i32) -> (i32, i32) {
    %c0_i32 = arith.constant 0 : i32
    %c0_i32_0 = arith.constant 0 : i32
    return %arg0, %c0_i32 : i32, i32
  }
}

module attributes {stable_mosaic.version = 14 : i64} {
  func.func @_mlp_body(%arg0: i32, %arg1: memref<512x128xf32, #tpu.memory_space<vmem>>, %arg2: memref<128x8xf32, #tpu.memory_space<vmem>>, %arg3: memref<8x32xf32, #tpu.memory_space<vmem>>, %arg4: memref<32x32xf32, #tpu.memory_space<vmem>>, %arg5: memref<1x32xf32, #tpu.memory_space<vmem>>, %arg6: memref<32x64xf32, #tpu.memory_space<vmem>>, %arg7: memref<1x64xf32, #tpu.memory_space<vmem>>, %arg8: memref<128x64xf32, #tpu.memory_space<vmem>>) attributes {dimension_semantics = [#tpu.dimension_semantics<arbitrary>], iteration_bounds = array<i64: 128>, scalar_prefetch = 0 : i64, scratch_operands = 0 : i64, tpu.core_type = #tpu.core_type<tc>, window_params = [{transform_indices = @transform_0, window_bounds = array<i64: 512, 128>}, {transform_indices = @transform_1, window_bounds = array<i64: 128, 8>}, {pipeline_mode = #tpu.pipeline_mode<synchronous>, transform_indices = @transform_2, window_bounds = array<i64: 8, 32>}, {pipeline_mode = #tpu.pipeline_mode<synchronous>, transform_indices = @transform_3, window_bounds = array<i64: 32, 32>}, {pipeline_mode = #tpu.pipeline_mode<synchronous>, transform_indices = @transform_4, window_bounds = array<i64: 1, 32>}, {pipeline_mode = #tpu.pipeline_mode<synchronous>, transform_indices = @transform_5, window_bounds = array<i64: 32, 64>}, {pipeline_mode = #tpu.pipeline_mode<synchronous>, transform_indices = @transform_6, window_bounds = array<i64: 1, 64>}, {transform_indices = @transform_7, window_bounds = array<i64: 128, 64>}]} {
    %get3A = arith.constant 0 : index
    %get3A_0 = arith.constant 0 : index
    %get3A_1 = vector.load %arg2[%get3A, %get3A_0] : memref<128x8xf32, #tpu.memory_space<vmem>>, vector<128x8xf32>
    %get3A_2 = arith.constant 0 : index
    %get3A_3 = arith.constant 0 : index
    %get3A_4 = vector.load %arg3[%get3A_2, %get3A_3] : memref<8x32xf32, #tpu.memory_space<vmem>>, vector<8x32xf32>
    %dot_general3A = arith.constant dense<0.000000e+00> : vector<128x32xf32>
    %dot_general3A_5 = tpu.matmul %get3A_1, %get3A_4, %dot_general3A {dimension_numbers = #tpu.dot_dimension_numbers<[1], [0], [0], [1], [0, 0, 1, 1], [], []>, transpose_lhs_hint = false} : vector<128x8xf32>, vector<8x32xf32>, vector<128x32xf32> -> vector<128x32xf32>
    %get3A_6 = arith.constant 0 : index
    %get3A_7 = arith.constant 0 : index
    %get3A_8 = vector.load %arg1[%get3A_6, %get3A_7] : memref<512x128xf32, #tpu.memory_space<vmem>>, vector<512x128xf32>
    %slice3A = vector.extract_strided_slice %get3A_8 {offsets = [0, 0], sizes = [512, 32], strides = [1, 1]} : vector<512x128xf32> to vector<512x32xf32>
    %reshape3A = vector.shape_cast %slice3A : vector<512x32xf32> to vector<128x4x32xf32>
    %broadcast_in_dim3A = vector.shape_cast %dot_general3A_5 : vector<128x32xf32> to vector<128x1x32xf32>
    %sub3A = vector.broadcast %broadcast_in_dim3A : vector<128x1x32xf32> to vector<128x4x32xf32>
    %sub3A_9 = arith.subf %reshape3A, %sub3A : vector<128x4x32xf32>
    %max3A = arith.constant 0.000000e+00 : f32
    %max3A_10 = vector.broadcast %max3A : f32 to vector<128x4x32xf32>
    %max3A_11 = arith.maximumf %sub3A_9, %max3A_10 : vector<128x4x32xf32>
    %reshape3A_12 = vector.shape_cast %max3A_11 : vector<128x4x32xf32> to vector<512x32xf32>
    %slice3A_13 = vector.extract_strided_slice %get3A_8 {offsets = [0, 32], sizes = [512, 32], strides = [1, 1]} : vector<512x128xf32> to vector<512x32xf32>
    %reshape3A_14 = vector.shape_cast %slice3A_13 : vector<512x32xf32> to vector<128x4x32xf32>
    %broadcast_in_dim3A_15 = vector.shape_cast %dot_general3A_5 : vector<128x32xf32> to vector<128x1x32xf32>
    %sub3A_16 = vector.broadcast %broadcast_in_dim3A_15 : vector<128x1x32xf32> to vector<128x4x32xf32>
    %sub3A_17 = arith.subf %reshape3A_14, %sub3A_16 : vector<128x4x32xf32>
    %max3A_18 = arith.constant 0.000000e+00 : f32
    %max3A_19 = vector.broadcast %max3A_18 : f32 to vector<128x4x32xf32>
    %max3A_20 = arith.maximumf %sub3A_17, %max3A_19 : vector<128x4x32xf32>
    %reshape3A_21 = vector.shape_cast %max3A_20 : vector<128x4x32xf32> to vector<512x32xf32>
    %slice3A_22 = vector.extract_strided_slice %get3A_8 {offsets = [0, 64], sizes = [512, 32], strides = [1, 1]} : vector<512x128xf32> to vector<512x32xf32>
    %reshape3A_23 = vector.shape_cast %slice3A_22 : vector<512x32xf32> to vector<128x4x32xf32>
    %broadcast_in_dim3A_24 = vector.shape_cast %dot_general3A_5 : vector<128x32xf32> to vector<128x1x32xf32>
    %sub3A_25 = vector.broadcast %broadcast_in_dim3A_24 : vector<128x1x32xf32> to vector<128x4x32xf32>
    %sub3A_26 = arith.subf %reshape3A_23, %sub3A_25 : vector<128x4x32xf32>
    %max3A_27 = arith.constant 0.000000e+00 : f32
    %max3A_28 = vector.broadcast %max3A_27 : f32 to vector<128x4x32xf32>
    %max3A_29 = arith.maximumf %sub3A_26, %max3A_28 : vector<128x4x32xf32>
    %reshape3A_30 = vector.shape_cast %max3A_29 : vector<128x4x32xf32> to vector<512x32xf32>
    %slice3A_31 = vector.extract_strided_slice %get3A_8 {offsets = [0, 96], sizes = [512, 32], strides = [1, 1]} : vector<512x128xf32> to vector<512x32xf32>
    %reshape3A_32 = vector.shape_cast %slice3A_31 : vector<512x32xf32> to vector<128x4x32xf32>
    %broadcast_in_dim3A_33 = vector.shape_cast %dot_general3A_5 : vector<128x32xf32> to vector<128x1x32xf32>
    %sub3A_34 = vector.broadcast %broadcast_in_dim3A_33 : vector<128x1x32xf32> to vector<128x4x32xf32>
    %sub3A_35 = arith.subf %reshape3A_32, %sub3A_34 : vector<128x4x32xf32>
    %max3A_36 = arith.constant 0.000000e+00 : f32
    %max3A_37 = vector.broadcast %max3A_36 : f32 to vector<128x4x32xf32>
    %max3A_38 = arith.maximumf %sub3A_35, %max3A_37 : vector<128x4x32xf32>
    %reshape3A_39 = vector.shape_cast %max3A_38 : vector<128x4x32xf32> to vector<512x32xf32>
    %concatenate3A = tpu.concatenate %reshape3A_12, %reshape3A_21, %reshape3A_30, %reshape3A_39 in 0 : vector<512x32xf32>, vector<512x32xf32>, vector<512x32xf32>, vector<512x32xf32> -> vector<2048x32xf32>
    %get3A_40 = arith.constant 0 : index
    %get3A_41 = arith.constant 0 : index
    %get3A_42 = vector.load %arg4[%get3A_40, %get3A_41] : memref<32x32xf32, #tpu.memory_space<vmem>>, vector<32x32xf32>
    %dot_general3A_43 = arith.constant dense<0.000000e+00> : vector<2048x32xf32>
    %dot_general3A_44 = tpu.matmul %concatenate3A, %get3A_42, %dot_general3A_43 {dimension_numbers = #tpu.dot_dimension_numbers<[1], [0], [0], [1], [0, 0, 1, 1], [], []>, transpose_lhs_hint = false} : vector<2048x32xf32>, vector<32x32xf32>, vector<2048x32xf32> -> vector<2048x32xf32>
    %get3A_45 = arith.constant 0 : index
    %get3A_46 = arith.constant 0 : index
    %get3A_47 = vector.load %arg5[%get3A_45, %get3A_46] : memref<1x32xf32, #tpu.memory_space<vmem>>, vector<1x32xf32>
    %add3A = vector.broadcast %get3A_47 : vector<1x32xf32> to vector<2048x32xf32>
    %add3A_48 = arith.addf %dot_general3A_44, %add3A : vector<2048x32xf32>
    %max3A_49 = arith.constant 0.000000e+00 : f32
    %max3A_50 = vector.broadcast %max3A_49 : f32 to vector<2048x32xf32>
    %max3A_51 = arith.maximumf %add3A_48, %max3A_50 : vector<2048x32xf32>
    %get3A_52 = arith.constant 0 : index
    %get3A_53 = arith.constant 0 : index
    %get3A_54 = vector.load %arg6[%get3A_52, %get3A_53] : memref<32x64xf32, #tpu.memory_space<vmem>>, vector<32x64xf32>
    %dot_general3A_55 = arith.constant dense<0.000000e+00> : vector<2048x64xf32>
    %dot_general3A_56 = tpu.matmul %max3A_51, %get3A_54, %dot_general3A_55 {dimension_numbers = #tpu.dot_dimension_numbers<[1], [0], [0], [1], [0, 0, 1, 1], [], []>, transpose_lhs_hint = false} : vector<2048x32xf32>, vector<32x64xf32>, vector<2048x64xf32> -> vector<2048x64xf32>
    %get3A_57 = arith.constant 0 : index
    %get3A_58 = arith.constant 0 : index
    %get3A_59 = vector.load %arg7[%get3A_57, %get3A_58] : memref<1x64xf32, #tpu.memory_space<vmem>>, vector<1x64xf32>
    %add3A_60 = vector.broadcast %get3A_59 : vector<1x64xf32> to vector<2048x64xf32>
    %add3A_61 = arith.addf %dot_general3A_56, %add3A_60 : vector<2048x64xf32>
    %max3A_62 = arith.constant 0.000000e+00 : f32
    %max3A_63 = vector.broadcast %max3A_62 : f32 to vector<2048x64xf32>
    %max3A_64 = arith.maximumf %add3A_61, %max3A_63 : vector<2048x64xf32>
    %slice3A_65 = vector.extract_strided_slice %max3A_64 {offsets = [0, 0], sizes = [512, 64], strides = [1, 1]} : vector<2048x64xf32> to vector<512x64xf32>
    %reshape3A_66 = vector.shape_cast %slice3A_65 : vector<512x64xf32> to vector<128x4x64xf32>
    %reduce_max3A = arith.constant dense<0xFF800000> : vector<128x64xf32>
    %reduce_max3A_67 = vector.multi_reduction <maximumf>, %reshape3A_66, %reduce_max3A [1] : vector<128x4x64xf32> to vector<128x64xf32>
    %slice3A_68 = vector.extract_strided_slice %max3A_64 {offsets = [512, 0], sizes = [512, 64], strides = [1, 1]} : vector<2048x64xf32> to vector<512x64xf32>
    %reshape3A_69 = vector.shape_cast %slice3A_68 : vector<512x64xf32> to vector<128x4x64xf32>
    %reduce_max3A_70 = arith.constant dense<0xFF800000> : vector<128x64xf32>
    %reduce_max3A_71 = vector.multi_reduction <maximumf>, %reshape3A_69, %reduce_max3A_70 [1] : vector<128x4x64xf32> to vector<128x64xf32>
    %max3A_72 = arith.maximumf %reduce_max3A_67, %reduce_max3A_71 : vector<128x64xf32>
    %slice3A_73 = vector.extract_strided_slice %max3A_64 {offsets = [1024, 0], sizes = [512, 64], strides = [1, 1]} : vector<2048x64xf32> to vector<512x64xf32>
    %reshape3A_74 = vector.shape_cast %slice3A_73 : vector<512x64xf32> to vector<128x4x64xf32>
    %reduce_max3A_75 = arith.constant dense<0xFF800000> : vector<128x64xf32>
    %reduce_max3A_76 = vector.multi_reduction <maximumf>, %reshape3A_74, %reduce_max3A_75 [1] : vector<128x4x64xf32> to vector<128x64xf32>
    %max3A_77 = arith.maximumf %max3A_72, %reduce_max3A_76 : vector<128x64xf32>
    %slice3A_78 = vector.extract_strided_slice %max3A_64 {offsets = [1536, 0], sizes = [512, 64], strides = [1, 1]} : vector<2048x64xf32> to vector<512x64xf32>
    %reshape3A_79 = vector.shape_cast %slice3A_78 : vector<512x64xf32> to vector<128x4x64xf32>
    %reduce_max3A_80 = arith.constant dense<0xFF800000> : vector<128x64xf32>
    %reduce_max3A_81 = vector.multi_reduction <maximumf>, %reshape3A_79, %reduce_max3A_80 [1] : vector<128x4x64xf32> to vector<128x64xf32>
    %max3A_82 = arith.maximumf %max3A_77, %reduce_max3A_81 : vector<128x64xf32>
    %swap3A = arith.constant 0 : index
    %swap3A_83 = arith.constant 0 : index
    %swap3A_84 = vector.load %arg8[%swap3A, %swap3A_83] : memref<128x64xf32, #tpu.memory_space<vmem>>, vector<128x64xf32>
    tpu.vector_store %arg8[%swap3A, %swap3A_83], %max3A_82 {strides = array<i32>} : memref<128x64xf32, #tpu.memory_space<vmem>>, vector<128x64xf32>,
    return
  }
  func.func @transform_0(%arg0: i32) -> (i32, i32) {
    %c0_i32 = arith.constant 0 : i32
    %c0_i32_0 = arith.constant 0 : i32
    return %arg0, %c0_i32 : i32, i32
  }
  func.func @transform_1(%arg0: i32) -> (i32, i32) {
    %c0_i32 = arith.constant 0 : i32
    %c0_i32_0 = arith.constant 0 : i32
    return %arg0, %c0_i32 : i32, i32
  }
  func.func @transform_2(%arg0: i32) -> (i32, i32) {
    %c0_i32 = arith.constant 0 : i32
    %c0_i32_0 = arith.constant 0 : i32
    %c0_i32_1 = arith.constant 0 : i32
    return %c0_i32, %c0_i32_0 : i32, i32
  }
  func.func @transform_3(%arg0: i32) -> (i32, i32) {
    %c0_i32 = arith.constant 0 : i32
    %c0_i32_0 = arith.constant 0 : i32
    %c0_i32_1 = arith.constant 0 : i32
    return %c0_i32, %c0_i32_0 : i32, i32
  }
  func.func @transform_4(%arg0: i32) -> (i32, i32) {
    %c0_i32 = arith.constant 0 : i32
    %c0_i32_0 = arith.constant 0 : i32
    %c0_i32_1 = arith.constant 0 : i32
    return %c0_i32, %c0_i32_0 : i32, i32
  }
  func.func @transform_5(%arg0: i32) -> (i32, i32) {
    %c0_i32 = arith.constant 0 : i32
    %c0_i32_0 = arith.constant 0 : i32
    %c0_i32_1 = arith.constant 0 : i32
    return %c0_i32, %c0_i32_0 : i32, i32
  }
  func.func @transform_6(%arg0: i32) -> (i32, i32) {
    %c0_i32 = arith.constant 0 : i32
    %c0_i32_0 = arith.constant 0 : i32
    %c0_i32_1 = arith.constant 0 : i32
    return %c0_i32, %c0_i32_0 : i32, i32
  }
  func.func @transform_7(%arg0: i32) -> (i32, i32) {
    %c0_i32 = arith.constant 0 : i32
    %c0_i32_0 = arith.constant 0 : i32
    return %arg0, %c0_i32 : i32, i32
  }
}

module attributes {stable_mosaic.version = 14 : i64} {
  func.func @_mlp_body(%arg0: i32, %arg1: memref<2048x128xf32, #tpu.memory_space<vmem>>, %arg2: memref<128x8xf32, #tpu.memory_space<vmem>>, %arg3: memref<8x64xf32, #tpu.memory_space<vmem>>, %arg4: memref<64x64xf32, #tpu.memory_space<vmem>>, %arg5: memref<1x64xf32, #tpu.memory_space<vmem>>, %arg6: memref<64x128xf32, #tpu.memory_space<vmem>>, %arg7: memref<1x128xf32, #tpu.memory_space<vmem>>, %arg8: memref<128x128xf32, #tpu.memory_space<vmem>>) attributes {dimension_semantics = [#tpu.dimension_semantics<arbitrary>], iteration_bounds = array<i64: 128>, scalar_prefetch = 0 : i64, scratch_operands = 0 : i64, tpu.core_type = #tpu.core_type<tc>, window_params = [{transform_indices = @transform_0, window_bounds = array<i64: 2048, 128>}, {transform_indices = @transform_1, window_bounds = array<i64: 128, 8>}, {pipeline_mode = #tpu.pipeline_mode<synchronous>, transform_indices = @transform_2, window_bounds = array<i64: 8, 64>}, {pipeline_mode = #tpu.pipeline_mode<synchronous>, transform_indices = @transform_3, window_bounds = array<i64: 64, 64>}, {pipeline_mode = #tpu.pipeline_mode<synchronous>, transform_indices = @transform_4, window_bounds = array<i64: 1, 64>}, {pipeline_mode = #tpu.pipeline_mode<synchronous>, transform_indices = @transform_5, window_bounds = array<i64: 64, 128>}, {pipeline_mode = #tpu.pipeline_mode<synchronous>, transform_indices = @transform_6, window_bounds = array<i64: 1, 128>}, {transform_indices = @transform_7, window_bounds = array<i64: 128, 128>}]} {
    %get3A = arith.constant 0 : index
    %get3A_0 = arith.constant 0 : index
    %get3A_1 = vector.load %arg2[%get3A, %get3A_0] : memref<128x8xf32, #tpu.memory_space<vmem>>, vector<128x8xf32>
    %get3A_2 = arith.constant 0 : index
    %get3A_3 = arith.constant 0 : index
    %get3A_4 = vector.load %arg3[%get3A_2, %get3A_3] : memref<8x64xf32, #tpu.memory_space<vmem>>, vector<8x64xf32>
    %dot_general3A = arith.constant dense<0.000000e+00> : vector<128x64xf32>
    %dot_general3A_5 = tpu.matmul %get3A_1, %get3A_4, %dot_general3A {dimension_numbers = #tpu.dot_dimension_numbers<[1], [0], [0], [1], [0, 0, 1, 1], [], []>, transpose_lhs_hint = false} : vector<128x8xf32>, vector<8x64xf32>, vector<128x64xf32> -> vector<128x64xf32>
    %get3A_6 = arith.constant 0 : index
    %get3A_7 = arith.constant 0 : index
    %get3A_8 = vector.load %arg1[%get3A_6, %get3A_7] : memref<2048x128xf32, #tpu.memory_space<vmem>>, vector<2048x128xf32>
    %slice3A = vector.extract_strided_slice %get3A_8 {offsets = [0, 0], sizes = [2048, 64], strides = [1, 1]} : vector<2048x128xf32> to vector<2048x64xf32>
    %reshape3A = vector.shape_cast %slice3A : vector<2048x64xf32> to vector<128x16x64xf32>
    %broadcast_in_dim3A = vector.shape_cast %dot_general3A_5 : vector<128x64xf32> to vector<128x1x64xf32>
    %sub3A = vector.broadcast %broadcast_in_dim3A : vector<128x1x64xf32> to vector<128x16x64xf32>
    %sub3A_9 = arith.subf %reshape3A, %sub3A : vector<128x16x64xf32>
    %max3A = arith.constant 0.000000e+00 : f32
    %max3A_10 = vector.broadcast %max3A : f32 to vector<128x16x64xf32>
    %max3A_11 = arith.maximumf %sub3A_9, %max3A_10 : vector<128x16x64xf32>
    %reshape3A_12 = vector.shape_cast %max3A_11 : vector<128x16x64xf32> to vector<2048x64xf32>
    %slice3A_13 = vector.extract_strided_slice %get3A_8 {offsets = [0, 64], sizes = [2048, 64], strides = [1, 1]} : vector<2048x128xf32> to vector<2048x64xf32>
    %reshape3A_14 = vector.shape_cast %slice3A_13 : vector<2048x64xf32> to vector<128x16x64xf32>
    %broadcast_in_dim3A_15 = vector.shape_cast %dot_general3A_5 : vector<128x64xf32> to vector<128x1x64xf32>
    %sub3A_16 = vector.broadcast %broadcast_in_dim3A_15 : vector<128x1x64xf32> to vector<128x16x64xf32>
    %sub3A_17 = arith.subf %reshape3A_14, %sub3A_16 : vector<128x16x64xf32>
    %max3A_18 = arith.constant 0.000000e+00 : f32
    %max3A_19 = vector.broadcast %max3A_18 : f32 to vector<128x16x64xf32>
    %max3A_20 = arith.maximumf %sub3A_17, %max3A_19 : vector<128x16x64xf32>
    %reshape3A_21 = vector.shape_cast %max3A_20 : vector<128x16x64xf32> to vector<2048x64xf32>
    %concatenate3A = tpu.concatenate %reshape3A_12, %reshape3A_21 in 0 : vector<2048x64xf32>, vector<2048x64xf32> -> vector<4096x64xf32>
    %get3A_22 = arith.constant 0 : index
    %get3A_23 = arith.constant 0 : index
    %get3A_24 = vector.load %arg4[%get3A_22, %get3A_23] : memref<64x64xf32, #tpu.memory_space<vmem>>, vector<64x64xf32>
    %dot_general3A_25 = arith.constant dense<0.000000e+00> : vector<4096x64xf32>
    %dot_general3A_26 = tpu.matmul %concatenate3A, %get3A_24, %dot_general3A_25 {dimension_numbers = #tpu.dot_dimension_numbers<[1], [0], [0], [1], [0, 0, 1, 1], [], []>, transpose_lhs_hint = false} : vector<4096x64xf32>, vector<64x64xf32>, vector<4096x64xf32> -> vector<4096x64xf32>
    %get3A_27 = arith.constant 0 : index
    %get3A_28 = arith.constant 0 : index
    %get3A_29 = vector.load %arg5[%get3A_27, %get3A_28] : memref<1x64xf32, #tpu.memory_space<vmem>>, vector<1x64xf32>
    %add3A = vector.broadcast %get3A_29 : vector<1x64xf32> to vector<4096x64xf32>
    %add3A_30 = arith.addf %dot_general3A_26, %add3A : vector<4096x64xf32>
    %max3A_31 = arith.constant 0.000000e+00 : f32
    %max3A_32 = vector.broadcast %max3A_31 : f32 to vector<4096x64xf32>
    %max3A_33 = arith.maximumf %add3A_30, %max3A_32 : vector<4096x64xf32>
    %get3A_34 = arith.constant 0 : index
    %get3A_35 = arith.constant 0 : index
    %get3A_36 = vector.load %arg6[%get3A_34, %get3A_35] : memref<64x128xf32, #tpu.memory_space<vmem>>, vector<64x128xf32>
    %dot_general3A_37 = arith.constant dense<0.000000e+00> : vector<4096x128xf32>
    %dot_general3A_38 = tpu.matmul %max3A_33, %get3A_36, %dot_general3A_37 {dimension_numbers = #tpu.dot_dimension_numbers<[1], [0], [0], [1], [0, 0, 1, 1], [], []>, transpose_lhs_hint = false} : vector<4096x64xf32>, vector<64x128xf32>, vector<4096x128xf32> -> vector<4096x128xf32>
    %get3A_39 = arith.constant 0 : index
    %get3A_40 = arith.constant 0 : index
    %get3A_41 = vector.load %arg7[%get3A_39, %get3A_40] : memref<1x128xf32, #tpu.memory_space<vmem>>, vector<1x128xf32>
    %add3A_42 = vector.broadcast %get3A_41 : vector<1x128xf32> to vector<4096x128xf32>
    %add3A_43 = arith.addf %dot_general3A_38, %add3A_42 : vector<4096x128xf32>
    %max3A_44 = arith.constant 0.000000e+00 : f32
    %max3A_45 = vector.broadcast %max3A_44 : f32 to vector<4096x128xf32>
    %max3A_46 = arith.maximumf %add3A_43, %max3A_45 : vector<4096x128xf32>
    %slice3A_47 = vector.extract_strided_slice %max3A_46 {offsets = [0, 0], sizes = [2048, 128], strides = [1, 1]} : vector<4096x128xf32> to vector<2048x128xf32>
    %reshape3A_48 = vector.shape_cast %slice3A_47 : vector<2048x128xf32> to vector<128x16x128xf32>
    %reduce_max3A = arith.constant dense<0xFF800000> : vector<128x128xf32>
    %reduce_max3A_49 = vector.multi_reduction <maximumf>, %reshape3A_48, %reduce_max3A [1] : vector<128x16x128xf32> to vector<128x128xf32>
    %slice3A_50 = vector.extract_strided_slice %max3A_46 {offsets = [2048, 0], sizes = [2048, 128], strides = [1, 1]} : vector<4096x128xf32> to vector<2048x128xf32>
    %reshape3A_51 = vector.shape_cast %slice3A_50 : vector<2048x128xf32> to vector<128x16x128xf32>
    %reduce_max3A_52 = arith.constant dense<0xFF800000> : vector<128x128xf32>
    %reduce_max3A_53 = vector.multi_reduction <maximumf>, %reshape3A_51, %reduce_max3A_52 [1] : vector<128x16x128xf32> to vector<128x128xf32>
    %max3A_54 = arith.maximumf %reduce_max3A_49, %reduce_max3A_53 : vector<128x128xf32>
    %swap3A = arith.constant 0 : index
    %swap3A_55 = arith.constant 0 : index
    %swap3A_56 = vector.load %arg8[%swap3A, %swap3A_55] : memref<128x128xf32, #tpu.memory_space<vmem>>, vector<128x128xf32>
    tpu.vector_store %arg8[%swap3A, %swap3A_55], %max3A_54 {strides = array<i32>} : memref<128x128xf32, #tpu.memory_space<vmem>>, vector<128x128xf32>,
    return
  }
  func.func @transform_0(%arg0: i32) -> (i32, i32) {
    %c0_i32 = arith.constant 0 : i32
    %c0_i32_0 = arith.constant 0 : i32
    return %arg0, %c0_i32 : i32, i32
  }
  func.func @transform_1(%arg0: i32) -> (i32, i32) {
    %c0_i32 = arith.constant 0 : i32
    %c0_i32_0 = arith.constant 0 : i32
    return %arg0, %c0_i32 : i32, i32
  }
  func.func @transform_2(%arg0: i32) -> (i32, i32) {
    %c0_i32 = arith.constant 0 : i32
    %c0_i32_0 = arith.constant 0 : i32
    %c0_i32_1 = arith.constant 0 : i32
    return %c0_i32, %c0_i32_0 : i32, i32
  }
  func.func @transform_3(%arg0: i32) -> (i32, i32) {
    %c0_i32 = arith.constant 0 : i32
    %c0_i32_0 = arith.constant 0 : i32
    %c0_i32_1 = arith.constant 0 : i32
    return %c0_i32, %c0_i32_0 : i32, i32
  }
  func.func @transform_4(%arg0: i32) -> (i32, i32) {
    %c0_i32 = arith.constant 0 : i32
    %c0_i32_0 = arith.constant 0 : i32
    %c0_i32_1 = arith.constant 0 : i32
    return %c0_i32, %c0_i32_0 : i32, i32
  }
  func.func @transform_5(%arg0: i32) -> (i32, i32) {
    %c0_i32 = arith.constant 0 : i32
    %c0_i32_0 = arith.constant 0 : i32
    %c0_i32_1 = arith.constant 0 : i32
    return %c0_i32, %c0_i32_0 : i32, i32
  }
  func.func @transform_6(%arg0: i32) -> (i32, i32) {
    %c0_i32 = arith.constant 0 : i32
    %c0_i32_0 = arith.constant 0 : i32
    %c0_i32_1 = arith.constant 0 : i32
    return %c0_i32, %c0_i32_0 : i32, i32
  }
  func.func @transform_7(%arg0: i32) -> (i32, i32) {
    %c0_i32 = arith.constant 0 : i32
    %c0_i32_0 = arith.constant 0 : i32
    return %arg0, %c0_i32 : i32, i32
  }
}

</mosaic_0001>

<sc_bundles>
// kernel: gather_offload_async_start
scs
__scs_entry_jumppad:
0x0: {  	(pc) =	sbr.rel $0x88, $3  }
0x1: {  	(tag) =	ssettag $0x0;
	lr =	simm.s32 $0x1  }
0x2: {  	[smem:$0x3F8D] =	sst lr;
	_ =	strace $0xD0000000  }
0x3: {  	_ = 	snop  }
0x4: {  	_ = 	snop  }
0x5: {  	_ = 	snop  }
0x6: {  	_ = 	snop  }
0x7: {  	_ = 	snop  }
__scs_overlays_trampoline_lowered:
0x8: {  	[smem:$0x3F9C] =	sst s0  }
0x9: {  	[smem:$0x3F9D] =	sst s1  }
0xa: {  	[smem:$0x3F9E] =	sst s2  }
0xb: {  	[smem:$0x3F9F] =	sst s3  }
0xc: {  	[smem:$0x3FA0] =	sst s4  }
0xd: {  	[smem:$0x3FA1] =	sst s5  }
0xe: {  	[smem:$0x3FA2] =	sst s6  }
0xf: {  	[smem:$0x3FA3] =	sst s7  }
0x10: {  	[smem:$0x3FA4] =	sst s8  }
0x11: {  	[smem:$0x3FA5] =	sst s9;
	s0 =	simm.s32 @!p0 $0x0  }
0x12: {  	s1 =	sld [smem:$0x3F8B];
	s0 =	simm.s32 @p0 $0x1  }
0x13: {  	[smem:$0x3FA6] =	sst s0;
	s0 =	simm.s32 @!p1 $0x0  }
0x14: {  	s2 =	sld [smem:$0x3F8A];
	s0 =	simm.s32 @p1 $0x1  }
0x15: {  	[smem:$0x3FA7] =	sst s0;
	s0 =	simm.s32 @!p2 $0x0  }
0x16: {  	s3 =	sld [smem:$0x3FDB];
	s0 =	simm.s32 @p2 $0x1  }
0x17: {  	s4 =	simm.s32 $0x1BF5;
	[smem:$0x3FA9] =	sst s0  }
0x18: {  	s0 =	sld [smem:$0x3F8C];
	_ =	swait.ge [sflag:s4], $0x0  }
0x19: {  	s7 =	sld [smem:$0x3F8D]  }
0x1a: {  	s8 =	sadd.s32 $0xFFFFE003, lr  }
0x1b: {  	s9 =	sadd.s32 $0xFFFFFEF7, lr;
	s5 =	simm.s32 $0xFFFFFFFF;
	p2 =	slt.u32 s8, $0xFFFFF086  }
0x1c: {  	p1 =	slt.u32 s9, $0xF7A;
	s5 =	simm.s32 @!p2 $0x0  }
0x1d: {  	s5 =	simm.s32 @p1 $0x1;
	p0 =	seq.s32 s7, s2  }
0x1e: {  	s7 =	smul.u32 @!p0 $0xF7A, s2;
	p2 =	seq.s32 @!p0 s5, $0x0  }
0x1f: {  	s9 =	smul.u32 $0xF7A, s1;
	s8 =	simm.s32 @!p0 $0x1BF5;
	p2 =	por !p2, p0  }
0x20: {  	[sflag:s8] =	ssyncset.s32 @!p0 $0xFFFFF086;
	s6 =	sadd.s32 @!p0 s3, s7;
	s7 =	simm.s32 @!p0 $0x108  }
0x21: {  	s3 =	sadd.s32 s3, s9;
	s6 =	sadd.s32 @!p0 $0x88, s6;
	s7 =	simm.s32 @p2 $0x1082  }
0x22: {  	[simem:s7], [sflag:s8] =	dma.local @!p0 [hbm:s6], $0xF7A  }
0x23: {  	s9 =	sor.u32 $0xD0000000, s2;
	s6 =	simm.s32 $0x108;
	_ =	swait.ge @!p0 [sflag:s8], $0x0  }
0x24: {  	s3 =	sadd.s32 $0x88, s3;
	s6 =	simm.s32 @!p1 $0x1082;
	[sflag:s4] =	ssyncset.s32 $0xFFFFF086  }
0x25: {  	[simem:s6], [sflag:s4] =	dma.local [hbm:s3], $0xF7A  }
0x26: {  	[smem:$0x3F8D] =	sst s1;
	(tag) =	ssettag s2;
	_ =	strace s9  }
0x27: {  	s1 =	sld [smem:$0x3F9D]  }
0x28: {  	s2 =	sld [smem:$0x3F9E]  }
0x29: {  	s4 =	sld [smem:$0x3FA0]  }
0x2a: {  	p0 =	seq.s32 s5, $0x0;
	s5 =	sld [smem:$0x3FA1]  }
0x2b: {  	s6 =	sld [smem:$0x3FA2]  }
0x2c: {  	s7 =	sld [smem:$0x3FA3]  }
0x2d: {  	s3 =	simm.s32 $0x108;
	s8 =	sld [smem:$0x3FA4]  }
0x2e: {  	s3 =	simm.s32 @!p0 $0x1082;
	s9 =	sld [smem:$0x3FA5]  }
0x2f: {  	lr =	sadd.s32 s0, s3;
	s0 =	sld [smem:$0x3F9C]  }
0x30: {  	s3 =	sld [smem:$0x3F9F]  }
0x31: {  	[smem:$0x3FA8] =	sst s10  }
0x32: {  	s10 =	sld [smem:$0x3FA6];
	_ =	sdelay $0x3  }
0x33: {  	p0 =	seq.s32 s10, $0x1;
	s10 =	sld [smem:$0x3FA8];
	_ =	sdelay $0x3  }
0x34: {  	[smem:$0x3FA8] =	sst s10  }
0x35: {  	s10 =	sld [smem:$0x3FA7];
	_ =	sdelay $0x3  }
0x36: {  	p1 =	seq.s32 s10, $0x1;
	s10 =	sld [smem:$0x3FA8];
	_ =	sdelay $0x3  }
0x37: {  	[smem:$0x3FA8] =	sst s10  }
0x38: {  	s10 =	sld [smem:$0x3FA9]  }
0x39: {  	_ = 	snop;
	(pc) =	sbr.ind lr, $3  }
0x3a: {  	_ = 	snop  }
0x3b: {  	_ = 	snop  }
0x3c: {  	p2 =	seq.s32 s10, $0x1;
	s10 =	sld [smem:$0x3FA8]  }
0x3d: {  	_ =	shalt  }
0x3e: {  	_ =	shalt  }
0x3f: {  	_ =	shalt  }
0x40: {  	_ =	shalt  }
0x41: {  	_ =	shalt  }
0x42: {  	_ =	shalt  }
0x43: {  	_ =	shalt  }
0x44: {  	_ =	shalt  }
0x45: {  	_ =	shalt  }
0x46: {  	_ =	shalt  }
0x47: {  	_ =	shalt  }
0x48: {  	_ =	shalt  }
0x49: {  	_ =	shalt  }
0x4a: {  	_ =	shalt  }
0x4b: {  	_ =	shalt  }
0x4c: {  	_ =	shalt  }
0x4d: {  	_ =	shalt  }
0x4e: {  	_ =	shalt  }
0x4f: {  	_ =	shalt  }
0x50: {  	_ =	shalt  }
0x51: {  	_ =	shalt  }
0x52: {  	_ =	shalt  }
0x53: {  	_ =	shalt  }
0x54: {  	_ =	shalt  }
0x55: {  	_ =	shalt  }
0x56: {  	_ =	shalt  }
0x57: {  	_ =	shalt  }
0x58: {  	_ =	shalt  }
0x59: {  	_ =	shalt  }
0x5a: {  	_ =	shalt  }
0x5b: {  	_ =	shalt  }
0x5c: {  	_ =	shalt  }
0x5d: {  	_ =	shalt  }
0x5e: {  	_ =	shalt  }
0x5f: {  	_ =	shalt  }
0x60: {  	_ =	shalt  }
0x61: {  	_ =	shalt  }
0x62: {  	_ =	shalt  }
0x63: {  	_ =	shalt  }
0x64: {  	_ =	shalt  }
0x65: {  	_ =	shalt  }
0x66: {  	_ =	shalt  }
0x67: {  	_ =	shalt  }
0x68: {  	_ =	shalt  }
0x69: {  	_ =	shalt  }
0x6a: {  	_ =	shalt  }
0x6b: {  	_ =	shalt  }
0x6c: {  	_ =	shalt  }
0x6d: {  	_ =	shalt  }
0x6e: {  	_ =	shalt  }
0x6f: {  	_ =	shalt  }
0x70: {  	_ =	shalt  }
0x71: {  	_ =	shalt  }
0x72: {  	_ =	shalt  }
0x73: {  	_ =	shalt  }
0x74: {  	_ =	shalt  }
0x75: {  	_ =	shalt  }
0x76: {  	_ =	shalt  }
0x77: {  	_ =	shalt  }
0x78: {  	_ =	shalt  }
0x79: {  	_ =	shalt  }
0x7a: {  	_ =	shalt  }
0x7b: {  	_ =	shalt  }
0x7c: {  	_ =	shalt  }
0x7d: {  	_ =	shalt  }
0x7e: {  	_ =	shalt  }
0x7f: {  	_ =	shalt  }
0x80: {  	_ =	shalt  }
0x81: {  	_ =	shalt  }
0x82: {  	_ =	shalt  }
0x83: {  	_ =	shalt  }
0x84: {  	_ =	shalt  }
0x85: {  	_ =	shalt  }
0x86: {  	_ =	shalt  }
0x87: {  	_ =	shalt  }
.Lfunc_end0:
.L_simem_size_0:
called_computation_lowered:
.L_overlay_start_0:
0x88: {  	s2 =	sld [smem:$0x3FD9]  }
0x89: {  	s3 =	sld [smem:$0x3FFE];
	_ =	sdelay $0x1  }
0x8a: {  	s1 =	srdreg.scid  }
0x8b: {  	s0 =	sand.u32 $0x1, s1  }
0x8c: {  	s14 =	sshll.u32 s0, $0xA;
	s2 =	sadd.s32 s3, s2  }
0x8d: {  	s2 =	sadd.s32 s2, s14  }
0x8e: {  	[smem:$0x3FB4] =	sst s2  }
0x8f: {  	_ = 	snop  }
0x90: {  	s2 =	sld [smem:$0x3FD0];
	_ =	sdelay $0x2  }
0x91: {  	s15 =	simm.s32 $0xA;
	s4 =	simm.s32 $0x10  }
0x92: {  	[smem:s4], [sflag:s15] =	dma.local [hbm:s2], $0x1  }
0x93: {  	_ =	swait.eq [sflag:s15], $0x1  }
0x94: {  	[sflag:s15] =	ssyncset.done $0x0  }
0x95: {  	[sflag:s15] =	ssyncadd.s32 $0xFFFFFFFF  }
0x96: {  	s16 =	sld [smem:$0x10];
	(tm) =	ssettm $0x1  }
0x97: {  	s17 =	sld [smem:$0x3FFB];
	_ =	sdelay $0x3  }
0x98: {  	_ =	strace s17  }
0x99: {  	s3 =	sld [smem:$0x3FFC];
	_ =	sdelay $0x3  }
0x9a: {  	_ =	strace s3  }
0x9b: {  	s3 =	sld [smem:$0x3FFD];
	_ =	sdelay $0x3  }
0x9c: {  	_ =	strace s3  }
0x9d: {  	_ =	strace $0x8FFFFFFF  }
0x9e: {  	s18 =	sld [smem:$0x3FDB];
	_ =	sdelay $0x1  }
0x9f: {  	s19 =	simm.s32 $_scs_section_size  }
0xa0: {  	s5 =	simm.s32 $_size__tile_overlayer_lowered;
	s6 =	simm.s32 $_tile_overlayer_lowered  }
0xa1: {  	s22 =	simm.s32 $0x1BFF;
	s21 =	sshll.u32 s6, $0x1;
	s3 =	sadd.s32 s19, s18  }
0xa2: {  	s7 =	simm.s32 $0x0;
	s20 =	sshll.u32 s5, $0x1;
	s5 =	sadd.s32 s21, s3  }
0xa3: {  	[timem:s7], [sflag:s22] =	dma.local [hbm:s5], s20  }
0xa4: {  	_ =	swait.ge [sflag:s22], s20  }
0xa5: {  	s4 =	ssub.s32 $0x0, s20;
	[sflag:s22] =	ssyncset.done $0x0  }
0xa6: {  	[sflag:s22] =	ssyncadd.s32 s4;
	_ =	sdelay $0x1  }
0xa7: {  	s23 =	simm.s32 $0x1B8B  }
0xa8: {  	_ =	swait.ge [sflag:s23], $0x1  }
0xa9: {  	[sflag:s23] =	ssyncset.done $0x0  }
0xaa: {  	s25 =	simm.s32 $0x1B8E;
	s24 =	sld [smem:$0x3FFE];
	[sflag:s23] =	ssyncadd.s32 $0xFFFFFFFF  }
0xab: {  	s26 =	simm.s32 $execute0_lowered;
	[smem:$0x3FD2] =	sst s25  }
0xac: {  	s5 =	sshll.u32 s26, $0x1;
	_ =	strace $0x80000046;
	[dreg:$0x1] =	wrdreg $0xFFFFFFFF  }
0xad: {  	s28 =	simm.s32 $_size_execute0_lowered;
	s3 =	sadd.s32 s3, s5;
	[dreg:$0x0] =	wrdreg $0x0  }
0xae: {  	s5 =	sshll.u32 s28, $0x1;
	[dreg:$0x2] =	wrdreg s3  }
0xaf: {  	[dreg:$0x3] =	wrdreg s5  }
0xb0: {  	[dreg:$0x4] =	wrdreg $0xC0  }
0xb1: {  	_ =	task [dreg:s7], $0x5FFFF  }
0xb2: {  	[dreg:$0x1] =	wrdreg $0xFFFFFFFF  }
0xb3: {  	[dreg:$0x0] =	wrdreg $0x60  }
0xb4: {  	[dreg:$0x2] =	wrdreg s24  }
0xb5: {  	[dreg:$0x3] =	wrdreg s16  }
0xb6: {  	[dreg:$0x4] =	wrdreg $0x9  }
0xb7: {  	_ =	task.clear_ibuf [dreg:s7], $0x5FFFF;
	_ =	strace $0x90000046  }
0xb8: {  	s29 =	simm.s32 $0x9;
	_ =	strace $0x80000048  }
0xb9: {  	_ =	swait.ge [sflag:s29], $0x1  }
0xba: {  	[sflag:s29] =	ssyncadd.s32 $0xFFFFFFFF  }
0xbb: {  	_ =	strace $0x90000048  }
0xbc: {  	_ =	sfence  }
0xbd: {  	s30 =	sld [smem:$0x0];
	_ =	sdelay $0x2  }
0xbe: {  	s31 =	sshll.u32 s1, $0xD;
	s1 =	sshrl.u32 s1, $0x2  }
0xbf: {  	s3 =	sand.u32 $0x4000, s31;
	s1 =	sadd.s32 s1, s30  }
0xc0: {  	s0 =	sor.u32 s3, s0;
	s1 =	sshll.u32 s1, $0x11  }
0xc1: {  	s0 =	sor.u32 s1, s0  }
0xc2: {  	s0 =	sadd.s32 $0x8F2B, s0  }
0xc3: {  	[sflag:s0] =	ssyncadd.remote.s32 $0x1  }
0xc4: {  	_ =	sfence.sel $0xFFFF  }
0xc5: {  	[dreg:$0x0] =	wrdreg $0xFFFFFFFF;
	(pc) =	sbr.abs _section_cstart, $3  }
0xc6: {  	[dreg:$0x1] =	wrdreg $0xFFFFFFFF  }
0xc7: {  	_ =	task.clear_ibuf [dreg:s7], $0x2FFFF;
	_ =	strace $0x9FFFFFFF  }
0xc8: {  	(tm) =	ssettm $0x7FFFFFFF  }
0xc9: {  	_ =	shalt  }
tec
execute0_lowered:
.L_overlay_start_1:
0x0: {  	(tag) =	ssettag $0x1  }
0x1: {  	s7 =	rddreg [dreg:$0x0]  }
0x2: {  	s2 =	rddreg [dreg:$0x1]  }
0x3: {  	s0 =	rddreg [dreg:$0x2]  }
0x4: {  	s1 =	srdreg.scid;
	_ =	strace $0x80000047;
	s4 =	simm.s32 $0x1  }
0x5: {  	s9 =	simm.s32 $0x3;
	s11 =	simm.s32 $0x0;
	s5 =	sshll.u32 s1, $0x4  }
.Ltmp0:
0x6: {  	s1 =	stileid.u32;
	s5 =	sand.u32 $0x10, s5;
	(pc) =	sbr.rel .LBB2_1-.Ltmp0, $4  }
0x7: {  	p0 =	por $0x0, $0x0;
	s3 =	sadd.s32 $0x3C00, s7;
	s6 =	sor.u32 s1, s5  }
0x8: {  	[sflag:s4] =	ssyncpa.u1 $0x0;
	s5 =	simm.s32 $0x2;
	s6 =	sshll.u32 s6, $0x9  }
0x9: {  	s7 =	sadd.s32 $0x103C00, s7;
	[sflag:s5] =	ssyncpa.u1 $0x0;
	s8 =	sadd.s32 $0x200, s6  }
0xa: {  	vm0 =	vmmov $0xff;
	vm1 =	vcmask $0x3F20;
	[sflag:s9] =	ssyncpa.u1 $0x0;
	s10 =	smov.u32 s6;
	s9 =	simm.s32 $0x0  }
.LBB2_7:
0xb: {  	p1 =	slt.u32 s9, $0x2;
	s11 =	sadd.s32 $0x100, s10  }
0xc: {  	s13 =	smov.u32 s6;
	s9 =	sadd.s32 $0x1, s9;
	p2 =	slt.s32 s11, s8  }
0xd: {  	s13 =	smov.u32 @p2 s11;
	p2 =	sne.s32 s9, $0x4  }
.Ltmp1:
0xe: {  	_ = 	snop;
	(pc) =	sbr.rel @!p2 .LBB2_8-.Ltmp1, $4  }
0xf: {  	s12 =	simm.s32 @!p1 $0x3  }
0x10: {  	_ =	swait.ge @!p1 [sflag:s12], $0x8000  }
0x11: {  	p0 =	por !p0, !p0;
	[sflag:s12] =	ssyncset.done @!p1 $0x0  }
0x12: {  	s11 =	smov.u32 s10;
	s10 =	smov.u32 s13;
	[sflag:s12] =	ssyncadd.s32 @!p1 $0xFFFF8000  }
.LBB2_1:
0x13: {  	p1 =	sgt.u32 s9, $0x1  }
0x14: {  	s12 =	sshll.u32 @!p1 s9, $0x8;
	s13 =	sshrl.u32 @!p1 s10, $0x3  }
0x15: {  	s14 =	sand.u32 @!p1 $0x7, s10;
	s12 =	sxor.u32 @!p1 $0x100, s12;
	s13 =	sadd.s32 @!p1 s2, s13  }
0x16: {  	[tilespmem:s12], [sflag:$0x2] =	stream.linear.gather @!p1 [hbm4b:s13+s14], $0x100, $0x38;
	[tilespmem:$0x10200] =	vst v63  }
0x17: {  	p1 =	seq.s32 s9, $0x0  }
0x18: {  	p2 =	seq.s32 @!p1 s9, $0x3  }
0x19: {  	p1 =	por p1, p2  }
.Ltmp2:
0x1a: {  	_ = 	snop;
	(pc) =	sbr.rel @p1 .LBB2_7-.Ltmp2, $1  }
0x1b: {  	_ =	sdelay $0x3  }
0x1c: {  	s12 =	simm.s32 $0x1  }
0x1d: {  	_ =	swait.ge [sflag:s5], $0x100;
	s12 =	simm.s32 @!p0 $0x0  }
0x1e: {  	[sflag:s5] =	ssyncset.done $0x0;
	s14 =	sshll.u32 s12, $0x8  }
0x1f: {  	[sflag:s5] =	ssyncadd.s32 $0xFFFFFF00;
	s13 =	sadd.s32 $0x0, s14  }
0x20: {  	v0 =	vld.msk [tilespmem:s13+$0x0 ss:$0x1], $0xffff;
	_ =	sdelay $0x4  }
0x21: {  	v1 =	vshll.u32 v0, $0x3  }
0x22: {  	vm2 =	veq.s32 v0, $0x80000000;
	v0 =	vshll.u32 v0, $0x13;
	v1 =	vand.u32 $0x7FF80, v1  }
0x23: {  	v0 =	vand.u32 $0x780000, v0;
	v1 =	vsel vm2, $0xFFFFFF80, v1  }
0x24: {  	v0 =	vsel vm2, $0xFFF80000, v0;
	v2 =	vand.u32 $0xFFFFFC00, v1  }
0x25: {  	v1 =	vand.u32 $0x380, v1;
	v0 =	vadd.s32 v0, v2  }
0x26: {  	v0 =	vor.u32 v1, v0  }
0x27: {  	v0 =	vshrl.u32 v0, $0x3;
	_ =	sdelay $0x2  }
0x28: {  	s12 =	sshll.u32 s12, $0xF  }
0x29: {  	s12 =	sor.u32 $0x200, s12  }
0x2a: {  	[tilespmem:s12], [sflag:$0x1] =	stream.indirect_vreg.gather [hbm:s3], $0x80, v0, vm0, $0x38;
	[tilespmem:$0x10200] =	vst v63  }
0x2b: {  	s15 =	sadd.s32 $0x10, s14;
	s13 =	sadd.s32 $0x400, s12  }
0x2c: {  	[tilespmem:s13], [sflag:$0x1] =	stream.indirect_vreg.gather [hbm:s3], $0x80, v0, vm1, $0x38;
	[tilespmem:$0x10200] =	vst v63  }
0x2d: {  	s16 =	simm.s32 $0x80;
	v0 =	vld.msk [tilespmem:s15+$0x0 ss:$0x1], $0xffff;
	s15 =	smov.u32 s12  }
.LBB2_3:
0x2e: {  	p1 =	sne.s32 s16, $0x3C0;
	_ =	sdelay $0x4  }
0x2f: {  	v1 =	vshll.u32 v0, $0x3  }
0x30: {  	vm2 =	veq.s32 v0, $0x80000000;
	v0 =	vshll.u32 v0, $0x13;
	v1 =	vand.u32 $0x7FF80, v1  }
0x31: {  	v0 =	vand.u32 $0x780000, v0;
	v1 =	vsel vm2, $0xFFFFFF80, v1  }
0x32: {  	v0 =	vsel vm2, $0xFFF80000, v0;
	v2 =	vand.u32 $0xFFFFFC00, v1  }
0x33: {  	v1 =	vand.u32 $0x380, v1;
	v0 =	vadd.s32 v0, v2  }
0x34: {  	v0 =	vor.u32 v1, v0  }
0x35: {  	v0 =	vshrl.u32 v0, $0x3;
	_ =	sdelay $0x3  }
.Ltmp3:
0x36: {  	s17 =	sshra.s32 s16, $0x2;
	s15 =	sadd.s32 $0x800, s15;
	(pc) =	sbr.rel @p1 .LBB2_3-.Ltmp3, $4  }
0x37: {  	[tilespmem:s15], [sflag:$0x1] =	stream.indirect_vreg.gather [hbm:s3], $0x80, v0, vm0, $0x38;
	[tilespmem:$0x10200] =	vst v63  }
0x38: {  	s17 =	sadd.s32 s17, s14;
	s18 =	sadd.s32 $0x400, s15  }
0x39: {  	[tilespmem:s18], [sflag:$0x1] =	stream.indirect_vreg.gather [hbm:s3], $0x80, v0, vm1, $0x38;
	[tilespmem:$0x10200] =	vst v63  }
0x3a: {  	s16 =	sadd.s32 $0x40, s16;
	v0 =	vld.msk [tilespmem:s17+$0x0 ss:$0x1], $0xffff  }
0x3b: {  	_ =	sdelay $0x3  }
0x3c: {  	v1 =	vshll.u32 v0, $0x3  }
0x3d: {  	vm2 =	veq.s32 v0, $0x80000000;
	v63 =	vshll.u32 v0, $0x13;
	v1 =	vand.u32 $0x7FF80, v1  }
0x3e: {  	v0 =	vand.u32 $0x780000, v63;
	v1 =	vsel vm2, $0xFFFFFF80, v1  }
0x3f: {  	v0 =	vsel vm2, $0xFFF80000, v0;
	v2 =	vand.u32 $0xFFFFFC00, v1  }
0x40: {  	v1 =	vand.u32 $0x380, v1;
	v0 =	vadd.s32 v0, v2  }
0x41: {  	v0 =	vor.u32 v1, v0  }
0x42: {  	v0 =	vshrl.u32 v0, $0x3;
	_ =	sdelay $0x3  }
0x43: {  	s14 =	sadd.s32 $0x800, s15  }
0x44: {  	[tilespmem:s14], [sflag:$0x1] =	stream.indirect_vreg.gather [hbm:s3], $0x80, v0, vm0, $0x38;
	[tilespmem:$0x10200] =	vst v63  }
0x45: {  	s14 =	sadd.s32 $0x400, s14  }
0x46: {  	[tilespmem:s14], [sflag:$0x1] =	stream.indirect_vreg.gather [hbm:s3], $0x80, v0, vm1, $0x38;
	[tilespmem:$0x10200] =	vst v63  }
0x47: {  	s11 =	sshll.u32 s11, $0x4;
	_ =	swait.ge [sflag:s4], $0x8000  }
0x48: {  	s11 =	sadd.s32 s11, s7;
	[sflag:s4] =	ssyncset.done $0x0  }
0x49: {  	s15 =	sadd.s32 $0x0, s11;
	s14 =	simm.s32 $0x80;
	[sflag:s4] =	ssyncadd.s32 $0xFFFF8000  }
.LBB2_5:
0x4a: {  	[hbm:s15] =	stream.linear.scatter [tilespmem:s12], [sflag:$0x3], $0x400, $0x38;
	[tilespmem:$0x10200] =	vst v63  }
0x4b: {  	s15 =	smov.u32 s14;
	s12 =	smov.u32 s13;
	p1 =	sne.s32 s14, $0xF80  }
.Ltmp4:
0x4c: {  	s14 =	sadd.s32 $0x80, s14;
	(pc) =	sbr.rel @p1 .LBB2_5-.Ltmp4, $2  }
0x4d: {  	_ =	sdelay $0x2  }
0x4e: {  	s13 =	sadd.s32 $0x400, s13;
	s15 =	sadd.s32 s15, s11  }
.Ltmp5:
0x4f: {  	(pc) =	sbr.rel .LBB2_7-.Ltmp5, $2  }
0x50: {  	_ =	sdelay $0x2  }
0x51: {  	[hbm:s15] =	stream.linear.scatter [tilespmem:s12], [sflag:$0x3], $0x400, $0x38;
	[tilespmem:$0x10200] =	vst v63  }
.LBB2_8:
0x52: {  	_ =	sfence.sel $0x180000  }
0x53: {  	s2 =	simm.s32 $0x2;
	[bflag:$0x0] =	sbarrier.arrive $0xFFFF  }
0x54: {  	s30 =	simm.s32 $0x3;
	[sflag:s2] =	ssyncpa.u1 $0x1  }
0x55: {  	s31 =	simm.s32 $0x1;
	[sflag:s30] =	ssyncpa.u1 $0x1  }
0x56: {  	[sflag:s31] =	ssyncpa.u1 $0x1  }
0x57: {  	p0 =	sne.s32 s1, $0x0;
	_ =	strace $0x90000047  }
0x58: {  	s0 =	sadd.s32 @!p0 $0x100000, s0;
	[bflag:$0x2] =	sbarrier.arrive $0xFFFF  }
0x59: {  	[sflag:s0] =	ssyncadd.tile.s32 @!p0 $0x1;
	_ =	shalt  }
.Lfunc_end2:
_tile_overlayer_lowered:
.L_overlay_start_2:
0x5a: {  	(tag) =	ssettag $0x2  }
0x5b: {  	s0 =	rddreg [dreg:$0x0];
	s2 =	stileid.u32  }
0x5c: {  	s1 =	rddreg [dreg:$0x1];
	p0 =	sne.s32 s2, $0x0  }
0x5d: {  	s3 =	rddreg [dreg:$0x2];
	[bflag:$0x3] =	sbarrier.arrive $0xFFFF;
	s2 =	simm.s32 @!p0 $0x1C01  }
0x5e: {  	[timem:s3], [sflag:s2] =	dma.local @!p0 [hbm:s0], s1  }
0x5f: {  	s0 =	simm.s32 @!p0 $0x1  }
0x60: {  	_ =	swait.ge @!p0 [sflag:s0], s1  }
0x61: {  	s1 =	ssub.s32 @!p0 $0x0, s1;
	[sflag:s0] =	ssyncset.done @!p0 $0x0  }
0x62: {  	[sflag:s0] =	ssyncadd.s32 @!p0 s1  }
0x63: {  	[bflag:$0x3] =	sbarrier.arrive $0xFFFF  }
0x64: {  	_ =	shalt  }

// kernel: kernel.11.cloned.1.call-start
scs
__scs_entry_jumppad:
0x0: {  	(pc) =	sbr.rel $0x88, $3  }
0x1: {  	(tag) =	ssettag $0x0;
	lr =	simm.s32 $0x1  }
0x2: {  	[smem:$0x3F8D] =	sst lr;
	_ =	strace $0xD0000000  }
0x3: {  	_ = 	snop  }
0x4: {  	_ = 	snop  }
0x5: {  	_ = 	snop  }
0x6: {  	_ = 	snop  }
0x7: {  	_ = 	snop  }
__scs_overlays_trampoline_lowered:
0x8: {  	[smem:$0x3F9C] =	sst s0  }
0x9: {  	[smem:$0x3F9D] =	sst s1  }
0xa: {  	[smem:$0x3F9E] =	sst s2  }
0xb: {  	[smem:$0x3F9F] =	sst s3  }
0xc: {  	[smem:$0x3FA0] =	sst s4  }
0xd: {  	[smem:$0x3FA1] =	sst s5  }
0xe: {  	[smem:$0x3FA2] =	sst s6  }
0xf: {  	[smem:$0x3FA3] =	sst s7  }
0x10: {  	[smem:$0x3FA4] =	sst s8  }
0x11: {  	[smem:$0x3FA5] =	sst s9;
	s0 =	simm.s32 @!p0 $0x0  }
0x12: {  	s1 =	sld [smem:$0x3F8B];
	s0 =	simm.s32 @p0 $0x1  }
0x13: {  	[smem:$0x3FA6] =	sst s0;
	s0 =	simm.s32 @!p1 $0x0  }
0x14: {  	s2 =	sld [smem:$0x3F8A];
	s0 =	simm.s32 @p1 $0x1  }
0x15: {  	[smem:$0x3FA7] =	sst s0;
	s0 =	simm.s32 @!p2 $0x0  }
0x16: {  	s3 =	sld [smem:$0x3FDB];
	s0 =	simm.s32 @p2 $0x1  }
0x17: {  	s4 =	simm.s32 $0x1BF5;
	[smem:$0x3FA9] =	sst s0  }
0x18: {  	s0 =	sld [smem:$0x3F8C];
	_ =	swait.ge [sflag:s4], $0x0  }
0x19: {  	s7 =	sld [smem:$0x3F8D]  }
0x1a: {  	s8 =	sadd.s32 $0xFFFFE003, lr  }
0x1b: {  	s9 =	sadd.s32 $0xFFFFFEF7, lr;
	s5 =	simm.s32 $0xFFFFFFFF;
	p2 =	slt.u32 s8, $0xFFFFF086  }
0x1c: {  	p1 =	slt.u32 s9, $0xF7A;
	s5 =	simm.s32 @!p2 $0x0  }
0x1d: {  	s5 =	simm.s32 @p1 $0x1;
	p0 =	seq.s32 s7, s2  }
0x1e: {  	s7 =	smul.u32 @!p0 $0xF7A, s2;
	p2 =	seq.s32 @!p0 s5, $0x0  }
0x1f: {  	s9 =	smul.u32 $0xF7A, s1;
	s8 =	simm.s32 @!p0 $0x1BF5;
	p2 =	por !p2, p0  }
0x20: {  	[sflag:s8] =	ssyncset.s32 @!p0 $0xFFFFF086;
	s6 =	sadd.s32 @!p0 s3, s7;
	s7 =	simm.s32 @!p0 $0x108  }
0x21: {  	s3 =	sadd.s32 s3, s9;
	s6 =	sadd.s32 @!p0 $0x88, s6;
	s7 =	simm.s32 @p2 $0x1082  }
0x22: {  	[simem:s7], [sflag:s8] =	dma.local @!p0 [hbm:s6], $0xF7A  }
0x23: {  	s9 =	sor.u32 $0xD0000000, s2;
	s6 =	simm.s32 $0x108;
	_ =	swait.ge @!p0 [sflag:s8], $0x0  }
0x24: {  	s3 =	sadd.s32 $0x88, s3;
	s6 =	simm.s32 @!p1 $0x1082;
	[sflag:s4] =	ssyncset.s32 $0xFFFFF086  }
0x25: {  	[simem:s6], [sflag:s4] =	dma.local [hbm:s3], $0xF7A  }
0x26: {  	[smem:$0x3F8D] =	sst s1;
	(tag) =	ssettag s2;
	_ =	strace s9  }
0x27: {  	s1 =	sld [smem:$0x3F9D]  }
0x28: {  	s2 =	sld [smem:$0x3F9E]  }
0x29: {  	s4 =	sld [smem:$0x3FA0]  }
0x2a: {  	p0 =	seq.s32 s5, $0x0;
	s5 =	sld [smem:$0x3FA1]  }
0x2b: {  	s6 =	sld [smem:$0x3FA2]  }
0x2c: {  	s7 =	sld [smem:$0x3FA3]  }
0x2d: {  	s3 =	simm.s32 $0x108;
	s8 =	sld [smem:$0x3FA4]  }
0x2e: {  	s3 =	simm.s32 @!p0 $0x1082;
	s9 =	sld [smem:$0x3FA5]  }
0x2f: {  	lr =	sadd.s32 s0, s3;
	s0 =	sld [smem:$0x3F9C]  }
0x30: {  	s3 =	sld [smem:$0x3F9F]  }
0x31: {  	[smem:$0x3FA8] =	sst s10  }
0x32: {  	s10 =	sld [smem:$0x3FA6];
	_ =	sdelay $0x3  }
0x33: {  	p0 =	seq.s32 s10, $0x1;
	s10 =	sld [smem:$0x3FA8];
	_ =	sdelay $0x3  }
0x34: {  	[smem:$0x3FA8] =	sst s10  }
0x35: {  	s10 =	sld [smem:$0x3FA7];
	_ =	sdelay $0x3  }
0x36: {  	p1 =	seq.s32 s10, $0x1;
	s10 =	sld [smem:$0x3FA8];
	_ =	sdelay $0x3  }
0x37: {  	[smem:$0x3FA8] =	sst s10  }
0x38: {  	s10 =	sld [smem:$0x3FA9]  }
0x39: {  	_ = 	snop;
	(pc) =	sbr.ind lr, $3  }
0x3a: {  	_ = 	snop  }
0x3b: {  	_ = 	snop  }
0x3c: {  	p2 =	seq.s32 s10, $0x1;
	s10 =	sld [smem:$0x3FA8]  }
0x3d: {  	_ =	shalt  }
0x3e: {  	_ =	shalt  }
0x3f: {  	_ =	shalt  }
0x40: {  	_ =	shalt  }
0x41: {  	_ =	shalt  }
0x42: {  	_ =	shalt  }
0x43: {  	_ =	shalt  }
0x44: {  	_ =	shalt  }
0x45: {  	_ =	shalt  }
0x46: {  	_ =	shalt  }
0x47: {  	_ =	shalt  }
0x48: {  	_ =	shalt  }
0x49: {  	_ =	shalt  }
0x4a: {  	_ =	shalt  }
0x4b: {  	_ =	shalt  }
0x4c: {  	_ =	shalt  }
0x4d: {  	_ =	shalt  }
0x4e: {  	_ =	shalt  }
0x4f: {  	_ =	shalt  }
0x50: {  	_ =	shalt  }
0x51: {  	_ =	shalt  }
0x52: {  	_ =	shalt  }
0x53: {  	_ =	shalt  }
0x54: {  	_ =	shalt  }
0x55: {  	_ =	shalt  }
0x56: {  	_ =	shalt  }
0x57: {  	_ =	shalt  }
0x58: {  	_ =	shalt  }
0x59: {  	_ =	shalt  }
0x5a: {  	_ =	shalt  }
0x5b: {  	_ =	shalt  }
0x5c: {  	_ =	shalt  }
0x5d: {  	_ =	shalt  }
0x5e: {  	_ =	shalt  }
0x5f: {  	_ =	shalt  }
0x60: {  	_ =	shalt  }
0x61: {  	_ =	shalt  }
0x62: {  	_ =	shalt  }
0x63: {  	_ =	shalt  }
0x64: {  	_ =	shalt  }
0x65: {  	_ =	shalt  }
0x66: {  	_ =	shalt  }
0x67: {  	_ =	shalt  }
0x68: {  	_ =	shalt  }
0x69: {  	_ =	shalt  }
0x6a: {  	_ =	shalt  }
0x6b: {  	_ =	shalt  }
0x6c: {  	_ =	shalt  }
0x6d: {  	_ =	shalt  }
0x6e: {  	_ =	shalt  }
0x6f: {  	_ =	shalt  }
0x70: {  	_ =	shalt  }
0x71: {  	_ =	shalt  }
0x72: {  	_ =	shalt  }
0x73: {  	_ =	shalt  }
0x74: {  	_ =	shalt  }
0x75: {  	_ =	shalt  }
0x76: {  	_ =	shalt  }
0x77: {  	_ =	shalt  }
0x78: {  	_ =	shalt  }
0x79: {  	_ =	shalt  }
0x7a: {  	_ =	shalt  }
0x7b: {  	_ =	shalt  }
0x7c: {  	_ =	shalt  }
0x7d: {  	_ =	shalt  }
0x7e: {  	_ =	shalt  }
0x7f: {  	_ =	shalt  }
0x80: {  	_ =	shalt  }
0x81: {  	_ =	shalt  }
0x82: {  	_ =	shalt  }
0x83: {  	_ =	shalt  }
0x84: {  	_ =	shalt  }
0x85: {  	_ =	shalt  }
0x86: {  	_ =	shalt  }
0x87: {  	_ =	shalt  }
.Lfunc_end0:
.L_simem_size_0:
called_computation.2_lowered:
.L_overlay_start_0:
0x88: {  	s2 =	sld [smem:$0x3FD9]  }
0x89: {  	s3 =	sld [smem:$0x3FFE];
	_ =	sdelay $0x1  }
0x8a: {  	s1 =	srdreg.scid  }
0x8b: {  	s0 =	sand.u32 $0x1, s1  }
0x8c: {  	s16 =	sshll.u32 s0, $0xA;
	s2 =	sadd.s32 s3, s2  }
0x8d: {  	s2 =	sadd.s32 s2, s16  }
0x8e: {  	[smem:$0x3FB4] =	sst s2  }
0x8f: {  	_ = 	snop  }
0x90: {  	(tm) =	ssettm $0x1  }
0x91: {  	s17 =	sld [smem:$0x3FFB];
	_ =	sdelay $0x3  }
0x92: {  	_ =	strace s17  }
0x93: {  	s2 =	sld [smem:$0x3FFC];
	_ =	sdelay $0x3  }
0x94: {  	_ =	strace s2  }
0x95: {  	s2 =	sld [smem:$0x3FFD];
	_ =	sdelay $0x3  }
0x96: {  	_ =	strace s2  }
0x97: {  	_ =	strace $0x8FFFFFFF  }
0x98: {  	s18 =	sld [smem:$0x3FDB];
	_ =	sdelay $0x1  }
0x99: {  	s19 =	simm.s32 $_scs_section_size  }
0x9a: {  	s4 =	simm.s32 $_size__tile_overlayer_lowered;
	s5 =	simm.s32 $_tile_overlayer_lowered  }
0x9b: {  	s22 =	simm.s32 $0x1BFF;
	s21 =	sshll.u32 s5, $0x1;
	s2 =	sadd.s32 s19, s18  }
0x9c: {  	s6 =	simm.s32 $0x0;
	s20 =	sshll.u32 s4, $0x1;
	s4 =	sadd.s32 s21, s2  }
0x9d: {  	[timem:s6], [sflag:s22] =	dma.local [hbm:s4], s20  }
0x9e: {  	_ =	swait.ge [sflag:s22], s20  }
0x9f: {  	s3 =	ssub.s32 $0x0, s20;
	[sflag:s22] =	ssyncset.done $0x0  }
0xa0: {  	[sflag:s22] =	ssyncadd.s32 s3;
	_ =	sdelay $0x1  }
0xa1: {  	s23 =	simm.s32 $0x1B8B  }
0xa2: {  	_ =	swait.ge [sflag:s23], $0x1  }
0xa3: {  	[sflag:s23] =	ssyncset.done $0x0  }
0xa4: {  	s25 =	simm.s32 $0x1B8E;
	s24 =	sld [smem:$0x3FFE];
	[sflag:s23] =	ssyncadd.s32 $0xFFFFFFFF  }
0xa5: {  	s26 =	simm.s32 $execute0_lowered;
	[smem:$0x3FD2] =	sst s25  }
0xa6: {  	s4 =	sshll.u32 s26, $0x1;
	_ =	strace $0x8000004C;
	[dreg:$0x1] =	wrdreg $0xFFFFFFFF  }
0xa7: {  	s28 =	simm.s32 $_size_execute0_lowered;
	s2 =	sadd.s32 s2, s4;
	[dreg:$0x0] =	wrdreg $0x0  }
0xa8: {  	s4 =	sshll.u32 s28, $0x1;
	[dreg:$0x2] =	wrdreg s2  }
0xa9: {  	[dreg:$0x3] =	wrdreg s4  }
0xaa: {  	[dreg:$0x4] =	wrdreg $0xC0  }
0xab: {  	_ =	task [dreg:s6], $0x5FFFF  }
0xac: {  	[dreg:$0x1] =	wrdreg $0xFFFFFFFF  }
0xad: {  	[dreg:$0x0] =	wrdreg $0x60  }
0xae: {  	[dreg:$0x2] =	wrdreg s24  }
0xaf: {  	[dreg:$0x3] =	wrdreg $0x9  }
0xb0: {  	_ =	task.clear_ibuf [dreg:s6], $0x4FFFF;
	_ =	strace $0x9000004C  }
0xb1: {  	s29 =	simm.s32 $0x9;
	_ =	strace $0x8000004E  }
0xb2: {  	_ =	swait.ge [sflag:s29], $0x1  }
0xb3: {  	[sflag:s29] =	ssyncadd.s32 $0xFFFFFFFF  }
0xb4: {  	_ =	strace $0x9000004E  }
0xb5: {  	_ =	sfence  }
0xb6: {  	s30 =	sld [smem:$0x0];
	_ =	sdelay $0x2  }
0xb7: {  	s31 =	sshll.u32 s1, $0xD;
	s1 =	sshrl.u32 s1, $0x2  }
0xb8: {  	s3 =	sand.u32 $0x4000, s31;
	s1 =	sadd.s32 s1, s30  }
0xb9: {  	s0 =	sor.u32 s3, s0;
	s1 =	sshll.u32 s1, $0x11  }
0xba: {  	s0 =	sor.u32 s1, s0  }
0xbb: {  	s0 =	sadd.s32 $0x8F2B, s0  }
0xbc: {  	[sflag:s0] =	ssyncadd.remote.s32 $0x1  }
0xbd: {  	_ =	sfence.sel $0xFFFF  }
0xbe: {  	[dreg:$0x0] =	wrdreg $0xFFFFFFFF;
	(pc) =	sbr.abs _section_cstart, $3  }
0xbf: {  	[dreg:$0x1] =	wrdreg $0xFFFFFFFF  }
0xc0: {  	_ =	task.clear_ibuf [dreg:s6], $0x2FFFF;
	_ =	strace $0x9FFFFFFF  }
0xc1: {  	(tm) =	ssettm $0x7FFFFFFF  }
tec
execute0_lowered:
.L_overlay_start_1:
0x0: {  	(tag) =	ssettag $0x1  }
0x1: {  	s0 =	srdreg.scid  }
0x2: {  	s2 =	stileid.u32;
	s7 =	rddreg [dreg:$0x0]  }
0x3: {  	s13 =	simm.s32 $0x80;
	s14 =	simm.s32 $0x6000;
	s15 =	simm.s32 $0x7000  }
0x4: {  	s16 =	simm.s32 $0x8000;
	s17 =	simm.s32 $0x9000;
	s18 =	simm.s32 $0x2  }
0x5: {  	s19 =	simm.s32 $0x3;
	s20 =	simm.s32 $0x4;
	s21 =	simm.s32 $0x5  }
0x6: {  	s22 =	simm.s32 $0x6;
	s23 =	simm.s32 $0x7;
	s24 =	simm.s32 $0x8  }
0x7: {  	s25 =	simm.s32 $0xA000;
	s28 =	simm.s32 $0xE000;
	s0 =	sand.u32 $0x1, s0  }
0x8: {  	s29 =	simm.s32 $0x10000;
	s30 =	simm.s32 $0x0;
	s1 =	sor.u32 s0, s2  }
0x9: {  	s6 =	sadd.s32 $0x144000, s7;
	p1 =	seq.s32 s0, $0x1;
	p0 =	seq.s32 s1, $0x0  }
0xa: {  	s4 =	sshll.u32 s0, $0x9;
	s10 =	ssub.s32 $0x2, s0;
	p0 =	por !p0, !p1  }
0xb: {  	s12 =	sshll.u32 s0, $0xF;
	s1 =	simm.s32 $0x1;
	p0 =	por !p0, !p0  }
0xc: {  	s0 =	sshll.u32 s0, $0x11;
	s11 =	sshrl.u32 s10, $0x1;
	s1 =	simm.s32 @!p0 $0x0  }
0xd: {  	s10 =	ssub.s32 s10, s11;
	s1 =	ssub.s32 s2, s1;
	s2 =	simm.s32 $0x0  }
0xe: {  	s10 =	smax.u32 s10, $0x1;
	s3 =	sshll.u32 s1, $0xA;
	[smem:$0x7FF] =	sst s2  }
0xf: {  	s26 =	sshll.u32 s1, $0x10;
	s1 =	sshll.u32 s1, $0x12;
	s3 =	sor.u32 s4, s3  }
0x10: {  	_ =	strace $0x8000004D;
	s11 =	sor.u32 s12, s26;
	s0 =	sor.u32 s0, s1  }
0x11: {  	s26 =	simm.s32 $0xC000;
	s4 =	sshll.u32 s3, $0x1;
	s5 =	sshll.u32 s3, $0x2  }
0x12: {  	s3 =	simm.s32 $0x1;
	[dreg:$0x2] =	wrdreg s11;
	s4 =	sand.u32 $0x1FFFFC00, s4  }
0x13: {  	[dreg:$0x3] =	wrdreg s0;
	s5 =	sand.u32 $0x1FFFF800, s5;
	s8 =	sadd.s32 s4, s7  }
0x14: {  	s11 =	simm.s32 $0x9;
	s9 =	sadd.s32 s5, s7;
	s8 =	sadd.s32 $0x3C00, s8  }
0x15: {  	s4 =	sadd.s32 $0x1BC00, s7;
	s31 =	sadd.s32 $0xBC00, s9;
	[dreg:$0x4] =	wrdreg s8  }
0x16: {  	s5 =	sadd.s32 $0x5BC00, s7;
	s7 =	sadd.s32 $0x244000, s7;
	[dreg:$0x5] =	wrdreg s31  }
.LBB2_1:
0x17: {  	s0 =	rddreg [dreg:$0x4]  }
0x18: {  	[tilespmem:s2], [sflag:$0x9] =	stream.linear.gather [hbm4b:s0+s2], $0x2000, $0x38;
	[tilespmem:$0x12000] =	vst v63  }
0x19: {  	_ =	swait.ge [sflag:s11], $0x2000  }
0x1a: {  	[sflag:s11] =	ssyncset.done $0x0  }
0x1b: {  	s1 =	simm.s32 $0x2000;
	s8 =	rddreg [dreg:$0x5];
	[sflag:s11] =	ssyncadd.s32 $0xFFFFE000  }
0x1c: {  	[tilespmem:s1], [sflag:$0x9] =	stream.linear.gather [hbm4b:s8+s2], $0x4000, $0x38;
	[tilespmem:$0x12000] =	vst v63  }
0x1d: {  	_ =	swait.ge [sflag:s11], $0x4000  }
0x1e: {  	[sflag:s11] =	ssyncset.done $0x0  }
0x1f: {  	s9 =	simm.s32 $0x0;
	[sflag:s11] =	ssyncadd.s32 $0xFFFFC000  }
0x20: {  	[tilespmem:s14], [sflag:$0x1] =	stream.indirect.gather [hbm4b:s4+s13], $0x20, s9, s13, $0xb8;
	[tilespmem:$0x12000] =	vst v63  }
0x21: {  	s12 =	simm.s32 $0x80  }
0x22: {  	[tilespmem:s15], [sflag:$0x2] =	stream.indirect.gather [hbm4b:s4+s13], $0x20, s12, s13, $0xb8;
	[tilespmem:$0x12000] =	vst v63  }
0x23: {  	s31 =	simm.s32 $0x100  }
0x24: {  	[tilespmem:s16], [sflag:$0x3] =	stream.indirect.gather [hbm4b:s4+s13], $0x20, s31, s13, $0xb8;
	[tilespmem:$0x12000] =	vst v63  }
0x25: {  	s1 =	simm.s32 $0x180  }
0x26: {  	[tilespmem:s17], [sflag:$0x4] =	stream.indirect.gather [hbm4b:s4+s13], $0x20, s1, s13, $0xb8;
	[tilespmem:$0x12000] =	vst v63  }
0x27: {  	_ =	swait.ge [sflag:s3], $0x1000  }
0x28: {  	s8 =	rddreg [dreg:$0x2]  }
0x29: {  	s0 =	sadd.s32 $0x0, s8  }
0x2a: {  	[sflag:s3] =	ssyncset.done $0x0;
	s9 =	sand.u32 $0x1FFFF800, s0  }
0x2b: {  	[sflag:s3] =	ssyncadd.s32 $0xFFFFF000;
	s1 =	sadd.s32 s6, s9  }
0x2c: {  	[hbm4b:s1+s2] =	stream.linear.scatter [tilespmem:s14], [sflag:$0x5], $0x1000, $0x38;
	[tilespmem:$0x12000] =	vst v63  }
0x2d: {  	s12 =	sadd.s32 $0x200, s0;
	_ =	swait.ge [sflag:s18], $0x1000  }
0x2e: {  	s1 =	sand.u32 $0x1FFFFA00, s12;
	[sflag:s18] =	ssyncset.done $0x0  }
0x2f: {  	s1 =	sadd.s32 s6, s1;
	[sflag:s18] =	ssyncadd.s32 $0xFFFFF000  }
0x30: {  	[hbm4b:s1+s2] =	stream.linear.scatter [tilespmem:s15], [sflag:$0x6], $0x1000, $0x38;
	[tilespmem:$0x12000] =	vst v63  }
0x31: {  	s31 =	sadd.s32 $0x400, s0;
	_ =	swait.ge [sflag:s19], $0x1000  }
0x32: {  	s1 =	sand.u32 $0x1FFFFC00, s31;
	[sflag:s19] =	ssyncset.done $0x0  }
0x33: {  	s1 =	sadd.s32 s6, s1;
	[sflag:s19] =	ssyncadd.s32 $0xFFFFF000  }
0x34: {  	[hbm4b:s1+s2] =	stream.linear.scatter [tilespmem:s16], [sflag:$0x7], $0x1000, $0x38;
	[tilespmem:$0x12000] =	vst v63  }
0x35: {  	s0 =	sadd.s32 $0x600, s0;
	_ =	swait.ge [sflag:s20], $0x1000  }
0x36: {  	s0 =	sand.u32 $0x1FFFFE00, s0;
	[sflag:s20] =	ssyncset.done $0x0  }
0x37: {  	s0 =	sadd.s32 s6, s0;
	[sflag:s20] =	ssyncadd.s32 $0xFFFFF000  }
0x38: {  	[hbm4b:s0+s2] =	stream.linear.scatter [tilespmem:s17], [sflag:$0x8], $0x1000, $0x38;
	[tilespmem:$0x12000] =	vst v63  }
0x39: {  	_ =	swait.ge [sflag:s21], $0x1000  }
0x3a: {  	[sflag:s21] =	ssyncset.done $0x0  }
0x3b: {  	[sflag:s21] =	ssyncadd.s32 $0xFFFFF000  }
0x3c: {  	_ =	swait.ge [sflag:s22], $0x1000  }
0x3d: {  	[sflag:s22] =	ssyncset.done $0x0  }
0x3e: {  	[sflag:s22] =	ssyncadd.s32 $0xFFFFF000  }
0x3f: {  	_ =	swait.ge [sflag:s23], $0x1000  }
0x40: {  	[sflag:s23] =	ssyncset.done $0x0  }
0x41: {  	[sflag:s23] =	ssyncadd.s32 $0xFFFFF000  }
0x42: {  	_ =	swait.ge [sflag:s24], $0x1000  }
0x43: {  	s1 =	simm.s32 $0x1000;
	s0 =	simm.s32 $0x800;
	[sflag:s24] =	ssyncset.done $0x0  }
.LBB2_2:
0x44: {  	s31 =	sshra.s32 s0, $0x2;
	[sflag:s24] =	ssyncadd.s32 $0xFFFFF000  }
0x45: {  	[tilespmem:s14], [sflag:$0x1] =	stream.indirect.gather [hbm4b:s4+s13], $0x20, s31, s13, $0xb8;
	[tilespmem:$0x12000] =	vst v63  }
0x46: {  	s9 =	sadd.s32 $0x80, s31  }
0x47: {  	[tilespmem:s15], [sflag:$0x2] =	stream.indirect.gather [hbm4b:s4+s13], $0x20, s9, s13, $0xb8;
	[tilespmem:$0x12000] =	vst v63  }
0x48: {  	s9 =	sadd.s32 $0x100, s31  }
0x49: {  	[tilespmem:s16], [sflag:$0x3] =	stream.indirect.gather [hbm4b:s4+s13], $0x20, s9, s13, $0xb8;
	[tilespmem:$0x12000] =	vst v63  }
0x4a: {  	s9 =	sadd.s32 $0x180, s31  }
0x4b: {  	[tilespmem:s17], [sflag:$0x4] =	stream.indirect.gather [hbm4b:s4+s13], $0x20, s9, s13, $0xb8;
	[tilespmem:$0x12000] =	vst v63  }
0x4c: {  	_ =	swait.ge [sflag:s3], $0x1000  }
0x4d: {  	s8 =	smov.u32 s1;
	s9 =	rddreg [dreg:$0x2]  }
0x4e: {  	s12 =	sadd.s32 $0x800, s1;
	p0 =	sne.s32 s1, $0x7800;
	s1 =	sadd.s32 s0, s9  }
0x4f: {  	[sflag:s3] =	ssyncset.done $0x0;
	s0 =	smov.u32 s8;
	s8 =	sand.u32 $0x1FFFF800, s1  }
0x50: {  	s31 =	simm.s32 $0x0;
	[sflag:s3] =	ssyncadd.s32 $0xFFFFF000;
	s8 =	sadd.s32 s6, s8  }
0x51: {  	[hbm4b:s8+s31] =	stream.linear.scatter [tilespmem:s14], [sflag:$0x5], $0x1000, $0x38;
	[tilespmem:$0x12000] =	vst v63  }
0x52: {  	s9 =	sadd.s32 $0x200, s1;
	_ =	swait.ge [sflag:s18], $0x1000  }
0x53: {  	s9 =	sand.u32 $0x1FFFFA00, s9;
	[sflag:s18] =	ssyncset.done $0x0  }
0x54: {  	s9 =	sadd.s32 s6, s9;
	[sflag:s18] =	ssyncadd.s32 $0xFFFFF000  }
0x55: {  	[hbm4b:s9+s31] =	stream.linear.scatter [tilespmem:s15], [sflag:$0x6], $0x1000, $0x38;
	[tilespmem:$0x12000] =	vst v63  }
0x56: {  	s8 =	sadd.s32 $0x400, s1;
	_ =	swait.ge [sflag:s19], $0x1000  }
0x57: {  	s8 =	sand.u32 $0x1FFFFC00, s8;
	[sflag:s19] =	ssyncset.done $0x0  }
0x58: {  	s8 =	sadd.s32 s6, s8;
	[sflag:s19] =	ssyncadd.s32 $0xFFFFF000  }
0x59: {  	[hbm4b:s8+s31] =	stream.linear.scatter [tilespmem:s16], [sflag:$0x7], $0x1000, $0x38;
	[tilespmem:$0x12000] =	vst v63  }
0x5a: {  	s1 =	sadd.s32 $0x600, s1;
	_ =	swait.ge [sflag:s20], $0x1000  }
0x5b: {  	s1 =	sand.u32 $0x1FFFFE00, s1;
	[sflag:s20] =	ssyncset.done $0x0  }
0x5c: {  	s1 =	sadd.s32 s6, s1;
	[sflag:s20] =	ssyncadd.s32 $0xFFFFF000  }
0x5d: {  	[hbm4b:s1+s31] =	stream.linear.scatter [tilespmem:s17], [sflag:$0x8], $0x1000, $0x38;
	[tilespmem:$0x12000] =	vst v63  }
0x5e: {  	_ =	swait.ge [sflag:s21], $0x1000  }
0x5f: {  	[sflag:s21] =	ssyncset.done $0x0  }
0x60: {  	[sflag:s21] =	ssyncadd.s32 $0xFFFFF000  }
0x61: {  	_ =	swait.ge [sflag:s22], $0x1000  }
0x62: {  	[sflag:s22] =	ssyncset.done $0x0  }
0x63: {  	[sflag:s22] =	ssyncadd.s32 $0xFFFFF000  }
.Ltmp0:
0x64: {  	_ =	swait.ge [sflag:s23], $0x1000;
	(pc) =	sbr.rel @p0 .LBB2_2-.Ltmp0, $4  }
0x65: {  	[sflag:s23] =	ssyncset.done $0x0  }
0x66: {  	[sflag:s23] =	ssyncadd.s32 $0xFFFFF000  }
0x67: {  	_ =	swait.ge [sflag:s24], $0x1000  }
0x68: {  	s1 =	smov.u32 s12;
	[sflag:s24] =	ssyncset.done $0x0  }
0x69: {  	s1 =	sshra.s32 s0, $0x2;
	[sflag:s24] =	ssyncadd.s32 $0xFFFFF000  }
0x6a: {  	[tilespmem:s14], [sflag:$0x1] =	stream.indirect.gather [hbm4b:s4+s13], $0x20, s1, s13, $0xb8;
	[tilespmem:$0x12000] =	vst v63  }
0x6b: {  	s8 =	sadd.s32 $0x80, s1  }
0x6c: {  	[tilespmem:s15], [sflag:$0x2] =	stream.indirect.gather [hbm4b:s4+s13], $0x20, s8, s13, $0xb8;
	[tilespmem:$0x12000] =	vst v63  }
0x6d: {  	s9 =	sadd.s32 $0x100, s1  }
0x6e: {  	[tilespmem:s16], [sflag:$0x3] =	stream.indirect.gather [hbm4b:s4+s13], $0x20, s9, s13, $0xb8;
	[tilespmem:$0x12000] =	vst v63  }
0x6f: {  	s1 =	sadd.s32 $0x180, s1  }
0x70: {  	[tilespmem:s17], [sflag:$0x4] =	stream.indirect.gather [hbm4b:s4+s13], $0x20, s1, s13, $0xb8;
	[tilespmem:$0x12000] =	vst v63  }
0x71: {  	_ =	swait.ge [sflag:s3], $0x1000  }
0x72: {  	s12 =	rddreg [dreg:$0x2]  }
0x73: {  	s8 =	sadd.s32 s0, s12  }
0x74: {  	[sflag:s3] =	ssyncset.done $0x0;
	s1 =	sand.u32 $0x1FFFF800, s8  }
0x75: {  	[sflag:s3] =	ssyncadd.s32 $0xFFFFF000;
	s1 =	sadd.s32 s6, s1  }
0x76: {  	[hbm4b:s1+s31] =	stream.linear.scatter [tilespmem:s14], [sflag:$0x5], $0x1000, $0x38;
	[tilespmem:$0x12000] =	vst v63  }
0x77: {  	s9 =	sadd.s32 $0x200, s8;
	_ =	swait.ge [sflag:s18], $0x1000  }
0x78: {  	s1 =	sand.u32 $0x1FFFFA00, s9;
	[sflag:s18] =	ssyncset.done $0x0  }
0x79: {  	s1 =	sadd.s32 s6, s1;
	[sflag:s18] =	ssyncadd.s32 $0xFFFFF000  }
0x7a: {  	[hbm4b:s1+s31] =	stream.linear.scatter [tilespmem:s15], [sflag:$0x6], $0x1000, $0x38;
	[tilespmem:$0x12000] =	vst v63  }
0x7b: {  	s12 =	sadd.s32 $0x400, s8;
	_ =	swait.ge [sflag:s19], $0x1000  }
0x7c: {  	s1 =	sand.u32 $0x1FFFFC00, s12;
	[sflag:s19] =	ssyncset.done $0x0  }
0x7d: {  	s1 =	sadd.s32 s6, s1;
	[sflag:s19] =	ssyncadd.s32 $0xFFFFF000  }
0x7e: {  	[hbm4b:s1+s31] =	stream.linear.scatter [tilespmem:s16], [sflag:$0x7], $0x1000, $0x38;
	[tilespmem:$0x12000] =	vst v63  }
0x7f: {  	s0 =	sadd.s32 $0x600, s8;
	_ =	swait.ge [sflag:s20], $0x1000  }
0x80: {  	s0 =	sand.u32 $0x1FFFFE00, s0;
	[sflag:s20] =	ssyncset.done $0x0  }
0x81: {  	s0 =	sadd.s32 s6, s0;
	[sflag:s20] =	ssyncadd.s32 $0xFFFFF000  }
0x82: {  	[hbm4b:s0+s31] =	stream.linear.scatter [tilespmem:s17], [sflag:$0x8], $0x1000, $0x38;
	[tilespmem:$0x12000] =	vst v63  }
0x83: {  	_ =	swait.ge [sflag:s21], $0x1000  }
0x84: {  	[sflag:s21] =	ssyncset.done $0x0  }
0x85: {  	[sflag:s21] =	ssyncadd.s32 $0xFFFFF000  }
0x86: {  	_ =	swait.ge [sflag:s22], $0x1000  }
0x87: {  	[sflag:s22] =	ssyncset.done $0x0  }
0x88: {  	[sflag:s22] =	ssyncadd.s32 $0xFFFFF000  }
0x89: {  	p1 =	por $0x1, $0x1;
	_ =	swait.ge [sflag:s23], $0x1000  }
.Ltmp1:
0x8a: {  	[sflag:s23] =	ssyncset.done $0x0;
	(pc) =	sbr.rel @!p1 .LBB2_8-.Ltmp1, $4  }
0x8b: {  	[sflag:s23] =	ssyncadd.s32 $0xFFFFF000  }
0x8c: {  	_ =	swait.ge [sflag:s24], $0x1000  }
0x8d: {  	p0 =	por $0x0, $0x0;
	[sflag:s24] =	ssyncset.done $0x0  }
0x8e: {  	s1 =	simm.s32 $0x1000;
	s0 =	simm.s32 $0x2100;
	[sflag:s24] =	ssyncadd.s32 $0xFFFFF000  }
0x8f: {  	s8 =	simm.s32 $0x2000  }
0x90: {  	[tilespmem:s25], [sflag:$0x1] =	stream.indirect.gather [hbm4b:s5+s13], $0x40, s8, s13, $0xb8;
	[tilespmem:$0x12000] =	vst v63  }
0x91: {  	s12 =	simm.s32 $0x2080  }
0x92: {  	[tilespmem:s26], [sflag:$0x2] =	stream.indirect.gather [hbm4b:s5+s13], $0x40, s12, s13, $0xb8;
	[tilespmem:$0x12000] =	vst v63  }
0x93: {  	_ = 	snop  }
0x94: {  	[tilespmem:s28], [sflag:$0x3] =	stream.indirect.gather [hbm4b:s5+s13], $0x40, s0, s13, $0xb8;
	[tilespmem:$0x12000] =	vst v63  }
0x95: {  	s8 =	simm.s32 $0x2180  }
0x96: {  	[tilespmem:s29], [sflag:$0x4] =	stream.indirect.gather [hbm4b:s5+s13], $0x40, s8, s13, $0xb8;
	[tilespmem:$0x12000] =	vst v63  }
0x97: {  	_ =	swait.ge [sflag:s3], $0x2000  }
0x98: {  	s9 =	rddreg [dreg:$0x3]  }
0x99: {  	s0 =	sadd.s32 $0x0, s9  }
0x9a: {  	[sflag:s3] =	ssyncset.done $0x0;
	s12 =	sand.u32 $0x1FFFF000, s0  }
0x9b: {  	[sflag:s3] =	ssyncadd.s32 $0xFFFFE000;
	s8 =	sadd.s32 s7, s12  }
0x9c: {  	[hbm4b:s8+s2] =	stream.linear.scatter [tilespmem:s25], [sflag:$0x5], $0x2000, $0x38;
	[tilespmem:$0x12000] =	vst v63  }
0x9d: {  	s9 =	sadd.s32 $0x400, s0;
	_ =	swait.ge [sflag:s18], $0x2000  }
0x9e: {  	s8 =	sand.u32 $0x1FFFF400, s9;
	[sflag:s18] =	ssyncset.done $0x0  }
0x9f: {  	s8 =	sadd.s32 s7, s8;
	[sflag:s18] =	ssyncadd.s32 $0xFFFFE000  }
0xa0: {  	[hbm4b:s8+s2] =	stream.linear.scatter [tilespmem:s26], [sflag:$0x6], $0x2000, $0x38;
	[tilespmem:$0x12000] =	vst v63  }
0xa1: {  	s12 =	sadd.s32 $0x800, s0;
	_ =	swait.ge [sflag:s19], $0x2000  }
0xa2: {  	s8 =	sand.u32 $0x1FFFF800, s12;
	[sflag:s19] =	ssyncset.done $0x0  }
0xa3: {  	s8 =	sadd.s32 s7, s8;
	[sflag:s19] =	ssyncadd.s32 $0xFFFFE000  }
0xa4: {  	[hbm4b:s8+s2] =	stream.linear.scatter [tilespmem:s28], [sflag:$0x7], $0x2000, $0x38;
	[tilespmem:$0x12000] =	vst v63  }
0xa5: {  	s0 =	sadd.s32 $0xC00, s0;
	_ =	swait.ge [sflag:s20], $0x2000  }
0xa6: {  	s0 =	sand.u32 $0x1FFFFC00, s0;
	[sflag:s20] =	ssyncset.done $0x0  }
0xa7: {  	s0 =	sadd.s32 s7, s0;
	[sflag:s20] =	ssyncadd.s32 $0xFFFFE000  }
0xa8: {  	[hbm4b:s0+s2] =	stream.linear.scatter [tilespmem:s29], [sflag:$0x8], $0x2000, $0x38;
	[tilespmem:$0x12000] =	vst v63  }
0xa9: {  	_ =	swait.ge [sflag:s21], $0x2000  }
0xaa: {  	[sflag:s21] =	ssyncset.done $0x0  }
0xab: {  	[sflag:s21] =	ssyncadd.s32 $0xFFFFE000  }
0xac: {  	_ =	swait.ge [sflag:s22], $0x2000  }
0xad: {  	[sflag:s22] =	ssyncset.done $0x0  }
0xae: {  	p1 =	por $0x1, $0x1;
	[sflag:s22] =	ssyncadd.s32 $0xFFFFE000  }
.Ltmp2:
0xaf: {  	_ =	swait.ge [sflag:s23], $0x2000;
	(pc) =	sbr.rel @!p1 .LBB2_5-.Ltmp2, $4  }
0xb0: {  	[sflag:s23] =	ssyncset.done $0x0  }
0xb1: {  	[sflag:s23] =	ssyncadd.s32 $0xFFFFE000  }
0xb2: {  	s31 =	simm.s32 $0x2000;
	_ =	swait.ge [sflag:s24], $0x2000  }
0xb3: {  	p0 =	por $0x1, $0x1;
	s0 =	simm.s32 $0x2300;
	[sflag:s24] =	ssyncset.done $0x0  }
.LBB2_6:
0xb4: {  	s8 =	sadd.s32 $0xFFFFFF00, s0;
	[sflag:s24] =	ssyncadd.s32 $0xFFFFE000  }
0xb5: {  	[tilespmem:s25], [sflag:$0x1] =	stream.indirect.gather [hbm4b:s5+s13], $0x40, s8, s13, $0xb8;
	[tilespmem:$0x12000] =	vst v63  }
0xb6: {  	s12 =	sadd.s32 $0xFFFFFF80, s0  }
0xb7: {  	[tilespmem:s26], [sflag:$0x2] =	stream.indirect.gather [hbm4b:s5+s13], $0x40, s12, s13, $0xb8;
	[tilespmem:$0x12000] =	vst v63  }
0xb8: {  	_ = 	snop  }
0xb9: {  	[tilespmem:s28], [sflag:$0x3] =	stream.indirect.gather [hbm4b:s5+s13], $0x40, s0, s13, $0xb8;
	[tilespmem:$0x12000] =	vst v63  }
0xba: {  	s12 =	sadd.s32 $0x80, s0  }
0xbb: {  	[tilespmem:s29], [sflag:$0x4] =	stream.indirect.gather [hbm4b:s5+s13], $0x40, s12, s13, $0xb8;
	[tilespmem:$0x12000] =	vst v63  }
0xbc: {  	_ =	swait.ge [sflag:s3], $0x2000  }
0xbd: {  	s12 =	rddreg [dreg:$0x3]  }
0xbe: {  	s9 =	smov.u32 s31;
	s8 =	sadd.s32 s1, s12  }
0xbf: {  	[sflag:s3] =	ssyncset.done $0x0;
	s1 =	smov.u32 s9;
	s9 =	sand.u32 $0x1FFFF000, s8  }
0xc0: {  	[sflag:s3] =	ssyncadd.s32 $0xFFFFE000;
	s9 =	sadd.s32 s7, s9  }
0xc1: {  	[hbm4b:s9+s2] =	stream.linear.scatter [tilespmem:s25], [sflag:$0x5], $0x2000, $0x38;
	[tilespmem:$0x12000] =	vst v63  }
0xc2: {  	s12 =	sadd.s32 $0x400, s8;
	_ =	swait.ge [sflag:s18], $0x2000  }
0xc3: {  	s12 =	sand.u32 $0x1FFFF400, s12;
	[sflag:s18] =	ssyncset.done $0x0  }
0xc4: {  	s12 =	sadd.s32 s7, s12;
	[sflag:s18] =	ssyncadd.s32 $0xFFFFE000  }
0xc5: {  	[hbm4b:s12+s2] =	stream.linear.scatter [tilespmem:s26], [sflag:$0x6], $0x2000, $0x38;
	[tilespmem:$0x12000] =	vst v63  }
0xc6: {  	s9 =	sadd.s32 $0x800, s8;
	_ =	swait.ge [sflag:s19], $0x2000  }
0xc7: {  	s9 =	sand.u32 $0x1FFFF800, s9;
	[sflag:s19] =	ssyncset.done $0x0  }
0xc8: {  	s9 =	sadd.s32 s7, s9;
	[sflag:s19] =	ssyncadd.s32 $0xFFFFE000  }
0xc9: {  	[hbm4b:s9+s2] =	stream.linear.scatter [tilespmem:s28], [sflag:$0x7], $0x2000, $0x38;
	[tilespmem:$0x12000] =	vst v63  }
0xca: {  	s8 =	sadd.s32 $0xC00, s8;
	_ =	swait.ge [sflag:s20], $0x2000  }
0xcb: {  	s8 =	sand.u32 $0x1FFFFC00, s8;
	[sflag:s20] =	ssyncset.done $0x0  }
0xcc: {  	s8 =	sadd.s32 s7, s8;
	[sflag:s20] =	ssyncadd.s32 $0xFFFFE000  }
0xcd: {  	[hbm4b:s8+s2] =	stream.linear.scatter [tilespmem:s29], [sflag:$0x8], $0x2000, $0x38;
	[tilespmem:$0x12000] =	vst v63  }
0xce: {  	_ =	swait.ge [sflag:s21], $0x2000  }
0xcf: {  	[sflag:s21] =	ssyncset.done $0x0  }
0xd0: {  	[sflag:s21] =	ssyncadd.s32 $0xFFFFE000  }
0xd1: {  	_ =	swait.ge [sflag:s22], $0x2000  }
0xd2: {  	[sflag:s22] =	ssyncset.done $0x0  }
0xd3: {  	p1 =	sne.s32 s31, $0x1F000;
	[sflag:s22] =	ssyncadd.s32 $0xFFFFE000  }
.Ltmp3:
0xd4: {  	_ =	swait.ge [sflag:s23], $0x2000;
	(pc) =	sbr.rel @p1 .LBB2_6-.Ltmp3, $4  }
0xd5: {  	[sflag:s23] =	ssyncset.done $0x0  }
0xd6: {  	[sflag:s23] =	ssyncadd.s32 $0xFFFFE000  }
0xd7: {  	_ =	swait.ge [sflag:s24], $0x2000  }
0xd8: {  	s31 =	sadd.s32 $0x1000, s31;
	s0 =	sadd.s32 $0x200, s0;
	[sflag:s24] =	ssyncset.done $0x0  }
0xd9: {  	s31 =	smov.u32 s1  }
.LBB2_8:
0xda: {  	s1 =	sadd.s32 $0xFFFFFF00, s0;
	[sflag:s24] =	ssyncadd.s32 @p0 $0xFFFFE000  }
0xdb: {  	[tilespmem:s25], [sflag:$0x1] =	stream.indirect.gather [hbm4b:s5+s13], $0x40, s1, s13, $0xb8;
	[tilespmem:$0x12000] =	vst v63  }
0xdc: {  	s12 =	sadd.s32 $0xFFFFFF80, s0  }
0xdd: {  	[tilespmem:s26], [sflag:$0x2] =	stream.indirect.gather [hbm4b:s5+s13], $0x40, s12, s13, $0xb8;
	[tilespmem:$0x12000] =	vst v63  }
0xde: {  	_ = 	snop  }
0xdf: {  	[tilespmem:s28], [sflag:$0x3] =	stream.indirect.gather [hbm4b:s5+s13], $0x40, s0, s13, $0xb8;
	[tilespmem:$0x12000] =	vst v63  }
0xe0: {  	s1 =	sadd.s32 $0x80, s0  }
0xe1: {  	[tilespmem:s29], [sflag:$0x4] =	stream.indirect.gather [hbm4b:s5+s13], $0x40, s1, s13, $0xb8;
	[tilespmem:$0x12000] =	vst v63  }
0xe2: {  	_ =	swait.ge [sflag:s3], $0x2000  }
0xe3: {  	s8 =	rddreg [dreg:$0x3]  }
0xe4: {  	s0 =	sadd.s32 s31, s8  }
0xe5: {  	[sflag:s3] =	ssyncset.done $0x0;
	s9 =	sand.u32 $0x1FFFF000, s0  }
0xe6: {  	[sflag:s3] =	ssyncadd.s32 $0xFFFFE000;
	s1 =	sadd.s32 s7, s9  }
0xe7: {  	[hbm4b:s1+s2] =	stream.linear.scatter [tilespmem:s25], [sflag:$0x5], $0x2000, $0x38;
	[tilespmem:$0x12000] =	vst v63  }
0xe8: {  	s12 =	sadd.s32 $0x400, s0;
	_ =	swait.ge [sflag:s18], $0x2000  }
0xe9: {  	s1 =	sand.u32 $0x1FFFF400, s12;
	[sflag:s18] =	ssyncset.done $0x0  }
0xea: {  	s1 =	sadd.s32 s7, s1;
	[sflag:s18] =	ssyncadd.s32 $0xFFFFE000  }
0xeb: {  	[hbm4b:s1+s2] =	stream.linear.scatter [tilespmem:s26], [sflag:$0x6], $0x2000, $0x38;
	[tilespmem:$0x12000] =	vst v63  }
0xec: {  	s31 =	sadd.s32 $0x800, s0;
	_ =	swait.ge [sflag:s19], $0x2000  }
0xed: {  	s1 =	sand.u32 $0x1FFFF800, s31;
	[sflag:s19] =	ssyncset.done $0x0  }
0xee: {  	s1 =	sadd.s32 s7, s1;
	[sflag:s19] =	ssyncadd.s32 $0xFFFFE000  }
0xef: {  	[hbm4b:s1+s2] =	stream.linear.scatter [tilespmem:s28], [sflag:$0x7], $0x2000, $0x38;
	[tilespmem:$0x12000] =	vst v63  }
0xf0: {  	s0 =	sadd.s32 $0xC00, s0;
	_ =	swait.ge [sflag:s20], $0x2000  }
0xf1: {  	s0 =	sand.u32 $0x1FFFFC00, s0;
	[sflag:s20] =	ssyncset.done $0x0  }
0xf2: {  	s0 =	sadd.s32 s7, s0;
	[sflag:s20] =	ssyncadd.s32 $0xFFFFE000  }
0xf3: {  	[hbm4b:s0+s2] =	stream.linear.scatter [tilespmem:s29], [sflag:$0x8], $0x2000, $0x38;
	[tilespmem:$0x12000] =	vst v63  }
0xf4: {  	_ =	swait.ge [sflag:s21], $0x2000  }
0xf5: {  	[sflag:s21] =	ssyncset.done $0x0  }
0xf6: {  	[sflag:s21] =	ssyncadd.s32 $0xFFFFE000  }
0xf7: {  	_ =	swait.ge [sflag:s22], $0x2000  }
0xf8: {  	[sflag:s22] =	ssyncset.done $0x0  }
0xf9: {  	s30 =	sadd.s32 $0x1, s30;
	[sflag:s22] =	ssyncadd.s32 $0xFFFFE000  }
0xfa: {  	p0 =	sne.s32 s30, s10;
	_ =	swait.ge [sflag:s23], $0x2000  }
.Ltmp4:
0xfb: {  	[sflag:s23] =	ssyncset.done $0x0;
	(pc) =	sbr.rel @p0 .LBB2_1-.Ltmp4, $4  }
.Ltmp5:
0xfc: {  	[sflag:s23] =	ssyncadd.s32 $0xFFFFE000;
	(pc) =	sbr.rel @!p0 .LBB2_9-.Ltmp5, $4  }
0xfd: {  	_ =	swait.ge [sflag:s24], $0x2000  }
0xfe: {  	[sflag:s24] =	ssyncset.done $0x0  }
0xff: {  	[sflag:s24] =	ssyncadd.s32 $0xFFFFE000  }
0x100: {  	_ = 	snop  }
.LBB2_5:
.Ltmp6:
0x101: {  	(pc) =	sbr.rel .LBB2_8-.Ltmp6, $2  }
0x102: {  	_ =	sdelay $0x2  }
0x103: {  	s31 =	simm.s32 $0x1000  }
.LBB2_9:
0x104: {  	_ =	sfence.sel $0x180000  }
0x105: {  	[bflag:$0x0] =	sbarrier.arrive $0xFFFF  }
0x106: {  	_ =	strace $0x9000004D  }
0x107: {  	s0 =	stileid.u32;
	[bflag:$0x2] =	sbarrier.arrive $0xFFFF  }
0x108: {  	p0 =	sne.s32 s0, $0x0;
	s0 =	rddreg [dreg:$0x1]  }
0x109: {  	s0 =	sadd.s32 @!p0 $0x100000, s0  }
0x10a: {  	[sflag:s0] =	ssyncadd.tile.s32 @!p0 $0x1;
	_ =	shalt  }
.Lfunc_end2:
_tile_overlayer_lowered:
.L_overlay_start_2:
0x10b: {  	(tag) =	ssettag $0x2  }
0x10c: {  	s0 =	rddreg [dreg:$0x0];
	s2 =	stileid.u32  }
0x10d: {  	s1 =	rddreg [dreg:$0x1];
	p0 =	sne.s32 s2, $0x0  }
0x10e: {  	s3 =	rddreg [dreg:$0x2];
	[bflag:$0x3] =	sbarrier.arrive $0xFFFF;
	s2 =	simm.s32 @!p0 $0x1C09  }
0x10f: {  	[timem:s3], [sflag:s2] =	dma.local @!p0 [hbm:s0], s1  }
0x110: {  	s0 =	simm.s32 @!p0 $0x9  }
0x111: {  	_ =	swait.ge @!p0 [sflag:s0], s1  }
0x112: {  	s1 =	ssub.s32 @!p0 $0x0, s1;
	[sflag:s0] =	ssyncset.done @!p0 $0x0  }
0x113: {  	[sflag:s0] =	ssyncadd.s32 @!p0 s1  }
0x114: {  	[bflag:$0x3] =	sbarrier.arrive $0xFFFF  }
0x115: {  	_ =	shalt  }

// kernel: kernel.8.cloned.1.call-start
scs
__scs_entry_jumppad:
0x0: {  	(pc) =	sbr.rel $0x88, $3  }
0x1: {  	(tag) =	ssettag $0x0;
	lr =	simm.s32 $0x1  }
0x2: {  	[smem:$0x3F8D] =	sst lr;
	_ =	strace $0xD0000000  }
0x3: {  	_ = 	snop  }
0x4: {  	_ = 	snop  }
0x5: {  	_ = 	snop  }
0x6: {  	_ = 	snop  }
0x7: {  	_ = 	snop  }
__scs_overlays_trampoline_lowered:
0x8: {  	[smem:$0x3F9C] =	sst s0  }
0x9: {  	[smem:$0x3F9D] =	sst s1  }
0xa: {  	[smem:$0x3F9E] =	sst s2  }
0xb: {  	[smem:$0x3F9F] =	sst s3  }
0xc: {  	[smem:$0x3FA0] =	sst s4  }
0xd: {  	[smem:$0x3FA1] =	sst s5  }
0xe: {  	[smem:$0x3FA2] =	sst s6  }
0xf: {  	[smem:$0x3FA3] =	sst s7  }
0x10: {  	[smem:$0x3FA4] =	sst s8  }
0x11: {  	[smem:$0x3FA5] =	sst s9;
	s0 =	simm.s32 @!p0 $0x0  }
0x12: {  	s1 =	sld [smem:$0x3F8B];
	s0 =	simm.s32 @p0 $0x1  }
0x13: {  	[smem:$0x3FA6] =	sst s0;
	s0 =	simm.s32 @!p1 $0x0  }
0x14: {  	s2 =	sld [smem:$0x3F8A];
	s0 =	simm.s32 @p1 $0x1  }
0x15: {  	[smem:$0x3FA7] =	sst s0;
	s0 =	simm.s32 @!p2 $0x0  }
0x16: {  	s3 =	sld [smem:$0x3FDB];
	s0 =	simm.s32 @p2 $0x1  }
0x17: {  	s4 =	simm.s32 $0x1BF5;
	[smem:$0x3FA9] =	sst s0  }
0x18: {  	s0 =	sld [smem:$0x3F8C];
	_ =	swait.ge [sflag:s4], $0x0  }
0x19: {  	s7 =	sld [smem:$0x3F8D]  }
0x1a: {  	s8 =	sadd.s32 $0xFFFFE003, lr  }
0x1b: {  	s9 =	sadd.s32 $0xFFFFFEF7, lr;
	s5 =	simm.s32 $0xFFFFFFFF;
	p2 =	slt.u32 s8, $0xFFFFF086  }
0x1c: {  	p1 =	slt.u32 s9, $0xF7A;
	s5 =	simm.s32 @!p2 $0x0  }
0x1d: {  	s5 =	simm.s32 @p1 $0x1;
	p0 =	seq.s32 s7, s2  }
0x1e: {  	s7 =	smul.u32 @!p0 $0xF7A, s2;
	p2 =	seq.s32 @!p0 s5, $0x0  }
0x1f: {  	s9 =	smul.u32 $0xF7A, s1;
	s8 =	simm.s32 @!p0 $0x1BF5;
	p2 =	por !p2, p0  }
0x20: {  	[sflag:s8] =	ssyncset.s32 @!p0 $0xFFFFF086;
	s6 =	sadd.s32 @!p0 s3, s7;
	s7 =	simm.s32 @!p0 $0x108  }
0x21: {  	s3 =	sadd.s32 s3, s9;
	s6 =	sadd.s32 @!p0 $0x88, s6;
	s7 =	simm.s32 @p2 $0x1082  }
0x22: {  	[simem:s7], [sflag:s8] =	dma.local @!p0 [hbm:s6], $0xF7A  }
0x23: {  	s9 =	sor.u32 $0xD0000000, s2;
	s6 =	simm.s32 $0x108;
	_ =	swait.ge @!p0 [sflag:s8], $0x0  }
0x24: {  	s3 =	sadd.s32 $0x88, s3;
	s6 =	simm.s32 @!p1 $0x1082;
	[sflag:s4] =	ssyncset.s32 $0xFFFFF086  }
0x25: {  	[simem:s6], [sflag:s4] =	dma.local [hbm:s3], $0xF7A  }
0x26: {  	[smem:$0x3F8D] =	sst s1;
	(tag) =	ssettag s2;
	_ =	strace s9  }
0x27: {  	s1 =	sld [smem:$0x3F9D]  }
0x28: {  	s2 =	sld [smem:$0x3F9E]  }
0x29: {  	s4 =	sld [smem:$0x3FA0]  }
0x2a: {  	p0 =	seq.s32 s5, $0x0;
	s5 =	sld [smem:$0x3FA1]  }
0x2b: {  	s6 =	sld [smem:$0x3FA2]  }
0x2c: {  	s7 =	sld [smem:$0x3FA3]  }
0x2d: {  	s3 =	simm.s32 $0x108;
	s8 =	sld [smem:$0x3FA4]  }
0x2e: {  	s3 =	simm.s32 @!p0 $0x1082;
	s9 =	sld [smem:$0x3FA5]  }
0x2f: {  	lr =	sadd.s32 s0, s3;
	s0 =	sld [smem:$0x3F9C]  }
0x30: {  	s3 =	sld [smem:$0x3F9F]  }
0x31: {  	[smem:$0x3FA8] =	sst s10  }
0x32: {  	s10 =	sld [smem:$0x3FA6];
	_ =	sdelay $0x3  }
0x33: {  	p0 =	seq.s32 s10, $0x1;
	s10 =	sld [smem:$0x3FA8];
	_ =	sdelay $0x3  }
0x34: {  	[smem:$0x3FA8] =	sst s10  }
0x35: {  	s10 =	sld [smem:$0x3FA7];
	_ =	sdelay $0x3  }
0x36: {  	p1 =	seq.s32 s10, $0x1;
	s10 =	sld [smem:$0x3FA8];
	_ =	sdelay $0x3  }
0x37: {  	[smem:$0x3FA8] =	sst s10  }
0x38: {  	s10 =	sld [smem:$0x3FA9]  }
0x39: {  	_ = 	snop;
	(pc) =	sbr.ind lr, $3  }
0x3a: {  	_ = 	snop  }
0x3b: {  	_ = 	snop  }
0x3c: {  	p2 =	seq.s32 s10, $0x1;
	s10 =	sld [smem:$0x3FA8]  }
0x3d: {  	_ =	shalt  }
0x3e: {  	_ =	shalt  }
0x3f: {  	_ =	shalt  }
0x40: {  	_ =	shalt  }
0x41: {  	_ =	shalt  }
0x42: {  	_ =	shalt  }
0x43: {  	_ =	shalt  }
0x44: {  	_ =	shalt  }
0x45: {  	_ =	shalt  }
0x46: {  	_ =	shalt  }
0x47: {  	_ =	shalt  }
0x48: {  	_ =	shalt  }
0x49: {  	_ =	shalt  }
0x4a: {  	_ =	shalt  }
0x4b: {  	_ =	shalt  }
0x4c: {  	_ =	shalt  }
0x4d: {  	_ =	shalt  }
0x4e: {  	_ =	shalt  }
0x4f: {  	_ =	shalt  }
0x50: {  	_ =	shalt  }
0x51: {  	_ =	shalt  }
0x52: {  	_ =	shalt  }
0x53: {  	_ =	shalt  }
0x54: {  	_ =	shalt  }
0x55: {  	_ =	shalt  }
0x56: {  	_ =	shalt  }
0x57: {  	_ =	shalt  }
0x58: {  	_ =	shalt  }
0x59: {  	_ =	shalt  }
0x5a: {  	_ =	shalt  }
0x5b: {  	_ =	shalt  }
0x5c: {  	_ =	shalt  }
0x5d: {  	_ =	shalt  }
0x5e: {  	_ =	shalt  }
0x5f: {  	_ =	shalt  }
0x60: {  	_ =	shalt  }
0x61: {  	_ =	shalt  }
0x62: {  	_ =	shalt  }
0x63: {  	_ =	shalt  }
0x64: {  	_ =	shalt  }
0x65: {  	_ =	shalt  }
0x66: {  	_ =	shalt  }
0x67: {  	_ =	shalt  }
0x68: {  	_ =	shalt  }
0x69: {  	_ =	shalt  }
0x6a: {  	_ =	shalt  }
0x6b: {  	_ =	shalt  }
0x6c: {  	_ =	shalt  }
0x6d: {  	_ =	shalt  }
0x6e: {  	_ =	shalt  }
0x6f: {  	_ =	shalt  }
0x70: {  	_ =	shalt  }
0x71: {  	_ =	shalt  }
0x72: {  	_ =	shalt  }
0x73: {  	_ =	shalt  }
0x74: {  	_ =	shalt  }
0x75: {  	_ =	shalt  }
0x76: {  	_ =	shalt  }
0x77: {  	_ =	shalt  }
0x78: {  	_ =	shalt  }
0x79: {  	_ =	shalt  }
0x7a: {  	_ =	shalt  }
0x7b: {  	_ =	shalt  }
0x7c: {  	_ =	shalt  }
0x7d: {  	_ =	shalt  }
0x7e: {  	_ =	shalt  }
0x7f: {  	_ =	shalt  }
0x80: {  	_ =	shalt  }
0x81: {  	_ =	shalt  }
0x82: {  	_ =	shalt  }
0x83: {  	_ =	shalt  }
0x84: {  	_ =	shalt  }
0x85: {  	_ =	shalt  }
0x86: {  	_ =	shalt  }
0x87: {  	_ =	shalt  }
.Lfunc_end0:
.L_simem_size_0:
called_computation.1_lowered:
.L_overlay_start_0:
0x88: {  	s2 =	sld [smem:$0x3FD9]  }
0x89: {  	s3 =	sld [smem:$0x3FFE];
	_ =	sdelay $0x1  }
0x8a: {  	s1 =	srdreg.scid  }
0x8b: {  	s0 =	sand.u32 $0x1, s1  }
0x8c: {  	s14 =	sshll.u32 s0, $0xA;
	s2 =	sadd.s32 s3, s2  }
0x8d: {  	s2 =	sadd.s32 s2, s14  }
0x8e: {  	[smem:$0x3FB4] =	sst s2  }
0x8f: {  	_ = 	snop  }
0x90: {  	s2 =	sld [smem:$0x3FD0];
	_ =	sdelay $0x2  }
0x91: {  	s15 =	simm.s32 $0xA;
	s4 =	simm.s32 $0x10  }
0x92: {  	[smem:s4], [sflag:s15] =	dma.local [hbm:s2], $0x1  }
0x93: {  	_ =	swait.eq [sflag:s15], $0x1  }
0x94: {  	[sflag:s15] =	ssyncset.done $0x0  }
0x95: {  	s16 =	sld [smem:$0x10];
	[sflag:s15] =	ssyncadd.s32 $0xFFFFFFFF  }
0x96: {  	s17 =	sld [smem:$0x11];
	(tm) =	ssettm $0x1  }
0x97: {  	s18 =	sld [smem:$0x3FFB];
	_ =	sdelay $0x3  }
0x98: {  	_ =	strace s18  }
0x99: {  	s4 =	sld [smem:$0x3FFC];
	_ =	sdelay $0x3  }
0x9a: {  	_ =	strace s4  }
0x9b: {  	s4 =	sld [smem:$0x3FFD];
	_ =	sdelay $0x3  }
0x9c: {  	_ =	strace s4  }
0x9d: {  	_ =	strace $0x8FFFFFFF  }
0x9e: {  	s19 =	sld [smem:$0x3FDB];
	_ =	sdelay $0x1  }
0x9f: {  	s5 =	simm.s32 $_scs_section_size  }
0xa0: {  	s6 =	simm.s32 $_size__tile_overlayer_lowered;
	s7 =	simm.s32 $_tile_overlayer_lowered  }
0xa1: {  	s22 =	simm.s32 $0x1BFF;
	s21 =	sshll.u32 s7, $0x1;
	s4 =	sadd.s32 s5, s19  }
0xa2: {  	s8 =	simm.s32 $0x0;
	s20 =	sshll.u32 s6, $0x1;
	s6 =	sadd.s32 s21, s4  }
0xa3: {  	[timem:s8], [sflag:s22] =	dma.local [hbm:s6], s20  }
0xa4: {  	_ =	swait.ge [sflag:s22], s20  }
0xa5: {  	s5 =	ssub.s32 $0x0, s20;
	[sflag:s22] =	ssyncset.done $0x0  }
0xa6: {  	[sflag:s22] =	ssyncadd.s32 s5;
	_ =	sdelay $0x1  }
0xa7: {  	s23 =	simm.s32 $0x1B8B  }
0xa8: {  	_ =	swait.ge [sflag:s23], $0x1  }
0xa9: {  	[sflag:s23] =	ssyncset.done $0x0  }
0xaa: {  	s25 =	simm.s32 $0x1B8E;
	s24 =	sld [smem:$0x3FFE];
	[sflag:s23] =	ssyncadd.s32 $0xFFFFFFFF  }
0xab: {  	s26 =	simm.s32 $execute0_lowered;
	[smem:$0x3FD2] =	sst s25  }
0xac: {  	s6 =	sshll.u32 s26, $0x1;
	_ =	strace $0x80000049;
	[dreg:$0x1] =	wrdreg $0xFFFFFFFF  }
0xad: {  	s28 =	simm.s32 $_size_execute0_lowered;
	s4 =	sadd.s32 s4, s6;
	[dreg:$0x0] =	wrdreg $0x0  }
0xae: {  	s6 =	sshll.u32 s28, $0x1;
	[dreg:$0x2] =	wrdreg s4  }
0xaf: {  	[dreg:$0x3] =	wrdreg s6  }
0xb0: {  	[dreg:$0x4] =	wrdreg $0xC0  }
0xb1: {  	_ =	task [dreg:s8], $0x5FFFF  }
0xb2: {  	[dreg:$0x1] =	wrdreg $0xFFFFFFFF  }
0xb3: {  	[dreg:$0x0] =	wrdreg $0x60  }
0xb4: {  	[dreg:$0x2] =	wrdreg s24  }
0xb5: {  	[dreg:$0x3] =	wrdreg s16  }
0xb6: {  	[dreg:$0x4] =	wrdreg s17  }
0xb7: {  	[dreg:$0x5] =	wrdreg $0x9  }
0xb8: {  	_ =	task.clear_ibuf [dreg:s8], $0x6FFFF;
	_ =	strace $0x90000049  }
0xb9: {  	s29 =	simm.s32 $0x9;
	_ =	strace $0x8000004B  }
0xba: {  	_ =	swait.ge [sflag:s29], $0x1  }
0xbb: {  	[sflag:s29] =	ssyncadd.s32 $0xFFFFFFFF  }
0xbc: {  	_ =	strace $0x9000004B  }
0xbd: {  	_ =	sfence  }
0xbe: {  	s30 =	sld [smem:$0x0];
	_ =	sdelay $0x2  }
0xbf: {  	s31 =	sshll.u32 s1, $0xD;
	s1 =	sshrl.u32 s1, $0x2  }
0xc0: {  	s3 =	sand.u32 $0x4000, s31;
	s1 =	sadd.s32 s1, s30  }
0xc1: {  	s0 =	sor.u32 s3, s0;
	s1 =	sshll.u32 s1, $0x11  }
0xc2: {  	s0 =	sor.u32 s1, s0  }
0xc3: {  	s0 =	sadd.s32 $0x8F2B, s0  }
0xc4: {  	[sflag:s0] =	ssyncadd.remote.s32 $0x1  }
0xc5: {  	_ =	sfence.sel $0xFFFF  }
0xc6: {  	[dreg:$0x0] =	wrdreg $0xFFFFFFFF;
	(pc) =	sbr.abs _section_cstart, $3  }
0xc7: {  	[dreg:$0x1] =	wrdreg $0xFFFFFFFF  }
0xc8: {  	_ =	task.clear_ibuf [dreg:s8], $0x2FFFF;
	_ =	strace $0x9FFFFFFF  }
0xc9: {  	(tm) =	ssettm $0x7FFFFFFF  }
tec
execute0_lowered:
.L_overlay_start_1:
0x0: {  	(tag) =	ssettag $0x1  }
0x1: {  	s0 =	srdreg.scid;
	s23 =	rddreg [dreg:$0x0]  }
0x2: {  	s18 =	stileid.u32;
	s6 =	rddreg [dreg:$0x1];
	s3 =	simm.s32 $0x1  }
0x3: {  	s2 =	rddreg [dreg:$0x2];
	s15 =	simm.s32 $0xFFFFFFFF;
	s0 =	sand.u32 $0x1, s0  }
0x4: {  	s28 =	simm.s32 $0x136D0;
	s29 =	simm.s32 $0x156D0;
	s1 =	sor.u32 s0, s18  }
0x5: {  	s30 =	simm.s32 $0x176D0;
	p1 =	seq.s32 s0, $0x1;
	p0 =	seq.s32 s1, $0x0  }
0x6: {  	s31 =	simm.s32 $0x2;
	s10 =	sadd.s32 $0x144000, s23;
	p0 =	por !p0, !p1  }
0x7: {  	s8 =	sshll.u32 s0, $0x9;
	s12 =	ssub.s32 $0x2, s0;
	p0 =	por !p0, !p0  }
0x8: {  	s0 =	sshll.u32 s0, $0x12;
	s14 =	sshrl.u32 s12, $0x1;
	s3 =	simm.s32 @!p0 $0x0  }
0x9: {  	s15 =	simm.s32 @!p0 $0x0;
	s7 =	ssub.s32 s18, s3;
	s3 =	simm.s32 $0x0  }
0xa: {  	s4 =	sshll.u32 s7, $0xA;
	[smem:$0x7FF] =	sst s3;
	s13 =	smul.u32 $0x3000, s7  }
0xb: {  	s16 =	smul.u32 $0x3, s7;
	s9 =	sor.u32 s8, s4;
	_ =	strace $0x8000004A  }
0xc: {  	s4 =	sadd.s32 $0x64A000, s23;
	s5 =	sshll.u32 s9, $0x1;
	s9 =	sshll.u32 s9, $0x2  }
0xd: {  	s24 =	sshrl.u32 s13, $0x3;
	s25 =	sadd.s32 $0x1, s16;
	s26 =	sadd.s32 $0x2, s16  }
0xe: {  	s11 =	sand.u32 $0x1FFFFC00, s5;
	s5 =	simm.s32 $0x1;
	s9 =	sand.u32 $0x1FFFF800, s9  }
0xf: {  	s17 =	sshll.u32 s25, $0x9;
	s16 =	sshll.u32 s26, $0x9;
	s19 =	sshll.u32 s25, $0xA  }
0x10: {  	s21 =	sshll.u32 s26, $0xA;
	s25 =	sshll.u32 s15, $0xC;
	s11 =	sadd.s32 s11, s23  }
0x11: {  	s1 =	sadd.s32 s9, s23;
	s9 =	ssub.s32 s12, s14;
	s12 =	sadd.s32 s10, s24  }
0x12: {  	s16 =	sand.u32 $0x1FFFFE00, s16;
	s23 =	sshll.u32 s7, $0x13;
	s24 =	sshll.u32 s18, $0xC  }
0x13: {  	s18 =	simm.s32 $0x5;
	[dreg:$0x5] =	wrdreg s12;
	s22 =	sadd.s32 $0x3C00, s11  }
0x14: {  	s12 =	sand.u32 $0x1FFFFE00, s17;
	s1 =	sadd.s32 $0xBC00, s1;
	[dreg:$0xb] =	wrdreg s22  }
0x15: {  	s17 =	smul.u32 $0xC00, s7;
	s26 =	smax.u32 s9, $0x1;
	[dreg:$0xc] =	wrdreg s1  }
0x16: {  	s0 =	sor.u32 s0, s23;
	s12 =	sadd.s32 s10, s12;
	[dreg:$0xd] =	wrdreg s26  }
0x17: {  	s10 =	sadd.s32 s10, s16;
	s16 =	sadd.s32 s25, s24;
	[dreg:$0x4] =	wrdreg s0  }
0x18: {  	s25 =	simm.s32 $0x80;
	s26 =	simm.s32 $0x116D0;
	[dreg:$0x6] =	wrdreg s12  }
0x19: {  	s1 =	simm.s32 $0x3;
	s0 =	simm.s32 $0x4;
	[dreg:$0x7] =	wrdreg s10  }
0x1a: {  	s20 =	sor.u32 s8, s17;
	s10 =	sor.u32 s8, s19;
	s8 =	sor.u32 s8, s21  }
0x1b: {  	s17 =	simm.s32 $0x9;
	s19 =	simm.s32 $0x6;
	s12 =	sshrl.u32 s20, $0x3  }
0x1c: {  	s21 =	simm.s32 $0x8;
	s10 =	sshrl.u32 s10, $0x3;
	s12 =	sadd.s32 s6, s12  }
0x1d: {  	s8 =	sshrl.u32 s8, $0x3;
	s10 =	sadd.s32 s6, s10;
	[dreg:$0x8] =	wrdreg s12  }
0x1e: {  	s20 =	simm.s32 $0x7;
	s6 =	sadd.s32 s6, s8;
	[dreg:$0x9] =	wrdreg s10  }
0x1f: {  	v0 =	vimm.s32 $0x0;
	v1 =	vlaneseq.u32;
	vm0 =	vmxor vm0, vm0;
	[dreg:$0xa] =	wrdreg s6;
	s12 =	sshll.u32 s7, $0xC;
	s7 =	simm.s32 $0x0  }
.LBB2_1:
0x20: {  	[dreg:$0xe] =	wrdreg s7  }
0x21: {  	s6 =	rddreg [dreg:$0x5]  }
0x22: {  	[tilespmem:s3], [sflag:$0x9] =	stream.linear.gather [hbm4b:s6+s3], $0x1000, $0x38;
	[tilespmem:$0x196D0] =	vst v63  }
0x23: {  	_ =	swait.ge [sflag:s17], $0x1000  }
0x24: {  	[sflag:s17] =	ssyncset.done $0x0  }
0x25: {  	s9 =	simm.s32 $0x1000;
	s8 =	rddreg [dreg:$0x6];
	[sflag:s17] =	ssyncadd.s32 $0xFFFFF000  }
0x26: {  	[tilespmem:s9], [sflag:$0x9] =	stream.linear.gather [hbm4b:s8+s3], $0x1000, $0x38;
	[tilespmem:$0x196D0] =	vst v63  }
0x27: {  	_ =	swait.ge [sflag:s17], $0x1000  }
0x28: {  	[sflag:s17] =	ssyncset.done $0x0  }
0x29: {  	s11 =	simm.s32 $0x2000;
	s10 =	rddreg [dreg:$0x7];
	[sflag:s17] =	ssyncadd.s32 $0xFFFFF000  }
0x2a: {  	[tilespmem:s11], [sflag:$0x9] =	stream.linear.gather [hbm4b:s10+s3], $0x1000, $0x38;
	[tilespmem:$0x196D0] =	vst v63  }
0x2b: {  	_ =	swait.ge [sflag:s17], $0x1000  }
0x2c: {  	[sflag:s17] =	ssyncset.done $0x0  }
0x2d: {  	s14 =	simm.s32 $0x3000;
	s13 =	rddreg [dreg:$0x8];
	[sflag:s17] =	ssyncadd.s32 $0xFFFFF000  }
0x2e: {  	[tilespmem:s14], [sflag:$0x9] =	stream.linear.gather [hbm4b:s13+s3], $0x200, $0x38;
	[tilespmem:$0x196D0] =	vst v63  }
0x2f: {  	_ =	swait.ge [sflag:s17], $0x200  }
0x30: {  	[sflag:s17] =	ssyncset.done $0x0  }
0x31: {  	s22 =	simm.s32 $0x3210;
	s15 =	rddreg [dreg:$0x9];
	[sflag:s17] =	ssyncadd.s32 $0xFFFFFE00  }
0x32: {  	[tilespmem:s22], [sflag:$0x9] =	stream.linear.gather [hbm4b:s15+s3], $0x200, $0x38;
	[tilespmem:$0x196D0] =	vst v63  }
0x33: {  	_ =	swait.ge [sflag:s17], $0x200  }
0x34: {  	s24 =	simm.s32 $0x3420;
	[sflag:s17] =	ssyncset.done $0x0  }
.Ltmp0:
0x35: {  	s23 =	rddreg [dreg:$0xa];
	[sflag:s17] =	ssyncadd.s32 $0xFFFFFE00;
	(pc) =	sbr.rel .LBB2_2-.Ltmp0, $4  }
0x36: {  	[tilespmem:s24], [sflag:$0x9] =	stream.linear.gather [hbm4b:s23+s3], $0x200, $0x38;
	[tilespmem:$0x196D0] =	vst v63  }
0x37: {  	_ =	swait.ge [sflag:s17], $0x200  }
0x38: {  	[sflag:s17] =	ssyncset.done $0x0  }
0x39: {  	s23 =	simm.s32 $0x0;
	[sflag:s17] =	ssyncadd.s32 $0xFFFFFE00  }
.LBB2_7:
0x3a: {  	v2 =	vld [tilespmem:$0x3630];
	_ =	sdelay $0x4  }
0x3b: {  	(v2sf) =	vpush v2, $0x0;
	_ =	sdelay $0xe  }
0x3c: {  	p0 =	sgt.s32 s13, $0x0;
	s7 =	smov.u32 s12;
	v3 =	vmov s13;
	s6 =	spop (v2sf)  }
0x3d: {  	s15 =	sshll.u32 s23, $0x6;
	vm1 =	vgt.s32 v3, v1;
	s7 =	smov.u32 @p0 s6  }
0x3e: {  	s22 =	sshrl.u32 s15, $0x2;
	v2 =	vnsel vm1, s7, v2  }
0x3f: {  	[tilespmem:s22+$0x36D0] =	vst v2  }
0x40: {  	v2 =	vld [tilespmem:$0x3650];
	_ =	sdelay $0x4  }
0x41: {  	(v2sf) =	vpush v2, $0x0;
	_ =	sdelay $0xe  }
0x42: {  	s8 =	smov.u32 s12;
	v3 =	vmov s11;
	p0 =	sgt.s32 s11, $0x0;
	s7 =	spop (v2sf)  }
0x43: {  	s24 =	sshll.u32 s23, $0x5;
	vm1 =	vgt.s32 v3, v1;
	s8 =	smov.u32 @p0 s7  }
0x44: {  	s7 =	sand.u32 $0x3FFFFFE0, s24;
	v2 =	vnsel vm1, s8, v2  }
0x45: {  	[tilespmem:s7+$0x56D0] =	vst v2  }
0x46: {  	v2 =	vld [tilespmem:$0x3660];
	_ =	sdelay $0x2  }
0x47: {  	v4 =	vor.u32 $0x10, v1  }
0x48: {  	vm1 =	vgt.s32 v3, v4  }
0x49: {  	v2 =	vnsel vm1, s8, v2  }
0x4a: {  	[tilespmem:s7+$0x56E0] =	vst v2  }
0x4b: {  	v2 =	vld [tilespmem:$0x3680];
	_ =	sdelay $0x4  }
0x4c: {  	(v2sf) =	vpush v2, $0x0;
	_ =	sdelay $0xe  }
0x4d: {  	p0 =	sgt.s32 s10, $0x0;
	v3 =	vmov s10;
	s8 =	smov.u32 s12;
	s7 =	spop (v2sf)  }
0x4e: {  	vm1 =	vgt.s32 v3, v1;
	s8 =	smov.u32 @p0 s7  }
0x4f: {  	v2 =	vnsel vm1, s8, v2  }
0x50: {  	[tilespmem:s15+$0x96D0] =	vst v2  }
0x51: {  	v2 =	vld [tilespmem:$0x3690];
	_ =	sdelay $0x3  }
0x52: {  	vm1 =	vgt.s32 v3, v4  }
0x53: {  	v2 =	vnsel vm1, s8, v2  }
0x54: {  	[tilespmem:s15+$0x96E0] =	vst v2  }
0x55: {  	v2 =	vld [tilespmem:$0x36A0];
	_ =	sdelay $0x2  }
0x56: {  	v62 =	vor.u32 $0x20, v1  }
0x57: {  	vm1 =	vgt.s32 v3, v62  }
0x58: {  	v2 =	vnsel vm1, s8, v2  }
0x59: {  	[tilespmem:s15+$0x96F0] =	vst v2  }
0x5a: {  	s23 =	sadd.s32 $0x1, s23;
	v2 =	vld [tilespmem:$0x36B0]  }
0x5b: {  	p0 =	sne.s32 s23, $0x200  }
.Ltmp1:
0x5c: {  	_ = 	snop;
	(pc) =	sbr.rel @!p0 .LBB2_8-.Ltmp1, $4  }
0x5d: {  	v63 =	vor.u32 $0x30, v1  }
0x5e: {  	vm1 =	vgt.s32 v3, v63  }
0x5f: {  	v2 =	vnsel vm1, s8, v2  }
0x60: {  	[tilespmem:s15+$0x9700] =	vst v2  }
.LBB2_2:
.Ltmp2:
0x61: {  	v2 =	vld.msk [tilespmem:s23+$0x3000 ss:$0x0], $0xffff;
	(pc) =	sbr.rel .LBB2_3-.Ltmp2, $4  }
0x62: {  	v3 =	vld.msk [tilespmem:s23+$0x3210 ss:$0x0], $0xffff  }
0x63: {  	v4 =	vld.msk [tilespmem:s23+$0x3420 ss:$0x0], $0xffff;
	[tilespmem:$0x3630] =	vst v0;
	s24 =	simm.s32 $0x0  }
0x64: {  	[tilespmem:$0x3650] =	vst v0;
	s6 =	simm.s32 $0x2080;
	s7 =	simm.s32 $0x1080;
	s8 =	simm.s32 $0x80  }
0x65: {  	[tilespmem:$0x3680] =	vst v0;
	s10 =	simm.s32 $0x0;
	s11 =	simm.s32 $0x0;
	s13 =	simm.s32 $0x0  }
.LBB2_5:
0x66: {  	v5 =	vld [tilespmem:s8+$0xFFFFFF80]  }
0x67: {  	v6 =	vld [tilespmem:s7+$0xFFFFFF80];
	_ =	sdelay $0x1  }
0x68: {  	v7 =	vld [tilespmem:s6+$0xFFFFFF80];
	_ =	sdelay $0x2  }
0x69: {  	v5 =	vsub.f32 v5, v2;
	v6 =	vsub.f32 v6, v3;
	_ =	sdelay $0x1  }
0x6a: {  	v7 =	vsub.f32 v7, v4;
	v5 =	vmul.f32 v5, v5;
	v6 =	vmul.f32 v6, v6;
	_ =	sdelay $0x1  }
0x6b: {  	v5 =	vadd.f32 v6, v5;
	v6 =	vmul.f32 v7, v7;
	_ =	sdelay $0x1  }
0x6c: {  	s9 =	sadd.s32 s24, s16;
	p1 =	slt.s32 s11, $0x20;
	vm4 =	vmmov vm0;
	vm5 =	vmmov vm0;
	v5 =	vadd.f32 v6, v5  }
0x6d: {  	vm4 =	vmneg @p0 vm4;
	vm5 =	vmneg @p1 vm5;
	v6 =	vor.u32 s9, v1  }
0x6e: {  	vm1 =	vlt.f32 v5, $3.999999910e-02;
	vm2 =	vlt.f32 v5, $1.599999960e-01;
	vm3 =	vlt.f32 v5, $6.399999860e-01  }
0x6f: {  	p0 =	slt.s32 s10, $0x40;
	v5 =	vmpcnt.ones.xlane vm1;
	vm1 =	vmand vm4, vm1;
	vm4 =	vmmov vm0  }
0x70: {  	v7 =	vmpcnt.ones.xlane vm2;
	vm2 =	vmand vm5, vm2;
	[tilespmem:s13+$0x3630] =	vst.msk vm1, v6;
	vm4 =	vmneg @p0 vm4  }
0x71: {  	(v2sf) =	vpush v5, $0x0;
	v5 =	vmpcnt.ones.xlane vm3;
	[tilespmem:s11+$0x3650] =	vst.msk vm2, v6;
	vm1 =	vmand vm4, vm3  }
0x72: {  	(v2sf) =	vpush v7, $0x0;
	[tilespmem:s10+$0x3680] =	vst.msk vm1, v6  }
0x73: {  	(v2sf) =	vpush v5, $0x0;
	v5 =	vld [tilespmem:s8+$0xFFFFFF90]  }
0x74: {  	v6 =	vld [tilespmem:s7+$0xFFFFFF90];
	_ =	sdelay $0x1  }
0x75: {  	v7 =	vld [tilespmem:s6+$0xFFFFFF90];
	_ =	sdelay $0x2  }
0x76: {  	v5 =	vsub.f32 v5, v2;
	v6 =	vsub.f32 v6, v3;
	_ =	sdelay $0x1  }
0x77: {  	v7 =	vsub.f32 v7, v4;
	v5 =	vmul.f32 v5, v5;
	v6 =	vmul.f32 v6, v6;
	_ =	sdelay $0x1  }
0x78: {  	v5 =	vadd.f32 v6, v5;
	v6 =	vmul.f32 v7, v7;
	_ =	sdelay $0x1  }
0x79: {  	v5 =	vadd.f32 v6, v5  }
0x7a: {  	s14 =	spop (v2sf)  }
0x7b: {  	vm5 =	vmmov vm0;
	vm1 =	vlt.f32 v5, $3.999999910e-02;
	s15 =	spop (v2sf)  }
0x7c: {  	s22 =	sadd.s32 $0x10, s9;
	vm2 =	vlt.f32 v5, $1.599999960e-01;
	vm3 =	vlt.f32 v5, $6.399999860e-01;
	s13 =	sadd.s32 s13, s14;
	v5 =	vmpcnt.ones.xlane vm1;
	s11 =	sadd.s32 s11, s15  }
0x7d: {  	vm4 =	vmmov vm0;
	v6 =	vor.u32 s22, v1;
	v7 =	vmpcnt.ones.xlane vm2;
	p1 =	slt.s32 s13, $0x10;
	s22 =	spop (v2sf);
	p0 =	slt.s32 s11, $0x20  }
0x7e: {  	s10 =	sadd.s32 s10, s22;
	vm4 =	vmneg @p1 vm4;
	(v2sf) =	vpush v5, $0x0;
	vm5 =	vmneg @p0 vm5  }
0x7f: {  	s13 =	simm.s32 @!p1 $0x10;
	p1 =	slt.s32 s10, $0x40;
	vm1 =	vmand vm4, vm1;
	vm14 =	vmand vm5, vm2;
	vm5 =	vmmov vm0  }
0x80: {  	v5 =	vmpcnt.ones.xlane vm3;
	s11 =	simm.s32 @!p0 $0x20;
	(v2sf) =	vpush v7, $0x0;
	[tilespmem:s13+$0x3630] =	vst.msk vm1, v6;
	vm5 =	vmneg @p1 vm5  }
0x81: {  	s10 =	simm.s32 @!p1 $0x40;
	[tilespmem:s11+$0x3650] =	vst.msk vm14, v6;
	vm1 =	vmand vm5, vm3  }
0x82: {  	(v2sf) =	vpush v5, $0x0;
	[tilespmem:s10+$0x3680] =	vst.msk vm1, v6  }
0x83: {  	v5 =	vld [tilespmem:s8+$0xFFFFFFA0]  }
0x84: {  	v6 =	vld [tilespmem:s7+$0xFFFFFFA0];
	_ =	sdelay $0x1  }
0x85: {  	v7 =	vld [tilespmem:s6+$0xFFFFFFA0];
	_ =	sdelay $0x2  }
0x86: {  	v5 =	vsub.f32 v5, v2;
	v6 =	vsub.f32 v6, v3;
	_ =	sdelay $0x1  }
0x87: {  	v7 =	vsub.f32 v7, v4;
	v5 =	vmul.f32 v5, v5;
	v6 =	vmul.f32 v6, v6;
	_ =	sdelay $0x1  }
0x88: {  	v5 =	vadd.f32 v6, v5;
	v6 =	vmul.f32 v7, v7  }
0x89: {  	s15 =	spop (v2sf)  }
0x8a: {  	s13 =	sadd.s32 s13, s15;
	s22 =	spop (v2sf);
	v5 =	vadd.f32 v6, v5  }
0x8b: {  	vm3 =	vmmov vm0;
	vm5 =	vmmov vm0;
	s15 =	sadd.s32 $0x20, s9;
	p0 =	slt.s32 s13, $0x10;
	s11 =	sadd.s32 s11, s22  }
0x8c: {  	s22 =	spop (v2sf);
	v6 =	vor.u32 s15, v1;
	p1 =	slt.s32 s11, $0x20;
	vm3 =	vmneg @p0 vm3;
	vm1 =	vlt.f32 v5, $3.999999910e-02  }
0x8d: {  	s10 =	sadd.s32 s10, s22;
	vm2 =	vlt.f32 v5, $1.599999960e-01;
	vm15 =	vlt.f32 v5, $6.399999860e-01;
	vm5 =	vmneg @p1 vm5  }
0x8e: {  	s13 =	simm.s32 @!p0 $0x10;
	p0 =	slt.s32 s10, $0x40;
	v5 =	vmpcnt.ones.xlane vm1;
	vm1 =	vmand vm3, vm1;
	vm3 =	vmmov vm0  }
0x8f: {  	s11 =	simm.s32 @!p1 $0x20;
	v7 =	vmpcnt.ones.xlane vm2;
	[tilespmem:s13+$0x3630] =	vst.msk vm1, v6;
	vm1 =	vmand vm5, vm2;
	vm3 =	vmneg @p0 vm3  }
0x90: {  	s10 =	simm.s32 @!p0 $0x40;
	(v2sf) =	vpush v5, $0x0;
	[tilespmem:s11+$0x3650] =	vst.msk vm1, v6;
	vm1 =	vmand vm3, vm15;
	v5 =	vmpcnt.ones.xlane vm15  }
0x91: {  	(v2sf) =	vpush v7, $0x0;
	[tilespmem:s10+$0x3680] =	vst.msk vm1, v6  }
0x92: {  	(v2sf) =	vpush v5, $0x0;
	v5 =	vld [tilespmem:s8+$0xFFFFFFB0]  }
0x93: {  	v6 =	vld [tilespmem:s7+$0xFFFFFFB0];
	_ =	sdelay $0x1  }
0x94: {  	v7 =	vld [tilespmem:s6+$0xFFFFFFB0];
	_ =	sdelay $0x2  }
0x95: {  	v5 =	vsub.f32 v5, v2;
	v6 =	vsub.f32 v6, v3;
	_ =	sdelay $0x1  }
0x96: {  	v7 =	vsub.f32 v7, v4;
	v5 =	vmul.f32 v5, v5;
	v6 =	vmul.f32 v6, v6;
	_ =	sdelay $0x1  }
0x97: {  	v5 =	vadd.f32 v6, v5;
	v6 =	vmul.f32 v7, v7;
	_ =	sdelay $0x1  }
0x98: {  	v5 =	vadd.f32 v6, v5;
	_ =	sdelay $0x1  }
0x99: {  	vm4 =	vmmov vm0;
	s14 =	spop (v2sf);
	vm1 =	vlt.f32 v5, $3.999999910e-02  }
0x9a: {  	s22 =	sadd.s32 $0x30, s9;
	vm2 =	vlt.f32 v5, $1.599999960e-01;
	vm3 =	vlt.f32 v5, $6.399999860e-01;
	s15 =	spop (v2sf);
	s13 =	sadd.s32 s13, s14;
	v5 =	vmpcnt.ones.xlane vm1  }
0x9b: {  	vm5 =	vmmov vm0;
	v6 =	vor.u32 s22, v1;
	v7 =	vmpcnt.ones.xlane vm2;
	s11 =	sadd.s32 s11, s15;
	p1 =	slt.s32 s13, $0x10;
	s15 =	spop (v2sf)  }
0x9c: {  	p0 =	slt.s32 s11, $0x20;
	s10 =	sadd.s32 s10, s15;
	vm4 =	vmneg @p1 vm4;
	(v2sf) =	vpush v5, $0x0;
	v5 =	vmpcnt.ones.xlane vm3  }
0x9d: {  	s13 =	simm.s32 @!p1 $0x10;
	vm5 =	vmneg @p0 vm5;
	p1 =	slt.s32 s10, $0x40;
	vm1 =	vmand vm4, vm1;
	vm4 =	vmmov vm0  }
0x9e: {  	s11 =	simm.s32 @!p0 $0x20;
	(v2sf) =	vpush v7, $0x0;
	vm2 =	vmand vm5, vm2;
	[tilespmem:s13+$0x3630] =	vst.msk vm1, v6;
	vm4 =	vmneg @p1 vm4  }
0x9f: {  	s10 =	simm.s32 @!p1 $0x40;
	[tilespmem:s11+$0x3650] =	vst.msk vm2, v6;
	vm1 =	vmand vm4, vm3  }
0xa0: {  	(v2sf) =	vpush v5, $0x0;
	[tilespmem:s10+$0x3680] =	vst.msk vm1, v6  }
0xa1: {  	v5 =	vld [tilespmem:s8+$0xFFFFFFC0]  }
0xa2: {  	v6 =	vld [tilespmem:s7+$0xFFFFFFC0];
	_ =	sdelay $0x1  }
0xa3: {  	v7 =	vld [tilespmem:s6+$0xFFFFFFC0];
	_ =	sdelay $0x2  }
0xa4: {  	v5 =	vsub.f32 v5, v2;
	v6 =	vsub.f32 v6, v3;
	_ =	sdelay $0x1  }
0xa5: {  	v7 =	vsub.f32 v7, v4;
	v5 =	vmul.f32 v5, v5;
	v6 =	vmul.f32 v6, v6;
	_ =	sdelay $0x1  }
0xa6: {  	v5 =	vadd.f32 v6, v5;
	v6 =	vmul.f32 v7, v7  }
0xa7: {  	s14 =	spop (v2sf)  }
0xa8: {  	s22 =	sadd.s32 $0x40, s9;
	s15 =	spop (v2sf);
	v5 =	vadd.f32 v6, v5  }
0xa9: {  	vm5 =	vmmov vm0;
	vm4 =	vmmov vm0;
	s13 =	sadd.s32 s13, s14;
	v6 =	vor.u32 s22, v1;
	s11 =	sadd.s32 s11, s15  }
0xaa: {  	p1 =	slt.s32 s13, $0x10;
	s22 =	spop (v2sf);
	p0 =	slt.s32 s11, $0x20;
	vm1 =	vlt.f32 v5, $3.999999910e-02;
	vm2 =	vlt.f32 v5, $1.599999960e-01;
	vm3 =	vlt.f32 v5, $6.399999860e-01  }
0xab: {  	s10 =	sadd.s32 s10, s22;
	vm4 =	vmneg @p1 vm4;
	vm5 =	vmneg @p0 vm5;
	v5 =	vmpcnt.ones.xlane vm1  }
0xac: {  	s13 =	simm.s32 @!p1 $0x10;
	p1 =	slt.s32 s10, $0x40;
	vm1 =	vmand vm4, vm1;
	vm8 =	vmand vm5, vm2;
	vm5 =	vmmov vm0  }
0xad: {  	v7 =	vmpcnt.ones.xlane vm2;
	s11 =	simm.s32 @!p0 $0x20;
	[tilespmem:s13+$0x3630] =	vst.msk vm1, v6;
	vm5 =	vmneg @p1 vm5;
	(v2sf) =	vpush v5, $0x0  }
0xae: {  	s10 =	simm.s32 @!p1 $0x40;
	v5 =	vmpcnt.ones.xlane vm3;
	[tilespmem:s11+$0x3650] =	vst.msk vm8, v6;
	vm1 =	vmand vm5, vm3  }
0xaf: {  	(v2sf) =	vpush v7, $0x0;
	[tilespmem:s10+$0x3680] =	vst.msk vm1, v6  }
0xb0: {  	(v2sf) =	vpush v5, $0x0;
	v5 =	vld [tilespmem:s8+$0xFFFFFFD0]  }
0xb1: {  	v6 =	vld [tilespmem:s7+$0xFFFFFFD0];
	_ =	sdelay $0x1  }
0xb2: {  	v7 =	vld [tilespmem:s6+$0xFFFFFFD0];
	_ =	sdelay $0x2  }
0xb3: {  	v5 =	vsub.f32 v5, v2;
	v6 =	vsub.f32 v6, v3;
	_ =	sdelay $0x1  }
0xb4: {  	v7 =	vsub.f32 v7, v4;
	v5 =	vmul.f32 v5, v5;
	v6 =	vmul.f32 v6, v6;
	_ =	sdelay $0x1  }
0xb5: {  	v5 =	vadd.f32 v6, v5;
	v6 =	vmul.f32 v7, v7;
	_ =	sdelay $0x1  }
0xb6: {  	v5 =	vadd.f32 v6, v5;
	s15 =	spop (v2sf)  }
0xb7: {  	vm3 =	vmmov vm0;
	s13 =	sadd.s32 s13, s15  }
0xb8: {  	vm5 =	vmmov vm0;
	s22 =	spop (v2sf);
	vm1 =	vlt.f32 v5, $3.999999910e-02;
	vm2 =	vlt.f32 v5, $1.599999960e-01;
	p0 =	slt.s32 s13, $0x10  }
0xb9: {  	s15 =	sadd.s32 $0x50, s9;
	vm9 =	vlt.f32 v5, $6.399999860e-01;
	s11 =	sadd.s32 s11, s22;
	s22 =	spop (v2sf);
	v5 =	vmpcnt.ones.xlane vm1;
	vm3 =	vmneg @p0 vm3  }
0xba: {  	v6 =	vor.u32 s15, v1;
	v7 =	vmpcnt.ones.xlane vm2;
	p1 =	slt.s32 s11, $0x20;
	s10 =	sadd.s32 s10, s22;
	vm1 =	vmand vm3, vm1  }
0xbb: {  	s13 =	simm.s32 @!p0 $0x10;
	p0 =	slt.s32 s10, $0x40;
	vm5 =	vmneg @p1 vm5;
	vm3 =	vmmov vm0;
	(v2sf) =	vpush v5, $0x0  }
0xbc: {  	s11 =	simm.s32 @!p1 $0x20;
	v5 =	vmpcnt.ones.xlane vm9;
	[tilespmem:s13+$0x3630] =	vst.msk vm1, v6;
	vm1 =	vmand vm5, vm2;
	vm3 =	vmneg @p0 vm3  }
0xbd: {  	s10 =	simm.s32 @!p0 $0x40;
	(v2sf) =	vpush v7, $0x0;
	[tilespmem:s11+$0x3650] =	vst.msk vm1, v6;
	vm1 =	vmand vm3, vm9  }
0xbe: {  	(v2sf) =	vpush v5, $0x0;
	[tilespmem:s10+$0x3680] =	vst.msk vm1, v6  }
0xbf: {  	v5 =	vld [tilespmem:s8+$0xFFFFFFE0]  }
0xc0: {  	v6 =	vld [tilespmem:s7+$0xFFFFFFE0];
	_ =	sdelay $0x1  }
0xc1: {  	v7 =	vld [tilespmem:s6+$0xFFFFFFE0];
	_ =	sdelay $0x2  }
0xc2: {  	v5 =	vsub.f32 v5, v2;
	v6 =	vsub.f32 v6, v3;
	_ =	sdelay $0x1  }
0xc3: {  	v7 =	vsub.f32 v7, v4;
	v5 =	vmul.f32 v5, v5;
	v6 =	vmul.f32 v6, v6;
	_ =	sdelay $0x1  }
0xc4: {  	v5 =	vadd.f32 v6, v5;
	v6 =	vmul.f32 v7, v7;
	_ =	sdelay $0x1  }
0xc5: {  	s22 =	sadd.s32 $0x60, s9;
	s14 =	spop (v2sf);
	v5 =	vadd.f32 v6, v5  }
0xc6: {  	vm4 =	vmmov vm0;
	vm5 =	vmmov vm0;
	v6 =	vor.u32 s22, v1;
	s15 =	spop (v2sf);
	s13 =	sadd.s32 s13, s14  }
0xc7: {  	s11 =	sadd.s32 s11, s15;
	vm1 =	vlt.f32 v5, $3.999999910e-02;
	p1 =	slt.s32 s13, $0x10;
	s15 =	spop (v2sf);
	vm2 =	vlt.f32 v5, $1.599999960e-01;
	vm3 =	vlt.f32 v5, $6.399999860e-01  }
0xc8: {  	p0 =	slt.s32 s11, $0x20;
	v5 =	vmpcnt.ones.xlane vm1;
	s10 =	sadd.s32 s10, s15;
	vm4 =	vmneg @p1 vm4;
	v7 =	vmpcnt.ones.xlane vm2  }
0xc9: {  	s13 =	simm.s32 @!p1 $0x10;
	vm5 =	vmneg @p0 vm5;
	p1 =	slt.s32 s10, $0x40;
	vm1 =	vmand vm4, vm1;
	vm4 =	vmmov vm0  }
0xca: {  	s11 =	simm.s32 @!p0 $0x20;
	vm2 =	vmand vm5, vm2;
	(v2sf) =	vpush v5, $0x0;
	[tilespmem:s13+$0x3630] =	vst.msk vm1, v6;
	vm4 =	vmneg @p1 vm4  }
0xcb: {  	v5 =	vmpcnt.ones.xlane vm3;
	s10 =	simm.s32 @!p1 $0x40;
	(v2sf) =	vpush v7, $0x0;
	[tilespmem:s11+$0x3650] =	vst.msk vm2, v6;
	vm1 =	vmand vm4, vm3  }
0xcc: {  	[tilespmem:s10+$0x3680] =	vst.msk vm1, v6  }
0xcd: {  	(v2sf) =	vpush v5, $0x0;
	v5 =	vld [tilespmem:s8+$0xFFFFFFF0]  }
0xce: {  	v6 =	vld [tilespmem:s7+$0xFFFFFFF0];
	_ =	sdelay $0x1  }
0xcf: {  	v7 =	vld [tilespmem:s6+$0xFFFFFFF0];
	_ =	sdelay $0x2  }
0xd0: {  	v5 =	vsub.f32 v5, v2;
	v6 =	vsub.f32 v6, v3;
	_ =	sdelay $0x1  }
0xd1: {  	v7 =	vsub.f32 v7, v4;
	v5 =	vmul.f32 v5, v5;
	v6 =	vmul.f32 v6, v6;
	_ =	sdelay $0x1  }
0xd2: {  	v5 =	vadd.f32 v6, v5;
	v6 =	vmul.f32 v7, v7;
	_ =	sdelay $0x1  }
0xd3: {  	v5 =	vadd.f32 v6, v5;
	s14 =	spop (v2sf)  }
0xd4: {  	s22 =	sadd.s32 $0x70, s9;
	vm5 =	vmmov vm0;
	s15 =	spop (v2sf)  }
0xd5: {  	vm4 =	vmmov vm0;
	v6 =	vor.u32 s22, v1;
	s13 =	sadd.s32 s13, s14;
	vm1 =	vlt.f32 v5, $3.999999910e-02;
	s11 =	sadd.s32 s11, s15  }
0xd6: {  	vm2 =	vlt.f32 v5, $1.599999960e-01;
	vm3 =	vlt.f32 v5, $6.399999860e-01;
	p1 =	slt.s32 s13, $0x10;
	s22 =	spop (v2sf);
	v5 =	vmpcnt.ones.xlane vm1;
	p0 =	slt.s32 s11, $0x20  }
0xd7: {  	v7 =	vmpcnt.ones.xlane vm2;
	s10 =	sadd.s32 s10, s22;
	vm4 =	vmneg @p1 vm4;
	vm5 =	vmneg @p0 vm5  }
0xd8: {  	s13 =	simm.s32 @!p1 $0x10;
	p1 =	slt.s32 s10, $0x40;
	vm1 =	vmand vm4, vm1;
	vm10 =	vmand vm5, vm2;
	vm5 =	vmmov vm0  }
0xd9: {  	s11 =	simm.s32 @!p0 $0x20;
	(v2sf) =	vpush v5, $0x0;
	v5 =	vmpcnt.ones.xlane vm3;
	[tilespmem:s13+$0x3630] =	vst.msk vm1, v6;
	vm5 =	vmneg @p1 vm5  }
0xda: {  	s10 =	simm.s32 @!p1 $0x40;
	(v2sf) =	vpush v7, $0x0;
	[tilespmem:s11+$0x3650] =	vst.msk vm10, v6;
	vm1 =	vmand vm5, vm3  }
0xdb: {  	(v2sf) =	vpush v5, $0x0;
	[tilespmem:s10+$0x3680] =	vst.msk vm1, v6  }
0xdc: {  	v5 =	vld [tilespmem:s8+$0x0]  }
0xdd: {  	v6 =	vld [tilespmem:s7+$0x0];
	_ =	sdelay $0x1  }
0xde: {  	v7 =	vld [tilespmem:s6+$0x0];
	_ =	sdelay $0x2  }
0xdf: {  	v5 =	vsub.f32 v5, v2;
	v6 =	vsub.f32 v6, v3;
	_ =	sdelay $0x1  }
0xe0: {  	v7 =	vsub.f32 v7, v4;
	v5 =	vmul.f32 v5, v5;
	v6 =	vmul.f32 v6, v6;
	_ =	sdelay $0x1  }
0xe1: {  	v5 =	vadd.f32 v6, v5;
	v6 =	vmul.f32 v7, v7;
	_ =	sdelay $0x1  }
0xe2: {  	s15 =	spop (v2sf);
	v5 =	vadd.f32 v6, v5  }
0xe3: {  	vm3 =	vmmov vm0;
	vm5 =	vmmov vm0;
	s13 =	sadd.s32 s13, s15;
	s22 =	spop (v2sf);
	s15 =	sadd.s32 $0x80, s9  }
0xe4: {  	p0 =	slt.s32 s13, $0x10;
	s11 =	sadd.s32 s11, s22;
	s22 =	spop (v2sf);
	v6 =	vor.u32 s15, v1;
	vm1 =	vlt.f32 v5, $3.999999910e-02;
	vm2 =	vlt.f32 v5, $1.599999960e-01  }
0xe5: {  	p1 =	slt.s32 s11, $0x20;
	s10 =	sadd.s32 s10, s22;
	vm11 =	vlt.f32 v5, $6.399999860e-01;
	vm3 =	vmneg @p0 vm3;
	v5 =	vmpcnt.ones.xlane vm1  }
0xe6: {  	s13 =	simm.s32 @!p0 $0x10;
	p0 =	slt.s32 s10, $0x40;
	vm1 =	vmand vm3, vm1;
	vm5 =	vmneg @p1 vm5;
	vm3 =	vmmov vm0  }
0xe7: {  	v7 =	vmpcnt.ones.xlane vm2;
	s11 =	simm.s32 @!p1 $0x20;
	[tilespmem:s13+$0x3630] =	vst.msk vm1, v6;
	vm1 =	vmand vm5, vm2;
	vm3 =	vmneg @p0 vm3  }
0xe8: {  	s10 =	simm.s32 @!p0 $0x40;
	(v2sf) =	vpush v5, $0x0;
	[tilespmem:s11+$0x3650] =	vst.msk vm1, v6;
	vm1 =	vmand vm3, vm11;
	v5 =	vmpcnt.ones.xlane vm11  }
0xe9: {  	(v2sf) =	vpush v7, $0x0;
	[tilespmem:s10+$0x3680] =	vst.msk vm1, v6  }
0xea: {  	(v2sf) =	vpush v5, $0x0;
	v5 =	vld [tilespmem:s8+$0x10]  }
0xeb: {  	v6 =	vld [tilespmem:s7+$0x10];
	_ =	sdelay $0x1  }
0xec: {  	v7 =	vld [tilespmem:s6+$0x10];
	_ =	sdelay $0x2  }
0xed: {  	v5 =	vsub.f32 v5, v2;
	v6 =	vsub.f32 v6, v3;
	_ =	sdelay $0x1  }
0xee: {  	v7 =	vsub.f32 v7, v4;
	v5 =	vmul.f32 v5, v5;
	v6 =	vmul.f32 v6, v6;
	_ =	sdelay $0x1  }
0xef: {  	v5 =	vadd.f32 v6, v5;
	v6 =	vmul.f32 v7, v7;
	_ =	sdelay $0x1  }
0xf0: {  	v5 =	vadd.f32 v6, v5;
	_ =	sdelay $0x1  }
0xf1: {  	vm4 =	vmmov vm0;
	s14 =	spop (v2sf);
	vm1 =	vlt.f32 v5, $3.999999910e-02  }
0xf2: {  	s22 =	sadd.s32 $0x90, s9;
	vm2 =	vlt.f32 v5, $1.599999960e-01;
	vm3 =	vlt.f32 v5, $6.399999860e-01;
	s15 =	spop (v2sf);
	s13 =	sadd.s32 s13, s14;
	v5 =	vmpcnt.ones.xlane vm1  }
0xf3: {  	vm5 =	vmmov vm0;
	v6 =	vor.u32 s22, v1;
	v7 =	vmpcnt.ones.xlane vm2;
	s11 =	sadd.s32 s11, s15;
	p1 =	slt.s32 s13, $0x10;
	s22 =	spop (v2sf)  }
0xf4: {  	p0 =	slt.s32 s11, $0x20;
	s10 =	sadd.s32 s10, s22;
	vm4 =	vmneg @p1 vm4;
	(v2sf) =	vpush v5, $0x0;
	v5 =	vmpcnt.ones.xlane vm3  }
0xf5: {  	s13 =	simm.s32 @!p1 $0x10;
	vm5 =	vmneg @p0 vm5;
	p1 =	slt.s32 s10, $0x40;
	vm1 =	vmand vm4, vm1;
	vm4 =	vmmov vm0  }
0xf6: {  	s11 =	simm.s32 @!p0 $0x20;
	(v2sf) =	vpush v7, $0x0;
	vm2 =	vmand vm5, vm2;
	[tilespmem:s13+$0x3630] =	vst.msk vm1, v6;
	vm4 =	vmneg @p1 vm4  }
0xf7: {  	s10 =	simm.s32 @!p1 $0x40;
	[tilespmem:s11+$0x3650] =	vst.msk vm2, v6;
	vm1 =	vmand vm4, vm3  }
0xf8: {  	(v2sf) =	vpush v5, $0x0;
	[tilespmem:s10+$0x3680] =	vst.msk vm1, v6  }
0xf9: {  	v5 =	vld [tilespmem:s8+$0x20]  }
0xfa: {  	v6 =	vld [tilespmem:s7+$0x20];
	_ =	sdelay $0x1  }
0xfb: {  	v7 =	vld [tilespmem:s6+$0x20];
	_ =	sdelay $0x2  }
0xfc: {  	v5 =	vsub.f32 v5, v2;
	v6 =	vsub.f32 v6, v3;
	_ =	sdelay $0x1  }
0xfd: {  	v7 =	vsub.f32 v7, v4;
	v5 =	vmul.f32 v5, v5;
	v6 =	vmul.f32 v6, v6;
	_ =	sdelay $0x1  }
0xfe: {  	v5 =	vadd.f32 v6, v5;
	v6 =	vmul.f32 v7, v7  }
0xff: {  	s15 =	spop (v2sf)  }
0x100: {  	s22 =	spop (v2sf);
	v5 =	vadd.f32 v6, v5;
	s13 =	sadd.s32 s13, s15;
	s15 =	sadd.s32 $0xA0, s9  }
0x101: {  	vm3 =	vmmov vm0;
	vm4 =	vmmov vm0;
	s11 =	sadd.s32 s11, s22;
	p1 =	slt.s32 s13, $0x10;
	v6 =	vor.u32 s15, v1  }
0x102: {  	s22 =	spop (v2sf);
	p0 =	slt.s32 s11, $0x20;
	vm1 =	vlt.f32 v5, $3.999999910e-02;
	vm2 =	vlt.f32 v5, $1.599999960e-01;
	vm3 =	vmneg @p1 vm3  }
0x103: {  	s10 =	sadd.s32 s10, s22;
	vm12 =	vlt.f32 v5, $6.399999860e-01;
	vm4 =	vmneg @p0 vm4;
	v7 =	vmpcnt.ones.xlane vm1  }
0x104: {  	s13 =	simm.s32 @!p1 $0x10;
	p1 =	slt.s32 s10, $0x40;
	vm1 =	vmand vm3, vm1;
	vm3 =	vmand vm4, vm2;
	vm4 =	vmmov vm0  }
0x105: {  	s11 =	simm.s32 @!p0 $0x20;
	v5 =	vmpcnt.ones.xlane vm2;
	[tilespmem:s13+$0x3630] =	vst.msk vm1, v6;
	vm4 =	vmneg @p1 vm4;
	(v2sf) =	vpush v7, $0x0  }
0x106: {  	s10 =	simm.s32 @!p1 $0x40;
	[tilespmem:s11+$0x3650] =	vst.msk vm3, v6;
	v7 =	vmpcnt.ones.xlane vm12;
	vm1 =	vmand vm4, vm12  }
0x107: {  	(v2sf) =	vpush v5, $0x0;
	[tilespmem:s10+$0x3680] =	vst.msk vm1, v6  }
0x108: {  	(v2sf) =	vpush v7, $0x0;
	v5 =	vld [tilespmem:s8+$0x30]  }
0x109: {  	v6 =	vld [tilespmem:s7+$0x30];
	_ =	sdelay $0x1  }
0x10a: {  	v7 =	vld [tilespmem:s6+$0x30];
	_ =	sdelay $0x2  }
0x10b: {  	v5 =	vsub.f32 v5, v2;
	v6 =	vsub.f32 v6, v3;
	_ =	sdelay $0x1  }
0x10c: {  	v7 =	vsub.f32 v7, v4;
	v5 =	vmul.f32 v5, v5;
	v6 =	vmul.f32 v6, v6;
	_ =	sdelay $0x1  }
0x10d: {  	v5 =	vadd.f32 v6, v5;
	v6 =	vmul.f32 v7, v7;
	_ =	sdelay $0x1  }
0x10e: {  	v5 =	vadd.f32 v6, v5;
	s22 =	spop (v2sf)  }
0x10f: {  	vm5 =	vmmov vm0;
	s15 =	sadd.s32 $0xB0, s9;
	vm2 =	vmmov vm0;
	s13 =	sadd.s32 s13, s22  }
0x110: {  	v6 =	vor.u32 s15, v1;
	s22 =	spop (v2sf);
	vm1 =	vlt.f32 v5, $3.999999910e-02;
	vm3 =	vlt.f32 v5, $1.599999960e-01;
	p0 =	slt.s32 s13, $0x10  }
0x111: {  	vm13 =	vlt.f32 v5, $6.399999860e-01;
	s11 =	sadd.s32 s11, s22;
	s22 =	spop (v2sf);
	v7 =	vmpcnt.ones.xlane vm1;
	vm2 =	vmneg @p0 vm2  }
0x112: {  	v5 =	vmpcnt.ones.xlane vm3;
	p1 =	slt.s32 s11, $0x20;
	s10 =	sadd.s32 s10, s22;
	vm1 =	vmand vm2, vm1;
	vm2 =	vmmov vm0  }
0x113: {  	s13 =	simm.s32 @!p0 $0x10;
	p0 =	slt.s32 s10, $0x40;
	(v2sf) =	vpush v7, $0x0;
	v7 =	vmpcnt.ones.xlane vm13;
	vm2 =	vmneg @p1 vm2  }
0x114: {  	s11 =	simm.s32 @!p1 $0x20;
	[tilespmem:s13+$0x3630] =	vst.msk vm1, v6;
	vm5 =	vmneg @p0 vm5;
	(v2sf) =	vpush v5, $0x0;
	vm1 =	vmand vm2, vm3  }
0x115: {  	s10 =	simm.s32 @!p0 $0x40;
	(v2sf) =	vpush v7, $0x0;
	[tilespmem:s11+$0x3650] =	vst.msk vm1, v6;
	vm1 =	vmand vm5, vm13  }
0x116: {  	[tilespmem:s10+$0x3680] =	vst.msk vm1, v6  }
0x117: {  	v5 =	vld [tilespmem:s8+$0x40]  }
0x118: {  	v6 =	vld [tilespmem:s7+$0x40];
	_ =	sdelay $0x1  }
0x119: {  	v7 =	vld [tilespmem:s6+$0x40];
	_ =	sdelay $0x2  }
0x11a: {  	v5 =	vsub.f32 v5, v2;
	v6 =	vsub.f32 v6, v3;
	_ =	sdelay $0x1  }
0x11b: {  	v7 =	vsub.f32 v7, v4;
	v5 =	vmul.f32 v5, v5;
	v6 =	vmul.f32 v6, v6;
	_ =	sdelay $0x1  }
0x11c: {  	v5 =	vadd.f32 v6, v5;
	v6 =	vmul.f32 v7, v7  }
0x11d: {  	s15 =	spop (v2sf)  }
0x11e: {  	vm6 =	vmmov vm0;
	s13 =	sadd.s32 s13, s15;
	s22 =	spop (v2sf);
	v5 =	vadd.f32 v6, v5;
	s15 =	sadd.s32 $0xC0, s9  }
0x11f: {  	vm4 =	vmmov vm0;
	vm1 =	vmmov vm0;
	p0 =	slt.s32 s13, $0x10;
	s11 =	sadd.s32 s11, s22;
	s22 =	spop (v2sf);
	v6 =	vor.u32 s15, v1  }
0x120: {  	p1 =	slt.s32 s11, $0x20;
	s10 =	sadd.s32 s10, s22;
	vm2 =	vlt.f32 v5, $3.999999910e-02;
	vm3 =	vlt.f32 v5, $1.599999960e-01;
	vm1 =	vmneg @p0 vm1  }
0x121: {  	s13 =	simm.s32 @!p0 $0x10;
	vm14 =	vlt.f32 v5, $6.399999860e-01;
	p0 =	slt.s32 s10, $0x40;
	vm1 =	vmand vm1, vm2;
	vm4 =	vmneg @p1 vm4  }
0x122: {  	s11 =	simm.s32 @!p1 $0x20;
	v5 =	vmpcnt.ones.xlane vm2;
	[tilespmem:s13+$0x3630] =	vst.msk vm1, v6;
	vm1 =	vmand vm4, vm3;
	vm6 =	vmneg @p0 vm6  }
0x123: {  	v7 =	vmpcnt.ones.xlane vm3;
	s10 =	simm.s32 @!p0 $0x40;
	[tilespmem:s11+$0x3650] =	vst.msk vm1, v6;
	vm1 =	vmand vm6, vm14  }
0x124: {  	(v2sf) =	vpush v5, $0x0;
	v5 =	vmpcnt.ones.xlane vm14;
	[tilespmem:s10+$0x3680] =	vst.msk vm1, v6  }
0x125: {  	(v2sf) =	vpush v7, $0x0;
	v6 =	vld [tilespmem:s8+$0x50]  }
0x126: {  	(v2sf) =	vpush v5, $0x0;
	v5 =	vld [tilespmem:s7+$0x50];
	_ =	sdelay $0x1  }
0x127: {  	v7 =	vld [tilespmem:s6+$0x50];
	_ =	sdelay $0x2  }
0x128: {  	v6 =	vsub.f32 v6, v2;
	v5 =	vsub.f32 v5, v3;
	_ =	sdelay $0x1  }
0x129: {  	v7 =	vsub.f32 v7, v4;
	v6 =	vmul.f32 v6, v6;
	v5 =	vmul.f32 v5, v5;
	_ =	sdelay $0x1  }
0x12a: {  	v5 =	vadd.f32 v5, v6;
	v6 =	vmul.f32 v7, v7;
	_ =	sdelay $0x1  }
0x12b: {  	v5 =	vadd.f32 v6, v5;
	_ =	sdelay $0x1  }
0x12c: {  	vm5 =	vmmov vm0;
	s15 =	spop (v2sf);
	vm1 =	vlt.f32 v5, $3.999999910e-02  }
0x12d: {  	vm4 =	vmmov vm0;
	vm2 =	vlt.f32 v5, $1.599999960e-01;
	s13 =	sadd.s32 s13, s15;
	s22 =	spop (v2sf);
	s15 =	sadd.s32 $0xD0, s9;
	v6 =	vmpcnt.ones.xlane vm1  }
0x12e: {  	vm3 =	vlt.f32 v5, $6.399999860e-01;
	v5 =	vmpcnt.ones.xlane vm2;
	p0 =	slt.s32 s13, $0x10;
	s11 =	sadd.s32 s11, s22;
	s22 =	spop (v2sf);
	v7 =	vor.u32 s15, v1  }
0x12f: {  	p1 =	slt.s32 s11, $0x20;
	s10 =	sadd.s32 s10, s22;
	vm4 =	vmneg @p0 vm4;
	(v2sf) =	vpush v6, $0x0;
	v6 =	vmpcnt.ones.xlane vm3  }
0x130: {  	s13 =	simm.s32 @!p0 $0x10;
	p0 =	slt.s32 s10, $0x40;
	vm1 =	vmand vm4, vm1;
	vm5 =	vmneg @p1 vm5;
	vm4 =	vmmov vm0  }
0x131: {  	s11 =	simm.s32 @!p1 $0x20;
	(v2sf) =	vpush v5, $0x0;
	[tilespmem:s13+$0x3630] =	vst.msk vm1, v7;
	vm1 =	vmand vm5, vm2;
	vm4 =	vmneg @p0 vm4  }
0x132: {  	s10 =	simm.s32 @!p0 $0x40;
	(v2sf) =	vpush v6, $0x0;
	[tilespmem:s11+$0x3650] =	vst.msk vm1, v7;
	vm1 =	vmand vm4, vm3  }
0x133: {  	[tilespmem:s10+$0x3680] =	vst.msk vm1, v7  }
0x134: {  	v5 =	vld [tilespmem:s8+$0x60]  }
0x135: {  	v6 =	vld [tilespmem:s7+$0x60];
	_ =	sdelay $0x1  }
0x136: {  	v7 =	vld [tilespmem:s6+$0x60];
	_ =	sdelay $0x2  }
0x137: {  	v5 =	vsub.f32 v5, v2;
	v6 =	vsub.f32 v6, v3;
	_ =	sdelay $0x1  }
0x138: {  	v7 =	vsub.f32 v7, v4;
	v5 =	vmul.f32 v5, v5;
	v6 =	vmul.f32 v6, v6;
	_ =	sdelay $0x1  }
0x139: {  	v5 =	vadd.f32 v6, v5;
	v6 =	vmul.f32 v7, v7;
	s15 =	spop (v2sf)  }
0x13a: {  	s13 =	sadd.s32 s13, s15  }
0x13b: {  	s22 =	spop (v2sf);
	v5 =	vadd.f32 v6, v5;
	p0 =	slt.s32 s13, $0x10  }
0x13c: {  	vm5 =	vmmov vm0;
	vm3 =	vmmov vm0;
	vm1 =	vmmov vm0;
	s11 =	sadd.s32 s11, s22;
	s15 =	spop (v2sf);
	s22 =	sadd.s32 $0xE0, s9  }
0x13d: {  	p1 =	slt.s32 s11, $0x20;
	s10 =	sadd.s32 s10, s15;
	v6 =	vor.u32 s22, v1;
	vm2 =	vlt.f32 v5, $3.999999910e-02;
	vm1 =	vmneg @p0 vm1  }
0x13e: {  	s13 =	simm.s32 @!p0 $0x10;
	vm15 =	vlt.f32 v5, $1.599999960e-01;
	p0 =	slt.s32 s10, $0x40;
	vm1 =	vmand vm1, vm2;
	vm3 =	vmneg @p1 vm3  }
0x13f: {  	s11 =	simm.s32 @!p1 $0x20;
	[tilespmem:s13+$0x3630] =	vst.msk vm1, v6;
	vm1 =	vlt.f32 v5, $6.399999860e-01;
	vm3 =	vmand vm3, vm15;
	vm5 =	vmneg @p0 vm5  }
0x140: {  	s10 =	simm.s32 @!p0 $0x40;
	[tilespmem:s11+$0x3650] =	vst.msk vm3, v6;
	vm3 =	vmand vm5, vm1  }
0x141: {  	[tilespmem:s10+$0x3680] =	vst.msk vm3, v6  }
0x142: {  	v5 =	vld [tilespmem:s8+$0x70]  }
0x143: {  	v6 =	vld [tilespmem:s7+$0x70];
	_ =	sdelay $0x1  }
0x144: {  	v7 =	vld [tilespmem:s6+$0x70];
	_ =	sdelay $0x2  }
0x145: {  	v5 =	vsub.f32 v5, v2;
	v6 =	vsub.f32 v6, v3;
	_ =	sdelay $0x1  }
0x146: {  	v7 =	vsub.f32 v7, v4;
	v5 =	vmul.f32 v5, v5;
	v6 =	vmul.f32 v6, v6;
	_ =	sdelay $0x1  }
0x147: {  	v5 =	vadd.f32 v6, v5;
	v6 =	vmul.f32 v7, v7  }
0x148: {  	v7 =	vmpcnt.ones.xlane vm2  }
0x149: {  	v5 =	vadd.f32 v6, v5  }
0x14a: {  	v6 =	vmpcnt.ones.xlane vm15;
	(v2sf) =	vpush v7, $0x0  }
0x14b: {  	v7 =	vmpcnt.ones.xlane vm1;
	vm3 =	vlt.f32 v5, $3.999999910e-02  }
0x14c: {  	(v2sf) =	vpush v6, $0x0;
	vm2 =	vlt.f32 v5, $1.599999960e-01;
	v6 =	vmpcnt.ones.xlane vm3  }
0x14d: {  	vm1 =	vlt.f32 v5, $6.399999860e-01;
	(v2sf) =	vpush v7, $0x0;
	v7 =	vmpcnt.ones.xlane vm2  }
0x14e: {  	v5 =	vmpcnt.ones.xlane vm1;
	(v2sf) =	vpush v6, $0x0  }
0x14f: {  	(v2sf) =	vpush v7, $0x0  }
0x150: {  	(v2sf) =	vpush v5, $0x0;
	_ =	sdelay $0x8  }
0x151: {  	s22 =	spop (v2sf)  }
0x152: {  	s14 =	sadd.s32 s13, s22  }
0x153: {  	s9 =	sadd.s32 $0xF0, s9;
	s15 =	spop (v2sf);
	p0 =	slt.s32 s14, $0x10  }
0x154: {  	s22 =	spop (v2sf);
	s15 =	sadd.s32 s11, s15;
	s14 =	simm.s32 @!p0 $0x10  }
0x155: {  	vm4 =	vmmov vm0;
	s22 =	sadd.s32 s10, s22;
	p1 =	slt.s32 s15, $0x20;
	s11 =	spop (v2sf)  }
0x156: {  	vm5 =	vmmov vm0;
	v5 =	vor.u32 s9, v1;
	vm4 =	vmneg @p0 vm4;
	s15 =	simm.s32 @!p1 $0x20;
	p2 =	slt.s32 s22, $0x40;
	s10 =	spop (v2sf)  }
0x157: {  	vm3 =	vmand vm4, vm3;
	vm4 =	vmmov vm0;
	vm5 =	vmneg @p1 vm5;
	s22 =	simm.s32 @!p2 $0x40;
	s13 =	sadd.s32 s14, s11;
	s9 =	spop (v2sf)  }
0x158: {  	[tilespmem:s14+$0x3630] =	vst.msk vm3, v5;
	vm2 =	vmand vm5, vm2;
	vm4 =	vmneg @p2 vm4;
	p0 =	slt.s32 s13, $0x10;
	s11 =	sadd.s32 s15, s10;
	s10 =	sadd.s32 s22, s9  }
0x159: {  	[tilespmem:s15+$0x3650] =	vst.msk vm2, v5;
	vm1 =	vmand vm4, vm1;
	s13 =	simm.s32 @!p0 $0x10;
	p0 =	slt.s32 s11, $0x20;
	p1 =	slt.s32 s10, $0x40  }
0x15a: {  	[tilespmem:s22+$0x3680] =	vst.msk vm1, v5;
	s11 =	simm.s32 @!p0 $0x20;
	s10 =	simm.s32 @!p1 $0x40  }
.LBB2_6:
0x15b: {  	s24 =	sadd.s32 $0x100, s24  }
0x15c: {  	p0 =	sne.s32 s24, $0x1000  }
.Ltmp3:
0x15d: {  	_ = 	snop;
	(pc) =	sbr.rel @!p0 .LBB2_7-.Ltmp3, $2  }
0x15e: {  	_ =	sdelay $0x2  }
0x15f: {  	s6 =	sadd.s32 $0x100, s6;
	s7 =	sadd.s32 $0x100, s7;
	s8 =	sadd.s32 $0x100, s8  }
.LBB2_3:
0x160: {  	p0 =	slt.s32 s13, $0x10  }
0x161: {  	p1 =	slt.s32 @!p0 s11, $0x20  }
0x162: {  	p1 =	por p0, p1  }
0x163: {  	p2 =	sgt.s32 @!p1 s10, $0x3F  }
0x164: {  	p1 =	por p1, !p2  }
.Ltmp4:
0x165: {  	_ = 	snop;
	(pc) =	sbr.rel @p1 .LBB2_5-.Ltmp4, $1  }
0x166: {  	_ =	sdelay $0x3  }
.Ltmp5:
0x167: {  	(pc) =	sbr.rel .LBB2_6-.Ltmp5, $2  }
0x168: {  	_ =	sdelay $0x2  }
0x169: {  	s10 =	simm.s32 $0x40;
	s11 =	simm.s32 $0x20;
	s13 =	simm.s32 $0x10  }
.LBB2_8:
0x16a: {  	s6 =	simm.s32 $0x0;
	s7 =	rddreg [dreg:$0xb];
	s8 =	simm.s32 $0x36D0  }
0x16b: {  	[hbm4b:s7+s6] =	stream.linear.scatter [tilespmem:s8], [sflag:$0x9], $0x2000, $0x38;
	[tilespmem:$0x196D0] =	vst v63  }
0x16c: {  	_ =	swait.ge [sflag:s17], $0x2000  }
0x16d: {  	[sflag:s17] =	ssyncset.done $0x0  }
0x16e: {  	s9 =	simm.s32 $0x56D0;
	s8 =	rddreg [dreg:$0xc];
	[sflag:s17] =	ssyncadd.s32 $0xFFFFE000  }
0x16f: {  	[hbm4b:s8+s6] =	stream.linear.scatter [tilespmem:s9], [sflag:$0x9], $0x4000, $0x38;
	[tilespmem:$0x196D0] =	vst v63  }
0x170: {  	_ =	swait.ge [sflag:s17], $0x4000  }
0x171: {  	[sflag:s17] =	ssyncset.done $0x0  }
0x172: {  	s10 =	simm.s32 $0x96D0;
	[sflag:s17] =	ssyncadd.s32 $0xFFFFC000  }
0x173: {  	[tilespmem:s26], [sflag:$0x1] =	stream.indirect.gather [hbm4b:s2+s25], $0x40, s10, s25, $0xb8;
	[tilespmem:$0x196D0] =	vst v63  }
0x174: {  	s11 =	simm.s32 $0x9750  }
0x175: {  	[tilespmem:s28], [sflag:$0x2] =	stream.indirect.gather [hbm4b:s2+s25], $0x40, s11, s25, $0xb8;
	[tilespmem:$0x196D0] =	vst v63  }
0x176: {  	s13 =	simm.s32 $0x97D0  }
0x177: {  	[tilespmem:s29], [sflag:$0x3] =	stream.indirect.gather [hbm4b:s2+s25], $0x40, s13, s25, $0xb8;
	[tilespmem:$0x196D0] =	vst v63  }
0x178: {  	s14 =	simm.s32 $0x9850  }
0x179: {  	[tilespmem:s30], [sflag:$0x4] =	stream.indirect.gather [hbm4b:s2+s25], $0x40, s14, s25, $0xb8;
	[tilespmem:$0x196D0] =	vst v63  }
0x17a: {  	_ =	swait.ge [sflag:s5], $0x2000  }
0x17b: {  	s15 =	rddreg [dreg:$0x4]  }
0x17c: {  	s6 =	sadd.s32 $0x0, s15  }
0x17d: {  	[sflag:s5] =	ssyncset.done $0x0;
	s22 =	sand.u32 $0x1FFFF000, s6  }
0x17e: {  	[sflag:s5] =	ssyncadd.s32 $0xFFFFE000;
	s7 =	sadd.s32 s4, s22  }
0x17f: {  	[hbm4b:s7+s3] =	stream.linear.scatter [tilespmem:s26], [sflag:$0x5], $0x2000, $0x38;
	[tilespmem:$0x196D0] =	vst v63  }
0x180: {  	s23 =	sadd.s32 $0x400, s6;
	_ =	swait.ge [sflag:s31], $0x2000  }
0x181: {  	s7 =	sand.u32 $0x1FFFF400, s23;
	[sflag:s31] =	ssyncset.done $0x0  }
0x182: {  	s7 =	sadd.s32 s4, s7;
	[sflag:s31] =	ssyncadd.s32 $0xFFFFE000  }
0x183: {  	[hbm4b:s7+s3] =	stream.linear.scatter [tilespmem:s28], [sflag:$0x6], $0x2000, $0x38;
	[tilespmem:$0x196D0] =	vst v63  }
0x184: {  	s24 =	sadd.s32 $0x800, s6;
	_ =	swait.ge [sflag:s1], $0x2000  }
0x185: {  	s7 =	sand.u32 $0x1FFFF800, s24;
	[sflag:s1] =	ssyncset.done $0x0  }
0x186: {  	s7 =	sadd.s32 s4, s7;
	[sflag:s1] =	ssyncadd.s32 $0xFFFFE000  }
0x187: {  	[hbm4b:s7+s3] =	stream.linear.scatter [tilespmem:s29], [sflag:$0x7], $0x2000, $0x38;
	[tilespmem:$0x196D0] =	vst v63  }
0x188: {  	s6 =	sadd.s32 $0xC00, s6;
	_ =	swait.ge [sflag:s0], $0x2000  }
0x189: {  	s6 =	sand.u32 $0x1FFFFC00, s6;
	[sflag:s0] =	ssyncset.done $0x0  }
0x18a: {  	s6 =	sadd.s32 s4, s6;
	[sflag:s0] =	ssyncadd.s32 $0xFFFFE000  }
0x18b: {  	[hbm4b:s6+s3] =	stream.linear.scatter [tilespmem:s30], [sflag:$0x8], $0x2000, $0x38;
	[tilespmem:$0x196D0] =	vst v63  }
0x18c: {  	_ =	swait.ge [sflag:s18], $0x2000  }
0x18d: {  	[sflag:s18] =	ssyncset.done $0x0  }
0x18e: {  	[sflag:s18] =	ssyncadd.s32 $0xFFFFE000  }
0x18f: {  	_ =	swait.ge [sflag:s19], $0x2000  }
0x190: {  	[sflag:s19] =	ssyncset.done $0x0  }
0x191: {  	[sflag:s19] =	ssyncadd.s32 $0xFFFFE000  }
0x192: {  	_ =	swait.ge [sflag:s20], $0x2000  }
0x193: {  	[sflag:s20] =	ssyncset.done $0x0  }
0x194: {  	[sflag:s20] =	ssyncadd.s32 $0xFFFFE000  }
0x195: {  	s8 =	simm.s32 $0x2000;
	_ =	swait.ge [sflag:s21], $0x2000  }
0x196: {  	s7 =	simm.s32 $0x99D0;
	s6 =	simm.s32 $0x1000;
	[sflag:s21] =	ssyncset.done $0x0  }
.LBB2_9:
0x197: {  	s9 =	sadd.s32 $0xFFFFFF00, s7;
	[sflag:s21] =	ssyncadd.s32 $0xFFFFE000  }
0x198: {  	[tilespmem:s26], [sflag:$0x1] =	stream.indirect.gather [hbm4b:s2+s25], $0x40, s9, s25, $0xb8;
	[tilespmem:$0x196D0] =	vst v63  }
0x199: {  	s14 =	sadd.s32 $0xFFFFFF80, s7  }
0x19a: {  	[tilespmem:s28], [sflag:$0x2] =	stream.indirect.gather [hbm4b:s2+s25], $0x40, s14, s25, $0xb8;
	[tilespmem:$0x196D0] =	vst v63  }
0x19b: {  	_ = 	snop  }
0x19c: {  	[tilespmem:s29], [sflag:$0x3] =	stream.indirect.gather [hbm4b:s2+s25], $0x40, s7, s25, $0xb8;
	[tilespmem:$0x196D0] =	vst v63  }
0x19d: {  	s15 =	sadd.s32 $0x80, s7  }
0x19e: {  	[tilespmem:s30], [sflag:$0x4] =	stream.indirect.gather [hbm4b:s2+s25], $0x40, s15, s25, $0xb8;
	[tilespmem:$0x196D0] =	vst v63  }
0x19f: {  	_ =	swait.ge [sflag:s5], $0x2000  }
0x1a0: {  	s22 =	rddreg [dreg:$0x4]  }
0x1a1: {  	s9 =	sadd.s32 s6, s22  }
0x1a2: {  	s10 =	smov.u32 s8;
	[sflag:s5] =	ssyncset.done $0x0;
	s23 =	sand.u32 $0x1FFFF000, s9  }
0x1a3: {  	s6 =	smov.u32 s10;
	[sflag:s5] =	ssyncadd.s32 $0xFFFFE000;
	s10 =	sadd.s32 s4, s23  }
0x1a4: {  	[hbm4b:s10+s3] =	stream.linear.scatter [tilespmem:s26], [sflag:$0x5], $0x2000, $0x38;
	[tilespmem:$0x196D0] =	vst v63  }
0x1a5: {  	s11 =	sadd.s32 $0x400, s9;
	_ =	swait.ge [sflag:s31], $0x2000  }
0x1a6: {  	s11 =	sand.u32 $0x1FFFF400, s11;
	[sflag:s31] =	ssyncset.done $0x0  }
0x1a7: {  	s11 =	sadd.s32 s4, s11;
	[sflag:s31] =	ssyncadd.s32 $0xFFFFE000  }
0x1a8: {  	[hbm4b:s11+s3] =	stream.linear.scatter [tilespmem:s28], [sflag:$0x6], $0x2000, $0x38;
	[tilespmem:$0x196D0] =	vst v63  }
0x1a9: {  	s24 =	sadd.s32 $0x800, s9;
	_ =	swait.ge [sflag:s1], $0x2000  }
0x1aa: {  	s10 =	sand.u32 $0x1FFFF800, s24;
	[sflag:s1] =	ssyncset.done $0x0  }
0x1ab: {  	s10 =	sadd.s32 s4, s10;
	[sflag:s1] =	ssyncadd.s32 $0xFFFFE000  }
0x1ac: {  	[hbm4b:s10+s3] =	stream.linear.scatter [tilespmem:s29], [sflag:$0x7], $0x2000, $0x38;
	[tilespmem:$0x196D0] =	vst v63  }
0x1ad: {  	s9 =	sadd.s32 $0xC00, s9;
	_ =	swait.ge [sflag:s0], $0x2000  }
0x1ae: {  	s9 =	sand.u32 $0x1FFFFC00, s9;
	[sflag:s0] =	ssyncset.done $0x0  }
0x1af: {  	s9 =	sadd.s32 s4, s9;
	[sflag:s0] =	ssyncadd.s32 $0xFFFFE000  }
0x1b0: {  	[hbm4b:s9+s3] =	stream.linear.scatter [tilespmem:s30], [sflag:$0x8], $0x2000, $0x38;
	[tilespmem:$0x196D0] =	vst v63  }
0x1b1: {  	_ =	swait.ge [sflag:s18], $0x2000  }
0x1b2: {  	[sflag:s18] =	ssyncset.done $0x0  }
0x1b3: {  	[sflag:s18] =	ssyncadd.s32 $0xFFFFE000  }
0x1b4: {  	_ =	swait.ge [sflag:s19], $0x2000  }
0x1b5: {  	[sflag:s19] =	ssyncset.done $0x0  }
0x1b6: {  	p0 =	sne.s32 s8, $0x3F000;
	[sflag:s19] =	ssyncadd.s32 $0xFFFFE000  }
.Ltmp6:
0x1b7: {  	_ =	swait.ge [sflag:s20], $0x2000;
	(pc) =	sbr.rel @p0 .LBB2_9-.Ltmp6, $4  }
0x1b8: {  	[sflag:s20] =	ssyncset.done $0x0  }
0x1b9: {  	[sflag:s20] =	ssyncadd.s32 $0xFFFFE000  }
0x1ba: {  	_ =	swait.ge [sflag:s21], $0x2000  }
0x1bb: {  	s8 =	sadd.s32 $0x1000, s8;
	s7 =	sadd.s32 $0x200, s7;
	[sflag:s21] =	ssyncset.done $0x0  }
0x1bc: {  	s8 =	sadd.s32 $0xFFFFFF00, s7;
	[sflag:s21] =	ssyncadd.s32 $0xFFFFE000  }
0x1bd: {  	[tilespmem:s26], [sflag:$0x1] =	stream.indirect.gather [hbm4b:s2+s25], $0x40, s8, s25, $0xb8;
	[tilespmem:$0x196D0] =	vst v63  }
0x1be: {  	s11 =	sadd.s32 $0xFFFFFF80, s7  }
0x1bf: {  	[tilespmem:s28], [sflag:$0x2] =	stream.indirect.gather [hbm4b:s2+s25], $0x40, s11, s25, $0xb8;
	[tilespmem:$0x196D0] =	vst v63  }
0x1c0: {  	_ = 	snop  }
0x1c1: {  	[tilespmem:s29], [sflag:$0x3] =	stream.indirect.gather [hbm4b:s2+s25], $0x40, s7, s25, $0xb8;
	[tilespmem:$0x196D0] =	vst v63  }
0x1c2: {  	s13 =	sadd.s32 $0x80, s7  }
0x1c3: {  	[tilespmem:s30], [sflag:$0x4] =	stream.indirect.gather [hbm4b:s2+s25], $0x40, s13, s25, $0xb8;
	[tilespmem:$0x196D0] =	vst v63  }
0x1c4: {  	_ =	swait.ge [sflag:s5], $0x2000  }
0x1c5: {  	s14 =	rddreg [dreg:$0x4]  }
0x1c6: {  	s6 =	sadd.s32 s6, s14  }
0x1c7: {  	[sflag:s5] =	ssyncset.done $0x0;
	s7 =	sand.u32 $0x1FFFF000, s6  }
0x1c8: {  	[sflag:s5] =	ssyncadd.s32 $0xFFFFE000;
	s7 =	sadd.s32 s4, s7  }
0x1c9: {  	[hbm4b:s7+s3] =	stream.linear.scatter [tilespmem:s26], [sflag:$0x5], $0x2000, $0x38;
	[tilespmem:$0x196D0] =	vst v63  }
0x1ca: {  	s15 =	sadd.s32 $0x400, s6;
	_ =	swait.ge [sflag:s31], $0x2000  }
0x1cb: {  	s7 =	sand.u32 $0x1FFFF400, s15;
	[sflag:s31] =	ssyncset.done $0x0  }
0x1cc: {  	s7 =	sadd.s32 s4, s7;
	[sflag:s31] =	ssyncadd.s32 $0xFFFFE000  }
0x1cd: {  	[hbm4b:s7+s3] =	stream.linear.scatter [tilespmem:s28], [sflag:$0x6], $0x2000, $0x38;
	[tilespmem:$0x196D0] =	vst v63  }
0x1ce: {  	s22 =	sadd.s32 $0x800, s6;
	_ =	swait.ge [sflag:s1], $0x2000  }
0x1cf: {  	s7 =	sand.u32 $0x1FFFF800, s22;
	[sflag:s1] =	ssyncset.done $0x0  }
0x1d0: {  	s7 =	sadd.s32 s4, s7;
	[sflag:s1] =	ssyncadd.s32 $0xFFFFE000  }
0x1d1: {  	[hbm4b:s7+s3] =	stream.linear.scatter [tilespmem:s29], [sflag:$0x7], $0x2000, $0x38;
	[tilespmem:$0x196D0] =	vst v63  }
0x1d2: {  	s6 =	sadd.s32 $0xC00, s6;
	_ =	swait.ge [sflag:s0], $0x2000  }
0x1d3: {  	s6 =	sand.u32 $0x1FFFFC00, s6;
	[sflag:s0] =	ssyncset.done $0x0  }
0x1d4: {  	s6 =	sadd.s32 s4, s6;
	[sflag:s0] =	ssyncadd.s32 $0xFFFFE000  }
0x1d5: {  	[hbm4b:s6+s3] =	stream.linear.scatter [tilespmem:s30], [sflag:$0x8], $0x2000, $0x38;
	[tilespmem:$0x196D0] =	vst v63  }
0x1d6: {  	_ =	swait.ge [sflag:s18], $0x2000  }
0x1d7: {  	[sflag:s18] =	ssyncset.done $0x0  }
0x1d8: {  	[sflag:s18] =	ssyncadd.s32 $0xFFFFE000  }
0x1d9: {  	_ =	swait.ge [sflag:s19], $0x2000  }
0x1da: {  	[sflag:s19] =	ssyncset.done $0x0  }
0x1db: {  	[sflag:s19] =	ssyncadd.s32 $0xFFFFE000  }
0x1dc: {  	_ =	swait.ge [sflag:s20], $0x2000  }
0x1dd: {  	[sflag:s20] =	ssyncset.done $0x0  }
0x1de: {  	[sflag:s20] =	ssyncadd.s32 $0xFFFFE000  }
0x1df: {  	_ =	swait.ge [sflag:s21], $0x2000  }
0x1e0: {  	s23 =	rddreg [dreg:$0xe]  }
0x1e1: {  	s24 =	rddreg [dreg:$0xd];
	s7 =	sadd.s32 $0x1, s23  }
0x1e2: {  	p0 =	sne.s32 s7, s24  }
.Ltmp7:
0x1e3: {  	_ = 	snop;
	(pc) =	sbr.rel @p0 .LBB2_1-.Ltmp7, $3  }
0x1e4: {  	_ =	sdelay $0x1  }
0x1e5: {  	[sflag:s21] =	ssyncset.done $0x0  }
0x1e6: {  	[sflag:s21] =	ssyncadd.s32 $0xFFFFE000  }
0x1e7: {  	_ =	sfence.sel $0x180000  }
0x1e8: {  	[bflag:$0x0] =	sbarrier.arrive $0xFFFF  }
0x1e9: {  	_ =	strace $0x9000004A  }
0x1ea: {  	s0 =	stileid.u32;
	[bflag:$0x2] =	sbarrier.arrive $0xFFFF  }
0x1eb: {  	p0 =	sne.s32 s0, $0x0;
	s0 =	rddreg [dreg:$0x3]  }
0x1ec: {  	s0 =	sadd.s32 @!p0 $0x100000, s0  }
0x1ed: {  	[sflag:s0] =	ssyncadd.tile.s32 @!p0 $0x1;
	_ =	shalt  }
.Lfunc_end2:
_tile_overlayer_lowered:
.L_overlay_start_2:
0x1ee: {  	(tag) =	ssettag $0x2  }
0x1ef: {  	s0 =	rddreg [dreg:$0x0];
	s2 =	stileid.u32  }
0x1f0: {  	s1 =	rddreg [dreg:$0x1];
	p0 =	sne.s32 s2, $0x0  }
0x1f1: {  	s3 =	rddreg [dreg:$0x2];
	[bflag:$0x3] =	sbarrier.arrive $0xFFFF;
	s2 =	simm.s32 @!p0 $0x1C09  }
0x1f2: {  	[timem:s3], [sflag:s2] =	dma.local @!p0 [hbm:s0], s1  }
0x1f3: {  	s0 =	simm.s32 @!p0 $0x9  }
0x1f4: {  	_ =	swait.ge @!p0 [sflag:s0], s1  }
0x1f5: {  	s1 =	ssub.s32 @!p0 $0x0, s1;
	[sflag:s0] =	ssyncset.done @!p0 $0x0  }
0x1f6: {  	[sflag:s0] =	ssyncadd.s32 @!p0 s1  }
0x1f7: {  	[bflag:$0x3] =	sbarrier.arrive $0xFFFF  }
0x1f8: {  	_ =	shalt  }

</sc_bundles>
